<compile_context>
chip_gen: v7x
topology: tpu7x:2x2x1
jax: 0.10.2.dev20260603
libtpu: 0.0.44.dev20260713+nightly
codegen_flags: <defaults>
</compile_context>

<pallas_src>
import jax
import jax.numpy as jnp
from jax import lax
from jax.experimental import pallas as pl
from jax.experimental.pallas import tpu as pltpu
from jax.experimental.pallas import tpu_sc as plsc

_NC = 2
_NS = 16
_NW = _NC * _NS
_CS = 8192
_LQCAP = 512
_UNROLL = 4


def _make_sc_kernel(n, e):
    chunks = e // _CS
    groups = _CS // 16
    rows_per_w = n // _NW
    cells_per_w = rows_per_w * n
    cell_shift = cells_per_w.bit_length() - 1
    col_shift = n.bit_length() - 1
    bm_words = cells_per_w // 32

    mesh = plsc.VectorSubcoreMesh(
        core_axis_name="c", subcore_axis_name="s",
        num_cores=_NC, num_subcores=_NS,
    )

    def body(e0_hbm, e1_hbm, w_hbm, rs_hbm,
             ab0, ab1, bb0, bb1, wb0, wb1,
             qk1, qw1, qk2, qw2, bm, rsl, rs_stage, qoffv,
             s0, s1, s2, s3, s4, s5):
        wid = lax.axis_index("s") * _NC + lax.axis_index("c")
        iota = lax.iota(jnp.int32, 16)
        zi = jnp.zeros((16,), jnp.int32)
        zf = jnp.zeros((16,), jnp.float32)

        @pl.loop(0, bm_words // 16)
        def _zb(i):
            bm[pl.ds(i * 16, 16)] = zi

        @pl.loop(0, rows_per_w)
        def _zr(i):
            rsl[pl.ds(i * 16, 16)] = zf

        abufs, bbufs, wbufs = (ab0, ab1), (bb0, bb1), (wb0, wb1)
        asems, bsems, wsems = (s0, s1), (s2, s3), (s4, s5)

        def scan_both():
            cps = {}
            cps[0] = (
                pltpu.async_copy(e0_hbm.at[0], abufs[0], asems[0]),
                pltpu.async_copy(e1_hbm.at[0], bbufs[0], bsems[0]),
                pltpu.async_copy(w_hbm.at[0], wbufs[0], wsems[0]),
            )
            iot = lax.iota(jnp.int32, 16)
            qtrash = iot + 16 * _LQCAP
            qoffs = (jnp.zeros((16,), jnp.int32), jnp.zeros((16,), jnp.int32))
            for c in range(chunks):
                b = c % 2
                for cp in cps.pop(c):
                    cp.wait()
                if c + 1 < chunks:
                    nb = (c + 1) % 2
                    cps[c + 1] = (
                        pltpu.async_copy(e0_hbm.at[c + 1], abufs[nb], asems[nb]),
                        pltpu.async_copy(e1_hbm.at[c + 1], bbufs[nb], bsems[nb]),
                        pltpu.async_copy(w_hbm.at[c + 1], wbufs[nb], wsems[nb]),
                    )
                ab, bb, wb = abufs[b], bbufs[b], wbufs[b]

                def _gb(g, qos):
                    qo1, qo2 = qos
                    base = g * 16
                    s16 = ab[pl.ds(base, 16)]
                    d16 = bb[pl.ds(base, 16)]
                    w16 = wb[pl.ds(base, 16)]
                    k1 = s16 * n + d16
                    k2 = d16 * n + s16
                    m1 = lax.shift_right_logical(k1, cell_shift) == wid
                    m2 = lax.shift_right_logical(k2, cell_shift) == wid
                    idx1 = jnp.where(m1, qo1 * 16 + iot, qtrash)
                    plsc.store_scatter(qk1, [idx1], k1)
                    plsc.store_scatter(qw1, [idx1], w16)
                    idx2 = jnp.where(m2, qo2 * 16 + iot, qtrash)
                    plsc.store_scatter(qk2, [idx2], k2)
                    plsc.store_scatter(qw2, [idx2], w16)
                    return (qo1 + jnp.where(m1, jnp.int32(1), jnp.int32(0)),
                            qo2 + jnp.where(m2, jnp.int32(1), jnp.int32(0)))

                qoffs = plsc.parallel_loop(
                    0, groups, unroll=_UNROLL, carry=qoffs)(_gb)
            qoffv[pl.ds(0, 16)] = qoffs[0]
            qoffv[pl.ds(16, 16)] = qoffs[1]

        def process(qk, qw, off):

            @pl.loop(0, _LQCAP)
            def _pb(t):
                i = _LQCAP - 1 - t
                iot = lax.iota(jnp.int32, 16)
                valid = i < qoffv[pl.ds(off, 16)]
                k16 = qk[pl.ds(i * 16, 16)]
                w16 = qw[pl.ds(i * 16, 16)]
                local = k16 & (cells_per_w - 1)
                word = lax.shift_right_logical(local, 5)
                m = lax.shift_left(jnp.int32(1), local & 31)
                cur = plsc.load_gather(bm, [word])
                fresh = jnp.logical_and(valid, (cur & m) == 0)
                wword = jnp.where(valid, word, bm_words + iot)
                plsc.store_scatter(bm, [wword], cur | m)
                row16 = lax.shift_right_logical(local, col_shift) * 16 + iot
                acc = plsc.load_gather(rsl, [row16])
                upd = acc + jnp.where(fresh, w16, jnp.float32(0))
                plsc.store_scatter(rsl, [row16], upd)

        scan_both()
        process(qk2, qw2, 16)
        process(qk1, qw1, 0)

        @pl.loop(0, rows_per_w // 16)
        def _fin(rg):
            iot = lax.iota(jnp.int32, 16)
            acc = zf
            for l in range(16):
                acc = acc + plsc.load_gather(rsl, [(rg * 16 + iot) * 16 + l])
            rs_stage[pl.ds(rg * 16, 16)] = acc

        pltpu.sync_copy(rs_stage, rs_hbm.at[pl.ds(wid * rows_per_w, rows_per_w)])

    return pl.kernel(
        body,
        out_type=jax.ShapeDtypeStruct((n,), jnp.float32),
        mesh=mesh,
        compiler_params=pltpu.CompilerParams(needs_layout_passes=False),
        scratch_types=[
            pltpu.VMEM((_CS,), jnp.int32),
            pltpu.VMEM((_CS,), jnp.int32),
            pltpu.VMEM((_CS,), jnp.int32),
            pltpu.VMEM((_CS,), jnp.int32),
            pltpu.VMEM((_CS,), jnp.float32),
            pltpu.VMEM((_CS,), jnp.float32),
            pltpu.VMEM((16 * _LQCAP + 16,), jnp.int32),
            pltpu.VMEM((16 * _LQCAP + 16,), jnp.float32),
            pltpu.VMEM((16 * _LQCAP + 16,), jnp.int32),
            pltpu.VMEM((16 * _LQCAP + 16,), jnp.float32),
            pltpu.VMEM((bm_words + 16,), jnp.int32),
            pltpu.VMEM((rows_per_w * 16,), jnp.float32),
            pltpu.VMEM((rows_per_w,), jnp.float32),
            pltpu.VMEM((128,), jnp.int32),
            pltpu.SemaphoreType.DMA,
            pltpu.SemaphoreType.DMA,
            pltpu.SemaphoreType.DMA,
            pltpu.SemaphoreType.DMA,
            pltpu.SemaphoreType.DMA,
            pltpu.SemaphoreType.DMA,
        ],
    )


def _finish(rs, x):
    n, d = x.shape
    blk = 128

    def body(rs_full_ref, rs_ref, x_ref, o_ref):
        cl_full = 1.0 / rs_full_ref[...]
        mn = jnp.min(cl_full)
        mx = jnp.max(cl_full)
        cl = 1.0 / rs_ref[...]
        emb = (cl - mn) / (mx - mn + 1e-08)
        o_ref[...] = x_ref[...] + emb

    return pl.pallas_call(
        body,
        grid=(n // blk,),
        in_specs=[
            pl.BlockSpec((n, 1), lambda i: (0, 0)),
            pl.BlockSpec((blk, 1), lambda i: (i, 0)),
            pl.BlockSpec((blk, d), lambda i: (i, 0)),
        ],
        out_specs=pl.BlockSpec((blk, d), lambda i: (i, 0)),
        out_shape=jax.ShapeDtypeStruct((n, d), jnp.float32),
    )(rs, rs, x)


def kernel(x, edge_index, edge_attr):
    n, _ = x.shape
    e = edge_index.shape[1]
    chunks = e // _CS

    w = edge_attr[:, 0]
    e0 = edge_index[0].reshape(chunks, _CS)
    e1 = edge_index[1].reshape(chunks, _CS)
    wr = w.reshape(chunks, _CS)

    rs = _make_sc_kernel(n, e)(e0, e1, wr)
    return _finish(rs.reshape(n, 1), x)

# --- scband reference (transcript-rebuilt; emitter-appended) ---
"""Pipeline reference for scband-learnable-centrality-encoding-57655640982212 (READ-ONLY COPY).

The authoritative reference and input builder live on the scoring server;
editing this copy changes nothing except your own understanding.
"""

import jax, jax.numpy as jnp
import numpy as np

N = 4096
D = 256
E = 131072

def setup_inputs(seed: int = 0) -> dict:
    key = jax.random.key(seed)
    k1, k2, k3 = jax.random.split(key, 3)
    x = jax.random.normal(k1, (N, D), dtype=jnp.float32)
    edge_index = jax.random.randint(k2, (2, E), 0, N, dtype=jnp.int32)
    edge_attr = jax.random.uniform(k3, (E, 4), dtype=jnp.float32)
    return {"x": x, "edge_index": edge_index, "edge_attr": edge_attr}

def reference(x, edge_index, edge_attr):
    num_nodes = x.shape[0]
    node_dim = x.shape[1]
    # _process_edge_weights: edge_attr has dim > 1 -> take first column
    edge_weights = edge_attr[:, 0]
    # build dense symmetric adjacency via scatter-overwrite
    adjacency = jnp.zeros((num_nodes, num_nodes), dtype=jnp.float32)
    adjacency = adjacency.at[edge_index[0], edge_index[1]].set(edge_weights)
    adjacency = adjacency.at[edge_index[1], edge_index[0]].set(edge_weights)
    # _compute_closeness_core
    row_sums = adjacency.sum(axis=1)
    closeness = 1.0 / row_sums
    # normalize=True
    min_val = closeness.min()
    max_val = closeness.max()
    closeness = (closeness - min_val) / (max_val - min_val + 1e-08)
    node_embedding = jnp.repeat(closeness.reshape(-1, 1), node_dim, axis=1)
    return x + node_embedding

if __name__ == "__main__":
    import jax
    _d = setup_inputs()
    print(jax.jit(kernel)(*tuple(_d.values())))

</pallas_src>

<mosaic_0001>
#map = affine_map<(d0, d1) -> (0, 0)>
#map1 = affine_map<(d0, d1) -> (0)>
module attributes {stable_mosaic.version = 14 : i64} {
  func.func @body(%arg0: i32, %arg1: i32, %arg2: memref<16x8192xi32, #tpu.memory_space<hbm>>, %arg3: memref<16x8192xi32, #tpu.memory_space<hbm>>, %arg4: memref<16x8192xf32, #tpu.memory_space<hbm>>, %arg5: memref<4096xf32, #tpu.memory_space<hbm>>, %arg6: memref<8192xi32, #tpu.memory_space<vmem>>, %arg7: memref<8192xi32, #tpu.memory_space<vmem>>, %arg8: memref<8192xi32, #tpu.memory_space<vmem>>, %arg9: memref<8192xi32, #tpu.memory_space<vmem>>, %arg10: memref<8192xf32, #tpu.memory_space<vmem>>, %arg11: memref<8192xf32, #tpu.memory_space<vmem>>, %arg12: memref<8208xi32, #tpu.memory_space<vmem>>, %arg13: memref<8208xf32, #tpu.memory_space<vmem>>, %arg14: memref<8208xi32, #tpu.memory_space<vmem>>, %arg15: memref<8208xf32, #tpu.memory_space<vmem>>, %arg16: memref<16400xi32, #tpu.memory_space<vmem>>, %arg17: memref<2048xf32, #tpu.memory_space<vmem>>, %arg18: memref<128xf32, #tpu.memory_space<vmem>>, %arg19: memref<128xi32, #tpu.memory_space<vmem>>, %arg20: memref<!tpu.dma_semaphore, #tpu.memory_space<semaphore_mem>>, %arg21: memref<!tpu.dma_semaphore, #tpu.memory_space<semaphore_mem>>, %arg22: memref<!tpu.dma_semaphore, #tpu.memory_space<semaphore_mem>>, %arg23: memref<!tpu.dma_semaphore, #tpu.memory_space<semaphore_mem>>, %arg24: memref<!tpu.dma_semaphore, #tpu.memory_space<semaphore_mem>>, %arg25: memref<!tpu.dma_semaphore, #tpu.memory_space<semaphore_mem>>) attributes {dimension_semantics = [#tpu.dimension_semantics<core_parallel>, #tpu.dimension_semantics<subcore_parallel>], iteration_bounds = array<i64: 2, 16>, scalar_prefetch = 0 : i64, scratch_operands = 20 : i64, tpu.core_type = #tpu.core_type<sc_vector_subcore>, window_params = [{transform_indices = #map}, {transform_indices = #map}, {transform_indices = #map}, {transform_indices = #map1}]} {
    %mul3A = arith.constant 2 : i32
    %mul3A_0 = arith.muli %arg1, %mul3A : i32
    %add3A = arith.addi %mul3A_0, %arg0 : i32
    %iota3A = tpu.iota {dimensions = array<i32: 0>} : vector<16xi32>
    %broadcast_in_dim3A = arith.constant 0 : i32
    %broadcast_in_dim3A_1 = vector.broadcast %broadcast_in_dim3A : i32 to vector<16xi32>
    %broadcast_in_dim3A_2 = arith.constant 0.000000e+00 : f32
    %broadcast_in_dim3A_3 = vector.broadcast %broadcast_in_dim3A_2 : f32 to vector<16xf32>
    %scan3A = arith.constant 0 : i32
    %scan3A_4 = arith.constant 1024 : i32
    %scan3A_5 = arith.addi %scan3A, %scan3A_4 : i32
    %scan3A_6 = arith.constant 1 : i32
    scf.for %scan3A_774 = %scan3A to %scan3A_5 step %scan3A_6  : i32 {
      %mul3A_775 = arith.constant 1 : i32
      %mul3A_776 = arith.muli %scan3A_774, %mul3A_775 : i32
      %add3A_777 = arith.constant 0 : i32
      %add3A_778 = arith.addi %add3A_777, %mul3A_776 : i32
      %mul3A_779 = arith.constant 16 : i32
      %mul3A_780 = arith.muli %add3A_778, %mul3A_779 : i32
      %swap3A_781 = arith.index_cast %mul3A_780 : i32 to index
      %swap3A_782 = tpu.vector_load %arg16[%swap3A_781] {strides = array<i32>} : memref<16400xi32, #tpu.memory_space<vmem>>, vector<16xi32>,
      tpu.vector_store %arg16[%swap3A_781], %broadcast_in_dim3A_1 {strides = array<i32>} : memref<16400xi32, #tpu.memory_space<vmem>>, vector<16xi32>,
    }
    %scan3A_7 = arith.constant 1024 : i32
    %scan3A_8 = arith.constant 0 : i32
    %scan3A_9 = arith.constant 128 : i32
    %scan3A_10 = arith.addi %scan3A_8, %scan3A_9 : i32
    %scan3A_11 = arith.constant 1 : i32
    scf.for %scan3A_774 = %scan3A_8 to %scan3A_10 step %scan3A_11  : i32 {
      %mul3A_775 = arith.constant 1 : i32
      %mul3A_776 = arith.muli %scan3A_774, %mul3A_775 : i32
      %add3A_777 = arith.constant 0 : i32
      %add3A_778 = arith.addi %add3A_777, %mul3A_776 : i32
      %mul3A_779 = arith.constant 16 : i32
      %mul3A_780 = arith.muli %add3A_778, %mul3A_779 : i32
      %swap3A_781 = arith.index_cast %mul3A_780 : i32 to index
      %swap3A_782 = tpu.vector_load %arg17[%swap3A_781] {strides = array<i32>} : memref<2048xf32, #tpu.memory_space<vmem>>, vector<16xf32>,
      tpu.vector_store %arg17[%swap3A_781], %broadcast_in_dim3A_3 {strides = array<i32>} : memref<2048xf32, #tpu.memory_space<vmem>>, vector<16xf32>,
    }
    %scan3A_12 = arith.constant 128 : i32
    %dma_start3A = arith.constant 0 : i32
    %dma_start3A_13 = arith.constant 0 : i32
    %dma_start3A_14 = tpu.memref_slice %arg2[%dma_start3A, %dma_start3A_13] : memref<16x8192xi32, #tpu.memory_space<hbm>> -> memref<1x8192xi32, #tpu.memory_space<hbm>>
    %dma_start3A_15 = tpu.memref_squeeze %dma_start3A_14 : memref<1x8192xi32, #tpu.memory_space<hbm>> -> memref<8192xi32, #tpu.memory_space<hbm>>
    %dma_start3A_16 = arith.constant 0 : i32
    %dma_start3A_17 = tpu.memref_slice %arg2[%dma_start3A, %dma_start3A_16] : memref<16x8192xi32, #tpu.memory_space<hbm>> -> memref<1x8192xi32, #tpu.memory_space<hbm>>
    %dma_start3A_18 = tpu.memref_squeeze %dma_start3A_17 : memref<1x8192xi32, #tpu.memory_space<hbm>> -> memref<8192xi32, #tpu.memory_space<hbm>>
    tpu.enqueue_dma source(%dma_start3A_18 : memref<8192xi32, #tpu.memory_space<hbm>>) target(%arg6 : memref<8192xi32, #tpu.memory_space<vmem>>) target_semaphore(%arg20 : memref<!tpu.dma_semaphore, #tpu.memory_space<semaphore_mem>>)
    %dma_start3A_19 = arith.constant 0 : i32
    %dma_start3A_20 = arith.constant 0 : i32
    %dma_start3A_21 = tpu.memref_slice %arg3[%dma_start3A_19, %dma_start3A_20] : memref<16x8192xi32, #tpu.memory_space<hbm>> -> memref<1x8192xi32, #tpu.memory_space<hbm>>
    %dma_start3A_22 = tpu.memref_squeeze %dma_start3A_21 : memref<1x8192xi32, #tpu.memory_space<hbm>> -> memref<8192xi32, #tpu.memory_space<hbm>>
    %dma_start3A_23 = arith.constant 0 : i32
    %dma_start3A_24 = tpu.memref_slice %arg3[%dma_start3A_19, %dma_start3A_23] : memref<16x8192xi32, #tpu.memory_space<hbm>> -> memref<1x8192xi32, #tpu.memory_space<hbm>>
    %dma_start3A_25 = tpu.memref_squeeze %dma_start3A_24 : memref<1x8192xi32, #tpu.memory_space<hbm>> -> memref<8192xi32, #tpu.memory_space<hbm>>
    tpu.enqueue_dma source(%dma_start3A_25 : memref<8192xi32, #tpu.memory_space<hbm>>) target(%arg8 : memref<8192xi32, #tpu.memory_space<vmem>>) target_semaphore(%arg22 : memref<!tpu.dma_semaphore, #tpu.memory_space<semaphore_mem>>)
    %dma_start3A_26 = arith.constant 0 : i32
    %dma_start3A_27 = arith.constant 0 : i32
    %dma_start3A_28 = tpu.memref_slice %arg4[%dma_start3A_26, %dma_start3A_27] : memref<16x8192xf32, #tpu.memory_space<hbm>> -> memref<1x8192xf32, #tpu.memory_space<hbm>>
    %dma_start3A_29 = tpu.memref_squeeze %dma_start3A_28 : memref<1x8192xf32, #tpu.memory_space<hbm>> -> memref<8192xf32, #tpu.memory_space<hbm>>
    %dma_start3A_30 = arith.constant 0 : i32
    %dma_start3A_31 = tpu.memref_slice %arg4[%dma_start3A_26, %dma_start3A_30] : memref<16x8192xf32, #tpu.memory_space<hbm>> -> memref<1x8192xf32, #tpu.memory_space<hbm>>
    %dma_start3A_32 = tpu.memref_squeeze %dma_start3A_31 : memref<1x8192xf32, #tpu.memory_space<hbm>> -> memref<8192xf32, #tpu.memory_space<hbm>>
    tpu.enqueue_dma source(%dma_start3A_32 : memref<8192xf32, #tpu.memory_space<hbm>>) target(%arg10 : memref<8192xf32, #tpu.memory_space<vmem>>) target_semaphore(%arg24 : memref<!tpu.dma_semaphore, #tpu.memory_space<semaphore_mem>>)
    %iota3A_33 = tpu.iota {dimensions = array<i32: 0>} : vector<16xi32>
    %add3A_34 = arith.constant 8192 : i32
    %add3A_35 = vector.broadcast %add3A_34 : i32 to vector<16xi32>
    %add3A_36 = arith.addi %iota3A_33, %add3A_35 : vector<16xi32>
    %broadcast_in_dim3A_37 = arith.constant 0 : i32
    %broadcast_in_dim3A_38 = vector.broadcast %broadcast_in_dim3A_37 : i32 to vector<16xi32>
    %broadcast_in_dim3A_39 = arith.constant 0 : i32
    %broadcast_in_dim3A_40 = vector.broadcast %broadcast_in_dim3A_39 : i32 to vector<16xi32>
    %dma_wait3A = arith.constant 0 : i32
    %dma_wait3A_41 = arith.constant 0 : i32
    %dma_wait3A_42 = tpu.memref_slice %arg2[%dma_wait3A, %dma_wait3A_41] : memref<16x8192xi32, #tpu.memory_space<hbm>> -> memref<1x8192xi32, #tpu.memory_space<hbm>>
    %dma_wait3A_43 = tpu.memref_squeeze %dma_wait3A_42 : memref<1x8192xi32, #tpu.memory_space<hbm>> -> memref<8192xi32, #tpu.memory_space<hbm>>
    %dma_wait3A_44 = arith.constant 0 : i32
    %dma_wait3A_45 = tpu.memref_slice %arg2[%dma_wait3A, %dma_wait3A_44] : memref<16x8192xi32, #tpu.memory_space<hbm>> -> memref<1x8192xi32, #tpu.memory_space<hbm>>
    %dma_wait3A_46 = tpu.memref_squeeze %dma_wait3A_45 : memref<1x8192xi32, #tpu.memory_space<hbm>> -> memref<8192xi32, #tpu.memory_space<hbm>>
    tpu.wait_dma2 semaphore(%arg20 : memref<!tpu.dma_semaphore, #tpu.memory_space<semaphore_mem>>) src(%dma_wait3A_46 : memref<8192xi32, #tpu.memory_space<hbm>>) dst(%arg6 : memref<8192xi32, #tpu.memory_space<vmem>>)
    %dma_wait3A_47 = arith.constant 0 : i32
    %dma_wait3A_48 = arith.constant 0 : i32
    %dma_wait3A_49 = tpu.memref_slice %arg3[%dma_wait3A_47, %dma_wait3A_48] : memref<16x8192xi32, #tpu.memory_space<hbm>> -> memref<1x8192xi32, #tpu.memory_space<hbm>>
    %dma_wait3A_50 = tpu.memref_squeeze %dma_wait3A_49 : memref<1x8192xi32, #tpu.memory_space<hbm>> -> memref<8192xi32, #tpu.memory_space<hbm>>
    %dma_wait3A_51 = arith.constant 0 : i32
    %dma_wait3A_52 = tpu.memref_slice %arg3[%dma_wait3A_47, %dma_wait3A_51] : memref<16x8192xi32, #tpu.memory_space<hbm>> -> memref<1x8192xi32, #tpu.memory_space<hbm>>
    %dma_wait3A_53 = tpu.memref_squeeze %dma_wait3A_52 : memref<1x8192xi32, #tpu.memory_space<hbm>> -> memref<8192xi32, #tpu.memory_space<hbm>>
    tpu.wait_dma2 semaphore(%arg22 : memref<!tpu.dma_semaphore, #tpu.memory_space<semaphore_mem>>) src(%dma_wait3A_53 : memref<8192xi32, #tpu.memory_space<hbm>>) dst(%arg8 : memref<8192xi32, #tpu.memory_space<vmem>>)
    %dma_wait3A_54 = arith.constant 0 : i32
    %dma_wait3A_55 = arith.constant 0 : i32
    %dma_wait3A_56 = tpu.memref_slice %arg4[%dma_wait3A_54, %dma_wait3A_55] : memref<16x8192xf32, #tpu.memory_space<hbm>> -> memref<1x8192xf32, #tpu.memory_space<hbm>>
    %dma_wait3A_57 = tpu.memref_squeeze %dma_wait3A_56 : memref<1x8192xf32, #tpu.memory_space<hbm>> -> memref<8192xf32, #tpu.memory_space<hbm>>
    %dma_wait3A_58 = arith.constant 0 : i32
    %dma_wait3A_59 = tpu.memref_slice %arg4[%dma_wait3A_54, %dma_wait3A_58] : memref<16x8192xf32, #tpu.memory_space<hbm>> -> memref<1x8192xf32, #tpu.memory_space<hbm>>
    %dma_wait3A_60 = tpu.memref_squeeze %dma_wait3A_59 : memref<1x8192xf32, #tpu.memory_space<hbm>> -> memref<8192xf32, #tpu.memory_space<hbm>>
    tpu.wait_dma2 semaphore(%arg24 : memref<!tpu.dma_semaphore, #tpu.memory_space<semaphore_mem>>) src(%dma_wait3A_60 : memref<8192xf32, #tpu.memory_space<hbm>>) dst(%arg10 : memref<8192xf32, #tpu.memory_space<vmem>>)
    %dma_start3A_61 = arith.constant 1 : i32
    %dma_start3A_62 = arith.constant 0 : i32
    %dma_start3A_63 = tpu.memref_slice %arg2[%dma_start3A_61, %dma_start3A_62] : memref<16x8192xi32, #tpu.memory_space<hbm>> -> memref<1x8192xi32, #tpu.memory_space<hbm>>
    %dma_start3A_64 = tpu.memref_squeeze %dma_start3A_63 : memref<1x8192xi32, #tpu.memory_space<hbm>> -> memref<8192xi32, #tpu.memory_space<hbm>>
    %dma_start3A_65 = arith.constant 0 : i32
    %dma_start3A_66 = tpu.memref_slice %arg2[%dma_start3A_61, %dma_start3A_65] : memref<16x8192xi32, #tpu.memory_space<hbm>> -> memref<1x8192xi32, #tpu.memory_space<hbm>>
    %dma_start3A_67 = tpu.memref_squeeze %dma_start3A_66 : memref<1x8192xi32, #tpu.memory_space<hbm>> -> memref<8192xi32, #tpu.memory_space<hbm>>
    tpu.enqueue_dma source(%dma_start3A_67 : memref<8192xi32, #tpu.memory_space<hbm>>) target(%arg7 : memref<8192xi32, #tpu.memory_space<vmem>>) target_semaphore(%arg21 : memref<!tpu.dma_semaphore, #tpu.memory_space<semaphore_mem>>)
    %dma_start3A_68 = arith.constant 1 : i32
    %dma_start3A_69 = arith.constant 0 : i32
    %dma_start3A_70 = tpu.memref_slice %arg3[%dma_start3A_68, %dma_start3A_69] : memref<16x8192xi32, #tpu.memory_space<hbm>> -> memref<1x8192xi32, #tpu.memory_space<hbm>>
    %dma_start3A_71 = tpu.memref_squeeze %dma_start3A_70 : memref<1x8192xi32, #tpu.memory_space<hbm>> -> memref<8192xi32, #tpu.memory_space<hbm>>
    %dma_start3A_72 = arith.constant 0 : i32
    %dma_start3A_73 = tpu.memref_slice %arg3[%dma_start3A_68, %dma_start3A_72] : memref<16x8192xi32, #tpu.memory_space<hbm>> -> memref<1x8192xi32, #tpu.memory_space<hbm>>
    %dma_start3A_74 = tpu.memref_squeeze %dma_start3A_73 : memref<1x8192xi32, #tpu.memory_space<hbm>> -> memref<8192xi32, #tpu.memory_space<hbm>>
    tpu.enqueue_dma source(%dma_start3A_74 : memref<8192xi32, #tpu.memory_space<hbm>>) target(%arg9 : memref<8192xi32, #tpu.memory_space<vmem>>) target_semaphore(%arg23 : memref<!tpu.dma_semaphore, #tpu.memory_space<semaphore_mem>>)
    %dma_start3A_75 = arith.constant 1 : i32
    %dma_start3A_76 = arith.constant 0 : i32
    %dma_start3A_77 = tpu.memref_slice %arg4[%dma_start3A_75, %dma_start3A_76] : memref<16x8192xf32, #tpu.memory_space<hbm>> -> memref<1x8192xf32, #tpu.memory_space<hbm>>
    %dma_start3A_78 = tpu.memref_squeeze %dma_start3A_77 : memref<1x8192xf32, #tpu.memory_space<hbm>> -> memref<8192xf32, #tpu.memory_space<hbm>>
    %dma_start3A_79 = arith.constant 0 : i32
    %dma_start3A_80 = tpu.memref_slice %arg4[%dma_start3A_75, %dma_start3A_79] : memref<16x8192xf32, #tpu.memory_space<hbm>> -> memref<1x8192xf32, #tpu.memory_space<hbm>>
    %dma_start3A_81 = tpu.memref_squeeze %dma_start3A_80 : memref<1x8192xf32, #tpu.memory_space<hbm>> -> memref<8192xf32, #tpu.memory_space<hbm>>
    tpu.enqueue_dma source(%dma_start3A_81 : memref<8192xf32, #tpu.memory_space<hbm>>) target(%arg11 : memref<8192xf32, #tpu.memory_space<vmem>>) target_semaphore(%arg25 : memref<!tpu.dma_semaphore, #tpu.memory_space<semaphore_mem>>)
    %parallel_loop3A = arith.constant 0 : i32
    %parallel_loop3A_82 = arith.constant 512 : i32
    %parallel_loop3A_83 = arith.constant 1 : i32
    %parallel_loop3A_84:2 = scf.for %parallel_loop3A_774 = %parallel_loop3A to %parallel_loop3A_82 step %parallel_loop3A_83 iter_args(%parallel_loop3A_775 = %broadcast_in_dim3A_38, %parallel_loop3A_776 = %broadcast_in_dim3A_40) -> (vector<16xi32>, vector<16xi32>)  : i32 {
      %parallel_loop3A_777 = arith.constant 16 : i32
      %parallel_loop3A_778 = arith.muli %parallel_loop3A_774, %parallel_loop3A_777 : i32
      %parallel_loop3A_779 = arith.index_cast %parallel_loop3A_778 : i32 to index
      %parallel_loop3A_780 = tpu.vector_load %arg6[%parallel_loop3A_779] {strides = array<i32>} : memref<8192xi32, #tpu.memory_space<vmem>>, vector<16xi32>,
      %parallel_loop3A_781 = arith.index_cast %parallel_loop3A_778 : i32 to index
      %parallel_loop3A_782 = tpu.vector_load %arg8[%parallel_loop3A_781] {strides = array<i32>} : memref<8192xi32, #tpu.memory_space<vmem>>, vector<16xi32>,
      %parallel_loop3A_783 = arith.index_cast %parallel_loop3A_778 : i32 to index
      %parallel_loop3A_784 = tpu.vector_load %arg10[%parallel_loop3A_783] {strides = array<i32>} : memref<8192xf32, #tpu.memory_space<vmem>>, vector<16xf32>,
      %parallel_loop3A_785 = arith.constant 4096 : i32
      %parallel_loop3A_786 = vector.broadcast %parallel_loop3A_785 : i32 to vector<16xi32>
      %parallel_loop3A_787 = arith.muli %parallel_loop3A_780, %parallel_loop3A_786 : vector<16xi32>
      %parallel_loop3A_788 = arith.addi %parallel_loop3A_787, %parallel_loop3A_782 : vector<16xi32>
      %parallel_loop3A_789 = arith.constant 4096 : i32
      %parallel_loop3A_790 = vector.broadcast %parallel_loop3A_789 : i32 to vector<16xi32>
      %parallel_loop3A_791 = arith.muli %parallel_loop3A_782, %parallel_loop3A_790 : vector<16xi32>
      %parallel_loop3A_792 = arith.addi %parallel_loop3A_791, %parallel_loop3A_780 : vector<16xi32>
      %parallel_loop3A_793 = arith.constant 19 : i32
      %parallel_loop3A_794 = vector.broadcast %parallel_loop3A_793 : i32 to vector<16xi32>
      %parallel_loop3A_795 = arith.shrui %parallel_loop3A_788, %parallel_loop3A_794 : vector<16xi32>
      %parallel_loop3A_796 = vector.broadcast %add3A : i32 to vector<16xi32>
      %parallel_loop3A_797 = arith.cmpi eq, %parallel_loop3A_795, %parallel_loop3A_796 : vector<16xi32>
      %parallel_loop3A_798 = arith.constant 19 : i32
      %parallel_loop3A_799 = vector.broadcast %parallel_loop3A_798 : i32 to vector<16xi32>
      %parallel_loop3A_800 = arith.shrui %parallel_loop3A_792, %parallel_loop3A_799 : vector<16xi32>
      %parallel_loop3A_801 = vector.broadcast %add3A : i32 to vector<16xi32>
      %parallel_loop3A_802 = arith.cmpi eq, %parallel_loop3A_800, %parallel_loop3A_801 : vector<16xi32>
      %parallel_loop3A_803 = arith.constant 16 : i32
      %parallel_loop3A_804 = vector.broadcast %parallel_loop3A_803 : i32 to vector<16xi32>
      %parallel_loop3A_805 = arith.muli %parallel_loop3A_775, %parallel_loop3A_804 : vector<16xi32>
      %parallel_loop3A_806 = arith.addi %parallel_loop3A_805, %iota3A_33 : vector<16xi32>
      %parallel_loop3A_807 = arith.select %parallel_loop3A_797, %parallel_loop3A_806, %add3A_36 : vector<16xi1>, vector<16xi32>
      tpu.vector_store_idx %arg12[%parallel_loop3A_807], %parallel_loop3A_788 : memref<8208xi32, #tpu.memory_space<vmem>>[vector<16xi32>], vector<16xi32>,
      tpu.vector_store_idx %arg13[%parallel_loop3A_807], %parallel_loop3A_784 : memref<8208xf32, #tpu.memory_space<vmem>>[vector<16xi32>], vector<16xf32>,
      %parallel_loop3A_808 = arith.constant 16 : i32
      %parallel_loop3A_809 = vector.broadcast %parallel_loop3A_808 : i32 to vector<16xi32>
      %parallel_loop3A_810 = arith.muli %parallel_loop3A_776, %parallel_loop3A_809 : vector<16xi32>
      %parallel_loop3A_811 = arith.addi %parallel_loop3A_810, %iota3A_33 : vector<16xi32>
      %parallel_loop3A_812 = arith.select %parallel_loop3A_802, %parallel_loop3A_811, %add3A_36 : vector<16xi1>, vector<16xi32>
      tpu.vector_store_idx %arg14[%parallel_loop3A_812], %parallel_loop3A_792 : memref<8208xi32, #tpu.memory_space<vmem>>[vector<16xi32>], vector<16xi32>,
      tpu.vector_store_idx %arg15[%parallel_loop3A_812], %parallel_loop3A_784 : memref<8208xf32, #tpu.memory_space<vmem>>[vector<16xi32>], vector<16xf32>,
      %parallel_loop3A_813 = arith.constant 1 : i32
      %parallel_loop3A_814 = arith.constant 0 : i32
      %parallel_loop3A_815 = vector.broadcast %parallel_loop3A_813 : i32 to vector<16xi32>
      %parallel_loop3A_816 = vector.broadcast %parallel_loop3A_814 : i32 to vector<16xi32>
      %parallel_loop3A_817 = arith.select %parallel_loop3A_797, %parallel_loop3A_815, %parallel_loop3A_816 : vector<16xi1>, vector<16xi32>
      %parallel_loop3A_818 = arith.addi %parallel_loop3A_775, %parallel_loop3A_817 : vector<16xi32>
      %parallel_loop3A_819 = arith.constant 1 : i32
      %parallel_loop3A_820 = arith.constant 0 : i32
      %parallel_loop3A_821 = vector.broadcast %parallel_loop3A_819 : i32 to vector<16xi32>
      %parallel_loop3A_822 = vector.broadcast %parallel_loop3A_820 : i32 to vector<16xi32>
      %parallel_loop3A_823 = arith.select %parallel_loop3A_802, %parallel_loop3A_821, %parallel_loop3A_822 : vector<16xi1>, vector<16xi32>
      %parallel_loop3A_824 = arith.addi %parallel_loop3A_776, %parallel_loop3A_823 : vector<16xi32>
      scf.yield %parallel_loop3A_818, %parallel_loop3A_824 : vector<16xi32>, vector<16xi32>
    } {sc.loop_unroll_factor = 4 : i64, sc.parallel_access}
    %dma_wait3A_85 = arith.constant 1 : i32
    %dma_wait3A_86 = arith.constant 0 : i32
    %dma_wait3A_87 = tpu.memref_slice %arg2[%dma_wait3A_85, %dma_wait3A_86] : memref<16x8192xi32, #tpu.memory_space<hbm>> -> memref<1x8192xi32, #tpu.memory_space<hbm>>
    %dma_wait3A_88 = tpu.memref_squeeze %dma_wait3A_87 : memref<1x8192xi32, #tpu.memory_space<hbm>> -> memref<8192xi32, #tpu.memory_space<hbm>>
    %dma_wait3A_89 = arith.constant 0 : i32
    %dma_wait3A_90 = tpu.memref_slice %arg2[%dma_wait3A_85, %dma_wait3A_89] : memref<16x8192xi32, #tpu.memory_space<hbm>> -> memref<1x8192xi32, #tpu.memory_space<hbm>>
    %dma_wait3A_91 = tpu.memref_squeeze %dma_wait3A_90 : memref<1x8192xi32, #tpu.memory_space<hbm>> -> memref<8192xi32, #tpu.memory_space<hbm>>
    tpu.wait_dma2 semaphore(%arg21 : memref<!tpu.dma_semaphore, #tpu.memory_space<semaphore_mem>>) src(%dma_wait3A_91 : memref<8192xi32, #tpu.memory_space<hbm>>) dst(%arg7 : memref<8192xi32, #tpu.memory_space<vmem>>)
    %dma_wait3A_92 = arith.constant 1 : i32
    %dma_wait3A_93 = arith.constant 0 : i32
    %dma_wait3A_94 = tpu.memref_slice %arg3[%dma_wait3A_92, %dma_wait3A_93] : memref<16x8192xi32, #tpu.memory_space<hbm>> -> memref<1x8192xi32, #tpu.memory_space<hbm>>
    %dma_wait3A_95 = tpu.memref_squeeze %dma_wait3A_94 : memref<1x8192xi32, #tpu.memory_space<hbm>> -> memref<8192xi32, #tpu.memory_space<hbm>>
    %dma_wait3A_96 = arith.constant 0 : i32
    %dma_wait3A_97 = tpu.memref_slice %arg3[%dma_wait3A_92, %dma_wait3A_96] : memref<16x8192xi32, #tpu.memory_space<hbm>> -> memref<1x8192xi32, #tpu.memory_space<hbm>>
    %dma_wait3A_98 = tpu.memref_squeeze %dma_wait3A_97 : memref<1x8192xi32, #tpu.memory_space<hbm>> -> memref<8192xi32, #tpu.memory_space<hbm>>
    tpu.wait_dma2 semaphore(%arg23 : memref<!tpu.dma_semaphore, #tpu.memory_space<semaphore_mem>>) src(%dma_wait3A_98 : memref<8192xi32, #tpu.memory_space<hbm>>) dst(%arg9 : memref<8192xi32, #tpu.memory_space<vmem>>)
    %dma_wait3A_99 = arith.constant 1 : i32
    %dma_wait3A_100 = arith.constant 0 : i32
    %dma_wait3A_101 = tpu.memref_slice %arg4[%dma_wait3A_99, %dma_wait3A_100] : memref<16x8192xf32, #tpu.memory_space<hbm>> -> memref<1x8192xf32, #tpu.memory_space<hbm>>
    %dma_wait3A_102 = tpu.memref_squeeze %dma_wait3A_101 : memref<1x8192xf32, #tpu.memory_space<hbm>> -> memref<8192xf32, #tpu.memory_space<hbm>>
    %dma_wait3A_103 = arith.constant 0 : i32
    %dma_wait3A_104 = tpu.memref_slice %arg4[%dma_wait3A_99, %dma_wait3A_103] : memref<16x8192xf32, #tpu.memory_space<hbm>> -> memref<1x8192xf32, #tpu.memory_space<hbm>>
    %dma_wait3A_105 = tpu.memref_squeeze %dma_wait3A_104 : memref<1x8192xf32, #tpu.memory_space<hbm>> -> memref<8192xf32, #tpu.memory_space<hbm>>
    tpu.wait_dma2 semaphore(%arg25 : memref<!tpu.dma_semaphore, #tpu.memory_space<semaphore_mem>>) src(%dma_wait3A_105 : memref<8192xf32, #tpu.memory_space<hbm>>) dst(%arg11 : memref<8192xf32, #tpu.memory_space<vmem>>)
    %dma_start3A_106 = arith.constant 2 : i32
    %dma_start3A_107 = arith.constant 0 : i32
    %dma_start3A_108 = tpu.memref_slice %arg2[%dma_start3A_106, %dma_start3A_107] : memref<16x8192xi32, #tpu.memory_space<hbm>> -> memref<1x8192xi32, #tpu.memory_space<hbm>>
    %dma_start3A_109 = tpu.memref_squeeze %dma_start3A_108 : memref<1x8192xi32, #tpu.memory_space<hbm>> -> memref<8192xi32, #tpu.memory_space<hbm>>
    %dma_start3A_110 = arith.constant 0 : i32
    %dma_start3A_111 = tpu.memref_slice %arg2[%dma_start3A_106, %dma_start3A_110] : memref<16x8192xi32, #tpu.memory_space<hbm>> -> memref<1x8192xi32, #tpu.memory_space<hbm>>
    %dma_start3A_112 = tpu.memref_squeeze %dma_start3A_111 : memref<1x8192xi32, #tpu.memory_space<hbm>> -> memref<8192xi32, #tpu.memory_space<hbm>>
    tpu.enqueue_dma source(%dma_start3A_112 : memref<8192xi32, #tpu.memory_space<hbm>>) target(%arg6 : memref<8192xi32, #tpu.memory_space<vmem>>) target_semaphore(%arg20 : memref<!tpu.dma_semaphore, #tpu.memory_space<semaphore_mem>>)
    %dma_start3A_113 = arith.constant 2 : i32
    %dma_start3A_114 = arith.constant 0 : i32
    %dma_start3A_115 = tpu.memref_slice %arg3[%dma_start3A_113, %dma_start3A_114] : memref<16x8192xi32, #tpu.memory_space<hbm>> -> memref<1x8192xi32, #tpu.memory_space<hbm>>
    %dma_start3A_116 = tpu.memref_squeeze %dma_start3A_115 : memref<1x8192xi32, #tpu.memory_space<hbm>> -> memref<8192xi32, #tpu.memory_space<hbm>>
    %dma_start3A_117 = arith.constant 0 : i32
    %dma_start3A_118 = tpu.memref_slice %arg3[%dma_start3A_113, %dma_start3A_117] : memref<16x8192xi32, #tpu.memory_space<hbm>> -> memref<1x8192xi32, #tpu.memory_space<hbm>>
    %dma_start3A_119 = tpu.memref_squeeze %dma_start3A_118 : memref<1x8192xi32, #tpu.memory_space<hbm>> -> memref<8192xi32, #tpu.memory_space<hbm>>
    tpu.enqueue_dma source(%dma_start3A_119 : memref<8192xi32, #tpu.memory_space<hbm>>) target(%arg8 : memref<8192xi32, #tpu.memory_space<vmem>>) target_semaphore(%arg22 : memref<!tpu.dma_semaphore, #tpu.memory_space<semaphore_mem>>)
    %dma_start3A_120 = arith.constant 2 : i32
    %dma_start3A_121 = arith.constant 0 : i32
    %dma_start3A_122 = tpu.memref_slice %arg4[%dma_start3A_120, %dma_start3A_121] : memref<16x8192xf32, #tpu.memory_space<hbm>> -> memref<1x8192xf32, #tpu.memory_space<hbm>>
    %dma_start3A_123 = tpu.memref_squeeze %dma_start3A_122 : memref<1x8192xf32, #tpu.memory_space<hbm>> -> memref<8192xf32, #tpu.memory_space<hbm>>
    %dma_start3A_124 = arith.constant 0 : i32
    %dma_start3A_125 = tpu.memref_slice %arg4[%dma_start3A_120, %dma_start3A_124] : memref<16x8192xf32, #tpu.memory_space<hbm>> -> memref<1x8192xf32, #tpu.memory_space<hbm>>
    %dma_start3A_126 = tpu.memref_squeeze %dma_start3A_125 : memref<1x8192xf32, #tpu.memory_space<hbm>> -> memref<8192xf32, #tpu.memory_space<hbm>>
    tpu.enqueue_dma source(%dma_start3A_126 : memref<8192xf32, #tpu.memory_space<hbm>>) target(%arg10 : memref<8192xf32, #tpu.memory_space<vmem>>) target_semaphore(%arg24 : memref<!tpu.dma_semaphore, #tpu.memory_space<semaphore_mem>>)
    %parallel_loop3A_127 = arith.constant 0 : i32
    %parallel_loop3A_128 = arith.constant 512 : i32
    %parallel_loop3A_129 = arith.constant 1 : i32
    %parallel_loop3A_130:2 = scf.for %parallel_loop3A_774 = %parallel_loop3A_127 to %parallel_loop3A_128 step %parallel_loop3A_129 iter_args(%parallel_loop3A_775 = %parallel_loop3A_84#0, %parallel_loop3A_776 = %parallel_loop3A_84#1) -> (vector<16xi32>, vector<16xi32>)  : i32 {
      %parallel_loop3A_777 = arith.constant 16 : i32
      %parallel_loop3A_778 = arith.muli %parallel_loop3A_774, %parallel_loop3A_777 : i32
      %parallel_loop3A_779 = arith.index_cast %parallel_loop3A_778 : i32 to index
      %parallel_loop3A_780 = tpu.vector_load %arg7[%parallel_loop3A_779] {strides = array<i32>} : memref<8192xi32, #tpu.memory_space<vmem>>, vector<16xi32>,
      %parallel_loop3A_781 = arith.index_cast %parallel_loop3A_778 : i32 to index
      %parallel_loop3A_782 = tpu.vector_load %arg9[%parallel_loop3A_781] {strides = array<i32>} : memref<8192xi32, #tpu.memory_space<vmem>>, vector<16xi32>,
      %parallel_loop3A_783 = arith.index_cast %parallel_loop3A_778 : i32 to index
      %parallel_loop3A_784 = tpu.vector_load %arg11[%parallel_loop3A_783] {strides = array<i32>} : memref<8192xf32, #tpu.memory_space<vmem>>, vector<16xf32>,
      %parallel_loop3A_785 = arith.constant 4096 : i32
      %parallel_loop3A_786 = vector.broadcast %parallel_loop3A_785 : i32 to vector<16xi32>
      %parallel_loop3A_787 = arith.muli %parallel_loop3A_780, %parallel_loop3A_786 : vector<16xi32>
      %parallel_loop3A_788 = arith.addi %parallel_loop3A_787, %parallel_loop3A_782 : vector<16xi32>
      %parallel_loop3A_789 = arith.constant 4096 : i32
      %parallel_loop3A_790 = vector.broadcast %parallel_loop3A_789 : i32 to vector<16xi32>
      %parallel_loop3A_791 = arith.muli %parallel_loop3A_782, %parallel_loop3A_790 : vector<16xi32>
      %parallel_loop3A_792 = arith.addi %parallel_loop3A_791, %parallel_loop3A_780 : vector<16xi32>
      %parallel_loop3A_793 = arith.constant 19 : i32
      %parallel_loop3A_794 = vector.broadcast %parallel_loop3A_793 : i32 to vector<16xi32>
      %parallel_loop3A_795 = arith.shrui %parallel_loop3A_788, %parallel_loop3A_794 : vector<16xi32>
      %parallel_loop3A_796 = vector.broadcast %add3A : i32 to vector<16xi32>
      %parallel_loop3A_797 = arith.cmpi eq, %parallel_loop3A_795, %parallel_loop3A_796 : vector<16xi32>
      %parallel_loop3A_798 = arith.constant 19 : i32
      %parallel_loop3A_799 = vector.broadcast %parallel_loop3A_798 : i32 to vector<16xi32>
      %parallel_loop3A_800 = arith.shrui %parallel_loop3A_792, %parallel_loop3A_799 : vector<16xi32>
      %parallel_loop3A_801 = vector.broadcast %add3A : i32 to vector<16xi32>
      %parallel_loop3A_802 = arith.cmpi eq, %parallel_loop3A_800, %parallel_loop3A_801 : vector<16xi32>
      %parallel_loop3A_803 = arith.constant 16 : i32
      %parallel_loop3A_804 = vector.broadcast %parallel_loop3A_803 : i32 to vector<16xi32>
      %parallel_loop3A_805 = arith.muli %parallel_loop3A_775, %parallel_loop3A_804 : vector<16xi32>
      %parallel_loop3A_806 = arith.addi %parallel_loop3A_805, %iota3A_33 : vector<16xi32>
      %parallel_loop3A_807 = arith.select %parallel_loop3A_797, %parallel_loop3A_806, %add3A_36 : vector<16xi1>, vector<16xi32>
      tpu.vector_store_idx %arg12[%parallel_loop3A_807], %parallel_loop3A_788 : memref<8208xi32, #tpu.memory_space<vmem>>[vector<16xi32>], vector<16xi32>,
      tpu.vector_store_idx %arg13[%parallel_loop3A_807], %parallel_loop3A_784 : memref<8208xf32, #tpu.memory_space<vmem>>[vector<16xi32>], vector<16xf32>,
      %parallel_loop3A_808 = arith.constant 16 : i32
      %parallel_loop3A_809 = vector.broadcast %parallel_loop3A_808 : i32 to vector<16xi32>
      %parallel_loop3A_810 = arith.muli %parallel_loop3A_776, %parallel_loop3A_809 : vector<16xi32>
      %parallel_loop3A_811 = arith.addi %parallel_loop3A_810, %iota3A_33 : vector<16xi32>
      %parallel_loop3A_812 = arith.select %parallel_loop3A_802, %parallel_loop3A_811, %add3A_36 : vector<16xi1>, vector<16xi32>
      tpu.vector_store_idx %arg14[%parallel_loop3A_812], %parallel_loop3A_792 : memref<8208xi32, #tpu.memory_space<vmem>>[vector<16xi32>], vector<16xi32>,
      tpu.vector_store_idx %arg15[%parallel_loop3A_812], %parallel_loop3A_784 : memref<8208xf32, #tpu.memory_space<vmem>>[vector<16xi32>], vector<16xf32>,
      %parallel_loop3A_813 = arith.constant 1 : i32
      %parallel_loop3A_814 = arith.constant 0 : i32
      %parallel_loop3A_815 = vector.broadcast %parallel_loop3A_813 : i32 to vector<16xi32>
      %parallel_loop3A_816 = vector.broadcast %parallel_loop3A_814 : i32 to vector<16xi32>
      %parallel_loop3A_817 = arith.select %parallel_loop3A_797, %parallel_loop3A_815, %parallel_loop3A_816 : vector<16xi1>, vector<16xi32>
      %parallel_loop3A_818 = arith.addi %parallel_loop3A_775, %parallel_loop3A_817 : vector<16xi32>
      %parallel_loop3A_819 = arith.constant 1 : i32
      %parallel_loop3A_820 = arith.constant 0 : i32
      %parallel_loop3A_821 = vector.broadcast %parallel_loop3A_819 : i32 to vector<16xi32>
      %parallel_loop3A_822 = vector.broadcast %parallel_loop3A_820 : i32 to vector<16xi32>
      %parallel_loop3A_823 = arith.select %parallel_loop3A_802, %parallel_loop3A_821, %parallel_loop3A_822 : vector<16xi1>, vector<16xi32>
      %parallel_loop3A_824 = arith.addi %parallel_loop3A_776, %parallel_loop3A_823 : vector<16xi32>
      scf.yield %parallel_loop3A_818, %parallel_loop3A_824 : vector<16xi32>, vector<16xi32>
    } {sc.loop_unroll_factor = 4 : i64, sc.parallel_access}
    %dma_wait3A_131 = arith.constant 2 : i32
    %dma_wait3A_132 = arith.constant 0 : i32
    %dma_wait3A_133 = tpu.memref_slice %arg2[%dma_wait3A_131, %dma_wait3A_132] : memref<16x8192xi32, #tpu.memory_space<hbm>> -> memref<1x8192xi32, #tpu.memory_space<hbm>>
    %dma_wait3A_134 = tpu.memref_squeeze %dma_wait3A_133 : memref<1x8192xi32, #tpu.memory_space<hbm>> -> memref<8192xi32, #tpu.memory_space<hbm>>
    %dma_wait3A_135 = arith.constant 0 : i32
    %dma_wait3A_136 = tpu.memref_slice %arg2[%dma_wait3A_131, %dma_wait3A_135] : memref<16x8192xi32, #tpu.memory_space<hbm>> -> memref<1x8192xi32, #tpu.memory_space<hbm>>
    %dma_wait3A_137 = tpu.memref_squeeze %dma_wait3A_136 : memref<1x8192xi32, #tpu.memory_space<hbm>> -> memref<8192xi32, #tpu.memory_space<hbm>>
    tpu.wait_dma2 semaphore(%arg20 : memref<!tpu.dma_semaphore, #tpu.memory_space<semaphore_mem>>) src(%dma_wait3A_137 : memref<8192xi32, #tpu.memory_space<hbm>>) dst(%arg6 : memref<8192xi32, #tpu.memory_space<vmem>>)
    %dma_wait3A_138 = arith.constant 2 : i32
    %dma_wait3A_139 = arith.constant 0 : i32
    %dma_wait3A_140 = tpu.memref_slice %arg3[%dma_wait3A_138, %dma_wait3A_139] : memref<16x8192xi32, #tpu.memory_space<hbm>> -> memref<1x8192xi32, #tpu.memory_space<hbm>>
    %dma_wait3A_141 = tpu.memref_squeeze %dma_wait3A_140 : memref<1x8192xi32, #tpu.memory_space<hbm>> -> memref<8192xi32, #tpu.memory_space<hbm>>
    %dma_wait3A_142 = arith.constant 0 : i32
    %dma_wait3A_143 = tpu.memref_slice %arg3[%dma_wait3A_138, %dma_wait3A_142] : memref<16x8192xi32, #tpu.memory_space<hbm>> -> memref<1x8192xi32, #tpu.memory_space<hbm>>
    %dma_wait3A_144 = tpu.memref_squeeze %dma_wait3A_143 : memref<1x8192xi32, #tpu.memory_space<hbm>> -> memref<8192xi32, #tpu.memory_space<hbm>>
    tpu.wait_dma2 semaphore(%arg22 : memref<!tpu.dma_semaphore, #tpu.memory_space<semaphore_mem>>) src(%dma_wait3A_144 : memref<8192xi32, #tpu.memory_space<hbm>>) dst(%arg8 : memref<8192xi32, #tpu.memory_space<vmem>>)
    %dma_wait3A_145 = arith.constant 2 : i32
    %dma_wait3A_146 = arith.constant 0 : i32
    %dma_wait3A_147 = tpu.memref_slice %arg4[%dma_wait3A_145, %dma_wait3A_146] : memref<16x8192xf32, #tpu.memory_space<hbm>> -> memref<1x8192xf32, #tpu.memory_space<hbm>>
    %dma_wait3A_148 = tpu.memref_squeeze %dma_wait3A_147 : memref<1x8192xf32, #tpu.memory_space<hbm>> -> memref<8192xf32, #tpu.memory_space<hbm>>
    %dma_wait3A_149 = arith.constant 0 : i32
    %dma_wait3A_150 = tpu.memref_slice %arg4[%dma_wait3A_145, %dma_wait3A_149] : memref<16x8192xf32, #tpu.memory_space<hbm>> -> memref<1x8192xf32, #tpu.memory_space<hbm>>
    %dma_wait3A_151 = tpu.memref_squeeze %dma_wait3A_150 : memref<1x8192xf32, #tpu.memory_space<hbm>> -> memref<8192xf32, #tpu.memory_space<hbm>>
    tpu.wait_dma2 semaphore(%arg24 : memref<!tpu.dma_semaphore, #tpu.memory_space<semaphore_mem>>) src(%dma_wait3A_151 : memref<8192xf32, #tpu.memory_space<hbm>>) dst(%arg10 : memref<8192xf32, #tpu.memory_space<vmem>>)
    %dma_start3A_152 = arith.constant 3 : i32
    %dma_start3A_153 = arith.constant 0 : i32
    %dma_start3A_154 = tpu.memref_slice %arg2[%dma_start3A_152, %dma_start3A_153] : memref<16x8192xi32, #tpu.memory_space<hbm>> -> memref<1x8192xi32, #tpu.memory_space<hbm>>
    %dma_start3A_155 = tpu.memref_squeeze %dma_start3A_154 : memref<1x8192xi32, #tpu.memory_space<hbm>> -> memref<8192xi32, #tpu.memory_space<hbm>>
    %dma_start3A_156 = arith.constant 0 : i32
    %dma_start3A_157 = tpu.memref_slice %arg2[%dma_start3A_152, %dma_start3A_156] : memref<16x8192xi32, #tpu.memory_space<hbm>> -> memref<1x8192xi32, #tpu.memory_space<hbm>>
    %dma_start3A_158 = tpu.memref_squeeze %dma_start3A_157 : memref<1x8192xi32, #tpu.memory_space<hbm>> -> memref<8192xi32, #tpu.memory_space<hbm>>
    tpu.enqueue_dma source(%dma_start3A_158 : memref<8192xi32, #tpu.memory_space<hbm>>) target(%arg7 : memref<8192xi32, #tpu.memory_space<vmem>>) target_semaphore(%arg21 : memref<!tpu.dma_semaphore, #tpu.memory_space<semaphore_mem>>)
    %dma_start3A_159 = arith.constant 3 : i32
    %dma_start3A_160 = arith.constant 0 : i32
    %dma_start3A_161 = tpu.memref_slice %arg3[%dma_start3A_159, %dma_start3A_160] : memref<16x8192xi32, #tpu.memory_space<hbm>> -> memref<1x8192xi32, #tpu.memory_space<hbm>>
    %dma_start3A_162 = tpu.memref_squeeze %dma_start3A_161 : memref<1x8192xi32, #tpu.memory_space<hbm>> -> memref<8192xi32, #tpu.memory_space<hbm>>
    %dma_start3A_163 = arith.constant 0 : i32
    %dma_start3A_164 = tpu.memref_slice %arg3[%dma_start3A_159, %dma_start3A_163] : memref<16x8192xi32, #tpu.memory_space<hbm>> -> memref<1x8192xi32, #tpu.memory_space<hbm>>
    %dma_start3A_165 = tpu.memref_squeeze %dma_start3A_164 : memref<1x8192xi32, #tpu.memory_space<hbm>> -> memref<8192xi32, #tpu.memory_space<hbm>>
    tpu.enqueue_dma source(%dma_start3A_165 : memref<8192xi32, #tpu.memory_space<hbm>>) target(%arg9 : memref<8192xi32, #tpu.memory_space<vmem>>) target_semaphore(%arg23 : memref<!tpu.dma_semaphore, #tpu.memory_space<semaphore_mem>>)
    %dma_start3A_166 = arith.constant 3 : i32
    %dma_start3A_167 = arith.constant 0 : i32
    %dma_start3A_168 = tpu.memref_slice %arg4[%dma_start3A_166, %dma_start3A_167] : memref<16x8192xf32, #tpu.memory_space<hbm>> -> memref<1x8192xf32, #tpu.memory_space<hbm>>
    %dma_start3A_169 = tpu.memref_squeeze %dma_start3A_168 : memref<1x8192xf32, #tpu.memory_space<hbm>> -> memref<8192xf32, #tpu.memory_space<hbm>>
    %dma_start3A_170 = arith.constant 0 : i32
    %dma_start3A_171 = tpu.memref_slice %arg4[%dma_start3A_166, %dma_start3A_170] : memref<16x8192xf32, #tpu.memory_space<hbm>> -> memref<1x8192xf32, #tpu.memory_space<hbm>>
    %dma_start3A_172 = tpu.memref_squeeze %dma_start3A_171 : memref<1x8192xf32, #tpu.memory_space<hbm>> -> memref<8192xf32, #tpu.memory_space<hbm>>
    tpu.enqueue_dma source(%dma_start3A_172 : memref<8192xf32, #tpu.memory_space<hbm>>) target(%arg11 : memref<8192xf32, #tpu.memory_space<vmem>>) target_semaphore(%arg25 : memref<!tpu.dma_semaphore, #tpu.memory_space<semaphore_mem>>)
    %parallel_loop3A_173 = arith.constant 0 : i32
    %parallel_loop3A_174 = arith.constant 512 : i32
    %parallel_loop3A_175 = arith.constant 1 : i32
    %parallel_loop3A_176:2 = scf.for %parallel_loop3A_774 = %parallel_loop3A_173 to %parallel_loop3A_174 step %parallel_loop3A_175 iter_args(%parallel_loop3A_775 = %parallel_loop3A_130#0, %parallel_loop3A_776 = %parallel_loop3A_130#1) -> (vector<16xi32>, vector<16xi32>)  : i32 {
      %parallel_loop3A_777 = arith.constant 16 : i32
      %parallel_loop3A_778 = arith.muli %parallel_loop3A_774, %parallel_loop3A_777 : i32
      %parallel_loop3A_779 = arith.index_cast %parallel_loop3A_778 : i32 to index
      %parallel_loop3A_780 = tpu.vector_load %arg6[%parallel_loop3A_779] {strides = array<i32>} : memref<8192xi32, #tpu.memory_space<vmem>>, vector<16xi32>,
      %parallel_loop3A_781 = arith.index_cast %parallel_loop3A_778 : i32 to index
      %parallel_loop3A_782 = tpu.vector_load %arg8[%parallel_loop3A_781] {strides = array<i32>} : memref<8192xi32, #tpu.memory_space<vmem>>, vector<16xi32>,
      %parallel_loop3A_783 = arith.index_cast %parallel_loop3A_778 : i32 to index
      %parallel_loop3A_784 = tpu.vector_load %arg10[%parallel_loop3A_783] {strides = array<i32>} : memref<8192xf32, #tpu.memory_space<vmem>>, vector<16xf32>,
      %parallel_loop3A_785 = arith.constant 4096 : i32
      %parallel_loop3A_786 = vector.broadcast %parallel_loop3A_785 : i32 to vector<16xi32>
      %parallel_loop3A_787 = arith.muli %parallel_loop3A_780, %parallel_loop3A_786 : vector<16xi32>
      %parallel_loop3A_788 = arith.addi %parallel_loop3A_787, %parallel_loop3A_782 : vector<16xi32>
      %parallel_loop3A_789 = arith.constant 4096 : i32
      %parallel_loop3A_790 = vector.broadcast %parallel_loop3A_789 : i32 to vector<16xi32>
      %parallel_loop3A_791 = arith.muli %parallel_loop3A_782, %parallel_loop3A_790 : vector<16xi32>
      %parallel_loop3A_792 = arith.addi %parallel_loop3A_791, %parallel_loop3A_780 : vector<16xi32>
      %parallel_loop3A_793 = arith.constant 19 : i32
      %parallel_loop3A_794 = vector.broadcast %parallel_loop3A_793 : i32 to vector<16xi32>
      %parallel_loop3A_795 = arith.shrui %parallel_loop3A_788, %parallel_loop3A_794 : vector<16xi32>
      %parallel_loop3A_796 = vector.broadcast %add3A : i32 to vector<16xi32>
      %parallel_loop3A_797 = arith.cmpi eq, %parallel_loop3A_795, %parallel_loop3A_796 : vector<16xi32>
      %parallel_loop3A_798 = arith.constant 19 : i32
      %parallel_loop3A_799 = vector.broadcast %parallel_loop3A_798 : i32 to vector<16xi32>
      %parallel_loop3A_800 = arith.shrui %parallel_loop3A_792, %parallel_loop3A_799 : vector<16xi32>
      %parallel_loop3A_801 = vector.broadcast %add3A : i32 to vector<16xi32>
      %parallel_loop3A_802 = arith.cmpi eq, %parallel_loop3A_800, %parallel_loop3A_801 : vector<16xi32>
      %parallel_loop3A_803 = arith.constant 16 : i32
      %parallel_loop3A_804 = vector.broadcast %parallel_loop3A_803 : i32 to vector<16xi32>
      %parallel_loop3A_805 = arith.muli %parallel_loop3A_775, %parallel_loop3A_804 : vector<16xi32>
      %parallel_loop3A_806 = arith.addi %parallel_loop3A_805, %iota3A_33 : vector<16xi32>
      %parallel_loop3A_807 = arith.select %parallel_loop3A_797, %parallel_loop3A_806, %add3A_36 : vector<16xi1>, vector<16xi32>
      tpu.vector_store_idx %arg12[%parallel_loop3A_807], %parallel_loop3A_788 : memref<8208xi32, #tpu.memory_space<vmem>>[vector<16xi32>], vector<16xi32>,
      tpu.vector_store_idx %arg13[%parallel_loop3A_807], %parallel_loop3A_784 : memref<8208xf32, #tpu.memory_space<vmem>>[vector<16xi32>], vector<16xf32>,
      %parallel_loop3A_808 = arith.constant 16 : i32
      %parallel_loop3A_809 = vector.broadcast %parallel_loop3A_808 : i32 to vector<16xi32>
      %parallel_loop3A_810 = arith.muli %parallel_loop3A_776, %parallel_loop3A_809 : vector<16xi32>
      %parallel_loop3A_811 = arith.addi %parallel_loop3A_810, %iota3A_33 : vector<16xi32>
      %parallel_loop3A_812 = arith.select %parallel_loop3A_802, %parallel_loop3A_811, %add3A_36 : vector<16xi1>, vector<16xi32>
      tpu.vector_store_idx %arg14[%parallel_loop3A_812], %parallel_loop3A_792 : memref<8208xi32, #tpu.memory_space<vmem>>[vector<16xi32>], vector<16xi32>,
      tpu.vector_store_idx %arg15[%parallel_loop3A_812], %parallel_loop3A_784 : memref<8208xf32, #tpu.memory_space<vmem>>[vector<16xi32>], vector<16xf32>,
      %parallel_loop3A_813 = arith.constant 1 : i32
      %parallel_loop3A_814 = arith.constant 0 : i32
      %parallel_loop3A_815 = vector.broadcast %parallel_loop3A_813 : i32 to vector<16xi32>
      %parallel_loop3A_816 = vector.broadcast %parallel_loop3A_814 : i32 to vector<16xi32>
      %parallel_loop3A_817 = arith.select %parallel_loop3A_797, %parallel_loop3A_815, %parallel_loop3A_816 : vector<16xi1>, vector<16xi32>
      %parallel_loop3A_818 = arith.addi %parallel_loop3A_775, %parallel_loop3A_817 : vector<16xi32>
      %parallel_loop3A_819 = arith.constant 1 : i32
      %parallel_loop3A_820 = arith.constant 0 : i32
      %parallel_loop3A_821 = vector.broadcast %parallel_loop3A_819 : i32 to vector<16xi32>
      %parallel_loop3A_822 = vector.broadcast %parallel_loop3A_820 : i32 to vector<16xi32>
      %parallel_loop3A_823 = arith.select %parallel_loop3A_802, %parallel_loop3A_821, %parallel_loop3A_822 : vector<16xi1>, vector<16xi32>
      %parallel_loop3A_824 = arith.addi %parallel_loop3A_776, %parallel_loop3A_823 : vector<16xi32>
      scf.yield %parallel_loop3A_818, %parallel_loop3A_824 : vector<16xi32>, vector<16xi32>
    } {sc.loop_unroll_factor = 4 : i64, sc.parallel_access}
    %dma_wait3A_177 = arith.constant 3 : i32
    %dma_wait3A_178 = arith.constant 0 : i32
    %dma_wait3A_179 = tpu.memref_slice %arg2[%dma_wait3A_177, %dma_wait3A_178] : memref<16x8192xi32, #tpu.memory_space<hbm>> -> memref<1x8192xi32, #tpu.memory_space<hbm>>
    %dma_wait3A_180 = tpu.memref_squeeze %dma_wait3A_179 : memref<1x8192xi32, #tpu.memory_space<hbm>> -> memref<8192xi32, #tpu.memory_space<hbm>>
    %dma_wait3A_181 = arith.constant 0 : i32
    %dma_wait3A_182 = tpu.memref_slice %arg2[%dma_wait3A_177, %dma_wait3A_181] : memref<16x8192xi32, #tpu.memory_space<hbm>> -> memref<1x8192xi32, #tpu.memory_space<hbm>>
    %dma_wait3A_183 = tpu.memref_squeeze %dma_wait3A_182 : memref<1x8192xi32, #tpu.memory_space<hbm>> -> memref<8192xi32, #tpu.memory_space<hbm>>
    tpu.wait_dma2 semaphore(%arg21 : memref<!tpu.dma_semaphore, #tpu.memory_space<semaphore_mem>>) src(%dma_wait3A_183 : memref<8192xi32, #tpu.memory_space<hbm>>) dst(%arg7 : memref<8192xi32, #tpu.memory_space<vmem>>)
    %dma_wait3A_184 = arith.constant 3 : i32
    %dma_wait3A_185 = arith.constant 0 : i32
    %dma_wait3A_186 = tpu.memref_slice %arg3[%dma_wait3A_184, %dma_wait3A_185] : memref<16x8192xi32, #tpu.memory_space<hbm>> -> memref<1x8192xi32, #tpu.memory_space<hbm>>
    %dma_wait3A_187 = tpu.memref_squeeze %dma_wait3A_186 : memref<1x8192xi32, #tpu.memory_space<hbm>> -> memref<8192xi32, #tpu.memory_space<hbm>>
    %dma_wait3A_188 = arith.constant 0 : i32
    %dma_wait3A_189 = tpu.memref_slice %arg3[%dma_wait3A_184, %dma_wait3A_188] : memref<16x8192xi32, #tpu.memory_space<hbm>> -> memref<1x8192xi32, #tpu.memory_space<hbm>>
    %dma_wait3A_190 = tpu.memref_squeeze %dma_wait3A_189 : memref<1x8192xi32, #tpu.memory_space<hbm>> -> memref<8192xi32, #tpu.memory_space<hbm>>
    tpu.wait_dma2 semaphore(%arg23 : memref<!tpu.dma_semaphore, #tpu.memory_space<semaphore_mem>>) src(%dma_wait3A_190 : memref<8192xi32, #tpu.memory_space<hbm>>) dst(%arg9 : memref<8192xi32, #tpu.memory_space<vmem>>)
    %dma_wait3A_191 = arith.constant 3 : i32
    %dma_wait3A_192 = arith.constant 0 : i32
    %dma_wait3A_193 = tpu.memref_slice %arg4[%dma_wait3A_191, %dma_wait3A_192] : memref<16x8192xf32, #tpu.memory_space<hbm>> -> memref<1x8192xf32, #tpu.memory_space<hbm>>
    %dma_wait3A_194 = tpu.memref_squeeze %dma_wait3A_193 : memref<1x8192xf32, #tpu.memory_space<hbm>> -> memref<8192xf32, #tpu.memory_space<hbm>>
    %dma_wait3A_195 = arith.constant 0 : i32
    %dma_wait3A_196 = tpu.memref_slice %arg4[%dma_wait3A_191, %dma_wait3A_195] : memref<16x8192xf32, #tpu.memory_space<hbm>> -> memref<1x8192xf32, #tpu.memory_space<hbm>>
    %dma_wait3A_197 = tpu.memref_squeeze %dma_wait3A_196 : memref<1x8192xf32, #tpu.memory_space<hbm>> -> memref<8192xf32, #tpu.memory_space<hbm>>
    tpu.wait_dma2 semaphore(%arg25 : memref<!tpu.dma_semaphore, #tpu.memory_space<semaphore_mem>>) src(%dma_wait3A_197 : memref<8192xf32, #tpu.memory_space<hbm>>) dst(%arg11 : memref<8192xf32, #tpu.memory_space<vmem>>)
    %dma_start3A_198 = arith.constant 4 : i32
    %dma_start3A_199 = arith.constant 0 : i32
    %dma_start3A_200 = tpu.memref_slice %arg2[%dma_start3A_198, %dma_start3A_199] : memref<16x8192xi32, #tpu.memory_space<hbm>> -> memref<1x8192xi32, #tpu.memory_space<hbm>>
    %dma_start3A_201 = tpu.memref_squeeze %dma_start3A_200 : memref<1x8192xi32, #tpu.memory_space<hbm>> -> memref<8192xi32, #tpu.memory_space<hbm>>
    %dma_start3A_202 = arith.constant 0 : i32
    %dma_start3A_203 = tpu.memref_slice %arg2[%dma_start3A_198, %dma_start3A_202] : memref<16x8192xi32, #tpu.memory_space<hbm>> -> memref<1x8192xi32, #tpu.memory_space<hbm>>
    %dma_start3A_204 = tpu.memref_squeeze %dma_start3A_203 : memref<1x8192xi32, #tpu.memory_space<hbm>> -> memref<8192xi32, #tpu.memory_space<hbm>>
    tpu.enqueue_dma source(%dma_start3A_204 : memref<8192xi32, #tpu.memory_space<hbm>>) target(%arg6 : memref<8192xi32, #tpu.memory_space<vmem>>) target_semaphore(%arg20 : memref<!tpu.dma_semaphore, #tpu.memory_space<semaphore_mem>>)
    %dma_start3A_205 = arith.constant 4 : i32
    %dma_start3A_206 = arith.constant 0 : i32
    %dma_start3A_207 = tpu.memref_slice %arg3[%dma_start3A_205, %dma_start3A_206] : memref<16x8192xi32, #tpu.memory_space<hbm>> -> memref<1x8192xi32, #tpu.memory_space<hbm>>
    %dma_start3A_208 = tpu.memref_squeeze %dma_start3A_207 : memref<1x8192xi32, #tpu.memory_space<hbm>> -> memref<8192xi32, #tpu.memory_space<hbm>>
    %dma_start3A_209 = arith.constant 0 : i32
    %dma_start3A_210 = tpu.memref_slice %arg3[%dma_start3A_205, %dma_start3A_209] : memref<16x8192xi32, #tpu.memory_space<hbm>> -> memref<1x8192xi32, #tpu.memory_space<hbm>>
    %dma_start3A_211 = tpu.memref_squeeze %dma_start3A_210 : memref<1x8192xi32, #tpu.memory_space<hbm>> -> memref<8192xi32, #tpu.memory_space<hbm>>
    tpu.enqueue_dma source(%dma_start3A_211 : memref<8192xi32, #tpu.memory_space<hbm>>) target(%arg8 : memref<8192xi32, #tpu.memory_space<vmem>>) target_semaphore(%arg22 : memref<!tpu.dma_semaphore, #tpu.memory_space<semaphore_mem>>)
    %dma_start3A_212 = arith.constant 4 : i32
    %dma_start3A_213 = arith.constant 0 : i32
    %dma_start3A_214 = tpu.memref_slice %arg4[%dma_start3A_212, %dma_start3A_213] : memref<16x8192xf32, #tpu.memory_space<hbm>> -> memref<1x8192xf32, #tpu.memory_space<hbm>>
    %dma_start3A_215 = tpu.memref_squeeze %dma_start3A_214 : memref<1x8192xf32, #tpu.memory_space<hbm>> -> memref<8192xf32, #tpu.memory_space<hbm>>
    %dma_start3A_216 = arith.constant 0 : i32
    %dma_start3A_217 = tpu.memref_slice %arg4[%dma_start3A_212, %dma_start3A_216] : memref<16x8192xf32, #tpu.memory_space<hbm>> -> memref<1x8192xf32, #tpu.memory_space<hbm>>
    %dma_start3A_218 = tpu.memref_squeeze %dma_start3A_217 : memref<1x8192xf32, #tpu.memory_space<hbm>> -> memref<8192xf32, #tpu.memory_space<hbm>>
    tpu.enqueue_dma source(%dma_start3A_218 : memref<8192xf32, #tpu.memory_space<hbm>>) target(%arg10 : memref<8192xf32, #tpu.memory_space<vmem>>) target_semaphore(%arg24 : memref<!tpu.dma_semaphore, #tpu.memory_space<semaphore_mem>>)
    %parallel_loop3A_219 = arith.constant 0 : i32
    %parallel_loop3A_220 = arith.constant 512 : i32
    %parallel_loop3A_221 = arith.constant 1 : i32
    %parallel_loop3A_222:2 = scf.for %parallel_loop3A_774 = %parallel_loop3A_219 to %parallel_loop3A_220 step %parallel_loop3A_221 iter_args(%parallel_loop3A_775 = %parallel_loop3A_176#0, %parallel_loop3A_776 = %parallel_loop3A_176#1) -> (vector<16xi32>, vector<16xi32>)  : i32 {
      %parallel_loop3A_777 = arith.constant 16 : i32
      %parallel_loop3A_778 = arith.muli %parallel_loop3A_774, %parallel_loop3A_777 : i32
      %parallel_loop3A_779 = arith.index_cast %parallel_loop3A_778 : i32 to index
      %parallel_loop3A_780 = tpu.vector_load %arg7[%parallel_loop3A_779] {strides = array<i32>} : memref<8192xi32, #tpu.memory_space<vmem>>, vector<16xi32>,
      %parallel_loop3A_781 = arith.index_cast %parallel_loop3A_778 : i32 to index
      %parallel_loop3A_782 = tpu.vector_load %arg9[%parallel_loop3A_781] {strides = array<i32>} : memref<8192xi32, #tpu.memory_space<vmem>>, vector<16xi32>,
      %parallel_loop3A_783 = arith.index_cast %parallel_loop3A_778 : i32 to index
      %parallel_loop3A_784 = tpu.vector_load %arg11[%parallel_loop3A_783] {strides = array<i32>} : memref<8192xf32, #tpu.memory_space<vmem>>, vector<16xf32>,
      %parallel_loop3A_785 = arith.constant 4096 : i32
      %parallel_loop3A_786 = vector.broadcast %parallel_loop3A_785 : i32 to vector<16xi32>
      %parallel_loop3A_787 = arith.muli %parallel_loop3A_780, %parallel_loop3A_786 : vector<16xi32>
      %parallel_loop3A_788 = arith.addi %parallel_loop3A_787, %parallel_loop3A_782 : vector<16xi32>
      %parallel_loop3A_789 = arith.constant 4096 : i32
      %parallel_loop3A_790 = vector.broadcast %parallel_loop3A_789 : i32 to vector<16xi32>
      %parallel_loop3A_791 = arith.muli %parallel_loop3A_782, %parallel_loop3A_790 : vector<16xi32>
      %parallel_loop3A_792 = arith.addi %parallel_loop3A_791, %parallel_loop3A_780 : vector<16xi32>
      %parallel_loop3A_793 = arith.constant 19 : i32
      %parallel_loop3A_794 = vector.broadcast %parallel_loop3A_793 : i32 to vector<16xi32>
      %parallel_loop3A_795 = arith.shrui %parallel_loop3A_788, %parallel_loop3A_794 : vector<16xi32>
      %parallel_loop3A_796 = vector.broadcast %add3A : i32 to vector<16xi32>
      %parallel_loop3A_797 = arith.cmpi eq, %parallel_loop3A_795, %parallel_loop3A_796 : vector<16xi32>
      %parallel_loop3A_798 = arith.constant 19 : i32
      %parallel_loop3A_799 = vector.broadcast %parallel_loop3A_798 : i32 to vector<16xi32>
      %parallel_loop3A_800 = arith.shrui %parallel_loop3A_792, %parallel_loop3A_799 : vector<16xi32>
      %parallel_loop3A_801 = vector.broadcast %add3A : i32 to vector<16xi32>
      %parallel_loop3A_802 = arith.cmpi eq, %parallel_loop3A_800, %parallel_loop3A_801 : vector<16xi32>
      %parallel_loop3A_803 = arith.constant 16 : i32
      %parallel_loop3A_804 = vector.broadcast %parallel_loop3A_803 : i32 to vector<16xi32>
      %parallel_loop3A_805 = arith.muli %parallel_loop3A_775, %parallel_loop3A_804 : vector<16xi32>
      %parallel_loop3A_806 = arith.addi %parallel_loop3A_805, %iota3A_33 : vector<16xi32>
      %parallel_loop3A_807 = arith.select %parallel_loop3A_797, %parallel_loop3A_806, %add3A_36 : vector<16xi1>, vector<16xi32>
      tpu.vector_store_idx %arg12[%parallel_loop3A_807], %parallel_loop3A_788 : memref<8208xi32, #tpu.memory_space<vmem>>[vector<16xi32>], vector<16xi32>,
      tpu.vector_store_idx %arg13[%parallel_loop3A_807], %parallel_loop3A_784 : memref<8208xf32, #tpu.memory_space<vmem>>[vector<16xi32>], vector<16xf32>,
      %parallel_loop3A_808 = arith.constant 16 : i32
      %parallel_loop3A_809 = vector.broadcast %parallel_loop3A_808 : i32 to vector<16xi32>
      %parallel_loop3A_810 = arith.muli %parallel_loop3A_776, %parallel_loop3A_809 : vector<16xi32>
      %parallel_loop3A_811 = arith.addi %parallel_loop3A_810, %iota3A_33 : vector<16xi32>
      %parallel_loop3A_812 = arith.select %parallel_loop3A_802, %parallel_loop3A_811, %add3A_36 : vector<16xi1>, vector<16xi32>
      tpu.vector_store_idx %arg14[%parallel_loop3A_812], %parallel_loop3A_792 : memref<8208xi32, #tpu.memory_space<vmem>>[vector<16xi32>], vector<16xi32>,
      tpu.vector_store_idx %arg15[%parallel_loop3A_812], %parallel_loop3A_784 : memref<8208xf32, #tpu.memory_space<vmem>>[vector<16xi32>], vector<16xf32>,
      %parallel_loop3A_813 = arith.constant 1 : i32
      %parallel_loop3A_814 = arith.constant 0 : i32
      %parallel_loop3A_815 = vector.broadcast %parallel_loop3A_813 : i32 to vector<16xi32>
      %parallel_loop3A_816 = vector.broadcast %parallel_loop3A_814 : i32 to vector<16xi32>
      %parallel_loop3A_817 = arith.select %parallel_loop3A_797, %parallel_loop3A_815, %parallel_loop3A_816 : vector<16xi1>, vector<16xi32>
      %parallel_loop3A_818 = arith.addi %parallel_loop3A_775, %parallel_loop3A_817 : vector<16xi32>
      %parallel_loop3A_819 = arith.constant 1 : i32
      %parallel_loop3A_820 = arith.constant 0 : i32
      %parallel_loop3A_821 = vector.broadcast %parallel_loop3A_819 : i32 to vector<16xi32>
      %parallel_loop3A_822 = vector.broadcast %parallel_loop3A_820 : i32 to vector<16xi32>
      %parallel_loop3A_823 = arith.select %parallel_loop3A_802, %parallel_loop3A_821, %parallel_loop3A_822 : vector<16xi1>, vector<16xi32>
      %parallel_loop3A_824 = arith.addi %parallel_loop3A_776, %parallel_loop3A_823 : vector<16xi32>
      scf.yield %parallel_loop3A_818, %parallel_loop3A_824 : vector<16xi32>, vector<16xi32>
    } {sc.loop_unroll_factor = 4 : i64, sc.parallel_access}
    %dma_wait3A_223 = arith.constant 4 : i32
    %dma_wait3A_224 = arith.constant 0 : i32
    %dma_wait3A_225 = tpu.memref_slice %arg2[%dma_wait3A_223, %dma_wait3A_224] : memref<16x8192xi32, #tpu.memory_space<hbm>> -> memref<1x8192xi32, #tpu.memory_space<hbm>>
    %dma_wait3A_226 = tpu.memref_squeeze %dma_wait3A_225 : memref<1x8192xi32, #tpu.memory_space<hbm>> -> memref<8192xi32, #tpu.memory_space<hbm>>
    %dma_wait3A_227 = arith.constant 0 : i32
    %dma_wait3A_228 = tpu.memref_slice %arg2[%dma_wait3A_223, %dma_wait3A_227] : memref<16x8192xi32, #tpu.memory_space<hbm>> -> memref<1x8192xi32, #tpu.memory_space<hbm>>
    %dma_wait3A_229 = tpu.memref_squeeze %dma_wait3A_228 : memref<1x8192xi32, #tpu.memory_space<hbm>> -> memref<8192xi32, #tpu.memory_space<hbm>>
    tpu.wait_dma2 semaphore(%arg20 : memref<!tpu.dma_semaphore, #tpu.memory_space<semaphore_mem>>) src(%dma_wait3A_229 : memref<8192xi32, #tpu.memory_space<hbm>>) dst(%arg6 : memref<8192xi32, #tpu.memory_space<vmem>>)
    %dma_wait3A_230 = arith.constant 4 : i32
    %dma_wait3A_231 = arith.constant 0 : i32
    %dma_wait3A_232 = tpu.memref_slice %arg3[%dma_wait3A_230, %dma_wait3A_231] : memref<16x8192xi32, #tpu.memory_space<hbm>> -> memref<1x8192xi32, #tpu.memory_space<hbm>>
    %dma_wait3A_233 = tpu.memref_squeeze %dma_wait3A_232 : memref<1x8192xi32, #tpu.memory_space<hbm>> -> memref<8192xi32, #tpu.memory_space<hbm>>
    %dma_wait3A_234 = arith.constant 0 : i32
    %dma_wait3A_235 = tpu.memref_slice %arg3[%dma_wait3A_230, %dma_wait3A_234] : memref<16x8192xi32, #tpu.memory_space<hbm>> -> memref<1x8192xi32, #tpu.memory_space<hbm>>
    %dma_wait3A_236 = tpu.memref_squeeze %dma_wait3A_235 : memref<1x8192xi32, #tpu.memory_space<hbm>> -> memref<8192xi32, #tpu.memory_space<hbm>>
    tpu.wait_dma2 semaphore(%arg22 : memref<!tpu.dma_semaphore, #tpu.memory_space<semaphore_mem>>) src(%dma_wait3A_236 : memref<8192xi32, #tpu.memory_space<hbm>>) dst(%arg8 : memref<8192xi32, #tpu.memory_space<vmem>>)
    %dma_wait3A_237 = arith.constant 4 : i32
    %dma_wait3A_238 = arith.constant 0 : i32
    %dma_wait3A_239 = tpu.memref_slice %arg4[%dma_wait3A_237, %dma_wait3A_238] : memref<16x8192xf32, #tpu.memory_space<hbm>> -> memref<1x8192xf32, #tpu.memory_space<hbm>>
    %dma_wait3A_240 = tpu.memref_squeeze %dma_wait3A_239 : memref<1x8192xf32, #tpu.memory_space<hbm>> -> memref<8192xf32, #tpu.memory_space<hbm>>
    %dma_wait3A_241 = arith.constant 0 : i32
    %dma_wait3A_242 = tpu.memref_slice %arg4[%dma_wait3A_237, %dma_wait3A_241] : memref<16x8192xf32, #tpu.memory_space<hbm>> -> memref<1x8192xf32, #tpu.memory_space<hbm>>
    %dma_wait3A_243 = tpu.memref_squeeze %dma_wait3A_242 : memref<1x8192xf32, #tpu.memory_space<hbm>> -> memref<8192xf32, #tpu.memory_space<hbm>>
    tpu.wait_dma2 semaphore(%arg24 : memref<!tpu.dma_semaphore, #tpu.memory_space<semaphore_mem>>) src(%dma_wait3A_243 : memref<8192xf32, #tpu.memory_space<hbm>>) dst(%arg10 : memref<8192xf32, #tpu.memory_space<vmem>>)
    %dma_start3A_244 = arith.constant 5 : i32
    %dma_start3A_245 = arith.constant 0 : i32
    %dma_start3A_246 = tpu.memref_slice %arg2[%dma_start3A_244, %dma_start3A_245] : memref<16x8192xi32, #tpu.memory_space<hbm>> -> memref<1x8192xi32, #tpu.memory_space<hbm>>
    %dma_start3A_247 = tpu.memref_squeeze %dma_start3A_246 : memref<1x8192xi32, #tpu.memory_space<hbm>> -> memref<8192xi32, #tpu.memory_space<hbm>>
    %dma_start3A_248 = arith.constant 0 : i32
    %dma_start3A_249 = tpu.memref_slice %arg2[%dma_start3A_244, %dma_start3A_248] : memref<16x8192xi32, #tpu.memory_space<hbm>> -> memref<1x8192xi32, #tpu.memory_space<hbm>>
    %dma_start3A_250 = tpu.memref_squeeze %dma_start3A_249 : memref<1x8192xi32, #tpu.memory_space<hbm>> -> memref<8192xi32, #tpu.memory_space<hbm>>
    tpu.enqueue_dma source(%dma_start3A_250 : memref<8192xi32, #tpu.memory_space<hbm>>) target(%arg7 : memref<8192xi32, #tpu.memory_space<vmem>>) target_semaphore(%arg21 : memref<!tpu.dma_semaphore, #tpu.memory_space<semaphore_mem>>)
    %dma_start3A_251 = arith.constant 5 : i32
    %dma_start3A_252 = arith.constant 0 : i32
    %dma_start3A_253 = tpu.memref_slice %arg3[%dma_start3A_251, %dma_start3A_252] : memref<16x8192xi32, #tpu.memory_space<hbm>> -> memref<1x8192xi32, #tpu.memory_space<hbm>>
    %dma_start3A_254 = tpu.memref_squeeze %dma_start3A_253 : memref<1x8192xi32, #tpu.memory_space<hbm>> -> memref<8192xi32, #tpu.memory_space<hbm>>
    %dma_start3A_255 = arith.constant 0 : i32
    %dma_start3A_256 = tpu.memref_slice %arg3[%dma_start3A_251, %dma_start3A_255] : memref<16x8192xi32, #tpu.memory_space<hbm>> -> memref<1x8192xi32, #tpu.memory_space<hbm>>
    %dma_start3A_257 = tpu.memref_squeeze %dma_start3A_256 : memref<1x8192xi32, #tpu.memory_space<hbm>> -> memref<8192xi32, #tpu.memory_space<hbm>>
    tpu.enqueue_dma source(%dma_start3A_257 : memref<8192xi32, #tpu.memory_space<hbm>>) target(%arg9 : memref<8192xi32, #tpu.memory_space<vmem>>) target_semaphore(%arg23 : memref<!tpu.dma_semaphore, #tpu.memory_space<semaphore_mem>>)
    %dma_start3A_258 = arith.constant 5 : i32
    %dma_start3A_259 = arith.constant 0 : i32
    %dma_start3A_260 = tpu.memref_slice %arg4[%dma_start3A_258, %dma_start3A_259] : memref<16x8192xf32, #tpu.memory_space<hbm>> -> memref<1x8192xf32, #tpu.memory_space<hbm>>
    %dma_start3A_261 = tpu.memref_squeeze %dma_start3A_260 : memref<1x8192xf32, #tpu.memory_space<hbm>> -> memref<8192xf32, #tpu.memory_space<hbm>>
    %dma_start3A_262 = arith.constant 0 : i32
    %dma_start3A_263 = tpu.memref_slice %arg4[%dma_start3A_258, %dma_start3A_262] : memref<16x8192xf32, #tpu.memory_space<hbm>> -> memref<1x8192xf32, #tpu.memory_space<hbm>>
    %dma_start3A_264 = tpu.memref_squeeze %dma_start3A_263 : memref<1x8192xf32, #tpu.memory_space<hbm>> -> memref<8192xf32, #tpu.memory_space<hbm>>
    tpu.enqueue_dma source(%dma_start3A_264 : memref<8192xf32, #tpu.memory_space<hbm>>) target(%arg11 : memref<8192xf32, #tpu.memory_space<vmem>>) target_semaphore(%arg25 : memref<!tpu.dma_semaphore, #tpu.memory_space<semaphore_mem>>)
    %parallel_loop3A_265 = arith.constant 0 : i32
    %parallel_loop3A_266 = arith.constant 512 : i32
    %parallel_loop3A_267 = arith.constant 1 : i32
    %parallel_loop3A_268:2 = scf.for %parallel_loop3A_774 = %parallel_loop3A_265 to %parallel_loop3A_266 step %parallel_loop3A_267 iter_args(%parallel_loop3A_775 = %parallel_loop3A_222#0, %parallel_loop3A_776 = %parallel_loop3A_222#1) -> (vector<16xi32>, vector<16xi32>)  : i32 {
      %parallel_loop3A_777 = arith.constant 16 : i32
      %parallel_loop3A_778 = arith.muli %parallel_loop3A_774, %parallel_loop3A_777 : i32
      %parallel_loop3A_779 = arith.index_cast %parallel_loop3A_778 : i32 to index
      %parallel_loop3A_780 = tpu.vector_load %arg6[%parallel_loop3A_779] {strides = array<i32>} : memref<8192xi32, #tpu.memory_space<vmem>>, vector<16xi32>,
      %parallel_loop3A_781 = arith.index_cast %parallel_loop3A_778 : i32 to index
      %parallel_loop3A_782 = tpu.vector_load %arg8[%parallel_loop3A_781] {strides = array<i32>} : memref<8192xi32, #tpu.memory_space<vmem>>, vector<16xi32>,
      %parallel_loop3A_783 = arith.index_cast %parallel_loop3A_778 : i32 to index
      %parallel_loop3A_784 = tpu.vector_load %arg10[%parallel_loop3A_783] {strides = array<i32>} : memref<8192xf32, #tpu.memory_space<vmem>>, vector<16xf32>,
      %parallel_loop3A_785 = arith.constant 4096 : i32
      %parallel_loop3A_786 = vector.broadcast %parallel_loop3A_785 : i32 to vector<16xi32>
      %parallel_loop3A_787 = arith.muli %parallel_loop3A_780, %parallel_loop3A_786 : vector<16xi32>
      %parallel_loop3A_788 = arith.addi %parallel_loop3A_787, %parallel_loop3A_782 : vector<16xi32>
      %parallel_loop3A_789 = arith.constant 4096 : i32
      %parallel_loop3A_790 = vector.broadcast %parallel_loop3A_789 : i32 to vector<16xi32>
      %parallel_loop3A_791 = arith.muli %parallel_loop3A_782, %parallel_loop3A_790 : vector<16xi32>
      %parallel_loop3A_792 = arith.addi %parallel_loop3A_791, %parallel_loop3A_780 : vector<16xi32>
      %parallel_loop3A_793 = arith.constant 19 : i32
      %parallel_loop3A_794 = vector.broadcast %parallel_loop3A_793 : i32 to vector<16xi32>
      %parallel_loop3A_795 = arith.shrui %parallel_loop3A_788, %parallel_loop3A_794 : vector<16xi32>
      %parallel_loop3A_796 = vector.broadcast %add3A : i32 to vector<16xi32>
      %parallel_loop3A_797 = arith.cmpi eq, %parallel_loop3A_795, %parallel_loop3A_796 : vector<16xi32>
      %parallel_loop3A_798 = arith.constant 19 : i32
      %parallel_loop3A_799 = vector.broadcast %parallel_loop3A_798 : i32 to vector<16xi32>
      %parallel_loop3A_800 = arith.shrui %parallel_loop3A_792, %parallel_loop3A_799 : vector<16xi32>
      %parallel_loop3A_801 = vector.broadcast %add3A : i32 to vector<16xi32>
      %parallel_loop3A_802 = arith.cmpi eq, %parallel_loop3A_800, %parallel_loop3A_801 : vector<16xi32>
      %parallel_loop3A_803 = arith.constant 16 : i32
      %parallel_loop3A_804 = vector.broadcast %parallel_loop3A_803 : i32 to vector<16xi32>
      %parallel_loop3A_805 = arith.muli %parallel_loop3A_775, %parallel_loop3A_804 : vector<16xi32>
      %parallel_loop3A_806 = arith.addi %parallel_loop3A_805, %iota3A_33 : vector<16xi32>
      %parallel_loop3A_807 = arith.select %parallel_loop3A_797, %parallel_loop3A_806, %add3A_36 : vector<16xi1>, vector<16xi32>
      tpu.vector_store_idx %arg12[%parallel_loop3A_807], %parallel_loop3A_788 : memref<8208xi32, #tpu.memory_space<vmem>>[vector<16xi32>], vector<16xi32>,
      tpu.vector_store_idx %arg13[%parallel_loop3A_807], %parallel_loop3A_784 : memref<8208xf32, #tpu.memory_space<vmem>>[vector<16xi32>], vector<16xf32>,
      %parallel_loop3A_808 = arith.constant 16 : i32
      %parallel_loop3A_809 = vector.broadcast %parallel_loop3A_808 : i32 to vector<16xi32>
      %parallel_loop3A_810 = arith.muli %parallel_loop3A_776, %parallel_loop3A_809 : vector<16xi32>
      %parallel_loop3A_811 = arith.addi %parallel_loop3A_810, %iota3A_33 : vector<16xi32>
      %parallel_loop3A_812 = arith.select %parallel_loop3A_802, %parallel_loop3A_811, %add3A_36 : vector<16xi1>, vector<16xi32>
      tpu.vector_store_idx %arg14[%parallel_loop3A_812], %parallel_loop3A_792 : memref<8208xi32, #tpu.memory_space<vmem>>[vector<16xi32>], vector<16xi32>,
      tpu.vector_store_idx %arg15[%parallel_loop3A_812], %parallel_loop3A_784 : memref<8208xf32, #tpu.memory_space<vmem>>[vector<16xi32>], vector<16xf32>,
      %parallel_loop3A_813 = arith.constant 1 : i32
      %parallel_loop3A_814 = arith.constant 0 : i32
      %parallel_loop3A_815 = vector.broadcast %parallel_loop3A_813 : i32 to vector<16xi32>
      %parallel_loop3A_816 = vector.broadcast %parallel_loop3A_814 : i32 to vector<16xi32>
      %parallel_loop3A_817 = arith.select %parallel_loop3A_797, %parallel_loop3A_815, %parallel_loop3A_816 : vector<16xi1>, vector<16xi32>
      %parallel_loop3A_818 = arith.addi %parallel_loop3A_775, %parallel_loop3A_817 : vector<16xi32>
      %parallel_loop3A_819 = arith.constant 1 : i32
      %parallel_loop3A_820 = arith.constant 0 : i32
      %parallel_loop3A_821 = vector.broadcast %parallel_loop3A_819 : i32 to vector<16xi32>
      %parallel_loop3A_822 = vector.broadcast %parallel_loop3A_820 : i32 to vector<16xi32>
      %parallel_loop3A_823 = arith.select %parallel_loop3A_802, %parallel_loop3A_821, %parallel_loop3A_822 : vector<16xi1>, vector<16xi32>
      %parallel_loop3A_824 = arith.addi %parallel_loop3A_776, %parallel_loop3A_823 : vector<16xi32>
      scf.yield %parallel_loop3A_818, %parallel_loop3A_824 : vector<16xi32>, vector<16xi32>
    } {sc.loop_unroll_factor = 4 : i64, sc.parallel_access}
    %dma_wait3A_269 = arith.constant 5 : i32
    %dma_wait3A_270 = arith.constant 0 : i32
    %dma_wait3A_271 = tpu.memref_slice %arg2[%dma_wait3A_269, %dma_wait3A_270] : memref<16x8192xi32, #tpu.memory_space<hbm>> -> memref<1x8192xi32, #tpu.memory_space<hbm>>
    %dma_wait3A_272 = tpu.memref_squeeze %dma_wait3A_271 : memref<1x8192xi32, #tpu.memory_space<hbm>> -> memref<8192xi32, #tpu.memory_space<hbm>>
    %dma_wait3A_273 = arith.constant 0 : i32
    %dma_wait3A_274 = tpu.memref_slice %arg2[%dma_wait3A_269, %dma_wait3A_273] : memref<16x8192xi32, #tpu.memory_space<hbm>> -> memref<1x8192xi32, #tpu.memory_space<hbm>>
    %dma_wait3A_275 = tpu.memref_squeeze %dma_wait3A_274 : memref<1x8192xi32, #tpu.memory_space<hbm>> -> memref<8192xi32, #tpu.memory_space<hbm>>
    tpu.wait_dma2 semaphore(%arg21 : memref<!tpu.dma_semaphore, #tpu.memory_space<semaphore_mem>>) src(%dma_wait3A_275 : memref<8192xi32, #tpu.memory_space<hbm>>) dst(%arg7 : memref<8192xi32, #tpu.memory_space<vmem>>)
    %dma_wait3A_276 = arith.constant 5 : i32
    %dma_wait3A_277 = arith.constant 0 : i32
    %dma_wait3A_278 = tpu.memref_slice %arg3[%dma_wait3A_276, %dma_wait3A_277] : memref<16x8192xi32, #tpu.memory_space<hbm>> -> memref<1x8192xi32, #tpu.memory_space<hbm>>
    %dma_wait3A_279 = tpu.memref_squeeze %dma_wait3A_278 : memref<1x8192xi32, #tpu.memory_space<hbm>> -> memref<8192xi32, #tpu.memory_space<hbm>>
    %dma_wait3A_280 = arith.constant 0 : i32
    %dma_wait3A_281 = tpu.memref_slice %arg3[%dma_wait3A_276, %dma_wait3A_280] : memref<16x8192xi32, #tpu.memory_space<hbm>> -> memref<1x8192xi32, #tpu.memory_space<hbm>>
    %dma_wait3A_282 = tpu.memref_squeeze %dma_wait3A_281 : memref<1x8192xi32, #tpu.memory_space<hbm>> -> memref<8192xi32, #tpu.memory_space<hbm>>
    tpu.wait_dma2 semaphore(%arg23 : memref<!tpu.dma_semaphore, #tpu.memory_space<semaphore_mem>>) src(%dma_wait3A_282 : memref<8192xi32, #tpu.memory_space<hbm>>) dst(%arg9 : memref<8192xi32, #tpu.memory_space<vmem>>)
    %dma_wait3A_283 = arith.constant 5 : i32
    %dma_wait3A_284 = arith.constant 0 : i32
    %dma_wait3A_285 = tpu.memref_slice %arg4[%dma_wait3A_283, %dma_wait3A_284] : memref<16x8192xf32, #tpu.memory_space<hbm>> -> memref<1x8192xf32, #tpu.memory_space<hbm>>
    %dma_wait3A_286 = tpu.memref_squeeze %dma_wait3A_285 : memref<1x8192xf32, #tpu.memory_space<hbm>> -> memref<8192xf32, #tpu.memory_space<hbm>>
    %dma_wait3A_287 = arith.constant 0 : i32
    %dma_wait3A_288 = tpu.memref_slice %arg4[%dma_wait3A_283, %dma_wait3A_287] : memref<16x8192xf32, #tpu.memory_space<hbm>> -> memref<1x8192xf32, #tpu.memory_space<hbm>>
    %dma_wait3A_289 = tpu.memref_squeeze %dma_wait3A_288 : memref<1x8192xf32, #tpu.memory_space<hbm>> -> memref<8192xf32, #tpu.memory_space<hbm>>
    tpu.wait_dma2 semaphore(%arg25 : memref<!tpu.dma_semaphore, #tpu.memory_space<semaphore_mem>>) src(%dma_wait3A_289 : memref<8192xf32, #tpu.memory_space<hbm>>) dst(%arg11 : memref<8192xf32, #tpu.memory_space<vmem>>)
    %dma_start3A_290 = arith.constant 6 : i32
    %dma_start3A_291 = arith.constant 0 : i32
    %dma_start3A_292 = tpu.memref_slice %arg2[%dma_start3A_290, %dma_start3A_291] : memref<16x8192xi32, #tpu.memory_space<hbm>> -> memref<1x8192xi32, #tpu.memory_space<hbm>>
    %dma_start3A_293 = tpu.memref_squeeze %dma_start3A_292 : memref<1x8192xi32, #tpu.memory_space<hbm>> -> memref<8192xi32, #tpu.memory_space<hbm>>
    %dma_start3A_294 = arith.constant 0 : i32
    %dma_start3A_295 = tpu.memref_slice %arg2[%dma_start3A_290, %dma_start3A_294] : memref<16x8192xi32, #tpu.memory_space<hbm>> -> memref<1x8192xi32, #tpu.memory_space<hbm>>
    %dma_start3A_296 = tpu.memref_squeeze %dma_start3A_295 : memref<1x8192xi32, #tpu.memory_space<hbm>> -> memref<8192xi32, #tpu.memory_space<hbm>>
    tpu.enqueue_dma source(%dma_start3A_296 : memref<8192xi32, #tpu.memory_space<hbm>>) target(%arg6 : memref<8192xi32, #tpu.memory_space<vmem>>) target_semaphore(%arg20 : memref<!tpu.dma_semaphore, #tpu.memory_space<semaphore_mem>>)
    %dma_start3A_297 = arith.constant 6 : i32
    %dma_start3A_298 = arith.constant 0 : i32
    %dma_start3A_299 = tpu.memref_slice %arg3[%dma_start3A_297, %dma_start3A_298] : memref<16x8192xi32, #tpu.memory_space<hbm>> -> memref<1x8192xi32, #tpu.memory_space<hbm>>
    %dma_start3A_300 = tpu.memref_squeeze %dma_start3A_299 : memref<1x8192xi32, #tpu.memory_space<hbm>> -> memref<8192xi32, #tpu.memory_space<hbm>>
    %dma_start3A_301 = arith.constant 0 : i32
    %dma_start3A_302 = tpu.memref_slice %arg3[%dma_start3A_297, %dma_start3A_301] : memref<16x8192xi32, #tpu.memory_space<hbm>> -> memref<1x8192xi32, #tpu.memory_space<hbm>>
    %dma_start3A_303 = tpu.memref_squeeze %dma_start3A_302 : memref<1x8192xi32, #tpu.memory_space<hbm>> -> memref<8192xi32, #tpu.memory_space<hbm>>
    tpu.enqueue_dma source(%dma_start3A_303 : memref<8192xi32, #tpu.memory_space<hbm>>) target(%arg8 : memref<8192xi32, #tpu.memory_space<vmem>>) target_semaphore(%arg22 : memref<!tpu.dma_semaphore, #tpu.memory_space<semaphore_mem>>)
    %dma_start3A_304 = arith.constant 6 : i32
    %dma_start3A_305 = arith.constant 0 : i32
    %dma_start3A_306 = tpu.memref_slice %arg4[%dma_start3A_304, %dma_start3A_305] : memref<16x8192xf32, #tpu.memory_space<hbm>> -> memref<1x8192xf32, #tpu.memory_space<hbm>>
    %dma_start3A_307 = tpu.memref_squeeze %dma_start3A_306 : memref<1x8192xf32, #tpu.memory_space<hbm>> -> memref<8192xf32, #tpu.memory_space<hbm>>
    %dma_start3A_308 = arith.constant 0 : i32
    %dma_start3A_309 = tpu.memref_slice %arg4[%dma_start3A_304, %dma_start3A_308] : memref<16x8192xf32, #tpu.memory_space<hbm>> -> memref<1x8192xf32, #tpu.memory_space<hbm>>
    %dma_start3A_310 = tpu.memref_squeeze %dma_start3A_309 : memref<1x8192xf32, #tpu.memory_space<hbm>> -> memref<8192xf32, #tpu.memory_space<hbm>>
    tpu.enqueue_dma source(%dma_start3A_310 : memref<8192xf32, #tpu.memory_space<hbm>>) target(%arg10 : memref<8192xf32, #tpu.memory_space<vmem>>) target_semaphore(%arg24 : memref<!tpu.dma_semaphore, #tpu.memory_space<semaphore_mem>>)
    %parallel_loop3A_311 = arith.constant 0 : i32
    %parallel_loop3A_312 = arith.constant 512 : i32
    %parallel_loop3A_313 = arith.constant 1 : i32
    %parallel_loop3A_314:2 = scf.for %parallel_loop3A_774 = %parallel_loop3A_311 to %parallel_loop3A_312 step %parallel_loop3A_313 iter_args(%parallel_loop3A_775 = %parallel_loop3A_268#0, %parallel_loop3A_776 = %parallel_loop3A_268#1) -> (vector<16xi32>, vector<16xi32>)  : i32 {
      %parallel_loop3A_777 = arith.constant 16 : i32
      %parallel_loop3A_778 = arith.muli %parallel_loop3A_774, %parallel_loop3A_777 : i32
      %parallel_loop3A_779 = arith.index_cast %parallel_loop3A_778 : i32 to index
      %parallel_loop3A_780 = tpu.vector_load %arg7[%parallel_loop3A_779] {strides = array<i32>} : memref<8192xi32, #tpu.memory_space<vmem>>, vector<16xi32>,
      %parallel_loop3A_781 = arith.index_cast %parallel_loop3A_778 : i32 to index
      %parallel_loop3A_782 = tpu.vector_load %arg9[%parallel_loop3A_781] {strides = array<i32>} : memref<8192xi32, #tpu.memory_space<vmem>>, vector<16xi32>,
      %parallel_loop3A_783 = arith.index_cast %parallel_loop3A_778 : i32 to index
      %parallel_loop3A_784 = tpu.vector_load %arg11[%parallel_loop3A_783] {strides = array<i32>} : memref<8192xf32, #tpu.memory_space<vmem>>, vector<16xf32>,
      %parallel_loop3A_785 = arith.constant 4096 : i32
      %parallel_loop3A_786 = vector.broadcast %parallel_loop3A_785 : i32 to vector<16xi32>
      %parallel_loop3A_787 = arith.muli %parallel_loop3A_780, %parallel_loop3A_786 : vector<16xi32>
      %parallel_loop3A_788 = arith.addi %parallel_loop3A_787, %parallel_loop3A_782 : vector<16xi32>
      %parallel_loop3A_789 = arith.constant 4096 : i32
      %parallel_loop3A_790 = vector.broadcast %parallel_loop3A_789 : i32 to vector<16xi32>
      %parallel_loop3A_791 = arith.muli %parallel_loop3A_782, %parallel_loop3A_790 : vector<16xi32>
      %parallel_loop3A_792 = arith.addi %parallel_loop3A_791, %parallel_loop3A_780 : vector<16xi32>
      %parallel_loop3A_793 = arith.constant 19 : i32
      %parallel_loop3A_794 = vector.broadcast %parallel_loop3A_793 : i32 to vector<16xi32>
      %parallel_loop3A_795 = arith.shrui %parallel_loop3A_788, %parallel_loop3A_794 : vector<16xi32>
      %parallel_loop3A_796 = vector.broadcast %add3A : i32 to vector<16xi32>
      %parallel_loop3A_797 = arith.cmpi eq, %parallel_loop3A_795, %parallel_loop3A_796 : vector<16xi32>
      %parallel_loop3A_798 = arith.constant 19 : i32
      %parallel_loop3A_799 = vector.broadcast %parallel_loop3A_798 : i32 to vector<16xi32>
      %parallel_loop3A_800 = arith.shrui %parallel_loop3A_792, %parallel_loop3A_799 : vector<16xi32>
      %parallel_loop3A_801 = vector.broadcast %add3A : i32 to vector<16xi32>
      %parallel_loop3A_802 = arith.cmpi eq, %parallel_loop3A_800, %parallel_loop3A_801 : vector<16xi32>
      %parallel_loop3A_803 = arith.constant 16 : i32
      %parallel_loop3A_804 = vector.broadcast %parallel_loop3A_803 : i32 to vector<16xi32>
      %parallel_loop3A_805 = arith.muli %parallel_loop3A_775, %parallel_loop3A_804 : vector<16xi32>
      %parallel_loop3A_806 = arith.addi %parallel_loop3A_805, %iota3A_33 : vector<16xi32>
      %parallel_loop3A_807 = arith.select %parallel_loop3A_797, %parallel_loop3A_806, %add3A_36 : vector<16xi1>, vector<16xi32>
      tpu.vector_store_idx %arg12[%parallel_loop3A_807], %parallel_loop3A_788 : memref<8208xi32, #tpu.memory_space<vmem>>[vector<16xi32>], vector<16xi32>,
      tpu.vector_store_idx %arg13[%parallel_loop3A_807], %parallel_loop3A_784 : memref<8208xf32, #tpu.memory_space<vmem>>[vector<16xi32>], vector<16xf32>,
      %parallel_loop3A_808 = arith.constant 16 : i32
      %parallel_loop3A_809 = vector.broadcast %parallel_loop3A_808 : i32 to vector<16xi32>
      %parallel_loop3A_810 = arith.muli %parallel_loop3A_776, %parallel_loop3A_809 : vector<16xi32>
      %parallel_loop3A_811 = arith.addi %parallel_loop3A_810, %iota3A_33 : vector<16xi32>
      %parallel_loop3A_812 = arith.select %parallel_loop3A_802, %parallel_loop3A_811, %add3A_36 : vector<16xi1>, vector<16xi32>
      tpu.vector_store_idx %arg14[%parallel_loop3A_812], %parallel_loop3A_792 : memref<8208xi32, #tpu.memory_space<vmem>>[vector<16xi32>], vector<16xi32>,
      tpu.vector_store_idx %arg15[%parallel_loop3A_812], %parallel_loop3A_784 : memref<8208xf32, #tpu.memory_space<vmem>>[vector<16xi32>], vector<16xf32>,
      %parallel_loop3A_813 = arith.constant 1 : i32
      %parallel_loop3A_814 = arith.constant 0 : i32
      %parallel_loop3A_815 = vector.broadcast %parallel_loop3A_813 : i32 to vector<16xi32>
      %parallel_loop3A_816 = vector.broadcast %parallel_loop3A_814 : i32 to vector<16xi32>
      %parallel_loop3A_817 = arith.select %parallel_loop3A_797, %parallel_loop3A_815, %parallel_loop3A_816 : vector<16xi1>, vector<16xi32>
      %parallel_loop3A_818 = arith.addi %parallel_loop3A_775, %parallel_loop3A_817 : vector<16xi32>
      %parallel_loop3A_819 = arith.constant 1 : i32
      %parallel_loop3A_820 = arith.constant 0 : i32
      %parallel_loop3A_821 = vector.broadcast %parallel_loop3A_819 : i32 to vector<16xi32>
      %parallel_loop3A_822 = vector.broadcast %parallel_loop3A_820 : i32 to vector<16xi32>
      %parallel_loop3A_823 = arith.select %parallel_loop3A_802, %parallel_loop3A_821, %parallel_loop3A_822 : vector<16xi1>, vector<16xi32>
      %parallel_loop3A_824 = arith.addi %parallel_loop3A_776, %parallel_loop3A_823 : vector<16xi32>
      scf.yield %parallel_loop3A_818, %parallel_loop3A_824 : vector<16xi32>, vector<16xi32>
    } {sc.loop_unroll_factor = 4 : i64, sc.parallel_access}
    %dma_wait3A_315 = arith.constant 6 : i32
    %dma_wait3A_316 = arith.constant 0 : i32
    %dma_wait3A_317 = tpu.memref_slice %arg2[%dma_wait3A_315, %dma_wait3A_316] : memref<16x8192xi32, #tpu.memory_space<hbm>> -> memref<1x8192xi32, #tpu.memory_space<hbm>>
    %dma_wait3A_318 = tpu.memref_squeeze %dma_wait3A_317 : memref<1x8192xi32, #tpu.memory_space<hbm>> -> memref<8192xi32, #tpu.memory_space<hbm>>
    %dma_wait3A_319 = arith.constant 0 : i32
    %dma_wait3A_320 = tpu.memref_slice %arg2[%dma_wait3A_315, %dma_wait3A_319] : memref<16x8192xi32, #tpu.memory_space<hbm>> -> memref<1x8192xi32, #tpu.memory_space<hbm>>
    %dma_wait3A_321 = tpu.memref_squeeze %dma_wait3A_320 : memref<1x8192xi32, #tpu.memory_space<hbm>> -> memref<8192xi32, #tpu.memory_space<hbm>>
    tpu.wait_dma2 semaphore(%arg20 : memref<!tpu.dma_semaphore, #tpu.memory_space<semaphore_mem>>) src(%dma_wait3A_321 : memref<8192xi32, #tpu.memory_space<hbm>>) dst(%arg6 : memref<8192xi32, #tpu.memory_space<vmem>>)
    %dma_wait3A_322 = arith.constant 6 : i32
    %dma_wait3A_323 = arith.constant 0 : i32
    %dma_wait3A_324 = tpu.memref_slice %arg3[%dma_wait3A_322, %dma_wait3A_323] : memref<16x8192xi32, #tpu.memory_space<hbm>> -> memref<1x8192xi32, #tpu.memory_space<hbm>>
    %dma_wait3A_325 = tpu.memref_squeeze %dma_wait3A_324 : memref<1x8192xi32, #tpu.memory_space<hbm>> -> memref<8192xi32, #tpu.memory_space<hbm>>
    %dma_wait3A_326 = arith.constant 0 : i32
    %dma_wait3A_327 = tpu.memref_slice %arg3[%dma_wait3A_322, %dma_wait3A_326] : memref<16x8192xi32, #tpu.memory_space<hbm>> -> memref<1x8192xi32, #tpu.memory_space<hbm>>
    %dma_wait3A_328 = tpu.memref_squeeze %dma_wait3A_327 : memref<1x8192xi32, #tpu.memory_space<hbm>> -> memref<8192xi32, #tpu.memory_space<hbm>>
    tpu.wait_dma2 semaphore(%arg22 : memref<!tpu.dma_semaphore, #tpu.memory_space<semaphore_mem>>) src(%dma_wait3A_328 : memref<8192xi32, #tpu.memory_space<hbm>>) dst(%arg8 : memref<8192xi32, #tpu.memory_space<vmem>>)
    %dma_wait3A_329 = arith.constant 6 : i32
    %dma_wait3A_330 = arith.constant 0 : i32
    %dma_wait3A_331 = tpu.memref_slice %arg4[%dma_wait3A_329, %dma_wait3A_330] : memref<16x8192xf32, #tpu.memory_space<hbm>> -> memref<1x8192xf32, #tpu.memory_space<hbm>>
    %dma_wait3A_332 = tpu.memref_squeeze %dma_wait3A_331 : memref<1x8192xf32, #tpu.memory_space<hbm>> -> memref<8192xf32, #tpu.memory_space<hbm>>
    %dma_wait3A_333 = arith.constant 0 : i32
    %dma_wait3A_334 = tpu.memref_slice %arg4[%dma_wait3A_329, %dma_wait3A_333] : memref<16x8192xf32, #tpu.memory_space<hbm>> -> memref<1x8192xf32, #tpu.memory_space<hbm>>
    %dma_wait3A_335 = tpu.memref_squeeze %dma_wait3A_334 : memref<1x8192xf32, #tpu.memory_space<hbm>> -> memref<8192xf32, #tpu.memory_space<hbm>>
    tpu.wait_dma2 semaphore(%arg24 : memref<!tpu.dma_semaphore, #tpu.memory_space<semaphore_mem>>) src(%dma_wait3A_335 : memref<8192xf32, #tpu.memory_space<hbm>>) dst(%arg10 : memref<8192xf32, #tpu.memory_space<vmem>>)
    %dma_start3A_336 = arith.constant 7 : i32
    %dma_start3A_337 = arith.constant 0 : i32
    %dma_start3A_338 = tpu.memref_slice %arg2[%dma_start3A_336, %dma_start3A_337] : memref<16x8192xi32, #tpu.memory_space<hbm>> -> memref<1x8192xi32, #tpu.memory_space<hbm>>
    %dma_start3A_339 = tpu.memref_squeeze %dma_start3A_338 : memref<1x8192xi32, #tpu.memory_space<hbm>> -> memref<8192xi32, #tpu.memory_space<hbm>>
    %dma_start3A_340 = arith.constant 0 : i32
    %dma_start3A_341 = tpu.memref_slice %arg2[%dma_start3A_336, %dma_start3A_340] : memref<16x8192xi32, #tpu.memory_space<hbm>> -> memref<1x8192xi32, #tpu.memory_space<hbm>>
    %dma_start3A_342 = tpu.memref_squeeze %dma_start3A_341 : memref<1x8192xi32, #tpu.memory_space<hbm>> -> memref<8192xi32, #tpu.memory_space<hbm>>
    tpu.enqueue_dma source(%dma_start3A_342 : memref<8192xi32, #tpu.memory_space<hbm>>) target(%arg7 : memref<8192xi32, #tpu.memory_space<vmem>>) target_semaphore(%arg21 : memref<!tpu.dma_semaphore, #tpu.memory_space<semaphore_mem>>)
    %dma_start3A_343 = arith.constant 7 : i32
    %dma_start3A_344 = arith.constant 0 : i32
    %dma_start3A_345 = tpu.memref_slice %arg3[%dma_start3A_343, %dma_start3A_344] : memref<16x8192xi32, #tpu.memory_space<hbm>> -> memref<1x8192xi32, #tpu.memory_space<hbm>>
    %dma_start3A_346 = tpu.memref_squeeze %dma_start3A_345 : memref<1x8192xi32, #tpu.memory_space<hbm>> -> memref<8192xi32, #tpu.memory_space<hbm>>
    %dma_start3A_347 = arith.constant 0 : i32
    %dma_start3A_348 = tpu.memref_slice %arg3[%dma_start3A_343, %dma_start3A_347] : memref<16x8192xi32, #tpu.memory_space<hbm>> -> memref<1x8192xi32, #tpu.memory_space<hbm>>
    %dma_start3A_349 = tpu.memref_squeeze %dma_start3A_348 : memref<1x8192xi32, #tpu.memory_space<hbm>> -> memref<8192xi32, #tpu.memory_space<hbm>>
    tpu.enqueue_dma source(%dma_start3A_349 : memref<8192xi32, #tpu.memory_space<hbm>>) target(%arg9 : memref<8192xi32, #tpu.memory_space<vmem>>) target_semaphore(%arg23 : memref<!tpu.dma_semaphore, #tpu.memory_space<semaphore_mem>>)
    %dma_start3A_350 = arith.constant 7 : i32
    %dma_start3A_351 = arith.constant 0 : i32
    %dma_start3A_352 = tpu.memref_slice %arg4[%dma_start3A_350, %dma_start3A_351] : memref<16x8192xf32, #tpu.memory_space<hbm>> -> memref<1x8192xf32, #tpu.memory_space<hbm>>
    %dma_start3A_353 = tpu.memref_squeeze %dma_start3A_352 : memref<1x8192xf32, #tpu.memory_space<hbm>> -> memref<8192xf32, #tpu.memory_space<hbm>>
    %dma_start3A_354 = arith.constant 0 : i32
    %dma_start3A_355 = tpu.memref_slice %arg4[%dma_start3A_350, %dma_start3A_354] : memref<16x8192xf32, #tpu.memory_space<hbm>> -> memref<1x8192xf32, #tpu.memory_space<hbm>>
    %dma_start3A_356 = tpu.memref_squeeze %dma_start3A_355 : memref<1x8192xf32, #tpu.memory_space<hbm>> -> memref<8192xf32, #tpu.memory_space<hbm>>
    tpu.enqueue_dma source(%dma_start3A_356 : memref<8192xf32, #tpu.memory_space<hbm>>) target(%arg11 : memref<8192xf32, #tpu.memory_space<vmem>>) target_semaphore(%arg25 : memref<!tpu.dma_semaphore, #tpu.memory_space<semaphore_mem>>)
    %parallel_loop3A_357 = arith.constant 0 : i32
    %parallel_loop3A_358 = arith.constant 512 : i32
    %parallel_loop3A_359 = arith.constant 1 : i32
    %parallel_loop3A_360:2 = scf.for %parallel_loop3A_774 = %parallel_loop3A_357 to %parallel_loop3A_358 step %parallel_loop3A_359 iter_args(%parallel_loop3A_775 = %parallel_loop3A_314#0, %parallel_loop3A_776 = %parallel_loop3A_314#1) -> (vector<16xi32>, vector<16xi32>)  : i32 {
      %parallel_loop3A_777 = arith.constant 16 : i32
      %parallel_loop3A_778 = arith.muli %parallel_loop3A_774, %parallel_loop3A_777 : i32
      %parallel_loop3A_779 = arith.index_cast %parallel_loop3A_778 : i32 to index
      %parallel_loop3A_780 = tpu.vector_load %arg6[%parallel_loop3A_779] {strides = array<i32>} : memref<8192xi32, #tpu.memory_space<vmem>>, vector<16xi32>,
      %parallel_loop3A_781 = arith.index_cast %parallel_loop3A_778 : i32 to index
      %parallel_loop3A_782 = tpu.vector_load %arg8[%parallel_loop3A_781] {strides = array<i32>} : memref<8192xi32, #tpu.memory_space<vmem>>, vector<16xi32>,
      %parallel_loop3A_783 = arith.index_cast %parallel_loop3A_778 : i32 to index
      %parallel_loop3A_784 = tpu.vector_load %arg10[%parallel_loop3A_783] {strides = array<i32>} : memref<8192xf32, #tpu.memory_space<vmem>>, vector<16xf32>,
      %parallel_loop3A_785 = arith.constant 4096 : i32
      %parallel_loop3A_786 = vector.broadcast %parallel_loop3A_785 : i32 to vector<16xi32>
      %parallel_loop3A_787 = arith.muli %parallel_loop3A_780, %parallel_loop3A_786 : vector<16xi32>
      %parallel_loop3A_788 = arith.addi %parallel_loop3A_787, %parallel_loop3A_782 : vector<16xi32>
      %parallel_loop3A_789 = arith.constant 4096 : i32
      %parallel_loop3A_790 = vector.broadcast %parallel_loop3A_789 : i32 to vector<16xi32>
      %parallel_loop3A_791 = arith.muli %parallel_loop3A_782, %parallel_loop3A_790 : vector<16xi32>
      %parallel_loop3A_792 = arith.addi %parallel_loop3A_791, %parallel_loop3A_780 : vector<16xi32>
      %parallel_loop3A_793 = arith.constant 19 : i32
      %parallel_loop3A_794 = vector.broadcast %parallel_loop3A_793 : i32 to vector<16xi32>
      %parallel_loop3A_795 = arith.shrui %parallel_loop3A_788, %parallel_loop3A_794 : vector<16xi32>
      %parallel_loop3A_796 = vector.broadcast %add3A : i32 to vector<16xi32>
      %parallel_loop3A_797 = arith.cmpi eq, %parallel_loop3A_795, %parallel_loop3A_796 : vector<16xi32>
      %parallel_loop3A_798 = arith.constant 19 : i32
      %parallel_loop3A_799 = vector.broadcast %parallel_loop3A_798 : i32 to vector<16xi32>
      %parallel_loop3A_800 = arith.shrui %parallel_loop3A_792, %parallel_loop3A_799 : vector<16xi32>
      %parallel_loop3A_801 = vector.broadcast %add3A : i32 to vector<16xi32>
      %parallel_loop3A_802 = arith.cmpi eq, %parallel_loop3A_800, %parallel_loop3A_801 : vector<16xi32>
      %parallel_loop3A_803 = arith.constant 16 : i32
      %parallel_loop3A_804 = vector.broadcast %parallel_loop3A_803 : i32 to vector<16xi32>
      %parallel_loop3A_805 = arith.muli %parallel_loop3A_775, %parallel_loop3A_804 : vector<16xi32>
      %parallel_loop3A_806 = arith.addi %parallel_loop3A_805, %iota3A_33 : vector<16xi32>
      %parallel_loop3A_807 = arith.select %parallel_loop3A_797, %parallel_loop3A_806, %add3A_36 : vector<16xi1>, vector<16xi32>
      tpu.vector_store_idx %arg12[%parallel_loop3A_807], %parallel_loop3A_788 : memref<8208xi32, #tpu.memory_space<vmem>>[vector<16xi32>], vector<16xi32>,
      tpu.vector_store_idx %arg13[%parallel_loop3A_807], %parallel_loop3A_784 : memref<8208xf32, #tpu.memory_space<vmem>>[vector<16xi32>], vector<16xf32>,
      %parallel_loop3A_808 = arith.constant 16 : i32
      %parallel_loop3A_809 = vector.broadcast %parallel_loop3A_808 : i32 to vector<16xi32>
      %parallel_loop3A_810 = arith.muli %parallel_loop3A_776, %parallel_loop3A_809 : vector<16xi32>
      %parallel_loop3A_811 = arith.addi %parallel_loop3A_810, %iota3A_33 : vector<16xi32>
      %parallel_loop3A_812 = arith.select %parallel_loop3A_802, %parallel_loop3A_811, %add3A_36 : vector<16xi1>, vector<16xi32>
      tpu.vector_store_idx %arg14[%parallel_loop3A_812], %parallel_loop3A_792 : memref<8208xi32, #tpu.memory_space<vmem>>[vector<16xi32>], vector<16xi32>,
      tpu.vector_store_idx %arg15[%parallel_loop3A_812], %parallel_loop3A_784 : memref<8208xf32, #tpu.memory_space<vmem>>[vector<16xi32>], vector<16xf32>,
      %parallel_loop3A_813 = arith.constant 1 : i32
      %parallel_loop3A_814 = arith.constant 0 : i32
      %parallel_loop3A_815 = vector.broadcast %parallel_loop3A_813 : i32 to vector<16xi32>
      %parallel_loop3A_816 = vector.broadcast %parallel_loop3A_814 : i32 to vector<16xi32>
      %parallel_loop3A_817 = arith.select %parallel_loop3A_797, %parallel_loop3A_815, %parallel_loop3A_816 : vector<16xi1>, vector<16xi32>
      %parallel_loop3A_818 = arith.addi %parallel_loop3A_775, %parallel_loop3A_817 : vector<16xi32>
      %parallel_loop3A_819 = arith.constant 1 : i32
      %parallel_loop3A_820 = arith.constant 0 : i32
      %parallel_loop3A_821 = vector.broadcast %parallel_loop3A_819 : i32 to vector<16xi32>
      %parallel_loop3A_822 = vector.broadcast %parallel_loop3A_820 : i32 to vector<16xi32>
      %parallel_loop3A_823 = arith.select %parallel_loop3A_802, %parallel_loop3A_821, %parallel_loop3A_822 : vector<16xi1>, vector<16xi32>
      %parallel_loop3A_824 = arith.addi %parallel_loop3A_776, %parallel_loop3A_823 : vector<16xi32>
      scf.yield %parallel_loop3A_818, %parallel_loop3A_824 : vector<16xi32>, vector<16xi32>
    } {sc.loop_unroll_factor = 4 : i64, sc.parallel_access}
    %dma_wait3A_361 = arith.constant 7 : i32
    %dma_wait3A_362 = arith.constant 0 : i32
    %dma_wait3A_363 = tpu.memref_slice %arg2[%dma_wait3A_361, %dma_wait3A_362] : memref<16x8192xi32, #tpu.memory_space<hbm>> -> memref<1x8192xi32, #tpu.memory_space<hbm>>
    %dma_wait3A_364 = tpu.memref_squeeze %dma_wait3A_363 : memref<1x8192xi32, #tpu.memory_space<hbm>> -> memref<8192xi32, #tpu.memory_space<hbm>>
    %dma_wait3A_365 = arith.constant 0 : i32
    %dma_wait3A_366 = tpu.memref_slice %arg2[%dma_wait3A_361, %dma_wait3A_365] : memref<16x8192xi32, #tpu.memory_space<hbm>> -> memref<1x8192xi32, #tpu.memory_space<hbm>>
    %dma_wait3A_367 = tpu.memref_squeeze %dma_wait3A_366 : memref<1x8192xi32, #tpu.memory_space<hbm>> -> memref<8192xi32, #tpu.memory_space<hbm>>
    tpu.wait_dma2 semaphore(%arg21 : memref<!tpu.dma_semaphore, #tpu.memory_space<semaphore_mem>>) src(%dma_wait3A_367 : memref<8192xi32, #tpu.memory_space<hbm>>) dst(%arg7 : memref<8192xi32, #tpu.memory_space<vmem>>)
    %dma_wait3A_368 = arith.constant 7 : i32
    %dma_wait3A_369 = arith.constant 0 : i32
    %dma_wait3A_370 = tpu.memref_slice %arg3[%dma_wait3A_368, %dma_wait3A_369] : memref<16x8192xi32, #tpu.memory_space<hbm>> -> memref<1x8192xi32, #tpu.memory_space<hbm>>
    %dma_wait3A_371 = tpu.memref_squeeze %dma_wait3A_370 : memref<1x8192xi32, #tpu.memory_space<hbm>> -> memref<8192xi32, #tpu.memory_space<hbm>>
    %dma_wait3A_372 = arith.constant 0 : i32
    %dma_wait3A_373 = tpu.memref_slice %arg3[%dma_wait3A_368, %dma_wait3A_372] : memref<16x8192xi32, #tpu.memory_space<hbm>> -> memref<1x8192xi32, #tpu.memory_space<hbm>>
    %dma_wait3A_374 = tpu.memref_squeeze %dma_wait3A_373 : memref<1x8192xi32, #tpu.memory_space<hbm>> -> memref<8192xi32, #tpu.memory_space<hbm>>
    tpu.wait_dma2 semaphore(%arg23 : memref<!tpu.dma_semaphore, #tpu.memory_space<semaphore_mem>>) src(%dma_wait3A_374 : memref<8192xi32, #tpu.memory_space<hbm>>) dst(%arg9 : memref<8192xi32, #tpu.memory_space<vmem>>)
    %dma_wait3A_375 = arith.constant 7 : i32
    %dma_wait3A_376 = arith.constant 0 : i32
    %dma_wait3A_377 = tpu.memref_slice %arg4[%dma_wait3A_375, %dma_wait3A_376] : memref<16x8192xf32, #tpu.memory_space<hbm>> -> memref<1x8192xf32, #tpu.memory_space<hbm>>
    %dma_wait3A_378 = tpu.memref_squeeze %dma_wait3A_377 : memref<1x8192xf32, #tpu.memory_space<hbm>> -> memref<8192xf32, #tpu.memory_space<hbm>>
    %dma_wait3A_379 = arith.constant 0 : i32
    %dma_wait3A_380 = tpu.memref_slice %arg4[%dma_wait3A_375, %dma_wait3A_379] : memref<16x8192xf32, #tpu.memory_space<hbm>> -> memref<1x8192xf32, #tpu.memory_space<hbm>>
    %dma_wait3A_381 = tpu.memref_squeeze %dma_wait3A_380 : memref<1x8192xf32, #tpu.memory_space<hbm>> -> memref<8192xf32, #tpu.memory_space<hbm>>
    tpu.wait_dma2 semaphore(%arg25 : memref<!tpu.dma_semaphore, #tpu.memory_space<semaphore_mem>>) src(%dma_wait3A_381 : memref<8192xf32, #tpu.memory_space<hbm>>) dst(%arg11 : memref<8192xf32, #tpu.memory_space<vmem>>)
    %dma_start3A_382 = arith.constant 8 : i32
    %dma_start3A_383 = arith.constant 0 : i32
    %dma_start3A_384 = tpu.memref_slice %arg2[%dma_start3A_382, %dma_start3A_383] : memref<16x8192xi32, #tpu.memory_space<hbm>> -> memref<1x8192xi32, #tpu.memory_space<hbm>>
    %dma_start3A_385 = tpu.memref_squeeze %dma_start3A_384 : memref<1x8192xi32, #tpu.memory_space<hbm>> -> memref<8192xi32, #tpu.memory_space<hbm>>
    %dma_start3A_386 = arith.constant 0 : i32
    %dma_start3A_387 = tpu.memref_slice %arg2[%dma_start3A_382, %dma_start3A_386] : memref<16x8192xi32, #tpu.memory_space<hbm>> -> memref<1x8192xi32, #tpu.memory_space<hbm>>
    %dma_start3A_388 = tpu.memref_squeeze %dma_start3A_387 : memref<1x8192xi32, #tpu.memory_space<hbm>> -> memref<8192xi32, #tpu.memory_space<hbm>>
    tpu.enqueue_dma source(%dma_start3A_388 : memref<8192xi32, #tpu.memory_space<hbm>>) target(%arg6 : memref<8192xi32, #tpu.memory_space<vmem>>) target_semaphore(%arg20 : memref<!tpu.dma_semaphore, #tpu.memory_space<semaphore_mem>>)
    %dma_start3A_389 = arith.constant 8 : i32
    %dma_start3A_390 = arith.constant 0 : i32
    %dma_start3A_391 = tpu.memref_slice %arg3[%dma_start3A_389, %dma_start3A_390] : memref<16x8192xi32, #tpu.memory_space<hbm>> -> memref<1x8192xi32, #tpu.memory_space<hbm>>
    %dma_start3A_392 = tpu.memref_squeeze %dma_start3A_391 : memref<1x8192xi32, #tpu.memory_space<hbm>> -> memref<8192xi32, #tpu.memory_space<hbm>>
    %dma_start3A_393 = arith.constant 0 : i32
    %dma_start3A_394 = tpu.memref_slice %arg3[%dma_start3A_389, %dma_start3A_393] : memref<16x8192xi32, #tpu.memory_space<hbm>> -> memref<1x8192xi32, #tpu.memory_space<hbm>>
    %dma_start3A_395 = tpu.memref_squeeze %dma_start3A_394 : memref<1x8192xi32, #tpu.memory_space<hbm>> -> memref<8192xi32, #tpu.memory_space<hbm>>
    tpu.enqueue_dma source(%dma_start3A_395 : memref<8192xi32, #tpu.memory_space<hbm>>) target(%arg8 : memref<8192xi32, #tpu.memory_space<vmem>>) target_semaphore(%arg22 : memref<!tpu.dma_semaphore, #tpu.memory_space<semaphore_mem>>)
    %dma_start3A_396 = arith.constant 8 : i32
    %dma_start3A_397 = arith.constant 0 : i32
    %dma_start3A_398 = tpu.memref_slice %arg4[%dma_start3A_396, %dma_start3A_397] : memref<16x8192xf32, #tpu.memory_space<hbm>> -> memref<1x8192xf32, #tpu.memory_space<hbm>>
    %dma_start3A_399 = tpu.memref_squeeze %dma_start3A_398 : memref<1x8192xf32, #tpu.memory_space<hbm>> -> memref<8192xf32, #tpu.memory_space<hbm>>
    %dma_start3A_400 = arith.constant 0 : i32
    %dma_start3A_401 = tpu.memref_slice %arg4[%dma_start3A_396, %dma_start3A_400] : memref<16x8192xf32, #tpu.memory_space<hbm>> -> memref<1x8192xf32, #tpu.memory_space<hbm>>
    %dma_start3A_402 = tpu.memref_squeeze %dma_start3A_401 : memref<1x8192xf32, #tpu.memory_space<hbm>> -> memref<8192xf32, #tpu.memory_space<hbm>>
    tpu.enqueue_dma source(%dma_start3A_402 : memref<8192xf32, #tpu.memory_space<hbm>>) target(%arg10 : memref<8192xf32, #tpu.memory_space<vmem>>) target_semaphore(%arg24 : memref<!tpu.dma_semaphore, #tpu.memory_space<semaphore_mem>>)
    %parallel_loop3A_403 = arith.constant 0 : i32
    %parallel_loop3A_404 = arith.constant 512 : i32
    %parallel_loop3A_405 = arith.constant 1 : i32
    %parallel_loop3A_406:2 = scf.for %parallel_loop3A_774 = %parallel_loop3A_403 to %parallel_loop3A_404 step %parallel_loop3A_405 iter_args(%parallel_loop3A_775 = %parallel_loop3A_360#0, %parallel_loop3A_776 = %parallel_loop3A_360#1) -> (vector<16xi32>, vector<16xi32>)  : i32 {
      %parallel_loop3A_777 = arith.constant 16 : i32
      %parallel_loop3A_778 = arith.muli %parallel_loop3A_774, %parallel_loop3A_777 : i32
      %parallel_loop3A_779 = arith.index_cast %parallel_loop3A_778 : i32 to index
      %parallel_loop3A_780 = tpu.vector_load %arg7[%parallel_loop3A_779] {strides = array<i32>} : memref<8192xi32, #tpu.memory_space<vmem>>, vector<16xi32>,
      %parallel_loop3A_781 = arith.index_cast %parallel_loop3A_778 : i32 to index
      %parallel_loop3A_782 = tpu.vector_load %arg9[%parallel_loop3A_781] {strides = array<i32>} : memref<8192xi32, #tpu.memory_space<vmem>>, vector<16xi32>,
      %parallel_loop3A_783 = arith.index_cast %parallel_loop3A_778 : i32 to index
      %parallel_loop3A_784 = tpu.vector_load %arg11[%parallel_loop3A_783] {strides = array<i32>} : memref<8192xf32, #tpu.memory_space<vmem>>, vector<16xf32>,
      %parallel_loop3A_785 = arith.constant 4096 : i32
      %parallel_loop3A_786 = vector.broadcast %parallel_loop3A_785 : i32 to vector<16xi32>
      %parallel_loop3A_787 = arith.muli %parallel_loop3A_780, %parallel_loop3A_786 : vector<16xi32>
      %parallel_loop3A_788 = arith.addi %parallel_loop3A_787, %parallel_loop3A_782 : vector<16xi32>
      %parallel_loop3A_789 = arith.constant 4096 : i32
      %parallel_loop3A_790 = vector.broadcast %parallel_loop3A_789 : i32 to vector<16xi32>
      %parallel_loop3A_791 = arith.muli %parallel_loop3A_782, %parallel_loop3A_790 : vector<16xi32>
      %parallel_loop3A_792 = arith.addi %parallel_loop3A_791, %parallel_loop3A_780 : vector<16xi32>
      %parallel_loop3A_793 = arith.constant 19 : i32
      %parallel_loop3A_794 = vector.broadcast %parallel_loop3A_793 : i32 to vector<16xi32>
      %parallel_loop3A_795 = arith.shrui %parallel_loop3A_788, %parallel_loop3A_794 : vector<16xi32>
      %parallel_loop3A_796 = vector.broadcast %add3A : i32 to vector<16xi32>
      %parallel_loop3A_797 = arith.cmpi eq, %parallel_loop3A_795, %parallel_loop3A_796 : vector<16xi32>
      %parallel_loop3A_798 = arith.constant 19 : i32
      %parallel_loop3A_799 = vector.broadcast %parallel_loop3A_798 : i32 to vector<16xi32>
      %parallel_loop3A_800 = arith.shrui %parallel_loop3A_792, %parallel_loop3A_799 : vector<16xi32>
      %parallel_loop3A_801 = vector.broadcast %add3A : i32 to vector<16xi32>
      %parallel_loop3A_802 = arith.cmpi eq, %parallel_loop3A_800, %parallel_loop3A_801 : vector<16xi32>
      %parallel_loop3A_803 = arith.constant 16 : i32
      %parallel_loop3A_804 = vector.broadcast %parallel_loop3A_803 : i32 to vector<16xi32>
      %parallel_loop3A_805 = arith.muli %parallel_loop3A_775, %parallel_loop3A_804 : vector<16xi32>
      %parallel_loop3A_806 = arith.addi %parallel_loop3A_805, %iota3A_33 : vector<16xi32>
      %parallel_loop3A_807 = arith.select %parallel_loop3A_797, %parallel_loop3A_806, %add3A_36 : vector<16xi1>, vector<16xi32>
      tpu.vector_store_idx %arg12[%parallel_loop3A_807], %parallel_loop3A_788 : memref<8208xi32, #tpu.memory_space<vmem>>[vector<16xi32>], vector<16xi32>,
      tpu.vector_store_idx %arg13[%parallel_loop3A_807], %parallel_loop3A_784 : memref<8208xf32, #tpu.memory_space<vmem>>[vector<16xi32>], vector<16xf32>,
      %parallel_loop3A_808 = arith.constant 16 : i32
      %parallel_loop3A_809 = vector.broadcast %parallel_loop3A_808 : i32 to vector<16xi32>
      %parallel_loop3A_810 = arith.muli %parallel_loop3A_776, %parallel_loop3A_809 : vector<16xi32>
      %parallel_loop3A_811 = arith.addi %parallel_loop3A_810, %iota3A_33 : vector<16xi32>
      %parallel_loop3A_812 = arith.select %parallel_loop3A_802, %parallel_loop3A_811, %add3A_36 : vector<16xi1>, vector<16xi32>
      tpu.vector_store_idx %arg14[%parallel_loop3A_812], %parallel_loop3A_792 : memref<8208xi32, #tpu.memory_space<vmem>>[vector<16xi32>], vector<16xi32>,
      tpu.vector_store_idx %arg15[%parallel_loop3A_812], %parallel_loop3A_784 : memref<8208xf32, #tpu.memory_space<vmem>>[vector<16xi32>], vector<16xf32>,
      %parallel_loop3A_813 = arith.constant 1 : i32
      %parallel_loop3A_814 = arith.constant 0 : i32
      %parallel_loop3A_815 = vector.broadcast %parallel_loop3A_813 : i32 to vector<16xi32>
      %parallel_loop3A_816 = vector.broadcast %parallel_loop3A_814 : i32 to vector<16xi32>
      %parallel_loop3A_817 = arith.select %parallel_loop3A_797, %parallel_loop3A_815, %parallel_loop3A_816 : vector<16xi1>, vector<16xi32>
      %parallel_loop3A_818 = arith.addi %parallel_loop3A_775, %parallel_loop3A_817 : vector<16xi32>
      %parallel_loop3A_819 = arith.constant 1 : i32
      %parallel_loop3A_820 = arith.constant 0 : i32
      %parallel_loop3A_821 = vector.broadcast %parallel_loop3A_819 : i32 to vector<16xi32>
      %parallel_loop3A_822 = vector.broadcast %parallel_loop3A_820 : i32 to vector<16xi32>
      %parallel_loop3A_823 = arith.select %parallel_loop3A_802, %parallel_loop3A_821, %parallel_loop3A_822 : vector<16xi1>, vector<16xi32>
      %parallel_loop3A_824 = arith.addi %parallel_loop3A_776, %parallel_loop3A_823 : vector<16xi32>
      scf.yield %parallel_loop3A_818, %parallel_loop3A_824 : vector<16xi32>, vector<16xi32>
    } {sc.loop_unroll_factor = 4 : i64, sc.parallel_access}
    %dma_wait3A_407 = arith.constant 8 : i32
    %dma_wait3A_408 = arith.constant 0 : i32
    %dma_wait3A_409 = tpu.memref_slice %arg2[%dma_wait3A_407, %dma_wait3A_408] : memref<16x8192xi32, #tpu.memory_space<hbm>> -> memref<1x8192xi32, #tpu.memory_space<hbm>>
    %dma_wait3A_410 = tpu.memref_squeeze %dma_wait3A_409 : memref<1x8192xi32, #tpu.memory_space<hbm>> -> memref<8192xi32, #tpu.memory_space<hbm>>
    %dma_wait3A_411 = arith.constant 0 : i32
    %dma_wait3A_412 = tpu.memref_slice %arg2[%dma_wait3A_407, %dma_wait3A_411] : memref<16x8192xi32, #tpu.memory_space<hbm>> -> memref<1x8192xi32, #tpu.memory_space<hbm>>
    %dma_wait3A_413 = tpu.memref_squeeze %dma_wait3A_412 : memref<1x8192xi32, #tpu.memory_space<hbm>> -> memref<8192xi32, #tpu.memory_space<hbm>>
    tpu.wait_dma2 semaphore(%arg20 : memref<!tpu.dma_semaphore, #tpu.memory_space<semaphore_mem>>) src(%dma_wait3A_413 : memref<8192xi32, #tpu.memory_space<hbm>>) dst(%arg6 : memref<8192xi32, #tpu.memory_space<vmem>>)
    %dma_wait3A_414 = arith.constant 8 : i32
    %dma_wait3A_415 = arith.constant 0 : i32
    %dma_wait3A_416 = tpu.memref_slice %arg3[%dma_wait3A_414, %dma_wait3A_415] : memref<16x8192xi32, #tpu.memory_space<hbm>> -> memref<1x8192xi32, #tpu.memory_space<hbm>>
    %dma_wait3A_417 = tpu.memref_squeeze %dma_wait3A_416 : memref<1x8192xi32, #tpu.memory_space<hbm>> -> memref<8192xi32, #tpu.memory_space<hbm>>
    %dma_wait3A_418 = arith.constant 0 : i32
    %dma_wait3A_419 = tpu.memref_slice %arg3[%dma_wait3A_414, %dma_wait3A_418] : memref<16x8192xi32, #tpu.memory_space<hbm>> -> memref<1x8192xi32, #tpu.memory_space<hbm>>
    %dma_wait3A_420 = tpu.memref_squeeze %dma_wait3A_419 : memref<1x8192xi32, #tpu.memory_space<hbm>> -> memref<8192xi32, #tpu.memory_space<hbm>>
    tpu.wait_dma2 semaphore(%arg22 : memref<!tpu.dma_semaphore, #tpu.memory_space<semaphore_mem>>) src(%dma_wait3A_420 : memref<8192xi32, #tpu.memory_space<hbm>>) dst(%arg8 : memref<8192xi32, #tpu.memory_space<vmem>>)
    %dma_wait3A_421 = arith.constant 8 : i32
    %dma_wait3A_422 = arith.constant 0 : i32
    %dma_wait3A_423 = tpu.memref_slice %arg4[%dma_wait3A_421, %dma_wait3A_422] : memref<16x8192xf32, #tpu.memory_space<hbm>> -> memref<1x8192xf32, #tpu.memory_space<hbm>>
    %dma_wait3A_424 = tpu.memref_squeeze %dma_wait3A_423 : memref<1x8192xf32, #tpu.memory_space<hbm>> -> memref<8192xf32, #tpu.memory_space<hbm>>
    %dma_wait3A_425 = arith.constant 0 : i32
    %dma_wait3A_426 = tpu.memref_slice %arg4[%dma_wait3A_421, %dma_wait3A_425] : memref<16x8192xf32, #tpu.memory_space<hbm>> -> memref<1x8192xf32, #tpu.memory_space<hbm>>
    %dma_wait3A_427 = tpu.memref_squeeze %dma_wait3A_426 : memref<1x8192xf32, #tpu.memory_space<hbm>> -> memref<8192xf32, #tpu.memory_space<hbm>>
    tpu.wait_dma2 semaphore(%arg24 : memref<!tpu.dma_semaphore, #tpu.memory_space<semaphore_mem>>) src(%dma_wait3A_427 : memref<8192xf32, #tpu.memory_space<hbm>>) dst(%arg10 : memref<8192xf32, #tpu.memory_space<vmem>>)
    %dma_start3A_428 = arith.constant 9 : i32
    %dma_start3A_429 = arith.constant 0 : i32
    %dma_start3A_430 = tpu.memref_slice %arg2[%dma_start3A_428, %dma_start3A_429] : memref<16x8192xi32, #tpu.memory_space<hbm>> -> memref<1x8192xi32, #tpu.memory_space<hbm>>
    %dma_start3A_431 = tpu.memref_squeeze %dma_start3A_430 : memref<1x8192xi32, #tpu.memory_space<hbm>> -> memref<8192xi32, #tpu.memory_space<hbm>>
    %dma_start3A_432 = arith.constant 0 : i32
    %dma_start3A_433 = tpu.memref_slice %arg2[%dma_start3A_428, %dma_start3A_432] : memref<16x8192xi32, #tpu.memory_space<hbm>> -> memref<1x8192xi32, #tpu.memory_space<hbm>>
    %dma_start3A_434 = tpu.memref_squeeze %dma_start3A_433 : memref<1x8192xi32, #tpu.memory_space<hbm>> -> memref<8192xi32, #tpu.memory_space<hbm>>
    tpu.enqueue_dma source(%dma_start3A_434 : memref<8192xi32, #tpu.memory_space<hbm>>) target(%arg7 : memref<8192xi32, #tpu.memory_space<vmem>>) target_semaphore(%arg21 : memref<!tpu.dma_semaphore, #tpu.memory_space<semaphore_mem>>)
    %dma_start3A_435 = arith.constant 9 : i32
    %dma_start3A_436 = arith.constant 0 : i32
    %dma_start3A_437 = tpu.memref_slice %arg3[%dma_start3A_435, %dma_start3A_436] : memref<16x8192xi32, #tpu.memory_space<hbm>> -> memref<1x8192xi32, #tpu.memory_space<hbm>>
    %dma_start3A_438 = tpu.memref_squeeze %dma_start3A_437 : memref<1x8192xi32, #tpu.memory_space<hbm>> -> memref<8192xi32, #tpu.memory_space<hbm>>
    %dma_start3A_439 = arith.constant 0 : i32
    %dma_start3A_440 = tpu.memref_slice %arg3[%dma_start3A_435, %dma_start3A_439] : memref<16x8192xi32, #tpu.memory_space<hbm>> -> memref<1x8192xi32, #tpu.memory_space<hbm>>
    %dma_start3A_441 = tpu.memref_squeeze %dma_start3A_440 : memref<1x8192xi32, #tpu.memory_space<hbm>> -> memref<8192xi32, #tpu.memory_space<hbm>>
    tpu.enqueue_dma source(%dma_start3A_441 : memref<8192xi32, #tpu.memory_space<hbm>>) target(%arg9 : memref<8192xi32, #tpu.memory_space<vmem>>) target_semaphore(%arg23 : memref<!tpu.dma_semaphore, #tpu.memory_space<semaphore_mem>>)
    %dma_start3A_442 = arith.constant 9 : i32
    %dma_start3A_443 = arith.constant 0 : i32
    %dma_start3A_444 = tpu.memref_slice %arg4[%dma_start3A_442, %dma_start3A_443] : memref<16x8192xf32, #tpu.memory_space<hbm>> -> memref<1x8192xf32, #tpu.memory_space<hbm>>
    %dma_start3A_445 = tpu.memref_squeeze %dma_start3A_444 : memref<1x8192xf32, #tpu.memory_space<hbm>> -> memref<8192xf32, #tpu.memory_space<hbm>>
    %dma_start3A_446 = arith.constant 0 : i32
    %dma_start3A_447 = tpu.memref_slice %arg4[%dma_start3A_442, %dma_start3A_446] : memref<16x8192xf32, #tpu.memory_space<hbm>> -> memref<1x8192xf32, #tpu.memory_space<hbm>>
    %dma_start3A_448 = tpu.memref_squeeze %dma_start3A_447 : memref<1x8192xf32, #tpu.memory_space<hbm>> -> memref<8192xf32, #tpu.memory_space<hbm>>
    tpu.enqueue_dma source(%dma_start3A_448 : memref<8192xf32, #tpu.memory_space<hbm>>) target(%arg11 : memref<8192xf32, #tpu.memory_space<vmem>>) target_semaphore(%arg25 : memref<!tpu.dma_semaphore, #tpu.memory_space<semaphore_mem>>)
    %parallel_loop3A_449 = arith.constant 0 : i32
    %parallel_loop3A_450 = arith.constant 512 : i32
    %parallel_loop3A_451 = arith.constant 1 : i32
    %parallel_loop3A_452:2 = scf.for %parallel_loop3A_774 = %parallel_loop3A_449 to %parallel_loop3A_450 step %parallel_loop3A_451 iter_args(%parallel_loop3A_775 = %parallel_loop3A_406#0, %parallel_loop3A_776 = %parallel_loop3A_406#1) -> (vector<16xi32>, vector<16xi32>)  : i32 {
      %parallel_loop3A_777 = arith.constant 16 : i32
      %parallel_loop3A_778 = arith.muli %parallel_loop3A_774, %parallel_loop3A_777 : i32
      %parallel_loop3A_779 = arith.index_cast %parallel_loop3A_778 : i32 to index
      %parallel_loop3A_780 = tpu.vector_load %arg6[%parallel_loop3A_779] {strides = array<i32>} : memref<8192xi32, #tpu.memory_space<vmem>>, vector<16xi32>,
      %parallel_loop3A_781 = arith.index_cast %parallel_loop3A_778 : i32 to index
      %parallel_loop3A_782 = tpu.vector_load %arg8[%parallel_loop3A_781] {strides = array<i32>} : memref<8192xi32, #tpu.memory_space<vmem>>, vector<16xi32>,
      %parallel_loop3A_783 = arith.index_cast %parallel_loop3A_778 : i32 to index
      %parallel_loop3A_784 = tpu.vector_load %arg10[%parallel_loop3A_783] {strides = array<i32>} : memref<8192xf32, #tpu.memory_space<vmem>>, vector<16xf32>,
      %parallel_loop3A_785 = arith.constant 4096 : i32
      %parallel_loop3A_786 = vector.broadcast %parallel_loop3A_785 : i32 to vector<16xi32>
      %parallel_loop3A_787 = arith.muli %parallel_loop3A_780, %parallel_loop3A_786 : vector<16xi32>
      %parallel_loop3A_788 = arith.addi %parallel_loop3A_787, %parallel_loop3A_782 : vector<16xi32>
      %parallel_loop3A_789 = arith.constant 4096 : i32
      %parallel_loop3A_790 = vector.broadcast %parallel_loop3A_789 : i32 to vector<16xi32>
      %parallel_loop3A_791 = arith.muli %parallel_loop3A_782, %parallel_loop3A_790 : vector<16xi32>
      %parallel_loop3A_792 = arith.addi %parallel_loop3A_791, %parallel_loop3A_780 : vector<16xi32>
      %parallel_loop3A_793 = arith.constant 19 : i32
      %parallel_loop3A_794 = vector.broadcast %parallel_loop3A_793 : i32 to vector<16xi32>
      %parallel_loop3A_795 = arith.shrui %parallel_loop3A_788, %parallel_loop3A_794 : vector<16xi32>
      %parallel_loop3A_796 = vector.broadcast %add3A : i32 to vector<16xi32>
      %parallel_loop3A_797 = arith.cmpi eq, %parallel_loop3A_795, %parallel_loop3A_796 : vector<16xi32>
      %parallel_loop3A_798 = arith.constant 19 : i32
      %parallel_loop3A_799 = vector.broadcast %parallel_loop3A_798 : i32 to vector<16xi32>
      %parallel_loop3A_800 = arith.shrui %parallel_loop3A_792, %parallel_loop3A_799 : vector<16xi32>
      %parallel_loop3A_801 = vector.broadcast %add3A : i32 to vector<16xi32>
      %parallel_loop3A_802 = arith.cmpi eq, %parallel_loop3A_800, %parallel_loop3A_801 : vector<16xi32>
      %parallel_loop3A_803 = arith.constant 16 : i32
      %parallel_loop3A_804 = vector.broadcast %parallel_loop3A_803 : i32 to vector<16xi32>
      %parallel_loop3A_805 = arith.muli %parallel_loop3A_775, %parallel_loop3A_804 : vector<16xi32>
      %parallel_loop3A_806 = arith.addi %parallel_loop3A_805, %iota3A_33 : vector<16xi32>
      %parallel_loop3A_807 = arith.select %parallel_loop3A_797, %parallel_loop3A_806, %add3A_36 : vector<16xi1>, vector<16xi32>
      tpu.vector_store_idx %arg12[%parallel_loop3A_807], %parallel_loop3A_788 : memref<8208xi32, #tpu.memory_space<vmem>>[vector<16xi32>], vector<16xi32>,
      tpu.vector_store_idx %arg13[%parallel_loop3A_807], %parallel_loop3A_784 : memref<8208xf32, #tpu.memory_space<vmem>>[vector<16xi32>], vector<16xf32>,
      %parallel_loop3A_808 = arith.constant 16 : i32
      %parallel_loop3A_809 = vector.broadcast %parallel_loop3A_808 : i32 to vector<16xi32>
      %parallel_loop3A_810 = arith.muli %parallel_loop3A_776, %parallel_loop3A_809 : vector<16xi32>
      %parallel_loop3A_811 = arith.addi %parallel_loop3A_810, %iota3A_33 : vector<16xi32>
      %parallel_loop3A_812 = arith.select %parallel_loop3A_802, %parallel_loop3A_811, %add3A_36 : vector<16xi1>, vector<16xi32>
      tpu.vector_store_idx %arg14[%parallel_loop3A_812], %parallel_loop3A_792 : memref<8208xi32, #tpu.memory_space<vmem>>[vector<16xi32>], vector<16xi32>,
      tpu.vector_store_idx %arg15[%parallel_loop3A_812], %parallel_loop3A_784 : memref<8208xf32, #tpu.memory_space<vmem>>[vector<16xi32>], vector<16xf32>,
      %parallel_loop3A_813 = arith.constant 1 : i32
      %parallel_loop3A_814 = arith.constant 0 : i32
      %parallel_loop3A_815 = vector.broadcast %parallel_loop3A_813 : i32 to vector<16xi32>
      %parallel_loop3A_816 = vector.broadcast %parallel_loop3A_814 : i32 to vector<16xi32>
      %parallel_loop3A_817 = arith.select %parallel_loop3A_797, %parallel_loop3A_815, %parallel_loop3A_816 : vector<16xi1>, vector<16xi32>
      %parallel_loop3A_818 = arith.addi %parallel_loop3A_775, %parallel_loop3A_817 : vector<16xi32>
      %parallel_loop3A_819 = arith.constant 1 : i32
      %parallel_loop3A_820 = arith.constant 0 : i32
      %parallel_loop3A_821 = vector.broadcast %parallel_loop3A_819 : i32 to vector<16xi32>
      %parallel_loop3A_822 = vector.broadcast %parallel_loop3A_820 : i32 to vector<16xi32>
      %parallel_loop3A_823 = arith.select %parallel_loop3A_802, %parallel_loop3A_821, %parallel_loop3A_822 : vector<16xi1>, vector<16xi32>
      %parallel_loop3A_824 = arith.addi %parallel_loop3A_776, %parallel_loop3A_823 : vector<16xi32>
      scf.yield %parallel_loop3A_818, %parallel_loop3A_824 : vector<16xi32>, vector<16xi32>
    } {sc.loop_unroll_factor = 4 : i64, sc.parallel_access}
    %dma_wait3A_453 = arith.constant 9 : i32
    %dma_wait3A_454 = arith.constant 0 : i32
    %dma_wait3A_455 = tpu.memref_slice %arg2[%dma_wait3A_453, %dma_wait3A_454] : memref<16x8192xi32, #tpu.memory_space<hbm>> -> memref<1x8192xi32, #tpu.memory_space<hbm>>
    %dma_wait3A_456 = tpu.memref_squeeze %dma_wait3A_455 : memref<1x8192xi32, #tpu.memory_space<hbm>> -> memref<8192xi32, #tpu.memory_space<hbm>>
    %dma_wait3A_457 = arith.constant 0 : i32
    %dma_wait3A_458 = tpu.memref_slice %arg2[%dma_wait3A_453, %dma_wait3A_457] : memref<16x8192xi32, #tpu.memory_space<hbm>> -> memref<1x8192xi32, #tpu.memory_space<hbm>>
    %dma_wait3A_459 = tpu.memref_squeeze %dma_wait3A_458 : memref<1x8192xi32, #tpu.memory_space<hbm>> -> memref<8192xi32, #tpu.memory_space<hbm>>
    tpu.wait_dma2 semaphore(%arg21 : memref<!tpu.dma_semaphore, #tpu.memory_space<semaphore_mem>>) src(%dma_wait3A_459 : memref<8192xi32, #tpu.memory_space<hbm>>) dst(%arg7 : memref<8192xi32, #tpu.memory_space<vmem>>)
    %dma_wait3A_460 = arith.constant 9 : i32
    %dma_wait3A_461 = arith.constant 0 : i32
    %dma_wait3A_462 = tpu.memref_slice %arg3[%dma_wait3A_460, %dma_wait3A_461] : memref<16x8192xi32, #tpu.memory_space<hbm>> -> memref<1x8192xi32, #tpu.memory_space<hbm>>
    %dma_wait3A_463 = tpu.memref_squeeze %dma_wait3A_462 : memref<1x8192xi32, #tpu.memory_space<hbm>> -> memref<8192xi32, #tpu.memory_space<hbm>>
    %dma_wait3A_464 = arith.constant 0 : i32
    %dma_wait3A_465 = tpu.memref_slice %arg3[%dma_wait3A_460, %dma_wait3A_464] : memref<16x8192xi32, #tpu.memory_space<hbm>> -> memref<1x8192xi32, #tpu.memory_space<hbm>>
    %dma_wait3A_466 = tpu.memref_squeeze %dma_wait3A_465 : memref<1x8192xi32, #tpu.memory_space<hbm>> -> memref<8192xi32, #tpu.memory_space<hbm>>
    tpu.wait_dma2 semaphore(%arg23 : memref<!tpu.dma_semaphore, #tpu.memory_space<semaphore_mem>>) src(%dma_wait3A_466 : memref<8192xi32, #tpu.memory_space<hbm>>) dst(%arg9 : memref<8192xi32, #tpu.memory_space<vmem>>)
    %dma_wait3A_467 = arith.constant 9 : i32
    %dma_wait3A_468 = arith.constant 0 : i32
    %dma_wait3A_469 = tpu.memref_slice %arg4[%dma_wait3A_467, %dma_wait3A_468] : memref<16x8192xf32, #tpu.memory_space<hbm>> -> memref<1x8192xf32, #tpu.memory_space<hbm>>
    %dma_wait3A_470 = tpu.memref_squeeze %dma_wait3A_469 : memref<1x8192xf32, #tpu.memory_space<hbm>> -> memref<8192xf32, #tpu.memory_space<hbm>>
    %dma_wait3A_471 = arith.constant 0 : i32
    %dma_wait3A_472 = tpu.memref_slice %arg4[%dma_wait3A_467, %dma_wait3A_471] : memref<16x8192xf32, #tpu.memory_space<hbm>> -> memref<1x8192xf32, #tpu.memory_space<hbm>>
    %dma_wait3A_473 = tpu.memref_squeeze %dma_wait3A_472 : memref<1x8192xf32, #tpu.memory_space<hbm>> -> memref<8192xf32, #tpu.memory_space<hbm>>
    tpu.wait_dma2 semaphore(%arg25 : memref<!tpu.dma_semaphore, #tpu.memory_space<semaphore_mem>>) src(%dma_wait3A_473 : memref<8192xf32, #tpu.memory_space<hbm>>) dst(%arg11 : memref<8192xf32, #tpu.memory_space<vmem>>)
    %dma_start3A_474 = arith.constant 10 : i32
    %dma_start3A_475 = arith.constant 0 : i32
    %dma_start3A_476 = tpu.memref_slice %arg2[%dma_start3A_474, %dma_start3A_475] : memref<16x8192xi32, #tpu.memory_space<hbm>> -> memref<1x8192xi32, #tpu.memory_space<hbm>>
    %dma_start3A_477 = tpu.memref_squeeze %dma_start3A_476 : memref<1x8192xi32, #tpu.memory_space<hbm>> -> memref<8192xi32, #tpu.memory_space<hbm>>
    %dma_start3A_478 = arith.constant 0 : i32
    %dma_start3A_479 = tpu.memref_slice %arg2[%dma_start3A_474, %dma_start3A_478] : memref<16x8192xi32, #tpu.memory_space<hbm>> -> memref<1x8192xi32, #tpu.memory_space<hbm>>
    %dma_start3A_480 = tpu.memref_squeeze %dma_start3A_479 : memref<1x8192xi32, #tpu.memory_space<hbm>> -> memref<8192xi32, #tpu.memory_space<hbm>>
    tpu.enqueue_dma source(%dma_start3A_480 : memref<8192xi32, #tpu.memory_space<hbm>>) target(%arg6 : memref<8192xi32, #tpu.memory_space<vmem>>) target_semaphore(%arg20 : memref<!tpu.dma_semaphore, #tpu.memory_space<semaphore_mem>>)
    %dma_start3A_481 = arith.constant 10 : i32
    %dma_start3A_482 = arith.constant 0 : i32
    %dma_start3A_483 = tpu.memref_slice %arg3[%dma_start3A_481, %dma_start3A_482] : memref<16x8192xi32, #tpu.memory_space<hbm>> -> memref<1x8192xi32, #tpu.memory_space<hbm>>
    %dma_start3A_484 = tpu.memref_squeeze %dma_start3A_483 : memref<1x8192xi32, #tpu.memory_space<hbm>> -> memref<8192xi32, #tpu.memory_space<hbm>>
    %dma_start3A_485 = arith.constant 0 : i32
    %dma_start3A_486 = tpu.memref_slice %arg3[%dma_start3A_481, %dma_start3A_485] : memref<16x8192xi32, #tpu.memory_space<hbm>> -> memref<1x8192xi32, #tpu.memory_space<hbm>>
    %dma_start3A_487 = tpu.memref_squeeze %dma_start3A_486 : memref<1x8192xi32, #tpu.memory_space<hbm>> -> memref<8192xi32, #tpu.memory_space<hbm>>
    tpu.enqueue_dma source(%dma_start3A_487 : memref<8192xi32, #tpu.memory_space<hbm>>) target(%arg8 : memref<8192xi32, #tpu.memory_space<vmem>>) target_semaphore(%arg22 : memref<!tpu.dma_semaphore, #tpu.memory_space<semaphore_mem>>)
    %dma_start3A_488 = arith.constant 10 : i32
    %dma_start3A_489 = arith.constant 0 : i32
    %dma_start3A_490 = tpu.memref_slice %arg4[%dma_start3A_488, %dma_start3A_489] : memref<16x8192xf32, #tpu.memory_space<hbm>> -> memref<1x8192xf32, #tpu.memory_space<hbm>>
    %dma_start3A_491 = tpu.memref_squeeze %dma_start3A_490 : memref<1x8192xf32, #tpu.memory_space<hbm>> -> memref<8192xf32, #tpu.memory_space<hbm>>
    %dma_start3A_492 = arith.constant 0 : i32
    %dma_start3A_493 = tpu.memref_slice %arg4[%dma_start3A_488, %dma_start3A_492] : memref<16x8192xf32, #tpu.memory_space<hbm>> -> memref<1x8192xf32, #tpu.memory_space<hbm>>
    %dma_start3A_494 = tpu.memref_squeeze %dma_start3A_493 : memref<1x8192xf32, #tpu.memory_space<hbm>> -> memref<8192xf32, #tpu.memory_space<hbm>>
    tpu.enqueue_dma source(%dma_start3A_494 : memref<8192xf32, #tpu.memory_space<hbm>>) target(%arg10 : memref<8192xf32, #tpu.memory_space<vmem>>) target_semaphore(%arg24 : memref<!tpu.dma_semaphore, #tpu.memory_space<semaphore_mem>>)
    %parallel_loop3A_495 = arith.constant 0 : i32
    %parallel_loop3A_496 = arith.constant 512 : i32
    %parallel_loop3A_497 = arith.constant 1 : i32
    %parallel_loop3A_498:2 = scf.for %parallel_loop3A_774 = %parallel_loop3A_495 to %parallel_loop3A_496 step %parallel_loop3A_497 iter_args(%parallel_loop3A_775 = %parallel_loop3A_452#0, %parallel_loop3A_776 = %parallel_loop3A_452#1) -> (vector<16xi32>, vector<16xi32>)  : i32 {
      %parallel_loop3A_777 = arith.constant 16 : i32
      %parallel_loop3A_778 = arith.muli %parallel_loop3A_774, %parallel_loop3A_777 : i32
      %parallel_loop3A_779 = arith.index_cast %parallel_loop3A_778 : i32 to index
      %parallel_loop3A_780 = tpu.vector_load %arg7[%parallel_loop3A_779] {strides = array<i32>} : memref<8192xi32, #tpu.memory_space<vmem>>, vector<16xi32>,
      %parallel_loop3A_781 = arith.index_cast %parallel_loop3A_778 : i32 to index
      %parallel_loop3A_782 = tpu.vector_load %arg9[%parallel_loop3A_781] {strides = array<i32>} : memref<8192xi32, #tpu.memory_space<vmem>>, vector<16xi32>,
      %parallel_loop3A_783 = arith.index_cast %parallel_loop3A_778 : i32 to index
      %parallel_loop3A_784 = tpu.vector_load %arg11[%parallel_loop3A_783] {strides = array<i32>} : memref<8192xf32, #tpu.memory_space<vmem>>, vector<16xf32>,
      %parallel_loop3A_785 = arith.constant 4096 : i32
      %parallel_loop3A_786 = vector.broadcast %parallel_loop3A_785 : i32 to vector<16xi32>
      %parallel_loop3A_787 = arith.muli %parallel_loop3A_780, %parallel_loop3A_786 : vector<16xi32>
      %parallel_loop3A_788 = arith.addi %parallel_loop3A_787, %parallel_loop3A_782 : vector<16xi32>
      %parallel_loop3A_789 = arith.constant 4096 : i32
      %parallel_loop3A_790 = vector.broadcast %parallel_loop3A_789 : i32 to vector<16xi32>
      %parallel_loop3A_791 = arith.muli %parallel_loop3A_782, %parallel_loop3A_790 : vector<16xi32>
      %parallel_loop3A_792 = arith.addi %parallel_loop3A_791, %parallel_loop3A_780 : vector<16xi32>
      %parallel_loop3A_793 = arith.constant 19 : i32
      %parallel_loop3A_794 = vector.broadcast %parallel_loop3A_793 : i32 to vector<16xi32>
      %parallel_loop3A_795 = arith.shrui %parallel_loop3A_788, %parallel_loop3A_794 : vector<16xi32>
      %parallel_loop3A_796 = vector.broadcast %add3A : i32 to vector<16xi32>
      %parallel_loop3A_797 = arith.cmpi eq, %parallel_loop3A_795, %parallel_loop3A_796 : vector<16xi32>
      %parallel_loop3A_798 = arith.constant 19 : i32
      %parallel_loop3A_799 = vector.broadcast %parallel_loop3A_798 : i32 to vector<16xi32>
      %parallel_loop3A_800 = arith.shrui %parallel_loop3A_792, %parallel_loop3A_799 : vector<16xi32>
      %parallel_loop3A_801 = vector.broadcast %add3A : i32 to vector<16xi32>
      %parallel_loop3A_802 = arith.cmpi eq, %parallel_loop3A_800, %parallel_loop3A_801 : vector<16xi32>
      %parallel_loop3A_803 = arith.constant 16 : i32
      %parallel_loop3A_804 = vector.broadcast %parallel_loop3A_803 : i32 to vector<16xi32>
      %parallel_loop3A_805 = arith.muli %parallel_loop3A_775, %parallel_loop3A_804 : vector<16xi32>
      %parallel_loop3A_806 = arith.addi %parallel_loop3A_805, %iota3A_33 : vector<16xi32>
      %parallel_loop3A_807 = arith.select %parallel_loop3A_797, %parallel_loop3A_806, %add3A_36 : vector<16xi1>, vector<16xi32>
      tpu.vector_store_idx %arg12[%parallel_loop3A_807], %parallel_loop3A_788 : memref<8208xi32, #tpu.memory_space<vmem>>[vector<16xi32>], vector<16xi32>,
      tpu.vector_store_idx %arg13[%parallel_loop3A_807], %parallel_loop3A_784 : memref<8208xf32, #tpu.memory_space<vmem>>[vector<16xi32>], vector<16xf32>,
      %parallel_loop3A_808 = arith.constant 16 : i32
      %parallel_loop3A_809 = vector.broadcast %parallel_loop3A_808 : i32 to vector<16xi32>
      %parallel_loop3A_810 = arith.muli %parallel_loop3A_776, %parallel_loop3A_809 : vector<16xi32>
      %parallel_loop3A_811 = arith.addi %parallel_loop3A_810, %iota3A_33 : vector<16xi32>
      %parallel_loop3A_812 = arith.select %parallel_loop3A_802, %parallel_loop3A_811, %add3A_36 : vector<16xi1>, vector<16xi32>
      tpu.vector_store_idx %arg14[%parallel_loop3A_812], %parallel_loop3A_792 : memref<8208xi32, #tpu.memory_space<vmem>>[vector<16xi32>], vector<16xi32>,
      tpu.vector_store_idx %arg15[%parallel_loop3A_812], %parallel_loop3A_784 : memref<8208xf32, #tpu.memory_space<vmem>>[vector<16xi32>], vector<16xf32>,
      %parallel_loop3A_813 = arith.constant 1 : i32
      %parallel_loop3A_814 = arith.constant 0 : i32
      %parallel_loop3A_815 = vector.broadcast %parallel_loop3A_813 : i32 to vector<16xi32>
      %parallel_loop3A_816 = vector.broadcast %parallel_loop3A_814 : i32 to vector<16xi32>
      %parallel_loop3A_817 = arith.select %parallel_loop3A_797, %parallel_loop3A_815, %parallel_loop3A_816 : vector<16xi1>, vector<16xi32>
      %parallel_loop3A_818 = arith.addi %parallel_loop3A_775, %parallel_loop3A_817 : vector<16xi32>
      %parallel_loop3A_819 = arith.constant 1 : i32
      %parallel_loop3A_820 = arith.constant 0 : i32
      %parallel_loop3A_821 = vector.broadcast %parallel_loop3A_819 : i32 to vector<16xi32>
      %parallel_loop3A_822 = vector.broadcast %parallel_loop3A_820 : i32 to vector<16xi32>
      %parallel_loop3A_823 = arith.select %parallel_loop3A_802, %parallel_loop3A_821, %parallel_loop3A_822 : vector<16xi1>, vector<16xi32>
      %parallel_loop3A_824 = arith.addi %parallel_loop3A_776, %parallel_loop3A_823 : vector<16xi32>
      scf.yield %parallel_loop3A_818, %parallel_loop3A_824 : vector<16xi32>, vector<16xi32>
    } {sc.loop_unroll_factor = 4 : i64, sc.parallel_access}
    %dma_wait3A_499 = arith.constant 10 : i32
    %dma_wait3A_500 = arith.constant 0 : i32
    %dma_wait3A_501 = tpu.memref_slice %arg2[%dma_wait3A_499, %dma_wait3A_500] : memref<16x8192xi32, #tpu.memory_space<hbm>> -> memref<1x8192xi32, #tpu.memory_space<hbm>>
    %dma_wait3A_502 = tpu.memref_squeeze %dma_wait3A_501 : memref<1x8192xi32, #tpu.memory_space<hbm>> -> memref<8192xi32, #tpu.memory_space<hbm>>
    %dma_wait3A_503 = arith.constant 0 : i32
    %dma_wait3A_504 = tpu.memref_slice %arg2[%dma_wait3A_499, %dma_wait3A_503] : memref<16x8192xi32, #tpu.memory_space<hbm>> -> memref<1x8192xi32, #tpu.memory_space<hbm>>
    %dma_wait3A_505 = tpu.memref_squeeze %dma_wait3A_504 : memref<1x8192xi32, #tpu.memory_space<hbm>> -> memref<8192xi32, #tpu.memory_space<hbm>>
    tpu.wait_dma2 semaphore(%arg20 : memref<!tpu.dma_semaphore, #tpu.memory_space<semaphore_mem>>) src(%dma_wait3A_505 : memref<8192xi32, #tpu.memory_space<hbm>>) dst(%arg6 : memref<8192xi32, #tpu.memory_space<vmem>>)
    %dma_wait3A_506 = arith.constant 10 : i32
    %dma_wait3A_507 = arith.constant 0 : i32
    %dma_wait3A_508 = tpu.memref_slice %arg3[%dma_wait3A_506, %dma_wait3A_507] : memref<16x8192xi32, #tpu.memory_space<hbm>> -> memref<1x8192xi32, #tpu.memory_space<hbm>>
    %dma_wait3A_509 = tpu.memref_squeeze %dma_wait3A_508 : memref<1x8192xi32, #tpu.memory_space<hbm>> -> memref<8192xi32, #tpu.memory_space<hbm>>
    %dma_wait3A_510 = arith.constant 0 : i32
    %dma_wait3A_511 = tpu.memref_slice %arg3[%dma_wait3A_506, %dma_wait3A_510] : memref<16x8192xi32, #tpu.memory_space<hbm>> -> memref<1x8192xi32, #tpu.memory_space<hbm>>
    %dma_wait3A_512 = tpu.memref_squeeze %dma_wait3A_511 : memref<1x8192xi32, #tpu.memory_space<hbm>> -> memref<8192xi32, #tpu.memory_space<hbm>>
    tpu.wait_dma2 semaphore(%arg22 : memref<!tpu.dma_semaphore, #tpu.memory_space<semaphore_mem>>) src(%dma_wait3A_512 : memref<8192xi32, #tpu.memory_space<hbm>>) dst(%arg8 : memref<8192xi32, #tpu.memory_space<vmem>>)
    %dma_wait3A_513 = arith.constant 10 : i32
    %dma_wait3A_514 = arith.constant 0 : i32
    %dma_wait3A_515 = tpu.memref_slice %arg4[%dma_wait3A_513, %dma_wait3A_514] : memref<16x8192xf32, #tpu.memory_space<hbm>> -> memref<1x8192xf32, #tpu.memory_space<hbm>>
    %dma_wait3A_516 = tpu.memref_squeeze %dma_wait3A_515 : memref<1x8192xf32, #tpu.memory_space<hbm>> -> memref<8192xf32, #tpu.memory_space<hbm>>
    %dma_wait3A_517 = arith.constant 0 : i32
    %dma_wait3A_518 = tpu.memref_slice %arg4[%dma_wait3A_513, %dma_wait3A_517] : memref<16x8192xf32, #tpu.memory_space<hbm>> -> memref<1x8192xf32, #tpu.memory_space<hbm>>
    %dma_wait3A_519 = tpu.memref_squeeze %dma_wait3A_518 : memref<1x8192xf32, #tpu.memory_space<hbm>> -> memref<8192xf32, #tpu.memory_space<hbm>>
    tpu.wait_dma2 semaphore(%arg24 : memref<!tpu.dma_semaphore, #tpu.memory_space<semaphore_mem>>) src(%dma_wait3A_519 : memref<8192xf32, #tpu.memory_space<hbm>>) dst(%arg10 : memref<8192xf32, #tpu.memory_space<vmem>>)
    %dma_start3A_520 = arith.constant 11 : i32
    %dma_start3A_521 = arith.constant 0 : i32
    %dma_start3A_522 = tpu.memref_slice %arg2[%dma_start3A_520, %dma_start3A_521] : memref<16x8192xi32, #tpu.memory_space<hbm>> -> memref<1x8192xi32, #tpu.memory_space<hbm>>
    %dma_start3A_523 = tpu.memref_squeeze %dma_start3A_522 : memref<1x8192xi32, #tpu.memory_space<hbm>> -> memref<8192xi32, #tpu.memory_space<hbm>>
    %dma_start3A_524 = arith.constant 0 : i32
    %dma_start3A_525 = tpu.memref_slice %arg2[%dma_start3A_520, %dma_start3A_524] : memref<16x8192xi32, #tpu.memory_space<hbm>> -> memref<1x8192xi32, #tpu.memory_space<hbm>>
    %dma_start3A_526 = tpu.memref_squeeze %dma_start3A_525 : memref<1x8192xi32, #tpu.memory_space<hbm>> -> memref<8192xi32, #tpu.memory_space<hbm>>
    tpu.enqueue_dma source(%dma_start3A_526 : memref<8192xi32, #tpu.memory_space<hbm>>) target(%arg7 : memref<8192xi32, #tpu.memory_space<vmem>>) target_semaphore(%arg21 : memref<!tpu.dma_semaphore, #tpu.memory_space<semaphore_mem>>)
    %dma_start3A_527 = arith.constant 11 : i32
    %dma_start3A_528 = arith.constant 0 : i32
    %dma_start3A_529 = tpu.memref_slice %arg3[%dma_start3A_527, %dma_start3A_528] : memref<16x8192xi32, #tpu.memory_space<hbm>> -> memref<1x8192xi32, #tpu.memory_space<hbm>>
    %dma_start3A_530 = tpu.memref_squeeze %dma_start3A_529 : memref<1x8192xi32, #tpu.memory_space<hbm>> -> memref<8192xi32, #tpu.memory_space<hbm>>
    %dma_start3A_531 = arith.constant 0 : i32
    %dma_start3A_532 = tpu.memref_slice %arg3[%dma_start3A_527, %dma_start3A_531] : memref<16x8192xi32, #tpu.memory_space<hbm>> -> memref<1x8192xi32, #tpu.memory_space<hbm>>
    %dma_start3A_533 = tpu.memref_squeeze %dma_start3A_532 : memref<1x8192xi32, #tpu.memory_space<hbm>> -> memref<8192xi32, #tpu.memory_space<hbm>>
    tpu.enqueue_dma source(%dma_start3A_533 : memref<8192xi32, #tpu.memory_space<hbm>>) target(%arg9 : memref<8192xi32, #tpu.memory_space<vmem>>) target_semaphore(%arg23 : memref<!tpu.dma_semaphore, #tpu.memory_space<semaphore_mem>>)
    %dma_start3A_534 = arith.constant 11 : i32
    %dma_start3A_535 = arith.constant 0 : i32
    %dma_start3A_536 = tpu.memref_slice %arg4[%dma_start3A_534, %dma_start3A_535] : memref<16x8192xf32, #tpu.memory_space<hbm>> -> memref<1x8192xf32, #tpu.memory_space<hbm>>
    %dma_start3A_537 = tpu.memref_squeeze %dma_start3A_536 : memref<1x8192xf32, #tpu.memory_space<hbm>> -> memref<8192xf32, #tpu.memory_space<hbm>>
    %dma_start3A_538 = arith.constant 0 : i32
    %dma_start3A_539 = tpu.memref_slice %arg4[%dma_start3A_534, %dma_start3A_538] : memref<16x8192xf32, #tpu.memory_space<hbm>> -> memref<1x8192xf32, #tpu.memory_space<hbm>>
    %dma_start3A_540 = tpu.memref_squeeze %dma_start3A_539 : memref<1x8192xf32, #tpu.memory_space<hbm>> -> memref<8192xf32, #tpu.memory_space<hbm>>
    tpu.enqueue_dma source(%dma_start3A_540 : memref<8192xf32, #tpu.memory_space<hbm>>) target(%arg11 : memref<8192xf32, #tpu.memory_space<vmem>>) target_semaphore(%arg25 : memref<!tpu.dma_semaphore, #tpu.memory_space<semaphore_mem>>)
    %parallel_loop3A_541 = arith.constant 0 : i32
    %parallel_loop3A_542 = arith.constant 512 : i32
    %parallel_loop3A_543 = arith.constant 1 : i32
    %parallel_loop3A_544:2 = scf.for %parallel_loop3A_774 = %parallel_loop3A_541 to %parallel_loop3A_542 step %parallel_loop3A_543 iter_args(%parallel_loop3A_775 = %parallel_loop3A_498#0, %parallel_loop3A_776 = %parallel_loop3A_498#1) -> (vector<16xi32>, vector<16xi32>)  : i32 {
      %parallel_loop3A_777 = arith.constant 16 : i32
      %parallel_loop3A_778 = arith.muli %parallel_loop3A_774, %parallel_loop3A_777 : i32
      %parallel_loop3A_779 = arith.index_cast %parallel_loop3A_778 : i32 to index
      %parallel_loop3A_780 = tpu.vector_load %arg6[%parallel_loop3A_779] {strides = array<i32>} : memref<8192xi32, #tpu.memory_space<vmem>>, vector<16xi32>,
      %parallel_loop3A_781 = arith.index_cast %parallel_loop3A_778 : i32 to index
      %parallel_loop3A_782 = tpu.vector_load %arg8[%parallel_loop3A_781] {strides = array<i32>} : memref<8192xi32, #tpu.memory_space<vmem>>, vector<16xi32>,
      %parallel_loop3A_783 = arith.index_cast %parallel_loop3A_778 : i32 to index
      %parallel_loop3A_784 = tpu.vector_load %arg10[%parallel_loop3A_783] {strides = array<i32>} : memref<8192xf32, #tpu.memory_space<vmem>>, vector<16xf32>,
      %parallel_loop3A_785 = arith.constant 4096 : i32
      %parallel_loop3A_786 = vector.broadcast %parallel_loop3A_785 : i32 to vector<16xi32>
      %parallel_loop3A_787 = arith.muli %parallel_loop3A_780, %parallel_loop3A_786 : vector<16xi32>
      %parallel_loop3A_788 = arith.addi %parallel_loop3A_787, %parallel_loop3A_782 : vector<16xi32>
      %parallel_loop3A_789 = arith.constant 4096 : i32
      %parallel_loop3A_790 = vector.broadcast %parallel_loop3A_789 : i32 to vector<16xi32>
      %parallel_loop3A_791 = arith.muli %parallel_loop3A_782, %parallel_loop3A_790 : vector<16xi32>
      %parallel_loop3A_792 = arith.addi %parallel_loop3A_791, %parallel_loop3A_780 : vector<16xi32>
      %parallel_loop3A_793 = arith.constant 19 : i32
      %parallel_loop3A_794 = vector.broadcast %parallel_loop3A_793 : i32 to vector<16xi32>
      %parallel_loop3A_795 = arith.shrui %parallel_loop3A_788, %parallel_loop3A_794 : vector<16xi32>
      %parallel_loop3A_796 = vector.broadcast %add3A : i32 to vector<16xi32>
      %parallel_loop3A_797 = arith.cmpi eq, %parallel_loop3A_795, %parallel_loop3A_796 : vector<16xi32>
      %parallel_loop3A_798 = arith.constant 19 : i32
      %parallel_loop3A_799 = vector.broadcast %parallel_loop3A_798 : i32 to vector<16xi32>
      %parallel_loop3A_800 = arith.shrui %parallel_loop3A_792, %parallel_loop3A_799 : vector<16xi32>
      %parallel_loop3A_801 = vector.broadcast %add3A : i32 to vector<16xi32>
      %parallel_loop3A_802 = arith.cmpi eq, %parallel_loop3A_800, %parallel_loop3A_801 : vector<16xi32>
      %parallel_loop3A_803 = arith.constant 16 : i32
      %parallel_loop3A_804 = vector.broadcast %parallel_loop3A_803 : i32 to vector<16xi32>
      %parallel_loop3A_805 = arith.muli %parallel_loop3A_775, %parallel_loop3A_804 : vector<16xi32>
      %parallel_loop3A_806 = arith.addi %parallel_loop3A_805, %iota3A_33 : vector<16xi32>
      %parallel_loop3A_807 = arith.select %parallel_loop3A_797, %parallel_loop3A_806, %add3A_36 : vector<16xi1>, vector<16xi32>
      tpu.vector_store_idx %arg12[%parallel_loop3A_807], %parallel_loop3A_788 : memref<8208xi32, #tpu.memory_space<vmem>>[vector<16xi32>], vector<16xi32>,
      tpu.vector_store_idx %arg13[%parallel_loop3A_807], %parallel_loop3A_784 : memref<8208xf32, #tpu.memory_space<vmem>>[vector<16xi32>], vector<16xf32>,
      %parallel_loop3A_808 = arith.constant 16 : i32
      %parallel_loop3A_809 = vector.broadcast %parallel_loop3A_808 : i32 to vector<16xi32>
      %parallel_loop3A_810 = arith.muli %parallel_loop3A_776, %parallel_loop3A_809 : vector<16xi32>
      %parallel_loop3A_811 = arith.addi %parallel_loop3A_810, %iota3A_33 : vector<16xi32>
      %parallel_loop3A_812 = arith.select %parallel_loop3A_802, %parallel_loop3A_811, %add3A_36 : vector<16xi1>, vector<16xi32>
      tpu.vector_store_idx %arg14[%parallel_loop3A_812], %parallel_loop3A_792 : memref<8208xi32, #tpu.memory_space<vmem>>[vector<16xi32>], vector<16xi32>,
      tpu.vector_store_idx %arg15[%parallel_loop3A_812], %parallel_loop3A_784 : memref<8208xf32, #tpu.memory_space<vmem>>[vector<16xi32>], vector<16xf32>,
      %parallel_loop3A_813 = arith.constant 1 : i32
      %parallel_loop3A_814 = arith.constant 0 : i32
      %parallel_loop3A_815 = vector.broadcast %parallel_loop3A_813 : i32 to vector<16xi32>
      %parallel_loop3A_816 = vector.broadcast %parallel_loop3A_814 : i32 to vector<16xi32>
      %parallel_loop3A_817 = arith.select %parallel_loop3A_797, %parallel_loop3A_815, %parallel_loop3A_816 : vector<16xi1>, vector<16xi32>
      %parallel_loop3A_818 = arith.addi %parallel_loop3A_775, %parallel_loop3A_817 : vector<16xi32>
      %parallel_loop3A_819 = arith.constant 1 : i32
      %parallel_loop3A_820 = arith.constant 0 : i32
      %parallel_loop3A_821 = vector.broadcast %parallel_loop3A_819 : i32 to vector<16xi32>
      %parallel_loop3A_822 = vector.broadcast %parallel_loop3A_820 : i32 to vector<16xi32>
      %parallel_loop3A_823 = arith.select %parallel_loop3A_802, %parallel_loop3A_821, %parallel_loop3A_822 : vector<16xi1>, vector<16xi32>
      %parallel_loop3A_824 = arith.addi %parallel_loop3A_776, %parallel_loop3A_823 : vector<16xi32>
      scf.yield %parallel_loop3A_818, %parallel_loop3A_824 : vector<16xi32>, vector<16xi32>
    } {sc.loop_unroll_factor = 4 : i64, sc.parallel_access}
    %dma_wait3A_545 = arith.constant 11 : i32
    %dma_wait3A_546 = arith.constant 0 : i32
    %dma_wait3A_547 = tpu.memref_slice %arg2[%dma_wait3A_545, %dma_wait3A_546] : memref<16x8192xi32, #tpu.memory_space<hbm>> -> memref<1x8192xi32, #tpu.memory_space<hbm>>
    %dma_wait3A_548 = tpu.memref_squeeze %dma_wait3A_547 : memref<1x8192xi32, #tpu.memory_space<hbm>> -> memref<8192xi32, #tpu.memory_space<hbm>>
    %dma_wait3A_549 = arith.constant 0 : i32
    %dma_wait3A_550 = tpu.memref_slice %arg2[%dma_wait3A_545, %dma_wait3A_549] : memref<16x8192xi32, #tpu.memory_space<hbm>> -> memref<1x8192xi32, #tpu.memory_space<hbm>>
    %dma_wait3A_551 = tpu.memref_squeeze %dma_wait3A_550 : memref<1x8192xi32, #tpu.memory_space<hbm>> -> memref<8192xi32, #tpu.memory_space<hbm>>
    tpu.wait_dma2 semaphore(%arg21 : memref<!tpu.dma_semaphore, #tpu.memory_space<semaphore_mem>>) src(%dma_wait3A_551 : memref<8192xi32, #tpu.memory_space<hbm>>) dst(%arg7 : memref<8192xi32, #tpu.memory_space<vmem>>)
    %dma_wait3A_552 = arith.constant 11 : i32
    %dma_wait3A_553 = arith.constant 0 : i32
    %dma_wait3A_554 = tpu.memref_slice %arg3[%dma_wait3A_552, %dma_wait3A_553] : memref<16x8192xi32, #tpu.memory_space<hbm>> -> memref<1x8192xi32, #tpu.memory_space<hbm>>
    %dma_wait3A_555 = tpu.memref_squeeze %dma_wait3A_554 : memref<1x8192xi32, #tpu.memory_space<hbm>> -> memref<8192xi32, #tpu.memory_space<hbm>>
    %dma_wait3A_556 = arith.constant 0 : i32
    %dma_wait3A_557 = tpu.memref_slice %arg3[%dma_wait3A_552, %dma_wait3A_556] : memref<16x8192xi32, #tpu.memory_space<hbm>> -> memref<1x8192xi32, #tpu.memory_space<hbm>>
    %dma_wait3A_558 = tpu.memref_squeeze %dma_wait3A_557 : memref<1x8192xi32, #tpu.memory_space<hbm>> -> memref<8192xi32, #tpu.memory_space<hbm>>
    tpu.wait_dma2 semaphore(%arg23 : memref<!tpu.dma_semaphore, #tpu.memory_space<semaphore_mem>>) src(%dma_wait3A_558 : memref<8192xi32, #tpu.memory_space<hbm>>) dst(%arg9 : memref<8192xi32, #tpu.memory_space<vmem>>)
    %dma_wait3A_559 = arith.constant 11 : i32
    %dma_wait3A_560 = arith.constant 0 : i32
    %dma_wait3A_561 = tpu.memref_slice %arg4[%dma_wait3A_559, %dma_wait3A_560] : memref<16x8192xf32, #tpu.memory_space<hbm>> -> memref<1x8192xf32, #tpu.memory_space<hbm>>
    %dma_wait3A_562 = tpu.memref_squeeze %dma_wait3A_561 : memref<1x8192xf32, #tpu.memory_space<hbm>> -> memref<8192xf32, #tpu.memory_space<hbm>>
    %dma_wait3A_563 = arith.constant 0 : i32
    %dma_wait3A_564 = tpu.memref_slice %arg4[%dma_wait3A_559, %dma_wait3A_563] : memref<16x8192xf32, #tpu.memory_space<hbm>> -> memref<1x8192xf32, #tpu.memory_space<hbm>>
    %dma_wait3A_565 = tpu.memref_squeeze %dma_wait3A_564 : memref<1x8192xf32, #tpu.memory_space<hbm>> -> memref<8192xf32, #tpu.memory_space<hbm>>
    tpu.wait_dma2 semaphore(%arg25 : memref<!tpu.dma_semaphore, #tpu.memory_space<semaphore_mem>>) src(%dma_wait3A_565 : memref<8192xf32, #tpu.memory_space<hbm>>) dst(%arg11 : memref<8192xf32, #tpu.memory_space<vmem>>)
    %dma_start3A_566 = arith.constant 12 : i32
    %dma_start3A_567 = arith.constant 0 : i32
    %dma_start3A_568 = tpu.memref_slice %arg2[%dma_start3A_566, %dma_start3A_567] : memref<16x8192xi32, #tpu.memory_space<hbm>> -> memref<1x8192xi32, #tpu.memory_space<hbm>>
    %dma_start3A_569 = tpu.memref_squeeze %dma_start3A_568 : memref<1x8192xi32, #tpu.memory_space<hbm>> -> memref<8192xi32, #tpu.memory_space<hbm>>
    %dma_start3A_570 = arith.constant 0 : i32
    %dma_start3A_571 = tpu.memref_slice %arg2[%dma_start3A_566, %dma_start3A_570] : memref<16x8192xi32, #tpu.memory_space<hbm>> -> memref<1x8192xi32, #tpu.memory_space<hbm>>
    %dma_start3A_572 = tpu.memref_squeeze %dma_start3A_571 : memref<1x8192xi32, #tpu.memory_space<hbm>> -> memref<8192xi32, #tpu.memory_space<hbm>>
    tpu.enqueue_dma source(%dma_start3A_572 : memref<8192xi32, #tpu.memory_space<hbm>>) target(%arg6 : memref<8192xi32, #tpu.memory_space<vmem>>) target_semaphore(%arg20 : memref<!tpu.dma_semaphore, #tpu.memory_space<semaphore_mem>>)
    %dma_start3A_573 = arith.constant 12 : i32
    %dma_start3A_574 = arith.constant 0 : i32
    %dma_start3A_575 = tpu.memref_slice %arg3[%dma_start3A_573, %dma_start3A_574] : memref<16x8192xi32, #tpu.memory_space<hbm>> -> memref<1x8192xi32, #tpu.memory_space<hbm>>
    %dma_start3A_576 = tpu.memref_squeeze %dma_start3A_575 : memref<1x8192xi32, #tpu.memory_space<hbm>> -> memref<8192xi32, #tpu.memory_space<hbm>>
    %dma_start3A_577 = arith.constant 0 : i32
    %dma_start3A_578 = tpu.memref_slice %arg3[%dma_start3A_573, %dma_start3A_577] : memref<16x8192xi32, #tpu.memory_space<hbm>> -> memref<1x8192xi32, #tpu.memory_space<hbm>>
    %dma_start3A_579 = tpu.memref_squeeze %dma_start3A_578 : memref<1x8192xi32, #tpu.memory_space<hbm>> -> memref<8192xi32, #tpu.memory_space<hbm>>
    tpu.enqueue_dma source(%dma_start3A_579 : memref<8192xi32, #tpu.memory_space<hbm>>) target(%arg8 : memref<8192xi32, #tpu.memory_space<vmem>>) target_semaphore(%arg22 : memref<!tpu.dma_semaphore, #tpu.memory_space<semaphore_mem>>)
    %dma_start3A_580 = arith.constant 12 : i32
    %dma_start3A_581 = arith.constant 0 : i32
    %dma_start3A_582 = tpu.memref_slice %arg4[%dma_start3A_580, %dma_start3A_581] : memref<16x8192xf32, #tpu.memory_space<hbm>> -> memref<1x8192xf32, #tpu.memory_space<hbm>>
    %dma_start3A_583 = tpu.memref_squeeze %dma_start3A_582 : memref<1x8192xf32, #tpu.memory_space<hbm>> -> memref<8192xf32, #tpu.memory_space<hbm>>
    %dma_start3A_584 = arith.constant 0 : i32
    %dma_start3A_585 = tpu.memref_slice %arg4[%dma_start3A_580, %dma_start3A_584] : memref<16x8192xf32, #tpu.memory_space<hbm>> -> memref<1x8192xf32, #tpu.memory_space<hbm>>
    %dma_start3A_586 = tpu.memref_squeeze %dma_start3A_585 : memref<1x8192xf32, #tpu.memory_space<hbm>> -> memref<8192xf32, #tpu.memory_space<hbm>>
    tpu.enqueue_dma source(%dma_start3A_586 : memref<8192xf32, #tpu.memory_space<hbm>>) target(%arg10 : memref<8192xf32, #tpu.memory_space<vmem>>) target_semaphore(%arg24 : memref<!tpu.dma_semaphore, #tpu.memory_space<semaphore_mem>>)
    %parallel_loop3A_587 = arith.constant 0 : i32
    %parallel_loop3A_588 = arith.constant 512 : i32
    %parallel_loop3A_589 = arith.constant 1 : i32
    %parallel_loop3A_590:2 = scf.for %parallel_loop3A_774 = %parallel_loop3A_587 to %parallel_loop3A_588 step %parallel_loop3A_589 iter_args(%parallel_loop3A_775 = %parallel_loop3A_544#0, %parallel_loop3A_776 = %parallel_loop3A_544#1) -> (vector<16xi32>, vector<16xi32>)  : i32 {
      %parallel_loop3A_777 = arith.constant 16 : i32
      %parallel_loop3A_778 = arith.muli %parallel_loop3A_774, %parallel_loop3A_777 : i32
      %parallel_loop3A_779 = arith.index_cast %parallel_loop3A_778 : i32 to index
      %parallel_loop3A_780 = tpu.vector_load %arg7[%parallel_loop3A_779] {strides = array<i32>} : memref<8192xi32, #tpu.memory_space<vmem>>, vector<16xi32>,
      %parallel_loop3A_781 = arith.index_cast %parallel_loop3A_778 : i32 to index
      %parallel_loop3A_782 = tpu.vector_load %arg9[%parallel_loop3A_781] {strides = array<i32>} : memref<8192xi32, #tpu.memory_space<vmem>>, vector<16xi32>,
      %parallel_loop3A_783 = arith.index_cast %parallel_loop3A_778 : i32 to index
      %parallel_loop3A_784 = tpu.vector_load %arg11[%parallel_loop3A_783] {strides = array<i32>} : memref<8192xf32, #tpu.memory_space<vmem>>, vector<16xf32>,
      %parallel_loop3A_785 = arith.constant 4096 : i32
      %parallel_loop3A_786 = vector.broadcast %parallel_loop3A_785 : i32 to vector<16xi32>
      %parallel_loop3A_787 = arith.muli %parallel_loop3A_780, %parallel_loop3A_786 : vector<16xi32>
      %parallel_loop3A_788 = arith.addi %parallel_loop3A_787, %parallel_loop3A_782 : vector<16xi32>
      %parallel_loop3A_789 = arith.constant 4096 : i32
      %parallel_loop3A_790 = vector.broadcast %parallel_loop3A_789 : i32 to vector<16xi32>
      %parallel_loop3A_791 = arith.muli %parallel_loop3A_782, %parallel_loop3A_790 : vector<16xi32>
      %parallel_loop3A_792 = arith.addi %parallel_loop3A_791, %parallel_loop3A_780 : vector<16xi32>
      %parallel_loop3A_793 = arith.constant 19 : i32
      %parallel_loop3A_794 = vector.broadcast %parallel_loop3A_793 : i32 to vector<16xi32>
      %parallel_loop3A_795 = arith.shrui %parallel_loop3A_788, %parallel_loop3A_794 : vector<16xi32>
      %parallel_loop3A_796 = vector.broadcast %add3A : i32 to vector<16xi32>
      %parallel_loop3A_797 = arith.cmpi eq, %parallel_loop3A_795, %parallel_loop3A_796 : vector<16xi32>
      %parallel_loop3A_798 = arith.constant 19 : i32
      %parallel_loop3A_799 = vector.broadcast %parallel_loop3A_798 : i32 to vector<16xi32>
      %parallel_loop3A_800 = arith.shrui %parallel_loop3A_792, %parallel_loop3A_799 : vector<16xi32>
      %parallel_loop3A_801 = vector.broadcast %add3A : i32 to vector<16xi32>
      %parallel_loop3A_802 = arith.cmpi eq, %parallel_loop3A_800, %parallel_loop3A_801 : vector<16xi32>
      %parallel_loop3A_803 = arith.constant 16 : i32
      %parallel_loop3A_804 = vector.broadcast %parallel_loop3A_803 : i32 to vector<16xi32>
      %parallel_loop3A_805 = arith.muli %parallel_loop3A_775, %parallel_loop3A_804 : vector<16xi32>
      %parallel_loop3A_806 = arith.addi %parallel_loop3A_805, %iota3A_33 : vector<16xi32>
      %parallel_loop3A_807 = arith.select %parallel_loop3A_797, %parallel_loop3A_806, %add3A_36 : vector<16xi1>, vector<16xi32>
      tpu.vector_store_idx %arg12[%parallel_loop3A_807], %parallel_loop3A_788 : memref<8208xi32, #tpu.memory_space<vmem>>[vector<16xi32>], vector<16xi32>,
      tpu.vector_store_idx %arg13[%parallel_loop3A_807], %parallel_loop3A_784 : memref<8208xf32, #tpu.memory_space<vmem>>[vector<16xi32>], vector<16xf32>,
      %parallel_loop3A_808 = arith.constant 16 : i32
      %parallel_loop3A_809 = vector.broadcast %parallel_loop3A_808 : i32 to vector<16xi32>
      %parallel_loop3A_810 = arith.muli %parallel_loop3A_776, %parallel_loop3A_809 : vector<16xi32>
      %parallel_loop3A_811 = arith.addi %parallel_loop3A_810, %iota3A_33 : vector<16xi32>
      %parallel_loop3A_812 = arith.select %parallel_loop3A_802, %parallel_loop3A_811, %add3A_36 : vector<16xi1>, vector<16xi32>
      tpu.vector_store_idx %arg14[%parallel_loop3A_812], %parallel_loop3A_792 : memref<8208xi32, #tpu.memory_space<vmem>>[vector<16xi32>], vector<16xi32>,
      tpu.vector_store_idx %arg15[%parallel_loop3A_812], %parallel_loop3A_784 : memref<8208xf32, #tpu.memory_space<vmem>>[vector<16xi32>], vector<16xf32>,
      %parallel_loop3A_813 = arith.constant 1 : i32
      %parallel_loop3A_814 = arith.constant 0 : i32
      %parallel_loop3A_815 = vector.broadcast %parallel_loop3A_813 : i32 to vector<16xi32>
      %parallel_loop3A_816 = vector.broadcast %parallel_loop3A_814 : i32 to vector<16xi32>
      %parallel_loop3A_817 = arith.select %parallel_loop3A_797, %parallel_loop3A_815, %parallel_loop3A_816 : vector<16xi1>, vector<16xi32>
      %parallel_loop3A_818 = arith.addi %parallel_loop3A_775, %parallel_loop3A_817 : vector<16xi32>
      %parallel_loop3A_819 = arith.constant 1 : i32
      %parallel_loop3A_820 = arith.constant 0 : i32
      %parallel_loop3A_821 = vector.broadcast %parallel_loop3A_819 : i32 to vector<16xi32>
      %parallel_loop3A_822 = vector.broadcast %parallel_loop3A_820 : i32 to vector<16xi32>
      %parallel_loop3A_823 = arith.select %parallel_loop3A_802, %parallel_loop3A_821, %parallel_loop3A_822 : vector<16xi1>, vector<16xi32>
      %parallel_loop3A_824 = arith.addi %parallel_loop3A_776, %parallel_loop3A_823 : vector<16xi32>
      scf.yield %parallel_loop3A_818, %parallel_loop3A_824 : vector<16xi32>, vector<16xi32>
    } {sc.loop_unroll_factor = 4 : i64, sc.parallel_access}
    %dma_wait3A_591 = arith.constant 12 : i32
    %dma_wait3A_592 = arith.constant 0 : i32
    %dma_wait3A_593 = tpu.memref_slice %arg2[%dma_wait3A_591, %dma_wait3A_592] : memref<16x8192xi32, #tpu.memory_space<hbm>> -> memref<1x8192xi32, #tpu.memory_space<hbm>>
    %dma_wait3A_594 = tpu.memref_squeeze %dma_wait3A_593 : memref<1x8192xi32, #tpu.memory_space<hbm>> -> memref<8192xi32, #tpu.memory_space<hbm>>
    %dma_wait3A_595 = arith.constant 0 : i32
    %dma_wait3A_596 = tpu.memref_slice %arg2[%dma_wait3A_591, %dma_wait3A_595] : memref<16x8192xi32, #tpu.memory_space<hbm>> -> memref<1x8192xi32, #tpu.memory_space<hbm>>
    %dma_wait3A_597 = tpu.memref_squeeze %dma_wait3A_596 : memref<1x8192xi32, #tpu.memory_space<hbm>> -> memref<8192xi32, #tpu.memory_space<hbm>>
    tpu.wait_dma2 semaphore(%arg20 : memref<!tpu.dma_semaphore, #tpu.memory_space<semaphore_mem>>) src(%dma_wait3A_597 : memref<8192xi32, #tpu.memory_space<hbm>>) dst(%arg6 : memref<8192xi32, #tpu.memory_space<vmem>>)
    %dma_wait3A_598 = arith.constant 12 : i32
    %dma_wait3A_599 = arith.constant 0 : i32
    %dma_wait3A_600 = tpu.memref_slice %arg3[%dma_wait3A_598, %dma_wait3A_599] : memref<16x8192xi32, #tpu.memory_space<hbm>> -> memref<1x8192xi32, #tpu.memory_space<hbm>>
    %dma_wait3A_601 = tpu.memref_squeeze %dma_wait3A_600 : memref<1x8192xi32, #tpu.memory_space<hbm>> -> memref<8192xi32, #tpu.memory_space<hbm>>
    %dma_wait3A_602 = arith.constant 0 : i32
    %dma_wait3A_603 = tpu.memref_slice %arg3[%dma_wait3A_598, %dma_wait3A_602] : memref<16x8192xi32, #tpu.memory_space<hbm>> -> memref<1x8192xi32, #tpu.memory_space<hbm>>
    %dma_wait3A_604 = tpu.memref_squeeze %dma_wait3A_603 : memref<1x8192xi32, #tpu.memory_space<hbm>> -> memref<8192xi32, #tpu.memory_space<hbm>>
    tpu.wait_dma2 semaphore(%arg22 : memref<!tpu.dma_semaphore, #tpu.memory_space<semaphore_mem>>) src(%dma_wait3A_604 : memref<8192xi32, #tpu.memory_space<hbm>>) dst(%arg8 : memref<8192xi32, #tpu.memory_space<vmem>>)
    %dma_wait3A_605 = arith.constant 12 : i32
    %dma_wait3A_606 = arith.constant 0 : i32
    %dma_wait3A_607 = tpu.memref_slice %arg4[%dma_wait3A_605, %dma_wait3A_606] : memref<16x8192xf32, #tpu.memory_space<hbm>> -> memref<1x8192xf32, #tpu.memory_space<hbm>>
    %dma_wait3A_608 = tpu.memref_squeeze %dma_wait3A_607 : memref<1x8192xf32, #tpu.memory_space<hbm>> -> memref<8192xf32, #tpu.memory_space<hbm>>
    %dma_wait3A_609 = arith.constant 0 : i32
    %dma_wait3A_610 = tpu.memref_slice %arg4[%dma_wait3A_605, %dma_wait3A_609] : memref<16x8192xf32, #tpu.memory_space<hbm>> -> memref<1x8192xf32, #tpu.memory_space<hbm>>
    %dma_wait3A_611 = tpu.memref_squeeze %dma_wait3A_610 : memref<1x8192xf32, #tpu.memory_space<hbm>> -> memref<8192xf32, #tpu.memory_space<hbm>>
    tpu.wait_dma2 semaphore(%arg24 : memref<!tpu.dma_semaphore, #tpu.memory_space<semaphore_mem>>) src(%dma_wait3A_611 : memref<8192xf32, #tpu.memory_space<hbm>>) dst(%arg10 : memref<8192xf32, #tpu.memory_space<vmem>>)
    %dma_start3A_612 = arith.constant 13 : i32
    %dma_start3A_613 = arith.constant 0 : i32
    %dma_start3A_614 = tpu.memref_slice %arg2[%dma_start3A_612, %dma_start3A_613] : memref<16x8192xi32, #tpu.memory_space<hbm>> -> memref<1x8192xi32, #tpu.memory_space<hbm>>
    %dma_start3A_615 = tpu.memref_squeeze %dma_start3A_614 : memref<1x8192xi32, #tpu.memory_space<hbm>> -> memref<8192xi32, #tpu.memory_space<hbm>>
    %dma_start3A_616 = arith.constant 0 : i32
    %dma_start3A_617 = tpu.memref_slice %arg2[%dma_start3A_612, %dma_start3A_616] : memref<16x8192xi32, #tpu.memory_space<hbm>> -> memref<1x8192xi32, #tpu.memory_space<hbm>>
    %dma_start3A_618 = tpu.memref_squeeze %dma_start3A_617 : memref<1x8192xi32, #tpu.memory_space<hbm>> -> memref<8192xi32, #tpu.memory_space<hbm>>
    tpu.enqueue_dma source(%dma_start3A_618 : memref<8192xi32, #tpu.memory_space<hbm>>) target(%arg7 : memref<8192xi32, #tpu.memory_space<vmem>>) target_semaphore(%arg21 : memref<!tpu.dma_semaphore, #tpu.memory_space<semaphore_mem>>)
    %dma_start3A_619 = arith.constant 13 : i32
    %dma_start3A_620 = arith.constant 0 : i32
    %dma_start3A_621 = tpu.memref_slice %arg3[%dma_start3A_619, %dma_start3A_620] : memref<16x8192xi32, #tpu.memory_space<hbm>> -> memref<1x8192xi32, #tpu.memory_space<hbm>>
    %dma_start3A_622 = tpu.memref_squeeze %dma_start3A_621 : memref<1x8192xi32, #tpu.memory_space<hbm>> -> memref<8192xi32, #tpu.memory_space<hbm>>
    %dma_start3A_623 = arith.constant 0 : i32
    %dma_start3A_624 = tpu.memref_slice %arg3[%dma_start3A_619, %dma_start3A_623] : memref<16x8192xi32, #tpu.memory_space<hbm>> -> memref<1x8192xi32, #tpu.memory_space<hbm>>
    %dma_start3A_625 = tpu.memref_squeeze %dma_start3A_624 : memref<1x8192xi32, #tpu.memory_space<hbm>> -> memref<8192xi32, #tpu.memory_space<hbm>>
    tpu.enqueue_dma source(%dma_start3A_625 : memref<8192xi32, #tpu.memory_space<hbm>>) target(%arg9 : memref<8192xi32, #tpu.memory_space<vmem>>) target_semaphore(%arg23 : memref<!tpu.dma_semaphore, #tpu.memory_space<semaphore_mem>>)
    %dma_start3A_626 = arith.constant 13 : i32
    %dma_start3A_627 = arith.constant 0 : i32
    %dma_start3A_628 = tpu.memref_slice %arg4[%dma_start3A_626, %dma_start3A_627] : memref<16x8192xf32, #tpu.memory_space<hbm>> -> memref<1x8192xf32, #tpu.memory_space<hbm>>
    %dma_start3A_629 = tpu.memref_squeeze %dma_start3A_628 : memref<1x8192xf32, #tpu.memory_space<hbm>> -> memref<8192xf32, #tpu.memory_space<hbm>>
    %dma_start3A_630 = arith.constant 0 : i32
    %dma_start3A_631 = tpu.memref_slice %arg4[%dma_start3A_626, %dma_start3A_630] : memref<16x8192xf32, #tpu.memory_space<hbm>> -> memref<1x8192xf32, #tpu.memory_space<hbm>>
    %dma_start3A_632 = tpu.memref_squeeze %dma_start3A_631 : memref<1x8192xf32, #tpu.memory_space<hbm>> -> memref<8192xf32, #tpu.memory_space<hbm>>
    tpu.enqueue_dma source(%dma_start3A_632 : memref<8192xf32, #tpu.memory_space<hbm>>) target(%arg11 : memref<8192xf32, #tpu.memory_space<vmem>>) target_semaphore(%arg25 : memref<!tpu.dma_semaphore, #tpu.memory_space<semaphore_mem>>)
    %parallel_loop3A_633 = arith.constant 0 : i32
    %parallel_loop3A_634 = arith.constant 512 : i32
    %parallel_loop3A_635 = arith.constant 1 : i32
    %parallel_loop3A_636:2 = scf.for %parallel_loop3A_774 = %parallel_loop3A_633 to %parallel_loop3A_634 step %parallel_loop3A_635 iter_args(%parallel_loop3A_775 = %parallel_loop3A_590#0, %parallel_loop3A_776 = %parallel_loop3A_590#1) -> (vector<16xi32>, vector<16xi32>)  : i32 {
      %parallel_loop3A_777 = arith.constant 16 : i32
      %parallel_loop3A_778 = arith.muli %parallel_loop3A_774, %parallel_loop3A_777 : i32
      %parallel_loop3A_779 = arith.index_cast %parallel_loop3A_778 : i32 to index
      %parallel_loop3A_780 = tpu.vector_load %arg6[%parallel_loop3A_779] {strides = array<i32>} : memref<8192xi32, #tpu.memory_space<vmem>>, vector<16xi32>,
      %parallel_loop3A_781 = arith.index_cast %parallel_loop3A_778 : i32 to index
      %parallel_loop3A_782 = tpu.vector_load %arg8[%parallel_loop3A_781] {strides = array<i32>} : memref<8192xi32, #tpu.memory_space<vmem>>, vector<16xi32>,
      %parallel_loop3A_783 = arith.index_cast %parallel_loop3A_778 : i32 to index
      %parallel_loop3A_784 = tpu.vector_load %arg10[%parallel_loop3A_783] {strides = array<i32>} : memref<8192xf32, #tpu.memory_space<vmem>>, vector<16xf32>,
      %parallel_loop3A_785 = arith.constant 4096 : i32
      %parallel_loop3A_786 = vector.broadcast %parallel_loop3A_785 : i32 to vector<16xi32>
      %parallel_loop3A_787 = arith.muli %parallel_loop3A_780, %parallel_loop3A_786 : vector<16xi32>
      %parallel_loop3A_788 = arith.addi %parallel_loop3A_787, %parallel_loop3A_782 : vector<16xi32>
      %parallel_loop3A_789 = arith.constant 4096 : i32
      %parallel_loop3A_790 = vector.broadcast %parallel_loop3A_789 : i32 to vector<16xi32>
      %parallel_loop3A_791 = arith.muli %parallel_loop3A_782, %parallel_loop3A_790 : vector<16xi32>
      %parallel_loop3A_792 = arith.addi %parallel_loop3A_791, %parallel_loop3A_780 : vector<16xi32>
      %parallel_loop3A_793 = arith.constant 19 : i32
      %parallel_loop3A_794 = vector.broadcast %parallel_loop3A_793 : i32 to vector<16xi32>
      %parallel_loop3A_795 = arith.shrui %parallel_loop3A_788, %parallel_loop3A_794 : vector<16xi32>
      %parallel_loop3A_796 = vector.broadcast %add3A : i32 to vector<16xi32>
      %parallel_loop3A_797 = arith.cmpi eq, %parallel_loop3A_795, %parallel_loop3A_796 : vector<16xi32>
      %parallel_loop3A_798 = arith.constant 19 : i32
      %parallel_loop3A_799 = vector.broadcast %parallel_loop3A_798 : i32 to vector<16xi32>
      %parallel_loop3A_800 = arith.shrui %parallel_loop3A_792, %parallel_loop3A_799 : vector<16xi32>
      %parallel_loop3A_801 = vector.broadcast %add3A : i32 to vector<16xi32>
      %parallel_loop3A_802 = arith.cmpi eq, %parallel_loop3A_800, %parallel_loop3A_801 : vector<16xi32>
      %parallel_loop3A_803 = arith.constant 16 : i32
      %parallel_loop3A_804 = vector.broadcast %parallel_loop3A_803 : i32 to vector<16xi32>
      %parallel_loop3A_805 = arith.muli %parallel_loop3A_775, %parallel_loop3A_804 : vector<16xi32>
      %parallel_loop3A_806 = arith.addi %parallel_loop3A_805, %iota3A_33 : vector<16xi32>
      %parallel_loop3A_807 = arith.select %parallel_loop3A_797, %parallel_loop3A_806, %add3A_36 : vector<16xi1>, vector<16xi32>
      tpu.vector_store_idx %arg12[%parallel_loop3A_807], %parallel_loop3A_788 : memref<8208xi32, #tpu.memory_space<vmem>>[vector<16xi32>], vector<16xi32>,
      tpu.vector_store_idx %arg13[%parallel_loop3A_807], %parallel_loop3A_784 : memref<8208xf32, #tpu.memory_space<vmem>>[vector<16xi32>], vector<16xf32>,
      %parallel_loop3A_808 = arith.constant 16 : i32
      %parallel_loop3A_809 = vector.broadcast %parallel_loop3A_808 : i32 to vector<16xi32>
      %parallel_loop3A_810 = arith.muli %parallel_loop3A_776, %parallel_loop3A_809 : vector<16xi32>
      %parallel_loop3A_811 = arith.addi %parallel_loop3A_810, %iota3A_33 : vector<16xi32>
      %parallel_loop3A_812 = arith.select %parallel_loop3A_802, %parallel_loop3A_811, %add3A_36 : vector<16xi1>, vector<16xi32>
      tpu.vector_store_idx %arg14[%parallel_loop3A_812], %parallel_loop3A_792 : memref<8208xi32, #tpu.memory_space<vmem>>[vector<16xi32>], vector<16xi32>,
      tpu.vector_store_idx %arg15[%parallel_loop3A_812], %parallel_loop3A_784 : memref<8208xf32, #tpu.memory_space<vmem>>[vector<16xi32>], vector<16xf32>,
      %parallel_loop3A_813 = arith.constant 1 : i32
      %parallel_loop3A_814 = arith.constant 0 : i32
      %parallel_loop3A_815 = vector.broadcast %parallel_loop3A_813 : i32 to vector<16xi32>
      %parallel_loop3A_816 = vector.broadcast %parallel_loop3A_814 : i32 to vector<16xi32>
      %parallel_loop3A_817 = arith.select %parallel_loop3A_797, %parallel_loop3A_815, %parallel_loop3A_816 : vector<16xi1>, vector<16xi32>
      %parallel_loop3A_818 = arith.addi %parallel_loop3A_775, %parallel_loop3A_817 : vector<16xi32>
      %parallel_loop3A_819 = arith.constant 1 : i32
      %parallel_loop3A_820 = arith.constant 0 : i32
      %parallel_loop3A_821 = vector.broadcast %parallel_loop3A_819 : i32 to vector<16xi32>
      %parallel_loop3A_822 = vector.broadcast %parallel_loop3A_820 : i32 to vector<16xi32>
      %parallel_loop3A_823 = arith.select %parallel_loop3A_802, %parallel_loop3A_821, %parallel_loop3A_822 : vector<16xi1>, vector<16xi32>
      %parallel_loop3A_824 = arith.addi %parallel_loop3A_776, %parallel_loop3A_823 : vector<16xi32>
      scf.yield %parallel_loop3A_818, %parallel_loop3A_824 : vector<16xi32>, vector<16xi32>
    } {sc.loop_unroll_factor = 4 : i64, sc.parallel_access}
    %dma_wait3A_637 = arith.constant 13 : i32
    %dma_wait3A_638 = arith.constant 0 : i32
    %dma_wait3A_639 = tpu.memref_slice %arg2[%dma_wait3A_637, %dma_wait3A_638] : memref<16x8192xi32, #tpu.memory_space<hbm>> -> memref<1x8192xi32, #tpu.memory_space<hbm>>
    %dma_wait3A_640 = tpu.memref_squeeze %dma_wait3A_639 : memref<1x8192xi32, #tpu.memory_space<hbm>> -> memref<8192xi32, #tpu.memory_space<hbm>>
    %dma_wait3A_641 = arith.constant 0 : i32
    %dma_wait3A_642 = tpu.memref_slice %arg2[%dma_wait3A_637, %dma_wait3A_641] : memref<16x8192xi32, #tpu.memory_space<hbm>> -> memref<1x8192xi32, #tpu.memory_space<hbm>>
    %dma_wait3A_643 = tpu.memref_squeeze %dma_wait3A_642 : memref<1x8192xi32, #tpu.memory_space<hbm>> -> memref<8192xi32, #tpu.memory_space<hbm>>
    tpu.wait_dma2 semaphore(%arg21 : memref<!tpu.dma_semaphore, #tpu.memory_space<semaphore_mem>>) src(%dma_wait3A_643 : memref<8192xi32, #tpu.memory_space<hbm>>) dst(%arg7 : memref<8192xi32, #tpu.memory_space<vmem>>)
    %dma_wait3A_644 = arith.constant 13 : i32
    %dma_wait3A_645 = arith.constant 0 : i32
    %dma_wait3A_646 = tpu.memref_slice %arg3[%dma_wait3A_644, %dma_wait3A_645] : memref<16x8192xi32, #tpu.memory_space<hbm>> -> memref<1x8192xi32, #tpu.memory_space<hbm>>
    %dma_wait3A_647 = tpu.memref_squeeze %dma_wait3A_646 : memref<1x8192xi32, #tpu.memory_space<hbm>> -> memref<8192xi32, #tpu.memory_space<hbm>>
    %dma_wait3A_648 = arith.constant 0 : i32
    %dma_wait3A_649 = tpu.memref_slice %arg3[%dma_wait3A_644, %dma_wait3A_648] : memref<16x8192xi32, #tpu.memory_space<hbm>> -> memref<1x8192xi32, #tpu.memory_space<hbm>>
    %dma_wait3A_650 = tpu.memref_squeeze %dma_wait3A_649 : memref<1x8192xi32, #tpu.memory_space<hbm>> -> memref<8192xi32, #tpu.memory_space<hbm>>
    tpu.wait_dma2 semaphore(%arg23 : memref<!tpu.dma_semaphore, #tpu.memory_space<semaphore_mem>>) src(%dma_wait3A_650 : memref<8192xi32, #tpu.memory_space<hbm>>) dst(%arg9 : memref<8192xi32, #tpu.memory_space<vmem>>)
    %dma_wait3A_651 = arith.constant 13 : i32
    %dma_wait3A_652 = arith.constant 0 : i32
    %dma_wait3A_653 = tpu.memref_slice %arg4[%dma_wait3A_651, %dma_wait3A_652] : memref<16x8192xf32, #tpu.memory_space<hbm>> -> memref<1x8192xf32, #tpu.memory_space<hbm>>
    %dma_wait3A_654 = tpu.memref_squeeze %dma_wait3A_653 : memref<1x8192xf32, #tpu.memory_space<hbm>> -> memref<8192xf32, #tpu.memory_space<hbm>>
    %dma_wait3A_655 = arith.constant 0 : i32
    %dma_wait3A_656 = tpu.memref_slice %arg4[%dma_wait3A_651, %dma_wait3A_655] : memref<16x8192xf32, #tpu.memory_space<hbm>> -> memref<1x8192xf32, #tpu.memory_space<hbm>>
    %dma_wait3A_657 = tpu.memref_squeeze %dma_wait3A_656 : memref<1x8192xf32, #tpu.memory_space<hbm>> -> memref<8192xf32, #tpu.memory_space<hbm>>
    tpu.wait_dma2 semaphore(%arg25 : memref<!tpu.dma_semaphore, #tpu.memory_space<semaphore_mem>>) src(%dma_wait3A_657 : memref<8192xf32, #tpu.memory_space<hbm>>) dst(%arg11 : memref<8192xf32, #tpu.memory_space<vmem>>)
    %dma_start3A_658 = arith.constant 14 : i32
    %dma_start3A_659 = arith.constant 0 : i32
    %dma_start3A_660 = tpu.memref_slice %arg2[%dma_start3A_658, %dma_start3A_659] : memref<16x8192xi32, #tpu.memory_space<hbm>> -> memref<1x8192xi32, #tpu.memory_space<hbm>>
    %dma_start3A_661 = tpu.memref_squeeze %dma_start3A_660 : memref<1x8192xi32, #tpu.memory_space<hbm>> -> memref<8192xi32, #tpu.memory_space<hbm>>
    %dma_start3A_662 = arith.constant 0 : i32
    %dma_start3A_663 = tpu.memref_slice %arg2[%dma_start3A_658, %dma_start3A_662] : memref<16x8192xi32, #tpu.memory_space<hbm>> -> memref<1x8192xi32, #tpu.memory_space<hbm>>
    %dma_start3A_664 = tpu.memref_squeeze %dma_start3A_663 : memref<1x8192xi32, #tpu.memory_space<hbm>> -> memref<8192xi32, #tpu.memory_space<hbm>>
    tpu.enqueue_dma source(%dma_start3A_664 : memref<8192xi32, #tpu.memory_space<hbm>>) target(%arg6 : memref<8192xi32, #tpu.memory_space<vmem>>) target_semaphore(%arg20 : memref<!tpu.dma_semaphore, #tpu.memory_space<semaphore_mem>>)
    %dma_start3A_665 = arith.constant 14 : i32
    %dma_start3A_666 = arith.constant 0 : i32
    %dma_start3A_667 = tpu.memref_slice %arg3[%dma_start3A_665, %dma_start3A_666] : memref<16x8192xi32, #tpu.memory_space<hbm>> -> memref<1x8192xi32, #tpu.memory_space<hbm>>
    %dma_start3A_668 = tpu.memref_squeeze %dma_start3A_667 : memref<1x8192xi32, #tpu.memory_space<hbm>> -> memref<8192xi32, #tpu.memory_space<hbm>>
    %dma_start3A_669 = arith.constant 0 : i32
    %dma_start3A_670 = tpu.memref_slice %arg3[%dma_start3A_665, %dma_start3A_669] : memref<16x8192xi32, #tpu.memory_space<hbm>> -> memref<1x8192xi32, #tpu.memory_space<hbm>>
    %dma_start3A_671 = tpu.memref_squeeze %dma_start3A_670 : memref<1x8192xi32, #tpu.memory_space<hbm>> -> memref<8192xi32, #tpu.memory_space<hbm>>
    tpu.enqueue_dma source(%dma_start3A_671 : memref<8192xi32, #tpu.memory_space<hbm>>) target(%arg8 : memref<8192xi32, #tpu.memory_space<vmem>>) target_semaphore(%arg22 : memref<!tpu.dma_semaphore, #tpu.memory_space<semaphore_mem>>)
    %dma_start3A_672 = arith.constant 14 : i32
    %dma_start3A_673 = arith.constant 0 : i32
    %dma_start3A_674 = tpu.memref_slice %arg4[%dma_start3A_672, %dma_start3A_673] : memref<16x8192xf32, #tpu.memory_space<hbm>> -> memref<1x8192xf32, #tpu.memory_space<hbm>>
    %dma_start3A_675 = tpu.memref_squeeze %dma_start3A_674 : memref<1x8192xf32, #tpu.memory_space<hbm>> -> memref<8192xf32, #tpu.memory_space<hbm>>
    %dma_start3A_676 = arith.constant 0 : i32
    %dma_start3A_677 = tpu.memref_slice %arg4[%dma_start3A_672, %dma_start3A_676] : memref<16x8192xf32, #tpu.memory_space<hbm>> -> memref<1x8192xf32, #tpu.memory_space<hbm>>
    %dma_start3A_678 = tpu.memref_squeeze %dma_start3A_677 : memref<1x8192xf32, #tpu.memory_space<hbm>> -> memref<8192xf32, #tpu.memory_space<hbm>>
    tpu.enqueue_dma source(%dma_start3A_678 : memref<8192xf32, #tpu.memory_space<hbm>>) target(%arg10 : memref<8192xf32, #tpu.memory_space<vmem>>) target_semaphore(%arg24 : memref<!tpu.dma_semaphore, #tpu.memory_space<semaphore_mem>>)
    %parallel_loop3A_679 = arith.constant 0 : i32
    %parallel_loop3A_680 = arith.constant 512 : i32
    %parallel_loop3A_681 = arith.constant 1 : i32
    %parallel_loop3A_682:2 = scf.for %parallel_loop3A_774 = %parallel_loop3A_679 to %parallel_loop3A_680 step %parallel_loop3A_681 iter_args(%parallel_loop3A_775 = %parallel_loop3A_636#0, %parallel_loop3A_776 = %parallel_loop3A_636#1) -> (vector<16xi32>, vector<16xi32>)  : i32 {
      %parallel_loop3A_777 = arith.constant 16 : i32
      %parallel_loop3A_778 = arith.muli %parallel_loop3A_774, %parallel_loop3A_777 : i32
      %parallel_loop3A_779 = arith.index_cast %parallel_loop3A_778 : i32 to index
      %parallel_loop3A_780 = tpu.vector_load %arg7[%parallel_loop3A_779] {strides = array<i32>} : memref<8192xi32, #tpu.memory_space<vmem>>, vector<16xi32>,
      %parallel_loop3A_781 = arith.index_cast %parallel_loop3A_778 : i32 to index
      %parallel_loop3A_782 = tpu.vector_load %arg9[%parallel_loop3A_781] {strides = array<i32>} : memref<8192xi32, #tpu.memory_space<vmem>>, vector<16xi32>,
      %parallel_loop3A_783 = arith.index_cast %parallel_loop3A_778 : i32 to index
      %parallel_loop3A_784 = tpu.vector_load %arg11[%parallel_loop3A_783] {strides = array<i32>} : memref<8192xf32, #tpu.memory_space<vmem>>, vector<16xf32>,
      %parallel_loop3A_785 = arith.constant 4096 : i32
      %parallel_loop3A_786 = vector.broadcast %parallel_loop3A_785 : i32 to vector<16xi32>
      %parallel_loop3A_787 = arith.muli %parallel_loop3A_780, %parallel_loop3A_786 : vector<16xi32>
      %parallel_loop3A_788 = arith.addi %parallel_loop3A_787, %parallel_loop3A_782 : vector<16xi32>
      %parallel_loop3A_789 = arith.constant 4096 : i32
      %parallel_loop3A_790 = vector.broadcast %parallel_loop3A_789 : i32 to vector<16xi32>
      %parallel_loop3A_791 = arith.muli %parallel_loop3A_782, %parallel_loop3A_790 : vector<16xi32>
      %parallel_loop3A_792 = arith.addi %parallel_loop3A_791, %parallel_loop3A_780 : vector<16xi32>
      %parallel_loop3A_793 = arith.constant 19 : i32
      %parallel_loop3A_794 = vector.broadcast %parallel_loop3A_793 : i32 to vector<16xi32>
      %parallel_loop3A_795 = arith.shrui %parallel_loop3A_788, %parallel_loop3A_794 : vector<16xi32>
      %parallel_loop3A_796 = vector.broadcast %add3A : i32 to vector<16xi32>
      %parallel_loop3A_797 = arith.cmpi eq, %parallel_loop3A_795, %parallel_loop3A_796 : vector<16xi32>
      %parallel_loop3A_798 = arith.constant 19 : i32
      %parallel_loop3A_799 = vector.broadcast %parallel_loop3A_798 : i32 to vector<16xi32>
      %parallel_loop3A_800 = arith.shrui %parallel_loop3A_792, %parallel_loop3A_799 : vector<16xi32>
      %parallel_loop3A_801 = vector.broadcast %add3A : i32 to vector<16xi32>
      %parallel_loop3A_802 = arith.cmpi eq, %parallel_loop3A_800, %parallel_loop3A_801 : vector<16xi32>
      %parallel_loop3A_803 = arith.constant 16 : i32
      %parallel_loop3A_804 = vector.broadcast %parallel_loop3A_803 : i32 to vector<16xi32>
      %parallel_loop3A_805 = arith.muli %parallel_loop3A_775, %parallel_loop3A_804 : vector<16xi32>
      %parallel_loop3A_806 = arith.addi %parallel_loop3A_805, %iota3A_33 : vector<16xi32>
      %parallel_loop3A_807 = arith.select %parallel_loop3A_797, %parallel_loop3A_806, %add3A_36 : vector<16xi1>, vector<16xi32>
      tpu.vector_store_idx %arg12[%parallel_loop3A_807], %parallel_loop3A_788 : memref<8208xi32, #tpu.memory_space<vmem>>[vector<16xi32>], vector<16xi32>,
      tpu.vector_store_idx %arg13[%parallel_loop3A_807], %parallel_loop3A_784 : memref<8208xf32, #tpu.memory_space<vmem>>[vector<16xi32>], vector<16xf32>,
      %parallel_loop3A_808 = arith.constant 16 : i32
      %parallel_loop3A_809 = vector.broadcast %parallel_loop3A_808 : i32 to vector<16xi32>
      %parallel_loop3A_810 = arith.muli %parallel_loop3A_776, %parallel_loop3A_809 : vector<16xi32>
      %parallel_loop3A_811 = arith.addi %parallel_loop3A_810, %iota3A_33 : vector<16xi32>
      %parallel_loop3A_812 = arith.select %parallel_loop3A_802, %parallel_loop3A_811, %add3A_36 : vector<16xi1>, vector<16xi32>
      tpu.vector_store_idx %arg14[%parallel_loop3A_812], %parallel_loop3A_792 : memref<8208xi32, #tpu.memory_space<vmem>>[vector<16xi32>], vector<16xi32>,
      tpu.vector_store_idx %arg15[%parallel_loop3A_812], %parallel_loop3A_784 : memref<8208xf32, #tpu.memory_space<vmem>>[vector<16xi32>], vector<16xf32>,
      %parallel_loop3A_813 = arith.constant 1 : i32
      %parallel_loop3A_814 = arith.constant 0 : i32
      %parallel_loop3A_815 = vector.broadcast %parallel_loop3A_813 : i32 to vector<16xi32>
      %parallel_loop3A_816 = vector.broadcast %parallel_loop3A_814 : i32 to vector<16xi32>
      %parallel_loop3A_817 = arith.select %parallel_loop3A_797, %parallel_loop3A_815, %parallel_loop3A_816 : vector<16xi1>, vector<16xi32>
      %parallel_loop3A_818 = arith.addi %parallel_loop3A_775, %parallel_loop3A_817 : vector<16xi32>
      %parallel_loop3A_819 = arith.constant 1 : i32
      %parallel_loop3A_820 = arith.constant 0 : i32
      %parallel_loop3A_821 = vector.broadcast %parallel_loop3A_819 : i32 to vector<16xi32>
      %parallel_loop3A_822 = vector.broadcast %parallel_loop3A_820 : i32 to vector<16xi32>
      %parallel_loop3A_823 = arith.select %parallel_loop3A_802, %parallel_loop3A_821, %parallel_loop3A_822 : vector<16xi1>, vector<16xi32>
      %parallel_loop3A_824 = arith.addi %parallel_loop3A_776, %parallel_loop3A_823 : vector<16xi32>
      scf.yield %parallel_loop3A_818, %parallel_loop3A_824 : vector<16xi32>, vector<16xi32>
    } {sc.loop_unroll_factor = 4 : i64, sc.parallel_access}
    %dma_wait3A_683 = arith.constant 14 : i32
    %dma_wait3A_684 = arith.constant 0 : i32
    %dma_wait3A_685 = tpu.memref_slice %arg2[%dma_wait3A_683, %dma_wait3A_684] : memref<16x8192xi32, #tpu.memory_space<hbm>> -> memref<1x8192xi32, #tpu.memory_space<hbm>>
    %dma_wait3A_686 = tpu.memref_squeeze %dma_wait3A_685 : memref<1x8192xi32, #tpu.memory_space<hbm>> -> memref<8192xi32, #tpu.memory_space<hbm>>
    %dma_wait3A_687 = arith.constant 0 : i32
    %dma_wait3A_688 = tpu.memref_slice %arg2[%dma_wait3A_683, %dma_wait3A_687] : memref<16x8192xi32, #tpu.memory_space<hbm>> -> memref<1x8192xi32, #tpu.memory_space<hbm>>
    %dma_wait3A_689 = tpu.memref_squeeze %dma_wait3A_688 : memref<1x8192xi32, #tpu.memory_space<hbm>> -> memref<8192xi32, #tpu.memory_space<hbm>>
    tpu.wait_dma2 semaphore(%arg20 : memref<!tpu.dma_semaphore, #tpu.memory_space<semaphore_mem>>) src(%dma_wait3A_689 : memref<8192xi32, #tpu.memory_space<hbm>>) dst(%arg6 : memref<8192xi32, #tpu.memory_space<vmem>>)
    %dma_wait3A_690 = arith.constant 14 : i32
    %dma_wait3A_691 = arith.constant 0 : i32
    %dma_wait3A_692 = tpu.memref_slice %arg3[%dma_wait3A_690, %dma_wait3A_691] : memref<16x8192xi32, #tpu.memory_space<hbm>> -> memref<1x8192xi32, #tpu.memory_space<hbm>>
    %dma_wait3A_693 = tpu.memref_squeeze %dma_wait3A_692 : memref<1x8192xi32, #tpu.memory_space<hbm>> -> memref<8192xi32, #tpu.memory_space<hbm>>
    %dma_wait3A_694 = arith.constant 0 : i32
    %dma_wait3A_695 = tpu.memref_slice %arg3[%dma_wait3A_690, %dma_wait3A_694] : memref<16x8192xi32, #tpu.memory_space<hbm>> -> memref<1x8192xi32, #tpu.memory_space<hbm>>
    %dma_wait3A_696 = tpu.memref_squeeze %dma_wait3A_695 : memref<1x8192xi32, #tpu.memory_space<hbm>> -> memref<8192xi32, #tpu.memory_space<hbm>>
    tpu.wait_dma2 semaphore(%arg22 : memref<!tpu.dma_semaphore, #tpu.memory_space<semaphore_mem>>) src(%dma_wait3A_696 : memref<8192xi32, #tpu.memory_space<hbm>>) dst(%arg8 : memref<8192xi32, #tpu.memory_space<vmem>>)
    %dma_wait3A_697 = arith.constant 14 : i32
    %dma_wait3A_698 = arith.constant 0 : i32
    %dma_wait3A_699 = tpu.memref_slice %arg4[%dma_wait3A_697, %dma_wait3A_698] : memref<16x8192xf32, #tpu.memory_space<hbm>> -> memref<1x8192xf32, #tpu.memory_space<hbm>>
    %dma_wait3A_700 = tpu.memref_squeeze %dma_wait3A_699 : memref<1x8192xf32, #tpu.memory_space<hbm>> -> memref<8192xf32, #tpu.memory_space<hbm>>
    %dma_wait3A_701 = arith.constant 0 : i32
    %dma_wait3A_702 = tpu.memref_slice %arg4[%dma_wait3A_697, %dma_wait3A_701] : memref<16x8192xf32, #tpu.memory_space<hbm>> -> memref<1x8192xf32, #tpu.memory_space<hbm>>
    %dma_wait3A_703 = tpu.memref_squeeze %dma_wait3A_702 : memref<1x8192xf32, #tpu.memory_space<hbm>> -> memref<8192xf32, #tpu.memory_space<hbm>>
    tpu.wait_dma2 semaphore(%arg24 : memref<!tpu.dma_semaphore, #tpu.memory_space<semaphore_mem>>) src(%dma_wait3A_703 : memref<8192xf32, #tpu.memory_space<hbm>>) dst(%arg10 : memref<8192xf32, #tpu.memory_space<vmem>>)
    %dma_start3A_704 = arith.constant 15 : i32
    %dma_start3A_705 = arith.constant 0 : i32
    %dma_start3A_706 = tpu.memref_slice %arg2[%dma_start3A_704, %dma_start3A_705] : memref<16x8192xi32, #tpu.memory_space<hbm>> -> memref<1x8192xi32, #tpu.memory_space<hbm>>
    %dma_start3A_707 = tpu.memref_squeeze %dma_start3A_706 : memref<1x8192xi32, #tpu.memory_space<hbm>> -> memref<8192xi32, #tpu.memory_space<hbm>>
    %dma_start3A_708 = arith.constant 0 : i32
    %dma_start3A_709 = tpu.memref_slice %arg2[%dma_start3A_704, %dma_start3A_708] : memref<16x8192xi32, #tpu.memory_space<hbm>> -> memref<1x8192xi32, #tpu.memory_space<hbm>>
    %dma_start3A_710 = tpu.memref_squeeze %dma_start3A_709 : memref<1x8192xi32, #tpu.memory_space<hbm>> -> memref<8192xi32, #tpu.memory_space<hbm>>
    tpu.enqueue_dma source(%dma_start3A_710 : memref<8192xi32, #tpu.memory_space<hbm>>) target(%arg7 : memref<8192xi32, #tpu.memory_space<vmem>>) target_semaphore(%arg21 : memref<!tpu.dma_semaphore, #tpu.memory_space<semaphore_mem>>)
    %dma_start3A_711 = arith.constant 15 : i32
    %dma_start3A_712 = arith.constant 0 : i32
    %dma_start3A_713 = tpu.memref_slice %arg3[%dma_start3A_711, %dma_start3A_712] : memref<16x8192xi32, #tpu.memory_space<hbm>> -> memref<1x8192xi32, #tpu.memory_space<hbm>>
    %dma_start3A_714 = tpu.memref_squeeze %dma_start3A_713 : memref<1x8192xi32, #tpu.memory_space<hbm>> -> memref<8192xi32, #tpu.memory_space<hbm>>
    %dma_start3A_715 = arith.constant 0 : i32
    %dma_start3A_716 = tpu.memref_slice %arg3[%dma_start3A_711, %dma_start3A_715] : memref<16x8192xi32, #tpu.memory_space<hbm>> -> memref<1x8192xi32, #tpu.memory_space<hbm>>
    %dma_start3A_717 = tpu.memref_squeeze %dma_start3A_716 : memref<1x8192xi32, #tpu.memory_space<hbm>> -> memref<8192xi32, #tpu.memory_space<hbm>>
    tpu.enqueue_dma source(%dma_start3A_717 : memref<8192xi32, #tpu.memory_space<hbm>>) target(%arg9 : memref<8192xi32, #tpu.memory_space<vmem>>) target_semaphore(%arg23 : memref<!tpu.dma_semaphore, #tpu.memory_space<semaphore_mem>>)
    %dma_start3A_718 = arith.constant 15 : i32
    %dma_start3A_719 = arith.constant 0 : i32
    %dma_start3A_720 = tpu.memref_slice %arg4[%dma_start3A_718, %dma_start3A_719] : memref<16x8192xf32, #tpu.memory_space<hbm>> -> memref<1x8192xf32, #tpu.memory_space<hbm>>
    %dma_start3A_721 = tpu.memref_squeeze %dma_start3A_720 : memref<1x8192xf32, #tpu.memory_space<hbm>> -> memref<8192xf32, #tpu.memory_space<hbm>>
    %dma_start3A_722 = arith.constant 0 : i32
    %dma_start3A_723 = tpu.memref_slice %arg4[%dma_start3A_718, %dma_start3A_722] : memref<16x8192xf32, #tpu.memory_space<hbm>> -> memref<1x8192xf32, #tpu.memory_space<hbm>>
    %dma_start3A_724 = tpu.memref_squeeze %dma_start3A_723 : memref<1x8192xf32, #tpu.memory_space<hbm>> -> memref<8192xf32, #tpu.memory_space<hbm>>
    tpu.enqueue_dma source(%dma_start3A_724 : memref<8192xf32, #tpu.memory_space<hbm>>) target(%arg11 : memref<8192xf32, #tpu.memory_space<vmem>>) target_semaphore(%arg25 : memref<!tpu.dma_semaphore, #tpu.memory_space<semaphore_mem>>)
    %parallel_loop3A_725 = arith.constant 0 : i32
    %parallel_loop3A_726 = arith.constant 512 : i32
    %parallel_loop3A_727 = arith.constant 1 : i32
    %parallel_loop3A_728:2 = scf.for %parallel_loop3A_774 = %parallel_loop3A_725 to %parallel_loop3A_726 step %parallel_loop3A_727 iter_args(%parallel_loop3A_775 = %parallel_loop3A_682#0, %parallel_loop3A_776 = %parallel_loop3A_682#1) -> (vector<16xi32>, vector<16xi32>)  : i32 {
      %parallel_loop3A_777 = arith.constant 16 : i32
      %parallel_loop3A_778 = arith.muli %parallel_loop3A_774, %parallel_loop3A_777 : i32
      %parallel_loop3A_779 = arith.index_cast %parallel_loop3A_778 : i32 to index
      %parallel_loop3A_780 = tpu.vector_load %arg6[%parallel_loop3A_779] {strides = array<i32>} : memref<8192xi32, #tpu.memory_space<vmem>>, vector<16xi32>,
      %parallel_loop3A_781 = arith.index_cast %parallel_loop3A_778 : i32 to index
      %parallel_loop3A_782 = tpu.vector_load %arg8[%parallel_loop3A_781] {strides = array<i32>} : memref<8192xi32, #tpu.memory_space<vmem>>, vector<16xi32>,
      %parallel_loop3A_783 = arith.index_cast %parallel_loop3A_778 : i32 to index
      %parallel_loop3A_784 = tpu.vector_load %arg10[%parallel_loop3A_783] {strides = array<i32>} : memref<8192xf32, #tpu.memory_space<vmem>>, vector<16xf32>,
      %parallel_loop3A_785 = arith.constant 4096 : i32
      %parallel_loop3A_786 = vector.broadcast %parallel_loop3A_785 : i32 to vector<16xi32>
      %parallel_loop3A_787 = arith.muli %parallel_loop3A_780, %parallel_loop3A_786 : vector<16xi32>
      %parallel_loop3A_788 = arith.addi %parallel_loop3A_787, %parallel_loop3A_782 : vector<16xi32>
      %parallel_loop3A_789 = arith.constant 4096 : i32
      %parallel_loop3A_790 = vector.broadcast %parallel_loop3A_789 : i32 to vector<16xi32>
      %parallel_loop3A_791 = arith.muli %parallel_loop3A_782, %parallel_loop3A_790 : vector<16xi32>
      %parallel_loop3A_792 = arith.addi %parallel_loop3A_791, %parallel_loop3A_780 : vector<16xi32>
      %parallel_loop3A_793 = arith.constant 19 : i32
      %parallel_loop3A_794 = vector.broadcast %parallel_loop3A_793 : i32 to vector<16xi32>
      %parallel_loop3A_795 = arith.shrui %parallel_loop3A_788, %parallel_loop3A_794 : vector<16xi32>
      %parallel_loop3A_796 = vector.broadcast %add3A : i32 to vector<16xi32>
      %parallel_loop3A_797 = arith.cmpi eq, %parallel_loop3A_795, %parallel_loop3A_796 : vector<16xi32>
      %parallel_loop3A_798 = arith.constant 19 : i32
      %parallel_loop3A_799 = vector.broadcast %parallel_loop3A_798 : i32 to vector<16xi32>
      %parallel_loop3A_800 = arith.shrui %parallel_loop3A_792, %parallel_loop3A_799 : vector<16xi32>
      %parallel_loop3A_801 = vector.broadcast %add3A : i32 to vector<16xi32>
      %parallel_loop3A_802 = arith.cmpi eq, %parallel_loop3A_800, %parallel_loop3A_801 : vector<16xi32>
      %parallel_loop3A_803 = arith.constant 16 : i32
      %parallel_loop3A_804 = vector.broadcast %parallel_loop3A_803 : i32 to vector<16xi32>
      %parallel_loop3A_805 = arith.muli %parallel_loop3A_775, %parallel_loop3A_804 : vector<16xi32>
      %parallel_loop3A_806 = arith.addi %parallel_loop3A_805, %iota3A_33 : vector<16xi32>
      %parallel_loop3A_807 = arith.select %parallel_loop3A_797, %parallel_loop3A_806, %add3A_36 : vector<16xi1>, vector<16xi32>
      tpu.vector_store_idx %arg12[%parallel_loop3A_807], %parallel_loop3A_788 : memref<8208xi32, #tpu.memory_space<vmem>>[vector<16xi32>], vector<16xi32>,
      tpu.vector_store_idx %arg13[%parallel_loop3A_807], %parallel_loop3A_784 : memref<8208xf32, #tpu.memory_space<vmem>>[vector<16xi32>], vector<16xf32>,
      %parallel_loop3A_808 = arith.constant 16 : i32
      %parallel_loop3A_809 = vector.broadcast %parallel_loop3A_808 : i32 to vector<16xi32>
      %parallel_loop3A_810 = arith.muli %parallel_loop3A_776, %parallel_loop3A_809 : vector<16xi32>
      %parallel_loop3A_811 = arith.addi %parallel_loop3A_810, %iota3A_33 : vector<16xi32>
      %parallel_loop3A_812 = arith.select %parallel_loop3A_802, %parallel_loop3A_811, %add3A_36 : vector<16xi1>, vector<16xi32>
      tpu.vector_store_idx %arg14[%parallel_loop3A_812], %parallel_loop3A_792 : memref<8208xi32, #tpu.memory_space<vmem>>[vector<16xi32>], vector<16xi32>,
      tpu.vector_store_idx %arg15[%parallel_loop3A_812], %parallel_loop3A_784 : memref<8208xf32, #tpu.memory_space<vmem>>[vector<16xi32>], vector<16xf32>,
      %parallel_loop3A_813 = arith.constant 1 : i32
      %parallel_loop3A_814 = arith.constant 0 : i32
      %parallel_loop3A_815 = vector.broadcast %parallel_loop3A_813 : i32 to vector<16xi32>
      %parallel_loop3A_816 = vector.broadcast %parallel_loop3A_814 : i32 to vector<16xi32>
      %parallel_loop3A_817 = arith.select %parallel_loop3A_797, %parallel_loop3A_815, %parallel_loop3A_816 : vector<16xi1>, vector<16xi32>
      %parallel_loop3A_818 = arith.addi %parallel_loop3A_775, %parallel_loop3A_817 : vector<16xi32>
      %parallel_loop3A_819 = arith.constant 1 : i32
      %parallel_loop3A_820 = arith.constant 0 : i32
      %parallel_loop3A_821 = vector.broadcast %parallel_loop3A_819 : i32 to vector<16xi32>
      %parallel_loop3A_822 = vector.broadcast %parallel_loop3A_820 : i32 to vector<16xi32>
      %parallel_loop3A_823 = arith.select %parallel_loop3A_802, %parallel_loop3A_821, %parallel_loop3A_822 : vector<16xi1>, vector<16xi32>
      %parallel_loop3A_824 = arith.addi %parallel_loop3A_776, %parallel_loop3A_823 : vector<16xi32>
      scf.yield %parallel_loop3A_818, %parallel_loop3A_824 : vector<16xi32>, vector<16xi32>
    } {sc.loop_unroll_factor = 4 : i64, sc.parallel_access}
    %dma_wait3A_729 = arith.constant 15 : i32
    %dma_wait3A_730 = arith.constant 0 : i32
    %dma_wait3A_731 = tpu.memref_slice %arg2[%dma_wait3A_729, %dma_wait3A_730] : memref<16x8192xi32, #tpu.memory_space<hbm>> -> memref<1x8192xi32, #tpu.memory_space<hbm>>
    %dma_wait3A_732 = tpu.memref_squeeze %dma_wait3A_731 : memref<1x8192xi32, #tpu.memory_space<hbm>> -> memref<8192xi32, #tpu.memory_space<hbm>>
    %dma_wait3A_733 = arith.constant 0 : i32
    %dma_wait3A_734 = tpu.memref_slice %arg2[%dma_wait3A_729, %dma_wait3A_733] : memref<16x8192xi32, #tpu.memory_space<hbm>> -> memref<1x8192xi32, #tpu.memory_space<hbm>>
    %dma_wait3A_735 = tpu.memref_squeeze %dma_wait3A_734 : memref<1x8192xi32, #tpu.memory_space<hbm>> -> memref<8192xi32, #tpu.memory_space<hbm>>
    tpu.wait_dma2 semaphore(%arg21 : memref<!tpu.dma_semaphore, #tpu.memory_space<semaphore_mem>>) src(%dma_wait3A_735 : memref<8192xi32, #tpu.memory_space<hbm>>) dst(%arg7 : memref<8192xi32, #tpu.memory_space<vmem>>)
    %dma_wait3A_736 = arith.constant 15 : i32
    %dma_wait3A_737 = arith.constant 0 : i32
    %dma_wait3A_738 = tpu.memref_slice %arg3[%dma_wait3A_736, %dma_wait3A_737] : memref<16x8192xi32, #tpu.memory_space<hbm>> -> memref<1x8192xi32, #tpu.memory_space<hbm>>
    %dma_wait3A_739 = tpu.memref_squeeze %dma_wait3A_738 : memref<1x8192xi32, #tpu.memory_space<hbm>> -> memref<8192xi32, #tpu.memory_space<hbm>>
    %dma_wait3A_740 = arith.constant 0 : i32
    %dma_wait3A_741 = tpu.memref_slice %arg3[%dma_wait3A_736, %dma_wait3A_740] : memref<16x8192xi32, #tpu.memory_space<hbm>> -> memref<1x8192xi32, #tpu.memory_space<hbm>>
    %dma_wait3A_742 = tpu.memref_squeeze %dma_wait3A_741 : memref<1x8192xi32, #tpu.memory_space<hbm>> -> memref<8192xi32, #tpu.memory_space<hbm>>
    tpu.wait_dma2 semaphore(%arg23 : memref<!tpu.dma_semaphore, #tpu.memory_space<semaphore_mem>>) src(%dma_wait3A_742 : memref<8192xi32, #tpu.memory_space<hbm>>) dst(%arg9 : memref<8192xi32, #tpu.memory_space<vmem>>)
    %dma_wait3A_743 = arith.constant 15 : i32
    %dma_wait3A_744 = arith.constant 0 : i32
    %dma_wait3A_745 = tpu.memref_slice %arg4[%dma_wait3A_743, %dma_wait3A_744] : memref<16x8192xf32, #tpu.memory_space<hbm>> -> memref<1x8192xf32, #tpu.memory_space<hbm>>
    %dma_wait3A_746 = tpu.memref_squeeze %dma_wait3A_745 : memref<1x8192xf32, #tpu.memory_space<hbm>> -> memref<8192xf32, #tpu.memory_space<hbm>>
    %dma_wait3A_747 = arith.constant 0 : i32
    %dma_wait3A_748 = tpu.memref_slice %arg4[%dma_wait3A_743, %dma_wait3A_747] : memref<16x8192xf32, #tpu.memory_space<hbm>> -> memref<1x8192xf32, #tpu.memory_space<hbm>>
    %dma_wait3A_749 = tpu.memref_squeeze %dma_wait3A_748 : memref<1x8192xf32, #tpu.memory_space<hbm>> -> memref<8192xf32, #tpu.memory_space<hbm>>
    tpu.wait_dma2 semaphore(%arg25 : memref<!tpu.dma_semaphore, #tpu.memory_space<semaphore_mem>>) src(%dma_wait3A_749 : memref<8192xf32, #tpu.memory_space<hbm>>) dst(%arg11 : memref<8192xf32, #tpu.memory_space<vmem>>)
    %parallel_loop3A_750 = arith.constant 0 : i32
    %parallel_loop3A_751 = arith.constant 512 : i32
    %parallel_loop3A_752 = arith.constant 1 : i32
    %parallel_loop3A_753:2 = scf.for %parallel_loop3A_774 = %parallel_loop3A_750 to %parallel_loop3A_751 step %parallel_loop3A_752 iter_args(%parallel_loop3A_775 = %parallel_loop3A_728#0, %parallel_loop3A_776 = %parallel_loop3A_728#1) -> (vector<16xi32>, vector<16xi32>)  : i32 {
      %parallel_loop3A_777 = arith.constant 16 : i32
      %parallel_loop3A_778 = arith.muli %parallel_loop3A_774, %parallel_loop3A_777 : i32
      %parallel_loop3A_779 = arith.index_cast %parallel_loop3A_778 : i32 to index
      %parallel_loop3A_780 = tpu.vector_load %arg7[%parallel_loop3A_779] {strides = array<i32>} : memref<8192xi32, #tpu.memory_space<vmem>>, vector<16xi32>,
      %parallel_loop3A_781 = arith.index_cast %parallel_loop3A_778 : i32 to index
      %parallel_loop3A_782 = tpu.vector_load %arg9[%parallel_loop3A_781] {strides = array<i32>} : memref<8192xi32, #tpu.memory_space<vmem>>, vector<16xi32>,
      %parallel_loop3A_783 = arith.index_cast %parallel_loop3A_778 : i32 to index
      %parallel_loop3A_784 = tpu.vector_load %arg11[%parallel_loop3A_783] {strides = array<i32>} : memref<8192xf32, #tpu.memory_space<vmem>>, vector<16xf32>,
      %parallel_loop3A_785 = arith.constant 4096 : i32
      %parallel_loop3A_786 = vector.broadcast %parallel_loop3A_785 : i32 to vector<16xi32>
      %parallel_loop3A_787 = arith.muli %parallel_loop3A_780, %parallel_loop3A_786 : vector<16xi32>
      %parallel_loop3A_788 = arith.addi %parallel_loop3A_787, %parallel_loop3A_782 : vector<16xi32>
      %parallel_loop3A_789 = arith.constant 4096 : i32
      %parallel_loop3A_790 = vector.broadcast %parallel_loop3A_789 : i32 to vector<16xi32>
      %parallel_loop3A_791 = arith.muli %parallel_loop3A_782, %parallel_loop3A_790 : vector<16xi32>
      %parallel_loop3A_792 = arith.addi %parallel_loop3A_791, %parallel_loop3A_780 : vector<16xi32>
      %parallel_loop3A_793 = arith.constant 19 : i32
      %parallel_loop3A_794 = vector.broadcast %parallel_loop3A_793 : i32 to vector<16xi32>
      %parallel_loop3A_795 = arith.shrui %parallel_loop3A_788, %parallel_loop3A_794 : vector<16xi32>
      %parallel_loop3A_796 = vector.broadcast %add3A : i32 to vector<16xi32>
      %parallel_loop3A_797 = arith.cmpi eq, %parallel_loop3A_795, %parallel_loop3A_796 : vector<16xi32>
      %parallel_loop3A_798 = arith.constant 19 : i32
      %parallel_loop3A_799 = vector.broadcast %parallel_loop3A_798 : i32 to vector<16xi32>
      %parallel_loop3A_800 = arith.shrui %parallel_loop3A_792, %parallel_loop3A_799 : vector<16xi32>
      %parallel_loop3A_801 = vector.broadcast %add3A : i32 to vector<16xi32>
      %parallel_loop3A_802 = arith.cmpi eq, %parallel_loop3A_800, %parallel_loop3A_801 : vector<16xi32>
      %parallel_loop3A_803 = arith.constant 16 : i32
      %parallel_loop3A_804 = vector.broadcast %parallel_loop3A_803 : i32 to vector<16xi32>
      %parallel_loop3A_805 = arith.muli %parallel_loop3A_775, %parallel_loop3A_804 : vector<16xi32>
      %parallel_loop3A_806 = arith.addi %parallel_loop3A_805, %iota3A_33 : vector<16xi32>
      %parallel_loop3A_807 = arith.select %parallel_loop3A_797, %parallel_loop3A_806, %add3A_36 : vector<16xi1>, vector<16xi32>
      tpu.vector_store_idx %arg12[%parallel_loop3A_807], %parallel_loop3A_788 : memref<8208xi32, #tpu.memory_space<vmem>>[vector<16xi32>], vector<16xi32>,
      tpu.vector_store_idx %arg13[%parallel_loop3A_807], %parallel_loop3A_784 : memref<8208xf32, #tpu.memory_space<vmem>>[vector<16xi32>], vector<16xf32>,
      %parallel_loop3A_808 = arith.constant 16 : i32
      %parallel_loop3A_809 = vector.broadcast %parallel_loop3A_808 : i32 to vector<16xi32>
      %parallel_loop3A_810 = arith.muli %parallel_loop3A_776, %parallel_loop3A_809 : vector<16xi32>
      %parallel_loop3A_811 = arith.addi %parallel_loop3A_810, %iota3A_33 : vector<16xi32>
      %parallel_loop3A_812 = arith.select %parallel_loop3A_802, %parallel_loop3A_811, %add3A_36 : vector<16xi1>, vector<16xi32>
      tpu.vector_store_idx %arg14[%parallel_loop3A_812], %parallel_loop3A_792 : memref<8208xi32, #tpu.memory_space<vmem>>[vector<16xi32>], vector<16xi32>,
      tpu.vector_store_idx %arg15[%parallel_loop3A_812], %parallel_loop3A_784 : memref<8208xf32, #tpu.memory_space<vmem>>[vector<16xi32>], vector<16xf32>,
      %parallel_loop3A_813 = arith.constant 1 : i32
      %parallel_loop3A_814 = arith.constant 0 : i32
      %parallel_loop3A_815 = vector.broadcast %parallel_loop3A_813 : i32 to vector<16xi32>
      %parallel_loop3A_816 = vector.broadcast %parallel_loop3A_814 : i32 to vector<16xi32>
      %parallel_loop3A_817 = arith.select %parallel_loop3A_797, %parallel_loop3A_815, %parallel_loop3A_816 : vector<16xi1>, vector<16xi32>
      %parallel_loop3A_818 = arith.addi %parallel_loop3A_775, %parallel_loop3A_817 : vector<16xi32>
      %parallel_loop3A_819 = arith.constant 1 : i32
      %parallel_loop3A_820 = arith.constant 0 : i32
      %parallel_loop3A_821 = vector.broadcast %parallel_loop3A_819 : i32 to vector<16xi32>
      %parallel_loop3A_822 = vector.broadcast %parallel_loop3A_820 : i32 to vector<16xi32>
      %parallel_loop3A_823 = arith.select %parallel_loop3A_802, %parallel_loop3A_821, %parallel_loop3A_822 : vector<16xi1>, vector<16xi32>
      %parallel_loop3A_824 = arith.addi %parallel_loop3A_776, %parallel_loop3A_823 : vector<16xi32>
      scf.yield %parallel_loop3A_818, %parallel_loop3A_824 : vector<16xi32>, vector<16xi32>
    } {sc.loop_unroll_factor = 4 : i64, sc.parallel_access}
    %swap3A = arith.constant 0 : index
    %swap3A_754 = tpu.vector_load %arg19[%swap3A] {strides = array<i32>} : memref<128xi32, #tpu.memory_space<vmem>>, vector<16xi32>,
    tpu.vector_store %arg19[%swap3A], %parallel_loop3A_753#0 {strides = array<i32>} : memref<128xi32, #tpu.memory_space<vmem>>, vector<16xi32>,
    %swap3A_755 = arith.constant 16 : index
    %swap3A_756 = tpu.vector_load %arg19[%swap3A_755] {strides = array<i32>} : memref<128xi32, #tpu.memory_space<vmem>>, vector<16xi32>,
    tpu.vector_store %arg19[%swap3A_755], %parallel_loop3A_753#1 {strides = array<i32>} : memref<128xi32, #tpu.memory_space<vmem>>, vector<16xi32>,
    %scan3A_757 = arith.constant 0 : i32
    %scan3A_758 = arith.constant 512 : i32
    %scan3A_759 = arith.addi %scan3A_757, %scan3A_758 : i32
    %scan3A_760 = arith.constant 1 : i32
    scf.for %scan3A_774 = %scan3A_757 to %scan3A_759 step %scan3A_760  : i32 {
      %mul3A_775 = arith.constant 1 : i32
      %mul3A_776 = arith.muli %scan3A_774, %mul3A_775 : i32
      %add3A_777 = arith.constant 0 : i32
      %add3A_778 = arith.addi %add3A_777, %mul3A_776 : i32
      %sub3A = arith.constant 511 : i32
      %sub3A_779 = arith.subi %sub3A, %add3A_778 : i32
      %iota3A_780 = tpu.iota {dimensions = array<i32: 0>} : vector<16xi32>
      %get3A = arith.constant 16 : index
      %get3A_781 = tpu.vector_load %arg19[%get3A] {strides = array<i32>} : memref<128xi32, #tpu.memory_space<vmem>>, vector<16xi32>,
      %lt3A = vector.broadcast %sub3A_779 : i32 to vector<16xi32>
      %lt3A_782 = arith.cmpi slt, %lt3A, %get3A_781 : vector<16xi32>
      %mul3A_783 = arith.constant 16 : i32
      %mul3A_784 = arith.muli %sub3A_779, %mul3A_783 : i32
      %get3A_785 = arith.index_cast %mul3A_784 : i32 to index
      %get3A_786 = tpu.vector_load %arg14[%get3A_785] {strides = array<i32>} : memref<8208xi32, #tpu.memory_space<vmem>>, vector<16xi32>,
      %mul3A_787 = arith.constant 16 : i32
      %mul3A_788 = arith.muli %sub3A_779, %mul3A_787 : i32
      %get3A_789 = arith.index_cast %mul3A_788 : i32 to index
      %get3A_790 = tpu.vector_load %arg15[%get3A_789] {strides = array<i32>} : memref<8208xf32, #tpu.memory_space<vmem>>, vector<16xf32>,
      %and3A = arith.constant 524287 : i32
      %and3A_791 = vector.broadcast %and3A : i32 to vector<16xi32>
      %and3A_792 = arith.andi %get3A_786, %and3A_791 : vector<16xi32>
      %shift_right_logical3A = arith.constant 5 : i32
      %shift_right_logical3A_793 = vector.broadcast %shift_right_logical3A : i32 to vector<16xi32>
      %shift_right_logical3A_794 = arith.shrui %and3A_792, %shift_right_logical3A_793 : vector<16xi32>
      %and3A_795 = arith.constant 31 : i32
      %and3A_796 = vector.broadcast %and3A_795 : i32 to vector<16xi32>
      %and3A_797 = arith.andi %and3A_792, %and3A_796 : vector<16xi32>
      %shift_left3A = arith.constant 1 : i32
      %shift_left3A_798 = vector.broadcast %shift_left3A : i32 to vector<16xi32>
      %shift_left3A_799 = arith.shli %shift_left3A_798, %and3A_797 : vector<16xi32>
      %gather3A = tpu.vector_load_idx %arg16[%shift_right_logical3A_794] : memref<16400xi32, #tpu.memory_space<vmem>>[vector<16xi32>], vector<16xi32>,
      %and3A_800 = arith.andi %gather3A, %shift_left3A_799 : vector<16xi32>
      %eq3A = arith.constant 0 : i32
      %eq3A_801 = vector.broadcast %eq3A : i32 to vector<16xi32>
      %eq3A_802 = arith.cmpi eq, %and3A_800, %eq3A_801 : vector<16xi32>
      %and3A_803 = arith.andi %lt3A_782, %eq3A_802 : vector<16xi1>
      %add3A_804 = arith.constant 16384 : i32
      %add3A_805 = vector.broadcast %add3A_804 : i32 to vector<16xi32>
      %add3A_806 = arith.addi %add3A_805, %iota3A_780 : vector<16xi32>
      %select_n3A = arith.select %lt3A_782, %shift_right_logical3A_794, %add3A_806 : vector<16xi1>, vector<16xi32>
      %or3A = arith.ori %gather3A, %shift_left3A_799 : vector<16xi32>
      tpu.vector_store_idx %arg16[%select_n3A], %or3A : memref<16400xi32, #tpu.memory_space<vmem>>[vector<16xi32>], vector<16xi32>,
      %shift_right_logical3A_807 = arith.constant 12 : i32
      %shift_right_logical3A_808 = vector.broadcast %shift_right_logical3A_807 : i32 to vector<16xi32>
      %shift_right_logical3A_809 = arith.shrui %and3A_792, %shift_right_logical3A_808 : vector<16xi32>
      %mul3A_810 = arith.constant 16 : i32
      %mul3A_811 = vector.broadcast %mul3A_810 : i32 to vector<16xi32>
      %mul3A_812 = arith.muli %shift_right_logical3A_809, %mul3A_811 : vector<16xi32>
      %add3A_813 = arith.addi %mul3A_812, %iota3A_780 : vector<16xi32>
      %gather3A_814 = tpu.vector_load_idx %arg17[%add3A_813] : memref<2048xf32, #tpu.memory_space<vmem>>[vector<16xi32>], vector<16xf32>,
      %jit3A = arith.constant 0.000000e+00 : f32
      %broadcast_in_dim3A_815 = vector.broadcast %jit3A : f32 to vector<16xf32>
      %select_n3A_816 = arith.select %and3A_803, %get3A_790, %broadcast_in_dim3A_815 : vector<16xi1>, vector<16xf32>
      %add3A_817 = arith.addf %gather3A_814, %select_n3A_816 : vector<16xf32>
      tpu.vector_store_idx %arg17[%add3A_813], %add3A_817 : memref<2048xf32, #tpu.memory_space<vmem>>[vector<16xi32>], vector<16xf32>,
    }
    %scan3A_761 = arith.constant 512 : i32
    %scan3A_762 = arith.constant 0 : i32
    %scan3A_763 = arith.constant 512 : i32
    %scan3A_764 = arith.addi %scan3A_762, %scan3A_763 : i32
    %scan3A_765 = arith.constant 1 : i32
    scf.for %scan3A_774 = %scan3A_762 to %scan3A_764 step %scan3A_765  : i32 {
      %mul3A_775 = arith.constant 1 : i32
      %mul3A_776 = arith.muli %scan3A_774, %mul3A_775 : i32
      %add3A_777 = arith.constant 0 : i32
      %add3A_778 = arith.addi %add3A_777, %mul3A_776 : i32
      %sub3A = arith.constant 511 : i32
      %sub3A_779 = arith.subi %sub3A, %add3A_778 : i32
      %iota3A_780 = tpu.iota {dimensions = array<i32: 0>} : vector<16xi32>
      %get3A = arith.constant 0 : index
      %get3A_781 = tpu.vector_load %arg19[%get3A] {strides = array<i32>} : memref<128xi32, #tpu.memory_space<vmem>>, vector<16xi32>,
      %lt3A = vector.broadcast %sub3A_779 : i32 to vector<16xi32>
      %lt3A_782 = arith.cmpi slt, %lt3A, %get3A_781 : vector<16xi32>
      %mul3A_783 = arith.constant 16 : i32
      %mul3A_784 = arith.muli %sub3A_779, %mul3A_783 : i32
      %get3A_785 = arith.index_cast %mul3A_784 : i32 to index
      %get3A_786 = tpu.vector_load %arg12[%get3A_785] {strides = array<i32>} : memref<8208xi32, #tpu.memory_space<vmem>>, vector<16xi32>,
      %mul3A_787 = arith.constant 16 : i32
      %mul3A_788 = arith.muli %sub3A_779, %mul3A_787 : i32
      %get3A_789 = arith.index_cast %mul3A_788 : i32 to index
      %get3A_790 = tpu.vector_load %arg13[%get3A_789] {strides = array<i32>} : memref<8208xf32, #tpu.memory_space<vmem>>, vector<16xf32>,
      %and3A = arith.constant 524287 : i32
      %and3A_791 = vector.broadcast %and3A : i32 to vector<16xi32>
      %and3A_792 = arith.andi %get3A_786, %and3A_791 : vector<16xi32>
      %shift_right_logical3A = arith.constant 5 : i32
      %shift_right_logical3A_793 = vector.broadcast %shift_right_logical3A : i32 to vector<16xi32>
      %shift_right_logical3A_794 = arith.shrui %and3A_792, %shift_right_logical3A_793 : vector<16xi32>
      %and3A_795 = arith.constant 31 : i32
      %and3A_796 = vector.broadcast %and3A_795 : i32 to vector<16xi32>
      %and3A_797 = arith.andi %and3A_792, %and3A_796 : vector<16xi32>
      %shift_left3A = arith.constant 1 : i32
      %shift_left3A_798 = vector.broadcast %shift_left3A : i32 to vector<16xi32>
      %shift_left3A_799 = arith.shli %shift_left3A_798, %and3A_797 : vector<16xi32>
      %gather3A = tpu.vector_load_idx %arg16[%shift_right_logical3A_794] : memref<16400xi32, #tpu.memory_space<vmem>>[vector<16xi32>], vector<16xi32>,
      %and3A_800 = arith.andi %gather3A, %shift_left3A_799 : vector<16xi32>
      %eq3A = arith.constant 0 : i32
      %eq3A_801 = vector.broadcast %eq3A : i32 to vector<16xi32>
      %eq3A_802 = arith.cmpi eq, %and3A_800, %eq3A_801 : vector<16xi32>
      %and3A_803 = arith.andi %lt3A_782, %eq3A_802 : vector<16xi1>
      %add3A_804 = arith.constant 16384 : i32
      %add3A_805 = vector.broadcast %add3A_804 : i32 to vector<16xi32>
      %add3A_806 = arith.addi %add3A_805, %iota3A_780 : vector<16xi32>
      %select_n3A = arith.select %lt3A_782, %shift_right_logical3A_794, %add3A_806 : vector<16xi1>, vector<16xi32>
      %or3A = arith.ori %gather3A, %shift_left3A_799 : vector<16xi32>
      tpu.vector_store_idx %arg16[%select_n3A], %or3A : memref<16400xi32, #tpu.memory_space<vmem>>[vector<16xi32>], vector<16xi32>,
      %shift_right_logical3A_807 = arith.constant 12 : i32
      %shift_right_logical3A_808 = vector.broadcast %shift_right_logical3A_807 : i32 to vector<16xi32>
      %shift_right_logical3A_809 = arith.shrui %and3A_792, %shift_right_logical3A_808 : vector<16xi32>
      %mul3A_810 = arith.constant 16 : i32
      %mul3A_811 = vector.broadcast %mul3A_810 : i32 to vector<16xi32>
      %mul3A_812 = arith.muli %shift_right_logical3A_809, %mul3A_811 : vector<16xi32>
      %add3A_813 = arith.addi %mul3A_812, %iota3A_780 : vector<16xi32>
      %gather3A_814 = tpu.vector_load_idx %arg17[%add3A_813] : memref<2048xf32, #tpu.memory_space<vmem>>[vector<16xi32>], vector<16xf32>,
      %jit3A = arith.constant 0.000000e+00 : f32
      %broadcast_in_dim3A_815 = vector.broadcast %jit3A : f32 to vector<16xf32>
      %select_n3A_816 = arith.select %and3A_803, %get3A_790, %broadcast_in_dim3A_815 : vector<16xi1>, vector<16xf32>
      %add3A_817 = arith.addf %gather3A_814, %select_n3A_816 : vector<16xf32>
      tpu.vector_store_idx %arg17[%add3A_813], %add3A_817 : memref<2048xf32, #tpu.memory_space<vmem>>[vector<16xi32>], vector<16xf32>,
    }
    %scan3A_766 = arith.constant 512 : i32
    %scan3A_767 = arith.constant 0 : i32
    %scan3A_768 = arith.constant 8 : i32
    %scan3A_769 = arith.addi %scan3A_767, %scan3A_768 : i32
    %scan3A_770 = arith.constant 1 : i32
    scf.for %scan3A_774 = %scan3A_767 to %scan3A_769 step %scan3A_770  : i32 {
      %mul3A_775 = arith.constant 1 : i32
      %mul3A_776 = arith.muli %scan3A_774, %mul3A_775 : i32
      %add3A_777 = arith.constant 0 : i32
      %add3A_778 = arith.addi %add3A_777, %mul3A_776 : i32
      %iota3A_779 = tpu.iota {dimensions = array<i32: 0>} : vector<16xi32>
      %mul3A_780 = arith.constant 16 : i32
      %mul3A_781 = arith.muli %add3A_778, %mul3A_780 : i32
      %add3A_782 = vector.broadcast %mul3A_781 : i32 to vector<16xi32>
      %add3A_783 = arith.addi %add3A_782, %iota3A_779 : vector<16xi32>
      %mul3A_784 = arith.constant 16 : i32
      %mul3A_785 = vector.broadcast %mul3A_784 : i32 to vector<16xi32>
      %mul3A_786 = arith.muli %add3A_783, %mul3A_785 : vector<16xi32>
      %add3A_787 = arith.constant 0 : i32
      %add3A_788 = vector.broadcast %add3A_787 : i32 to vector<16xi32>
      %add3A_789 = arith.addi %mul3A_786, %add3A_788 : vector<16xi32>
      %gather3A = tpu.vector_load_idx %arg17[%add3A_789] : memref<2048xf32, #tpu.memory_space<vmem>>[vector<16xi32>], vector<16xf32>,
      %add3A_790 = arith.addf %broadcast_in_dim3A_3, %gather3A : vector<16xf32>
      %mul3A_791 = arith.constant 16 : i32
      %mul3A_792 = arith.muli %add3A_778, %mul3A_791 : i32
      %add3A_793 = vector.broadcast %mul3A_792 : i32 to vector<16xi32>
      %add3A_794 = arith.addi %add3A_793, %iota3A_779 : vector<16xi32>
      %mul3A_795 = arith.constant 16 : i32
      %mul3A_796 = vector.broadcast %mul3A_795 : i32 to vector<16xi32>
      %mul3A_797 = arith.muli %add3A_794, %mul3A_796 : vector<16xi32>
      %add3A_798 = arith.constant 1 : i32
      %add3A_799 = vector.broadcast %add3A_798 : i32 to vector<16xi32>
      %add3A_800 = arith.addi %mul3A_797, %add3A_799 : vector<16xi32>
      %gather3A_801 = tpu.vector_load_idx %arg17[%add3A_800] : memref<2048xf32, #tpu.memory_space<vmem>>[vector<16xi32>], vector<16xf32>,
      %add3A_802 = arith.addf %add3A_790, %gather3A_801 : vector<16xf32>
      %mul3A_803 = arith.constant 16 : i32
      %mul3A_804 = arith.muli %add3A_778, %mul3A_803 : i32
      %add3A_805 = vector.broadcast %mul3A_804 : i32 to vector<16xi32>
      %add3A_806 = arith.addi %add3A_805, %iota3A_779 : vector<16xi32>
      %mul3A_807 = arith.constant 16 : i32
      %mul3A_808 = vector.broadcast %mul3A_807 : i32 to vector<16xi32>
      %mul3A_809 = arith.muli %add3A_806, %mul3A_808 : vector<16xi32>
      %add3A_810 = arith.constant 2 : i32
      %add3A_811 = vector.broadcast %add3A_810 : i32 to vector<16xi32>
      %add3A_812 = arith.addi %mul3A_809, %add3A_811 : vector<16xi32>
      %gather3A_813 = tpu.vector_load_idx %arg17[%add3A_812] : memref<2048xf32, #tpu.memory_space<vmem>>[vector<16xi32>], vector<16xf32>,
      %add3A_814 = arith.addf %add3A_802, %gather3A_813 : vector<16xf32>
      %mul3A_815 = arith.constant 16 : i32
      %mul3A_816 = arith.muli %add3A_778, %mul3A_815 : i32
      %add3A_817 = vector.broadcast %mul3A_816 : i32 to vector<16xi32>
      %add3A_818 = arith.addi %add3A_817, %iota3A_779 : vector<16xi32>
      %mul3A_819 = arith.constant 16 : i32
      %mul3A_820 = vector.broadcast %mul3A_819 : i32 to vector<16xi32>
      %mul3A_821 = arith.muli %add3A_818, %mul3A_820 : vector<16xi32>
      %add3A_822 = arith.constant 3 : i32
      %add3A_823 = vector.broadcast %add3A_822 : i32 to vector<16xi32>
      %add3A_824 = arith.addi %mul3A_821, %add3A_823 : vector<16xi32>
      %gather3A_825 = tpu.vector_load_idx %arg17[%add3A_824] : memref<2048xf32, #tpu.memory_space<vmem>>[vector<16xi32>], vector<16xf32>,
      %add3A_826 = arith.addf %add3A_814, %gather3A_825 : vector<16xf32>
      %mul3A_827 = arith.constant 16 : i32
      %mul3A_828 = arith.muli %add3A_778, %mul3A_827 : i32
      %add3A_829 = vector.broadcast %mul3A_828 : i32 to vector<16xi32>
      %add3A_830 = arith.addi %add3A_829, %iota3A_779 : vector<16xi32>
      %mul3A_831 = arith.constant 16 : i32
      %mul3A_832 = vector.broadcast %mul3A_831 : i32 to vector<16xi32>
      %mul3A_833 = arith.muli %add3A_830, %mul3A_832 : vector<16xi32>
      %add3A_834 = arith.constant 4 : i32
      %add3A_835 = vector.broadcast %add3A_834 : i32 to vector<16xi32>
      %add3A_836 = arith.addi %mul3A_833, %add3A_835 : vector<16xi32>
      %gather3A_837 = tpu.vector_load_idx %arg17[%add3A_836] : memref<2048xf32, #tpu.memory_space<vmem>>[vector<16xi32>], vector<16xf32>,
      %add3A_838 = arith.addf %add3A_826, %gather3A_837 : vector<16xf32>
      %mul3A_839 = arith.constant 16 : i32
      %mul3A_840 = arith.muli %add3A_778, %mul3A_839 : i32
      %add3A_841 = vector.broadcast %mul3A_840 : i32 to vector<16xi32>
      %add3A_842 = arith.addi %add3A_841, %iota3A_779 : vector<16xi32>
      %mul3A_843 = arith.constant 16 : i32
      %mul3A_844 = vector.broadcast %mul3A_843 : i32 to vector<16xi32>
      %mul3A_845 = arith.muli %add3A_842, %mul3A_844 : vector<16xi32>
      %add3A_846 = arith.constant 5 : i32
      %add3A_847 = vector.broadcast %add3A_846 : i32 to vector<16xi32>
      %add3A_848 = arith.addi %mul3A_845, %add3A_847 : vector<16xi32>
      %gather3A_849 = tpu.vector_load_idx %arg17[%add3A_848] : memref<2048xf32, #tpu.memory_space<vmem>>[vector<16xi32>], vector<16xf32>,
      %add3A_850 = arith.addf %add3A_838, %gather3A_849 : vector<16xf32>
      %mul3A_851 = arith.constant 16 : i32
      %mul3A_852 = arith.muli %add3A_778, %mul3A_851 : i32
      %add3A_853 = vector.broadcast %mul3A_852 : i32 to vector<16xi32>
      %add3A_854 = arith.addi %add3A_853, %iota3A_779 : vector<16xi32>
      %mul3A_855 = arith.constant 16 : i32
      %mul3A_856 = vector.broadcast %mul3A_855 : i32 to vector<16xi32>
      %mul3A_857 = arith.muli %add3A_854, %mul3A_856 : vector<16xi32>
      %add3A_858 = arith.constant 6 : i32
      %add3A_859 = vector.broadcast %add3A_858 : i32 to vector<16xi32>
      %add3A_860 = arith.addi %mul3A_857, %add3A_859 : vector<16xi32>
      %gather3A_861 = tpu.vector_load_idx %arg17[%add3A_860] : memref<2048xf32, #tpu.memory_space<vmem>>[vector<16xi32>], vector<16xf32>,
      %add3A_862 = arith.addf %add3A_850, %gather3A_861 : vector<16xf32>
      %mul3A_863 = arith.constant 16 : i32
      %mul3A_864 = arith.muli %add3A_778, %mul3A_863 : i32
      %add3A_865 = vector.broadcast %mul3A_864 : i32 to vector<16xi32>
      %add3A_866 = arith.addi %add3A_865, %iota3A_779 : vector<16xi32>
      %mul3A_867 = arith.constant 16 : i32
      %mul3A_868 = vector.broadcast %mul3A_867 : i32 to vector<16xi32>
      %mul3A_869 = arith.muli %add3A_866, %mul3A_868 : vector<16xi32>
      %add3A_870 = arith.constant 7 : i32
      %add3A_871 = vector.broadcast %add3A_870 : i32 to vector<16xi32>
      %add3A_872 = arith.addi %mul3A_869, %add3A_871 : vector<16xi32>
      %gather3A_873 = tpu.vector_load_idx %arg17[%add3A_872] : memref<2048xf32, #tpu.memory_space<vmem>>[vector<16xi32>], vector<16xf32>,
      %add3A_874 = arith.addf %add3A_862, %gather3A_873 : vector<16xf32>
      %mul3A_875 = arith.constant 16 : i32
      %mul3A_876 = arith.muli %add3A_778, %mul3A_875 : i32
      %add3A_877 = vector.broadcast %mul3A_876 : i32 to vector<16xi32>
      %add3A_878 = arith.addi %add3A_877, %iota3A_779 : vector<16xi32>
      %mul3A_879 = arith.constant 16 : i32
      %mul3A_880 = vector.broadcast %mul3A_879 : i32 to vector<16xi32>
      %mul3A_881 = arith.muli %add3A_878, %mul3A_880 : vector<16xi32>
      %add3A_882 = arith.constant 8 : i32
      %add3A_883 = vector.broadcast %add3A_882 : i32 to vector<16xi32>
      %add3A_884 = arith.addi %mul3A_881, %add3A_883 : vector<16xi32>
      %gather3A_885 = tpu.vector_load_idx %arg17[%add3A_884] : memref<2048xf32, #tpu.memory_space<vmem>>[vector<16xi32>], vector<16xf32>,
      %add3A_886 = arith.addf %add3A_874, %gather3A_885 : vector<16xf32>
      %mul3A_887 = arith.constant 16 : i32
      %mul3A_888 = arith.muli %add3A_778, %mul3A_887 : i32
      %add3A_889 = vector.broadcast %mul3A_888 : i32 to vector<16xi32>
      %add3A_890 = arith.addi %add3A_889, %iota3A_779 : vector<16xi32>
      %mul3A_891 = arith.constant 16 : i32
      %mul3A_892 = vector.broadcast %mul3A_891 : i32 to vector<16xi32>
      %mul3A_893 = arith.muli %add3A_890, %mul3A_892 : vector<16xi32>
      %add3A_894 = arith.constant 9 : i32
      %add3A_895 = vector.broadcast %add3A_894 : i32 to vector<16xi32>
      %add3A_896 = arith.addi %mul3A_893, %add3A_895 : vector<16xi32>
      %gather3A_897 = tpu.vector_load_idx %arg17[%add3A_896] : memref<2048xf32, #tpu.memory_space<vmem>>[vector<16xi32>], vector<16xf32>,
      %add3A_898 = arith.addf %add3A_886, %gather3A_897 : vector<16xf32>
      %mul3A_899 = arith.constant 16 : i32
      %mul3A_900 = arith.muli %add3A_778, %mul3A_899 : i32
      %add3A_901 = vector.broadcast %mul3A_900 : i32 to vector<16xi32>
      %add3A_902 = arith.addi %add3A_901, %iota3A_779 : vector<16xi32>
      %mul3A_903 = arith.constant 16 : i32
      %mul3A_904 = vector.broadcast %mul3A_903 : i32 to vector<16xi32>
      %mul3A_905 = arith.muli %add3A_902, %mul3A_904 : vector<16xi32>
      %add3A_906 = arith.constant 10 : i32
      %add3A_907 = vector.broadcast %add3A_906 : i32 to vector<16xi32>
      %add3A_908 = arith.addi %mul3A_905, %add3A_907 : vector<16xi32>
      %gather3A_909 = tpu.vector_load_idx %arg17[%add3A_908] : memref<2048xf32, #tpu.memory_space<vmem>>[vector<16xi32>], vector<16xf32>,
      %add3A_910 = arith.addf %add3A_898, %gather3A_909 : vector<16xf32>
      %mul3A_911 = arith.constant 16 : i32
      %mul3A_912 = arith.muli %add3A_778, %mul3A_911 : i32
      %add3A_913 = vector.broadcast %mul3A_912 : i32 to vector<16xi32>
      %add3A_914 = arith.addi %add3A_913, %iota3A_779 : vector<16xi32>
      %mul3A_915 = arith.constant 16 : i32
      %mul3A_916 = vector.broadcast %mul3A_915 : i32 to vector<16xi32>
      %mul3A_917 = arith.muli %add3A_914, %mul3A_916 : vector<16xi32>
      %add3A_918 = arith.constant 11 : i32
      %add3A_919 = vector.broadcast %add3A_918 : i32 to vector<16xi32>
      %add3A_920 = arith.addi %mul3A_917, %add3A_919 : vector<16xi32>
      %gather3A_921 = tpu.vector_load_idx %arg17[%add3A_920] : memref<2048xf32, #tpu.memory_space<vmem>>[vector<16xi32>], vector<16xf32>,
      %add3A_922 = arith.addf %add3A_910, %gather3A_921 : vector<16xf32>
      %mul3A_923 = arith.constant 16 : i32
      %mul3A_924 = arith.muli %add3A_778, %mul3A_923 : i32
      %add3A_925 = vector.broadcast %mul3A_924 : i32 to vector<16xi32>
      %add3A_926 = arith.addi %add3A_925, %iota3A_779 : vector<16xi32>
      %mul3A_927 = arith.constant 16 : i32
      %mul3A_928 = vector.broadcast %mul3A_927 : i32 to vector<16xi32>
      %mul3A_929 = arith.muli %add3A_926, %mul3A_928 : vector<16xi32>
      %add3A_930 = arith.constant 12 : i32
      %add3A_931 = vector.broadcast %add3A_930 : i32 to vector<16xi32>
      %add3A_932 = arith.addi %mul3A_929, %add3A_931 : vector<16xi32>
      %gather3A_933 = tpu.vector_load_idx %arg17[%add3A_932] : memref<2048xf32, #tpu.memory_space<vmem>>[vector<16xi32>], vector<16xf32>,
      %add3A_934 = arith.addf %add3A_922, %gather3A_933 : vector<16xf32>
      %mul3A_935 = arith.constant 16 : i32
      %mul3A_936 = arith.muli %add3A_778, %mul3A_935 : i32
      %add3A_937 = vector.broadcast %mul3A_936 : i32 to vector<16xi32>
      %add3A_938 = arith.addi %add3A_937, %iota3A_779 : vector<16xi32>
      %mul3A_939 = arith.constant 16 : i32
      %mul3A_940 = vector.broadcast %mul3A_939 : i32 to vector<16xi32>
      %mul3A_941 = arith.muli %add3A_938, %mul3A_940 : vector<16xi32>
      %add3A_942 = arith.constant 13 : i32
      %add3A_943 = vector.broadcast %add3A_942 : i32 to vector<16xi32>
      %add3A_944 = arith.addi %mul3A_941, %add3A_943 : vector<16xi32>
      %gather3A_945 = tpu.vector_load_idx %arg17[%add3A_944] : memref<2048xf32, #tpu.memory_space<vmem>>[vector<16xi32>], vector<16xf32>,
      %add3A_946 = arith.addf %add3A_934, %gather3A_945 : vector<16xf32>
      %mul3A_947 = arith.constant 16 : i32
      %mul3A_948 = arith.muli %add3A_778, %mul3A_947 : i32
      %add3A_949 = vector.broadcast %mul3A_948 : i32 to vector<16xi32>
      %add3A_950 = arith.addi %add3A_949, %iota3A_779 : vector<16xi32>
      %mul3A_951 = arith.constant 16 : i32
      %mul3A_952 = vector.broadcast %mul3A_951 : i32 to vector<16xi32>
      %mul3A_953 = arith.muli %add3A_950, %mul3A_952 : vector<16xi32>
      %add3A_954 = arith.constant 14 : i32
      %add3A_955 = vector.broadcast %add3A_954 : i32 to vector<16xi32>
      %add3A_956 = arith.addi %mul3A_953, %add3A_955 : vector<16xi32>
      %gather3A_957 = tpu.vector_load_idx %arg17[%add3A_956] : memref<2048xf32, #tpu.memory_space<vmem>>[vector<16xi32>], vector<16xf32>,
      %add3A_958 = arith.addf %add3A_946, %gather3A_957 : vector<16xf32>
      %mul3A_959 = arith.constant 16 : i32
      %mul3A_960 = arith.muli %add3A_778, %mul3A_959 : i32
      %add3A_961 = vector.broadcast %mul3A_960 : i32 to vector<16xi32>
      %add3A_962 = arith.addi %add3A_961, %iota3A_779 : vector<16xi32>
      %mul3A_963 = arith.constant 16 : i32
      %mul3A_964 = vector.broadcast %mul3A_963 : i32 to vector<16xi32>
      %mul3A_965 = arith.muli %add3A_962, %mul3A_964 : vector<16xi32>
      %add3A_966 = arith.constant 15 : i32
      %add3A_967 = vector.broadcast %add3A_966 : i32 to vector<16xi32>
      %add3A_968 = arith.addi %mul3A_965, %add3A_967 : vector<16xi32>
      %gather3A_969 = tpu.vector_load_idx %arg17[%add3A_968] : memref<2048xf32, #tpu.memory_space<vmem>>[vector<16xi32>], vector<16xf32>,
      %add3A_970 = arith.addf %add3A_958, %gather3A_969 : vector<16xf32>
      %mul3A_971 = arith.constant 16 : i32
      %mul3A_972 = arith.muli %add3A_778, %mul3A_971 : i32
      %swap3A_973 = arith.index_cast %mul3A_972 : i32 to index
      %swap3A_974 = tpu.vector_load %arg18[%swap3A_973] {strides = array<i32>} : memref<128xf32, #tpu.memory_space<vmem>>, vector<16xf32>,
      tpu.vector_store %arg18[%swap3A_973], %add3A_970 {strides = array<i32>} : memref<128xf32, #tpu.memory_space<vmem>>, vector<16xf32>,
    }
    %scan3A_771 = arith.constant 8 : i32
    %mul3A_772 = arith.constant 128 : i32
    %mul3A_773 = arith.muli %add3A, %mul3A_772 : i32
    "tpu.region"() ({
      %run_scoped3A = tpu.sem_alloc : memref<!tpu.dma_semaphore, #tpu.memory_space<semaphore_mem>>
      %dma_start3A_774 = tpu.memref_slice %arg5[%mul3A_773] : memref<4096xf32, #tpu.memory_space<hbm>> -> memref<128xf32, #tpu.memory_space<hbm>>
      %dma_start3A_775 = tpu.memref_slice %arg5[%mul3A_773] : memref<4096xf32, #tpu.memory_space<hbm>> -> memref<128xf32, #tpu.memory_space<hbm>>
      tpu.enqueue_dma source(%arg18 : memref<128xf32, #tpu.memory_space<vmem>>) target(%dma_start3A_775 : memref<128xf32, #tpu.memory_space<hbm>>) target_semaphore(%run_scoped3A : memref<!tpu.dma_semaphore, #tpu.memory_space<semaphore_mem>>)
      %dma_wait3A_776 = tpu.memref_slice %arg5[%mul3A_773] : memref<4096xf32, #tpu.memory_space<hbm>> -> memref<128xf32, #tpu.memory_space<hbm>>
      %dma_wait3A_777 = tpu.memref_slice %arg5[%mul3A_773] : memref<4096xf32, #tpu.memory_space<hbm>> -> memref<128xf32, #tpu.memory_space<hbm>>
      tpu.wait_dma2 semaphore(%run_scoped3A : memref<!tpu.dma_semaphore, #tpu.memory_space<semaphore_mem>>) src(%arg18 : memref<128xf32, #tpu.memory_space<vmem>>) dst(%dma_wait3A_777 : memref<128xf32, #tpu.memory_space<hbm>>)
      tpu.yield
    }) : () -> ()
    return
  }
}

module attributes {stable_mosaic.version = 14 : i64} {
  func.func @body(%arg0: i32, %arg1: memref<4096x1xf32, #tpu.memory_space<vmem>>, %arg2: memref<128x1xf32, #tpu.memory_space<vmem>>, %arg3: memref<128x256xf32, #tpu.memory_space<vmem>>, %arg4: memref<128x256xf32, #tpu.memory_space<vmem>>) attributes {dimension_semantics = [#tpu.dimension_semantics<arbitrary>], iteration_bounds = array<i64: 32>, scalar_prefetch = 0 : i64, scratch_operands = 0 : i64, tpu.core_type = #tpu.core_type<tc>, window_params = [{pipeline_mode = #tpu.pipeline_mode<synchronous>, transform_indices = @transform_0, window_bounds = array<i64: 4096, 1>}, {transform_indices = @transform_1, window_bounds = array<i64: 128, 1>}, {transform_indices = @transform_2, window_bounds = array<i64: 128, 256>}, {transform_indices = @transform_3, window_bounds = array<i64: 128, 256>}]} {
    %get3A = arith.constant 0 : index
    %get3A_0 = arith.constant 0 : index
    %get3A_1 = vector.load %arg1[%get3A, %get3A_0] : memref<4096x1xf32, #tpu.memory_space<vmem>>, vector<4096x1xf32>
    %div3A = arith.constant 1.000000e+00 : f32
    %div3A_2 = vector.broadcast %div3A : f32 to vector<4096x1xf32>
    %div3A_3 = arith.divf %div3A_2, %get3A_1 : vector<4096x1xf32>
    %reduce_min3A = vector.shape_cast %div3A_3 : vector<4096x1xf32> to vector<1x4096x1xf32>
    %reduce_min3A_4 = arith.constant dense<0x7F800000> : vector<1xf32>
    %reduce_min3A_5 = vector.multi_reduction <minimumf>, %reduce_min3A, %reduce_min3A_4 [1, 2] : vector<1x4096x1xf32> to vector<1xf32>
    %reduce_min3A_6 = vector.shape_cast %reduce_min3A_5 : vector<1xf32> to vector<1x1x1xf32>
    %reduce_min3A_7 = vector.extract %reduce_min3A_6[0, 0, 0] : f32 from vector<1x1x1xf32>
    %reduce_max3A = vector.shape_cast %div3A_3 : vector<4096x1xf32> to vector<1x4096x1xf32>
    %reduce_max3A_8 = arith.constant dense<0xFF800000> : vector<1xf32>
    %reduce_max3A_9 = vector.multi_reduction <maximumf>, %reduce_max3A, %reduce_max3A_8 [1, 2] : vector<1x4096x1xf32> to vector<1xf32>
    %reduce_max3A_10 = vector.shape_cast %reduce_max3A_9 : vector<1xf32> to vector<1x1x1xf32>
    %reduce_max3A_11 = vector.extract %reduce_max3A_10[0, 0, 0] : f32 from vector<1x1x1xf32>
    %get3A_12 = arith.constant 0 : index
    %get3A_13 = arith.constant 0 : index
    %get3A_14 = vector.load %arg2[%get3A_12, %get3A_13] : memref<128x1xf32, #tpu.memory_space<vmem>>, vector<128x1xf32>
    %div3A_15 = arith.constant 1.000000e+00 : f32
    %div3A_16 = vector.broadcast %div3A_15 : f32 to vector<128x1xf32>
    %div3A_17 = arith.divf %div3A_16, %get3A_14 : vector<128x1xf32>
    %sub3A = vector.broadcast %reduce_min3A_7 : f32 to vector<128x1xf32>
    %sub3A_18 = arith.subf %div3A_17, %sub3A : vector<128x1xf32>
    %sub3A_19 = arith.subf %reduce_max3A_11, %reduce_min3A_7 : f32
    %add3A = arith.constant 9.99999993E-9 : f32
    %add3A_20 = arith.addf %sub3A_19, %add3A : f32
    %div3A_21 = vector.broadcast %add3A_20 : f32 to vector<128x1xf32>
    %div3A_22 = arith.divf %sub3A_18, %div3A_21 : vector<128x1xf32>
    %get3A_23 = arith.constant 0 : index
    %get3A_24 = arith.constant 0 : index
    %get3A_25 = vector.load %arg3[%get3A_23, %get3A_24] : memref<128x256xf32, #tpu.memory_space<vmem>>, vector<128x256xf32>
    %add3A_26 = vector.broadcast %div3A_22 : vector<128x1xf32> to vector<128x256xf32>
    %add3A_27 = arith.addf %get3A_25, %add3A_26 : vector<128x256xf32>
    %swap3A = arith.constant 0 : index
    %swap3A_28 = arith.constant 0 : index
    %swap3A_29 = vector.load %arg4[%swap3A, %swap3A_28] : memref<128x256xf32, #tpu.memory_space<vmem>>, vector<128x256xf32>
    tpu.vector_store %arg4[%swap3A, %swap3A_28], %add3A_27 {strides = array<i32>} : memref<128x256xf32, #tpu.memory_space<vmem>>, vector<128x256xf32>,
    return
  }
  func.func @transform_0(%arg0: i32) -> (i32, i32) {
    %c0_i32 = arith.constant 0 : i32
    %c0_i32_0 = arith.constant 0 : i32
    %c0_i32_1 = arith.constant 0 : i32
    return %c0_i32, %c0_i32_0 : i32, i32
  }
  func.func @transform_1(%arg0: i32) -> (i32, i32) {
    %c0_i32 = arith.constant 0 : i32
    %c0_i32_0 = arith.constant 0 : i32
    return %arg0, %c0_i32 : i32, i32
  }
  func.func @transform_2(%arg0: i32) -> (i32, i32) {
    %c0_i32 = arith.constant 0 : i32
    %c0_i32_0 = arith.constant 0 : i32
    return %arg0, %c0_i32 : i32, i32
  }
  func.func @transform_3(%arg0: i32) -> (i32, i32) {
    %c0_i32 = arith.constant 0 : i32
    %c0_i32_0 = arith.constant 0 : i32
    return %arg0, %c0_i32 : i32, i32
  }
}

</mosaic_0001>

<sc_bundles>
// kernel: kernel.4.cloned.1.call-start
scs
__scs_entry_jumppad:
0x0: {  	(pc) =	sbr.rel $0x88, $3  }
0x1: {  	(tag) =	ssettag $0x0;
	lr =	simm.s32 $0x1  }
0x2: {  	[smem:$0x3F9E] =	sst lr;
	_ =	strace $0xD0000000  }
0x3: {  	_ = 	snop  }
0x4: {  	_ = 	snop  }
0x5: {  	_ = 	snop  }
0x6: {  	_ = 	snop  }
0x7: {  	_ = 	snop  }
__scs_overlays_trampoline_lowered:
0x8: {  	[smem:$0x3FAD] =	sst s0  }
0x9: {  	[smem:$0x3FAE] =	sst s1  }
0xa: {  	[smem:$0x3FAF] =	sst s2  }
0xb: {  	[smem:$0x3FB0] =	sst s3  }
0xc: {  	[smem:$0x3FB1] =	sst s4  }
0xd: {  	[smem:$0x3FB2] =	sst s5  }
0xe: {  	[smem:$0x3FB3] =	sst s6  }
0xf: {  	[smem:$0x3FB4] =	sst s7  }
0x10: {  	[smem:$0x3FB5] =	sst s8  }
0x11: {  	[smem:$0x3FB6] =	sst s9;
	s0 =	simm.s32 @!p0 $0x0  }
0x12: {  	s1 =	sld [smem:$0x3F9C];
	s0 =	simm.s32 @p0 $0x1  }
0x13: {  	[smem:$0x3FB7] =	sst s0;
	s0 =	simm.s32 @!p1 $0x0  }
0x14: {  	s2 =	sld [smem:$0x3F9B];
	s0 =	simm.s32 @p1 $0x1  }
0x15: {  	[smem:$0x3FB8] =	sst s0;
	s0 =	simm.s32 @!p2 $0x0  }
0x16: {  	s3 =	sld [smem:$0x3FDB];
	s0 =	simm.s32 @p2 $0x1  }
0x17: {  	s4 =	simm.s32 $0x1BF5;
	[smem:$0x3FBA] =	sst s0  }
0x18: {  	s0 =	sld [smem:$0x3F9D];
	_ =	swait.ge [sflag:s4], $0x0  }
0x19: {  	s7 =	sld [smem:$0x3F9E]  }
0x1a: {  	s8 =	sadd.s32 $0xFFFFE003, lr  }
0x1b: {  	s9 =	sadd.s32 $0xFFFFFEF7, lr;
	s5 =	simm.s32 $0xFFFFFFFF;
	p2 =	slt.u32 s8, $0xFFFFF086  }
0x1c: {  	p1 =	slt.u32 s9, $0xF7A;
	s5 =	simm.s32 @!p2 $0x0  }
0x1d: {  	s5 =	simm.s32 @p1 $0x1;
	p0 =	seq.s32 s7, s2  }
0x1e: {  	s7 =	smul.u32 @!p0 $0xF7A, s2;
	p2 =	seq.s32 @!p0 s5, $0x0  }
0x1f: {  	s9 =	smul.u32 $0xF7A, s1;
	s8 =	simm.s32 @!p0 $0x1BF5;
	p2 =	por !p2, p0  }
0x20: {  	[sflag:s8] =	ssyncset.s32 @!p0 $0xFFFFF086;
	s6 =	sadd.s32 @!p0 s3, s7;
	s7 =	simm.s32 @!p0 $0x108  }
0x21: {  	s3 =	sadd.s32 s3, s9;
	s6 =	sadd.s32 @!p0 $0x88, s6;
	s7 =	simm.s32 @p2 $0x1082  }
0x22: {  	[simem:s7], [sflag:s8] =	dma.local @!p0 [hbm:s6], $0xF7A  }
0x23: {  	s9 =	sor.u32 $0xD0000000, s2;
	s6 =	simm.s32 $0x108;
	_ =	swait.ge @!p0 [sflag:s8], $0x0  }
0x24: {  	s3 =	sadd.s32 $0x88, s3;
	s6 =	simm.s32 @!p1 $0x1082;
	[sflag:s4] =	ssyncset.s32 $0xFFFFF086  }
0x25: {  	[simem:s6], [sflag:s4] =	dma.local [hbm:s3], $0xF7A  }
0x26: {  	[smem:$0x3F9E] =	sst s1;
	(tag) =	ssettag s2;
	_ =	strace s9  }
0x27: {  	s1 =	sld [smem:$0x3FAE]  }
0x28: {  	s2 =	sld [smem:$0x3FAF]  }
0x29: {  	s4 =	sld [smem:$0x3FB1]  }
0x2a: {  	p0 =	seq.s32 s5, $0x0;
	s5 =	sld [smem:$0x3FB2]  }
0x2b: {  	s6 =	sld [smem:$0x3FB3]  }
0x2c: {  	s7 =	sld [smem:$0x3FB4]  }
0x2d: {  	s3 =	simm.s32 $0x108;
	s8 =	sld [smem:$0x3FB5]  }
0x2e: {  	s3 =	simm.s32 @!p0 $0x1082;
	s9 =	sld [smem:$0x3FB6]  }
0x2f: {  	lr =	sadd.s32 s0, s3;
	s0 =	sld [smem:$0x3FAD]  }
0x30: {  	s3 =	sld [smem:$0x3FB0]  }
0x31: {  	[smem:$0x3FB9] =	sst s10  }
0x32: {  	s10 =	sld [smem:$0x3FB7];
	_ =	sdelay $0x3  }
0x33: {  	p0 =	seq.s32 s10, $0x1;
	s10 =	sld [smem:$0x3FB9];
	_ =	sdelay $0x3  }
0x34: {  	[smem:$0x3FB9] =	sst s10  }
0x35: {  	s10 =	sld [smem:$0x3FB8];
	_ =	sdelay $0x3  }
0x36: {  	p1 =	seq.s32 s10, $0x1;
	s10 =	sld [smem:$0x3FB9];
	_ =	sdelay $0x3  }
0x37: {  	[smem:$0x3FB9] =	sst s10  }
0x38: {  	s10 =	sld [smem:$0x3FBA]  }
0x39: {  	_ = 	snop;
	(pc) =	sbr.ind lr, $3  }
0x3a: {  	_ = 	snop  }
0x3b: {  	_ = 	snop  }
0x3c: {  	p2 =	seq.s32 s10, $0x1;
	s10 =	sld [smem:$0x3FB9]  }
0x3d: {  	_ =	shalt  }
0x3e: {  	_ =	shalt  }
0x3f: {  	_ =	shalt  }
0x40: {  	_ =	shalt  }
0x41: {  	_ =	shalt  }
0x42: {  	_ =	shalt  }
0x43: {  	_ =	shalt  }
0x44: {  	_ =	shalt  }
0x45: {  	_ =	shalt  }
0x46: {  	_ =	shalt  }
0x47: {  	_ =	shalt  }
0x48: {  	_ =	shalt  }
0x49: {  	_ =	shalt  }
0x4a: {  	_ =	shalt  }
0x4b: {  	_ =	shalt  }
0x4c: {  	_ =	shalt  }
0x4d: {  	_ =	shalt  }
0x4e: {  	_ =	shalt  }
0x4f: {  	_ =	shalt  }
0x50: {  	_ =	shalt  }
0x51: {  	_ =	shalt  }
0x52: {  	_ =	shalt  }
0x53: {  	_ =	shalt  }
0x54: {  	_ =	shalt  }
0x55: {  	_ =	shalt  }
0x56: {  	_ =	shalt  }
0x57: {  	_ =	shalt  }
0x58: {  	_ =	shalt  }
0x59: {  	_ =	shalt  }
0x5a: {  	_ =	shalt  }
0x5b: {  	_ =	shalt  }
0x5c: {  	_ =	shalt  }
0x5d: {  	_ =	shalt  }
0x5e: {  	_ =	shalt  }
0x5f: {  	_ =	shalt  }
0x60: {  	_ =	shalt  }
0x61: {  	_ =	shalt  }
0x62: {  	_ =	shalt  }
0x63: {  	_ =	shalt  }
0x64: {  	_ =	shalt  }
0x65: {  	_ =	shalt  }
0x66: {  	_ =	shalt  }
0x67: {  	_ =	shalt  }
0x68: {  	_ =	shalt  }
0x69: {  	_ =	shalt  }
0x6a: {  	_ =	shalt  }
0x6b: {  	_ =	shalt  }
0x6c: {  	_ =	shalt  }
0x6d: {  	_ =	shalt  }
0x6e: {  	_ =	shalt  }
0x6f: {  	_ =	shalt  }
0x70: {  	_ =	shalt  }
0x71: {  	_ =	shalt  }
0x72: {  	_ =	shalt  }
0x73: {  	_ =	shalt  }
0x74: {  	_ =	shalt  }
0x75: {  	_ =	shalt  }
0x76: {  	_ =	shalt  }
0x77: {  	_ =	shalt  }
0x78: {  	_ =	shalt  }
0x79: {  	_ =	shalt  }
0x7a: {  	_ =	shalt  }
0x7b: {  	_ =	shalt  }
0x7c: {  	_ =	shalt  }
0x7d: {  	_ =	shalt  }
0x7e: {  	_ =	shalt  }
0x7f: {  	_ =	shalt  }
0x80: {  	_ =	shalt  }
0x81: {  	_ =	shalt  }
0x82: {  	_ =	shalt  }
0x83: {  	_ =	shalt  }
0x84: {  	_ =	shalt  }
0x85: {  	_ =	shalt  }
0x86: {  	_ =	shalt  }
0x87: {  	_ =	shalt  }
.Lfunc_end0:
.L_simem_size_0:
called_computation_lowered:
.L_overlay_start_0:
0x88: {  	s2 =	sld [smem:$0x3FD9]  }
0x89: {  	s3 =	sld [smem:$0x3FFE];
	_ =	sdelay $0x1  }
0x8a: {  	s1 =	srdreg.scid  }
0x8b: {  	s0 =	sand.u32 $0x1, s1  }
0x8c: {  	s17 =	sshll.u32 s0, $0xA;
	s2 =	sadd.s32 s3, s2  }
0x8d: {  	s2 =	sadd.s32 s2, s17  }
0x8e: {  	[smem:$0x3FC5] =	sst s2  }
0x8f: {  	_ = 	snop  }
0x90: {  	s2 =	sld [smem:$0x3FD0];
	(tm) =	ssettm $0x1  }
0x91: {  	s18 =	sld [smem:$0x3FFB];
	_ =	sdelay $0x3  }
0x92: {  	_ =	strace s18  }
0x93: {  	s3 =	sld [smem:$0x3FFC];
	_ =	sdelay $0x3  }
0x94: {  	_ =	strace s3  }
0x95: {  	s3 =	sld [smem:$0x3FFD];
	_ =	sdelay $0x3  }
0x96: {  	_ =	strace s3  }
0x97: {  	_ =	strace $0x8FFFFFFF  }
0x98: {  	s19 =	sld [smem:$0x3FDB];
	_ =	sdelay $0x1  }
0x99: {  	s4 =	simm.s32 $_scs_section_size  }
0x9a: {  	s5 =	simm.s32 $_size__tile_overlayer_lowered;
	s6 =	simm.s32 $_tile_overlayer_lowered  }
0x9b: {  	s22 =	simm.s32 $0x1BFF;
	s21 =	sshll.u32 s6, $0x1;
	s3 =	sadd.s32 s4, s19  }
0x9c: {  	s7 =	simm.s32 $0x0;
	s20 =	sshll.u32 s5, $0x1;
	s5 =	sadd.s32 s21, s3  }
0x9d: {  	[timem:s7], [sflag:s22] =	dma.local [hbm:s5], s20  }
0x9e: {  	_ =	swait.ge [sflag:s22], s20  }
0x9f: {  	s4 =	ssub.s32 $0x0, s20;
	[sflag:s22] =	ssyncset.done $0x0  }
0xa0: {  	[sflag:s22] =	ssyncadd.s32 s4;
	_ =	sdelay $0x1  }
0xa1: {  	s23 =	simm.s32 $0x1B8B  }
0xa2: {  	_ =	swait.ge [sflag:s23], $0x1  }
0xa3: {  	[sflag:s23] =	ssyncset.done $0x0  }
0xa4: {  	s25 =	simm.s32 $0x1B8E;
	s24 =	sld [smem:$0x3FFE];
	[sflag:s23] =	ssyncadd.s32 $0xFFFFFFFF  }
0xa5: {  	s26 =	simm.s32 $execute0_lowered;
	[smem:$0x3FD2] =	sst s25  }
0xa6: {  	s5 =	sshll.u32 s26, $0x1;
	_ =	strace $0x80000046;
	[dreg:$0x1] =	wrdreg $0xFFFFFFFF  }
0xa7: {  	s28 =	simm.s32 $_size_execute0_lowered;
	s3 =	sadd.s32 s3, s5;
	[dreg:$0x0] =	wrdreg $0x0  }
0xa8: {  	s5 =	sshll.u32 s28, $0x1;
	[dreg:$0x2] =	wrdreg s3  }
0xa9: {  	[dreg:$0x3] =	wrdreg s5  }
0xaa: {  	[dreg:$0x4] =	wrdreg $0xC0  }
0xab: {  	_ =	task [dreg:s7], $0x5FFFF  }
0xac: {  	[dreg:$0x1] =	wrdreg $0xFFFFFFFF  }
0xad: {  	[dreg:$0x0] =	wrdreg $0x60  }
0xae: {  	[dreg:$0x2] =	wrdreg s2  }
0xaf: {  	[dreg:$0x3] =	wrdreg s24  }
0xb0: {  	[dreg:$0x4] =	wrdreg $0x9  }
0xb1: {  	_ =	task.clear_ibuf [dreg:s7], $0x5FFFF;
	_ =	strace $0x90000046  }
0xb2: {  	s29 =	simm.s32 $0x9;
	_ =	strace $0x80000048  }
0xb3: {  	_ =	swait.ge [sflag:s29], $0x1  }
0xb4: {  	[sflag:s29] =	ssyncadd.s32 $0xFFFFFFFF  }
0xb5: {  	_ =	strace $0x90000048  }
0xb6: {  	_ =	sfence  }
0xb7: {  	s30 =	sld [smem:$0x0];
	_ =	sdelay $0x2  }
0xb8: {  	s31 =	sshll.u32 s1, $0xD;
	s1 =	sshrl.u32 s1, $0x2  }
0xb9: {  	s3 =	sand.u32 $0x4000, s31;
	s1 =	sadd.s32 s1, s30  }
0xba: {  	s0 =	sor.u32 s3, s0;
	s1 =	sshll.u32 s1, $0x11  }
0xbb: {  	s0 =	sor.u32 s1, s0  }
0xbc: {  	s0 =	sadd.s32 $0x8F2B, s0  }
0xbd: {  	[sflag:s0] =	ssyncadd.remote.s32 $0x1  }
0xbe: {  	_ =	sfence.sel $0xFFFF  }
0xbf: {  	[dreg:$0x0] =	wrdreg $0xFFFFFFFF;
	(pc) =	sbr.abs _section_cstart, $3  }
0xc0: {  	[dreg:$0x1] =	wrdreg $0xFFFFFFFF  }
0xc1: {  	_ =	task.clear_ibuf [dreg:s7], $0x2FFFF;
	_ =	strace $0x9FFFFFFF  }
0xc2: {  	(tm) =	ssettm $0x7FFFFFFF  }
0xc3: {  	_ =	shalt  }
tec
execute0_lowered:
.L_overlay_start_1:
0x0: {  	(tag) =	ssettag $0x1  }
0x1: {  	s3 =	rddreg [dreg:$0x0]  }
0x2: {  	s5 =	rddreg [dreg:$0x1];
	s4 =	simm.s32 $0x0  }
0x3: {  	[smem:$0x7FF] =	sst s4;
	s6 =	sadd.s32 $0x4000, s5  }
0x4: {  	s8 =	sadd.s32 $0x10, s3;
	_ =	strace $0x80000047;
	[dreg:$0x3] =	wrdreg s6  }
0x5: {  	s10 =	sadd.s32 $0x4010, s5;
	[dreg:$0x4] =	wrdreg s8  }
0x6: {  	s11 =	sadd.s32 $0x10, s5;
	[dreg:$0x5] =	wrdreg s10  }
0x7: {  	s12 =	sadd.s32 $0x20, s3;
	[dreg:$0x6] =	wrdreg s11  }
0x8: {  	s13 =	sadd.s32 $0x4020, s5;
	[dreg:$0x7] =	wrdreg s12  }
0x9: {  	s14 =	sadd.s32 $0x20, s5;
	[dreg:$0x8] =	wrdreg s13  }
0xa: {  	s15 =	sadd.s32 $0x30, s3;
	[dreg:$0x9] =	wrdreg s14  }
0xb: {  	s16 =	sadd.s32 $0x4030, s5;
	[dreg:$0xa] =	wrdreg s15  }
0xc: {  	s17 =	sadd.s32 $0x30, s5;
	[dreg:$0xb] =	wrdreg s16  }
0xd: {  	s18 =	sadd.s32 $0x40, s3;
	[dreg:$0xc] =	wrdreg s17  }
0xe: {  	s19 =	sadd.s32 $0x4040, s5;
	[dreg:$0xd] =	wrdreg s18  }
0xf: {  	s20 =	sadd.s32 $0x40, s5;
	[dreg:$0xe] =	wrdreg s19  }
0x10: {  	s21 =	sadd.s32 $0x50, s3;
	[dreg:$0xf] =	wrdreg s20  }
0x11: {  	s22 =	sadd.s32 $0x4050, s5;
	[dreg:$0x10] =	wrdreg s21  }
0x12: {  	s23 =	sadd.s32 $0x50, s5;
	[dreg:$0x11] =	wrdreg s22  }
0x13: {  	s24 =	sadd.s32 $0x60, s3;
	[dreg:$0x12] =	wrdreg s23  }
0x14: {  	s25 =	sadd.s32 $0x4060, s5;
	[dreg:$0x13] =	wrdreg s24  }
0x15: {  	s26 =	sadd.s32 $0x60, s5;
	[dreg:$0x14] =	wrdreg s25  }
0x16: {  	s7 =	sadd.s32 $0x2000, s3;
	[dreg:$0x17] =	wrdreg s26  }
0x17: {  	s6 =	sadd.s32 $0x70, s5;
	[dreg:$0x1b] =	wrdreg s7  }
0x18: {  	s8 =	sadd.s32 $0x6000, s5;
	[dreg:$0x1a] =	wrdreg s6  }
0x19: {  	s10 =	sadd.s32 $0x2000, s5;
	[dreg:$0x1c] =	wrdreg s8  }
0x1a: {  	s11 =	sadd.s32 $0x2010, s3;
	[dreg:$0x1d] =	wrdreg s10  }
0x1b: {  	s12 =	sadd.s32 $0x6010, s5;
	[dreg:$0x1e] =	wrdreg s11  }
0x1c: {  	s13 =	sadd.s32 $0x2010, s5;
	[dreg:$0x1f] =	wrdreg s12  }
0x1d: {  	s14 =	sadd.s32 $0x2020, s3;
	[smem:$0x7F0] =	sst s13  }
0x1e: {  	s0 =	srdreg.scid;
	s15 =	sadd.s32 $0x6020, s5;
	[smem:$0x7F1] =	sst s14  }
0x1f: {  	s1 =	stileid.u32;
	s16 =	sadd.s32 $0x2020, s5;
	[smem:$0x7F2] =	sst s15  }
0x20: {  	s28 =	simm.s32 $0x1;
	s17 =	sadd.s32 $0x2030, s3;
	[smem:$0x7F3] =	sst s16  }
0x21: {  	s29 =	simm.s32 $0x3;
	s18 =	sadd.s32 $0x6030, s5;
	[smem:$0x7F4] =	sst s17  }
0x22: {  	s30 =	simm.s32 $0x5;
	s19 =	sadd.s32 $0x2030, s5;
	[smem:$0x7F5] =	sst s18  }
0x23: {  	s31 =	simm.s32 $0x2000;
	s20 =	sadd.s32 $0x2040, s3;
	[smem:$0x7F6] =	sst s19  }
0x24: {  	s0 =	sand.u32 $0x1, s0;
	s21 =	sadd.s32 $0x6040, s5;
	[smem:$0x7F7] =	sst s20  }
0x25: {  	s1 =	sshll.u32 s1, $0x1;
	s22 =	sadd.s32 $0x2040, s5;
	[smem:$0x7F8] =	sst s21  }
0x26: {  	s9 =	sor.u32 s0, s1;
	s23 =	sadd.s32 $0x2050, s3;
	[smem:$0x7F9] =	sst s22  }
0x27: {  	s0 =	ssub.s32 $0x2, s0;
	s24 =	sadd.s32 $0x6050, s5;
	[smem:$0x7FA] =	sst s23  }
0x28: {  	s25 =	sadd.s32 $0x2050, s5;
	s26 =	sadd.s32 $0x2060, s3;
	[smem:$0x7FB] =	sst s24  }
0x29: {  	s7 =	simm.s32 $0x2;
	s1 =	sshll.u32 s9, $0x4;
	[smem:$0x7FC] =	sst s25  }
0x2a: {  	s2 =	sshrl.u32 s0, $0x1;
	[smem:$0x7FD] =	sst s26;
	s18 =	sadd.s32 $0x6060, s5  }
0x2b: {  	s19 =	sadd.s32 $0x2060, s5;
	s20 =	sadd.s32 $0x2070, s3;
	s21 =	sadd.s32 $0x6070, s5  }
0x2c: {  	s22 =	sadd.s32 $0x2070, s5;
	s23 =	simm.s32 $0x80;
	s24 =	simm.s32 $0x400  }
0x2d: {  	s25 =	simm.s32 $0x4000;
	s26 =	simm.s32 $0x8000;
	s6 =	simm.s32 $0x12180  }
0x2e: {  	s8 =	simm.s32 $0x4;
	v0 =	vmov s9;
	s9 =	simm.s32 $0x6;
	s10 =	simm.s32 $0x14200  }
0x2f: {  	s11 =	simm.s32 $0x18280;
	s12 =	simm.s32 $0x7;
	s13 =	simm.s32 $0x0  }
0x30: {  	s1 =	sadd.s32 s1, s5;
	s0 =	ssub.s32 s0, s2;
	s2 =	sadd.s32 $0x4070, s5  }
0x31: {  	s5 =	simm.s32 $0x10100;
	s1 =	sadd.s32 $0x8000, s1;
	[dreg:$0x19] =	wrdreg s2  }
0x32: {  	s0 =	smax.u32 s0, $0x1;
	s2 =	simm.s32 $0xC000;
	[dreg:$0x15] =	wrdreg s1  }
0x33: {  	v1 =	vimm.s32 $0x0;
	v2 =	vlaneseq.u32;
	[dreg:$0x16] =	wrdreg s0;
	s1 =	sadd.s32 $0x70, s3;
	s0 =	simm.s32 $0x6000  }
0x34: {  	v3 =	vimm.f32 $0.0e+00;
	v5 =	vimm.s32 $0x1;
	v4 =	vor.u32 $0x2000, v2;
	s3 =	simm.s32 $0xE080;
	[dreg:$0x18] =	wrdreg s1;
	s1 =	simm.s32 $0xA000  }
.LBB2_1:
0x35: {  	s14 =	simm.s32 $0x0  }
.LBB2_2:
0x36: {  	p0 =	sne.s32 s14, $0xFFC0  }
.Ltmp0:
0x37: {  	_ = 	snop;
	(pc) =	sbr.rel @p0 .LBB2_2-.Ltmp0, $3  }
0x38: {  	_ =	sdelay $0x1  }
0x39: {  	s15 =	sshra.s32 s14, $0x2  }
0x3a: {  	s14 =	sadd.s32 $0x40, s14;
	[tilespmem:s15+$0x14200] =	vst v1  }
0x3b: {  	s14 =	simm.s32 $0x40;
	s15 =	simm.s32 $0x0  }
.LBB2_4:
0x3c: {  	p0 =	sne.s32 s14, $0x1FC0;
	[tilespmem:s15+$0x18280] =	vst v3;
	s15 =	smov.u32 s14;
	s14 =	sadd.s32 $0x40, s14  }
.Ltmp1:
0x3d: {  	(pc) =	sbr.rel @p0 .LBB2_4-.Ltmp1, $2  }
0x3e: {  	_ =	sdelay $0x2  }
0x3f: {  	s15 =	sshra.s32 s15, $0x2  }
0x40: {  	[tilespmem:s15+$0x18280] =	vst v3;
	s14 =	rddreg [dreg:$0x0]  }
0x41: {  	[tilespmem:s4], [sflag:$0x1] =	stream.strided.gather [hbm4b:s14+s23], $0x2000, s24, s23, $0x38;
	[tilespmem:$0x18B80] =	vst v63  }
0x42: {  	s16 =	rddreg [dreg:$0x3]  }
0x43: {  	[tilespmem:s25], [sflag:$0x3] =	stream.strided.gather [hbm4b:s16+s23], $0x2000, s24, s23, $0x38;
	[tilespmem:$0x18B80] =	vst v63  }
0x44: {  	s17 =	rddreg [dreg:$0x1]  }
0x45: {  	[tilespmem:s26], [sflag:$0x5] =	stream.strided.gather [hbm4b:s17+s23], $0x2000, s24, s23, $0x38;
	[tilespmem:$0x18B80] =	vst v63  }
0x46: {  	_ =	swait.ge [sflag:s28], $0x2000  }
0x47: {  	[sflag:s28] =	ssyncset.done $0x0  }
0x48: {  	[sflag:s28] =	ssyncadd.s32 $0xFFFFE000  }
0x49: {  	_ =	swait.ge [sflag:s29], $0x2000  }
0x4a: {  	[sflag:s29] =	ssyncset.done $0x0  }
0x4b: {  	[sflag:s29] =	ssyncadd.s32 $0xFFFFE000  }
0x4c: {  	_ =	swait.ge [sflag:s30], $0x2000  }
0x4d: {  	[sflag:s30] =	ssyncset.done $0x0  }
0x4e: {  	s15 =	rddreg [dreg:$0x4];
	[sflag:s30] =	ssyncadd.s32 $0xFFFFE000  }
0x4f: {  	[tilespmem:s31], [sflag:$0x2] =	stream.strided.gather [hbm4b:s15+s23], $0x2000, s24, s23, $0x38;
	[tilespmem:$0x18B80] =	vst v63  }
0x50: {  	s16 =	rddreg [dreg:$0x5]  }
0x51: {  	[tilespmem:s0], [sflag:$0x4] =	stream.strided.gather [hbm4b:s16+s23], $0x2000, s24, s23, $0x38;
	[tilespmem:$0x18B80] =	vst v63  }
0x52: {  	s17 =	rddreg [dreg:$0x6];
	s15 =	simm.s32 $0x20  }
0x53: {  	[tilespmem:s1], [sflag:$0x6] =	stream.strided.gather [hbm4b:s17+s23], $0x2000, s24, s23, $0x38;
	[tilespmem:$0x18B80] =	vst v63  }
0x54: {  	s16 =	simm.s32 $0x4020;
	v6 =	vld [tilespmem:s15+$0x10]  }
0x55: {  	v7 =	vld [tilespmem:s16+$0x10]  }
0x56: {  	v8 =	vld [tilespmem:s15+$0x0]  }
0x57: {  	v10 =	vld [tilespmem:s16+$0x0]  }
0x58: {  	v11 =	vld [tilespmem:s15+$0xFFFFFFF0]  }
0x59: {  	v9 =	vld [tilespmem:s16+$0xFFFFFFF0]  }
0x5a: {  	v12 =	vld [tilespmem:s15+$0xFFFFFFE0]  }
0x5b: {  	s17 =	simm.s32 $0x60;
	v14 =	vld [tilespmem:s16+$0xFFFFFFE0]  }
0x5c: {  	s14 =	simm.s32 $0x4060;
	v28 =	vld [tilespmem:s17+$0xFFFFFFF0]  }
0x5d: {  	v30 =	vld [tilespmem:s14+$0xFFFFFFF0]  }
0x5e: {  	v13 =	vimm.s32 $0x0;
	v33 =	vld [tilespmem:s17+$0xFFFFFFE0]  }
0x5f: {  	v15 =	vshll.u32 v13, $0x4;
	v34 =	vld [tilespmem:s14+$0xFFFFFFE0]  }
0x60: {  	v15 =	vor.u32 v2, v15;
	v16 =	vshll.u32 v6, $0xC;
	v17 =	vshll.u32 v8, $0xC  }
0x61: {  	v18 =	vshll.u32 v10, $0xC;
	v19 =	vshll.u32 v7, $0xC;
	v20 =	vshll.u32 v12, $0xC  }
0x62: {  	v21 =	vshll.u32 v11, $0xC;
	v22 =	vshll.u32 v9, $0xC;
	v23 =	vshll.u32 v14, $0xC  }
0x63: {  	v40 =	vshll.u32 v33, $0xC;
	v41 =	vshll.u32 v28, $0xC;
	v42 =	vshll.u32 v30, $0xC  }
0x64: {  	v43 =	vshll.u32 v34, $0xC;
	v24 =	vadd.s32 v7, v16;
	v25 =	vadd.s32 v6, v19  }
0x65: {  	v9 =	vadd.s32 v9, v21;
	v26 =	vadd.s32 v10, v17;
	v29 =	vadd.s32 v8, v18  }
0x66: {  	v7 =	vadd.s32 v14, v20;
	v6 =	vadd.s32 v12, v23;
	v8 =	vadd.s32 v11, v22  }
0x67: {  	v10 =	vshrl.u32 v26, $0x13;
	v11 =	vshrl.u32 v24, $0x13;
	v12 =	vshrl.u32 v25, $0x13  }
0x68: {  	v14 =	vshrl.u32 v9, $0x13;
	v16 =	vshrl.u32 v8, $0x13;
	v17 =	vshrl.u32 v29, $0x13  }
0x69: {  	v18 =	vshrl.u32 v7, $0x13;
	v19 =	vshrl.u32 v6, $0x13;
	vm3 =	veq.s32 v11, v0  }
0x6a: {  	vm4 =	veq.s32 v10, v0;
	vm1 =	veq.s32 v17, v0;
	vm5 =	veq.s32 v12, v0  }
0x6b: {  	vm0 =	veq.s32 v18, v0;
	vm6 =	veq.s32 v14, v0;
	vm7 =	veq.s32 v16, v0  }
0x6c: {  	v23 =	vld [tilespmem:s14+$0x0];
	vm2 =	veq.s32 v19, v0;
	v10 =	vsel vm4, $0x1, v1;
	v11 =	vsel vm3, $0x1, v1  }
0x6d: {  	v12 =	vsel vm0, $0x1, v1;
	v14 =	vsel vm2, $0x1, v1;
	v16 =	vsel vm6, $0x1, v1  }
0x6e: {  	v17 =	vsel vm1, $0x1, v1;
	v18 =	vsel vm5, $0x1, v1;
	v12 =	vadd.s32 v12, v13  }
0x6f: {  	v13 =	vadd.s32 v14, v13;
	v14 =	vsel vm7, $0x1, v1;
	v16 =	vadd.s32 v16, v12  }
0x70: {  	v14 =	vadd.s32 v14, v13;
	v12 =	vshll.u32 v12, $0x4;
	v13 =	vshll.u32 v13, $0x4  }
0x71: {  	v58 =	vshll.u32 v23, $0xC;
	v10 =	vadd.s32 v10, v16;
	v17 =	vadd.s32 v17, v14  }
0x72: {  	v12 =	vor.u32 v2, v12;
	v13 =	vor.u32 v2, v13;
	v20 =	vshll.u32 v10, $0x4  }
0x73: {  	v21 =	vld [tilespmem:s14+$0x10];
	v27 =	vadd.s32 v11, v10;
	v31 =	vadd.s32 v18, v17;
	v10 =	vshll.u32 v16, $0x4  }
0x74: {  	v19 =	vld [tilespmem:s17+$0x10];
	v11 =	vshll.u32 v14, $0x4;
	v14 =	vshll.u32 v17, $0x4;
	v16 =	vshll.u32 v27, $0x4  }
0x75: {  	v22 =	vld [tilespmem:s17+$0x0];
	v17 =	vshll.u32 v31, $0x4;
	v18 =	vor.u32 v2, v20;
	v14 =	vor.u32 v2, v14  }
0x76: {  	v20 =	vor.u32 v2, v10;
	v32 =	vor.u32 v2, v11;
	v10 =	vor.u32 v2, v16  }
0x77: {  	v11 =	vor.u32 v2, v17;
	v35 =	vsel vm4, v20, v4;
	v36 =	vsel vm3, v18, v4  }
0x78: {  	v37 =	vsel vm5, v14, v4;
	v20 =	vsel vm6, v12, v4;
	v18 =	vsel vm7, v13, v4  }
0x79: {  	v38 =	vsel vm1, v32, v4;
	v12 =	vshll.u32 v19, $0xC;
	v16 =	vsel vm0, v15, v4  }
0x7a: {  	v14 =	vsel vm2, v15, v4;
	v13 =	vshll.u32 v22, $0xC;
	v15 =	vshll.u32 v21, $0xC  }
0x7b: {  	s15 =	simm.s32 $0x8020;
	v17 =	vadd.s32 v21, v12;
	v15 =	vadd.s32 v19, v15;
	v21 =	vadd.s32 v30, v41  }
0x7c: {  	v39 =	vld [tilespmem:s15+$0x10];
	v12 =	vadd.s32 v23, v13;
	v23 =	vadd.s32 v22, v58;
	v19 =	vadd.s32 v34, v40  }
0x7d: {  	v13 =	vadd.s32 v33, v43;
	v22 =	vadd.s32 v28, v42;
	v28 =	vshrl.u32 v17, $0x13  }
0x7e: {  	v62 =	vld [tilespmem:s15+$0x0];
	v30 =	vshrl.u32 v15, $0x13;
	v59 =	vshrl.u32 v21, $0x13;
	v61 =	vshrl.u32 v23, $0x13  }
0x7f: {  	v60 =	vshrl.u32 v22, $0x13;
	vm7 =	veq.s32 v28, v0;
	vm4 =	veq.s32 v61, v0;
	[tilespmem:v36+s2+$0x0] =	vst.idx.msk $0xffff, v24  }
0x80: {  	v63 =	vshrl.u32 v13, $0x13;
	vm0 =	veq.s32 v30, v0;
	vm5 =	veq.s32 v59, v0;
	[tilespmem:v35+s2+$0x0] =	vst.idx.msk $0xffff, v26  }
0x81: {  	vm3 =	veq.s32 v60, v0;
	vm2 =	veq.s32 v63, v0;
	[tilespmem:v36+s3+$0x0] =	vst.idx.msk $0xffff, v39  }
0x82: {  	v32 =	vsel vm5, $0x1, v1;
	v24 =	vshrl.u32 v12, $0x13;
	[tilespmem:v37+s5+$0x0] =	vst.idx.msk $0xffff, v25;
	v25 =	vshrl.u32 v19, $0x13  }
0x83: {  	v28 =	vld [tilespmem:s15+$0xFFFFFFF0];
	v26 =	vsel vm2, $0x1, v1;
	vm6 =	veq.s32 v24, v0;
	[tilespmem:v35+s3+$0x0] =	vst.idx.msk $0xffff, v62;
	vm1 =	veq.s32 v25, v0  }
0x84: {  	v24 =	vsel vm7, $0x1, v1;
	v26 =	vadd.s32 v26, v31;
	[tilespmem:v38+s5+$0x0] =	vst.idx.msk $0xffff, v29;
	v25 =	vsel vm1, $0x1, v1  }
0x85: {  	v30 =	vsel vm6, $0x1, v1;
	[tilespmem:v37+s6+$0x0] =	vst.idx.msk $0xffff, v39;
	v27 =	vadd.s32 v25, v27;
	v25 =	vsel vm3, $0x1, v1  }
0x86: {  	s16 =	simm.s32 $0x4;
	s17 =	simm.s32 $0xA0;
	[tilespmem:v38+s6+$0x0] =	vst.idx.msk $0xffff, v62;
	v31 =	vadd.s32 v32, v27;
	v29 =	vadd.s32 v25, v26;
	v32 =	vsel vm4, $0x1, v1;
	v25 =	vld [tilespmem:s15+$0xFFFFFFE0]  }
.LBB2_6:
0x87: {  	v33 =	vld [tilespmem:s17+$0x10];
	v30 =	vadd.s32 v30, v31;
	v32 =	vadd.s32 v32, v29;
	v34 =	vsel vm0, $0x1, v1;
	s14 =	sadd.s32 $0x40, s14;
	[tilespmem:v20+s2+$0x0] =	vst.idx.msk $0xffff, v9  }
0x88: {  	v35 =	vld [tilespmem:s14+$0x10];
	v36 =	vshll.u32 v30, $0x4;
	v37 =	vadd.s32 v24, v30;
	v34 =	vadd.s32 v34, v32;
	[tilespmem:v20+s3+$0x0] =	vst.idx.msk $0xffff, v28  }
0x89: {  	v29 =	vshll.u32 v29, $0x4;
	v9 =	vmovc v21;
	v20 =	vshll.u32 v31, $0x4;
	v30 =	vshll.u32 v32, $0x4;
	v31 =	vmovc v23;
	v24 =	vld [tilespmem:s17+$0x0];
	[tilespmem:v18+s5+$0x0] =	vst.idx.msk $0xffff, v8  }
0x8a: {  	v27 =	vshll.u32 v27, $0x4;
	v26 =	vshll.u32 v26, $0x4;
	v21 =	vshll.u32 v37, $0x4;
	v8 =	vmovc v22;
	v23 =	vld [tilespmem:s14+$0x0];
	[tilespmem:v18+s6+$0x0] =	vst.idx.msk $0xffff, v28  }
0x8b: {  	v30 =	vor.u32 v2, v30;
	v18 =	vshll.u32 v34, $0x4;
	v28 =	vor.u32 v2, v36;
	v22 =	vld [tilespmem:s17+$0xFFFFFFF0];
	[tilespmem:v16+s2+$0x0] =	vst.idx.msk $0xffff, v7  }
0x8c: {  	s16 =	sadd.s32 $0x4, s16;
	v27 =	vor.u32 v2, v27;
	v29 =	vor.u32 v2, v29;
	v20 =	vor.u32 v2, v20;
	v7 =	vmovc v19;
	v32 =	vld [tilespmem:s14+$0xFFFFFFF0]  }
0x8d: {  	p0 =	slt.u32 s16, $0x1FC;
	v19 =	vor.u32 v2, v21;
	v21 =	vor.u32 v2, v18;
	v18 =	vor.u32 v2, v26;
	v36 =	vld [tilespmem:s17+$0xFFFFFFE0]  }
0x8e: {  	v38 =	vsel vm6, v20, v4;
	v30 =	vsel vm0, v30, v4;
	v28 =	vsel vm7, v28, v4;
	v26 =	vld [tilespmem:s14+$0xFFFFFFE0]  }
0x8f: {  	v39 =	vsel vm4, v29, v4;
	v20 =	vsel vm5, v27, v4;
	v18 =	vsel vm3, v18, v4  }
0x90: {  	s15 =	sadd.s32 $0x40, s15;
	v29 =	vsel vm2, v11, v4;
	v27 =	vshll.u32 v33, $0xC;
	[tilespmem:v16+s3+$0x0] =	vst.idx.msk $0xffff, v25;
	v16 =	vsel vm1, v10, v4  }
0x91: {  	v11 =	vmovc v21;
	v42 =	vshll.u32 v35, $0xC;
	v40 =	vshll.u32 v24, $0xC;
	v41 =	vshll.u32 v23, $0xC;
	v10 =	vmovc v19;
	v43 =	vld [tilespmem:s15+$0x10];
	[tilespmem:v14+s5+$0x0] =	vst.idx.msk $0xffff, v6  }
0x92: {  	v21 =	vshll.u32 v22, $0xC;
	v44 =	vshll.u32 v32, $0xC;
	v6 =	vmovc v13;
	v19 =	vshll.u32 v36, $0xC;
	[tilespmem:v14+s6+$0x0] =	vst.idx.msk $0xffff, v25;
	v14 =	vmovc v29  }
0x93: {  	v25 =	vadd.s32 v33, v42;
	v13 =	vshll.u32 v26, $0xC;
	[tilespmem:v28+s2+$0x0] =	vst.idx.msk $0xffff, v17;
	v17 =	vadd.s32 v35, v27  }
0x94: {  	v21 =	vadd.s32 v32, v21;
	v27 =	vadd.s32 v23, v40;
	v23 =	vadd.s32 v24, v41  }
0x95: {  	v22 =	vadd.s32 v22, v44;
	v19 =	vadd.s32 v26, v19;
	v13 =	vadd.s32 v36, v13  }
0x96: {  	v29 =	vshrl.u32 v25, $0x13;
	v24 =	vshrl.u32 v27, $0x13;
	v26 =	vshrl.u32 v17, $0x13;
	[tilespmem:v28+s3+$0x0] =	vst.idx.msk $0xffff, v43  }
0x97: {  	v32 =	vshrl.u32 v22, $0x13;
	v33 =	vshrl.u32 v23, $0x13;
	v28 =	vshrl.u32 v21, $0x13;
	v35 =	vld [tilespmem:s15+$0x0];
	[tilespmem:v30+s5+$0x0] =	vst.idx.msk $0xffff, v15;
	v15 =	vmovc v25  }
0x98: {  	v36 =	vshrl.u32 v13, $0x13;
	vm7 =	veq.s32 v26, v0;
	v25 =	vshrl.u32 v19, $0x13;
	[tilespmem:v30+s6+$0x0] =	vst.idx.msk $0xffff, v43  }
0x99: {  	vm0 =	veq.s32 v29, v0;
	vm6 =	veq.s32 v24, v0;
	vm4 =	veq.s32 v33, v0  }
.Ltmp2:
0x9a: {  	vm3 =	veq.s32 v32, v0;
	vm5 =	veq.s32 v28, v0;
	vm1 =	veq.s32 v25, v0;
	(pc) =	sbr.rel @p0 .LBB2_6-.Ltmp2, $4  }
0x9b: {  	vm2 =	veq.s32 v36, v0;
	v24 =	vsel vm7, $0x1, v1;
	v30 =	vsel vm6, $0x1, v1;
	v28 =	vld [tilespmem:s15+$0xFFFFFFF0];
	[tilespmem:v38+s2+$0x0] =	vst.idx.msk $0xffff, v12;
	v12 =	vmovc v27  }
0x9c: {  	v26 =	vsel vm2, $0x1, v1;
	v29 =	vsel vm5, $0x1, v1;
	v25 =	vsel vm1, $0x1, v1;
	[tilespmem:v38+s3+$0x0] =	vst.idx.msk $0xffff, v35  }
0x9d: {  	v26 =	vadd.s32 v26, v34;
	v27 =	vadd.s32 v25, v37;
	v25 =	vsel vm3, $0x1, v1;
	[tilespmem:v39+s5+$0x0] =	vst.idx.msk $0xffff, v31  }
0x9e: {  	s17 =	sadd.s32 $0x40, s17;
	v32 =	vsel vm4, $0x1, v1;
	v31 =	vadd.s32 v29, v27;
	v29 =	vadd.s32 v25, v26;
	v25 =	vld [tilespmem:s15+$0xFFFFFFE0];
	[tilespmem:v39+s6+$0x0] =	vst.idx.msk $0xffff, v35  }
0x9f: {  	_ =	sdelay $0x3  }
0xa0: {  	v30 =	vadd.s32 v30, v31;
	[tilespmem:v20+s2+$0x0] =	vst.idx.msk $0xffff, v9  }
0xa1: {  	v9 =	vshll.u32 v30, $0x4;
	[tilespmem:v20+s3+$0x0] =	vst.idx.msk $0xffff, v28  }
0xa2: {  	v20 =	vadd.s32 v32, v29;
	[tilespmem:v18+s5+$0x0] =	vst.idx.msk $0xffff, v8;
	v8 =	vor.u32 v2, v9  }
0xa3: {  	s14 =	sadd.s32 $0x40, s15;
	[tilespmem:v16+s2+$0x0] =	vst.idx.msk $0xffff, v7;
	v9 =	vshll.u32 v20, $0x4;
	v8 =	vsel vm7, v8, v4  }
0xa4: {  	v7 =	vld [tilespmem:s14+$0x10];
	[tilespmem:v18+s6+$0x0] =	vst.idx.msk $0xffff, v28;
	v9 =	vor.u32 v2, v9;
	v18 =	vshll.u32 v31, $0x4  }
0xa5: {  	v9 =	vsel vm0, v9, v4;
	[tilespmem:v16+s3+$0x0] =	vst.idx.msk $0xffff, v25;
	v16 =	vor.u32 v2, v18  }
0xa6: {  	[tilespmem:v14+s5+$0x0] =	vst.idx.msk $0xffff, v6;
	v16 =	vsel vm6, v16, v4  }
0xa7: {  	v6 =	vshll.u32 v29, $0x4;
	[tilespmem:v14+s6+$0x0] =	vst.idx.msk $0xffff, v25  }
0xa8: {  	v6 =	vor.u32 v2, v6;
	v14 =	vld [tilespmem:s14+$0x0];
	[tilespmem:v8+s2+$0x0] =	vst.idx.msk $0xffff, v17  }
0xa9: {  	v6 =	vsel vm4, v6, v4;
	[tilespmem:v8+s3+$0x0] =	vst.idx.msk $0xffff, v7  }
0xaa: {  	v17 =	vshll.u32 v27, $0x4;
	[tilespmem:v9+s5+$0x0] =	vst.idx.msk $0xffff, v15  }
0xab: {  	v10 =	vsel vm1, v10, v4;
	v8 =	vor.u32 v2, v17;
	[tilespmem:v16+s2+$0x0] =	vst.idx.msk $0xffff, v12  }
0xac: {  	v15 =	vshll.u32 v26, $0x4;
	v8 =	vsel vm5, v8, v4;
	[tilespmem:v9+s6+$0x0] =	vst.idx.msk $0xffff, v7  }
0xad: {  	v7 =	vor.u32 v2, v15;
	v9 =	vld [tilespmem:s14+$0xFFFFFFF0];
	[tilespmem:v16+s3+$0x0] =	vst.idx.msk $0xffff, v14  }
0xae: {  	v7 =	vsel vm3, v7, v4;
	[tilespmem:v6+s5+$0x0] =	vst.idx.msk $0xffff, v23  }
0xaf: {  	[tilespmem:v6+s6+$0x0] =	vst.idx.msk $0xffff, v14  }
0xb0: {  	v6 =	vld [tilespmem:s14+$0xFFFFFFE0];
	[tilespmem:v10+s2+$0x0] =	vst.idx.msk $0xffff, v19  }
0xb1: {  	v11 =	vsel vm2, v11, v4;
	[tilespmem:v8+s2+$0x0] =	vst.idx.msk $0xffff, v21  }
0xb2: {  	[tilespmem:v8+s3+$0x0] =	vst.idx.msk $0xffff, v9  }
0xb3: {  	[tilespmem:v7+s5+$0x0] =	vst.idx.msk $0xffff, v22  }
0xb4: {  	[tilespmem:v7+s6+$0x0] =	vst.idx.msk $0xffff, v9  }
0xb5: {  	[tilespmem:v10+s3+$0x0] =	vst.idx.msk $0xffff, v6  }
0xb6: {  	[tilespmem:v11+s5+$0x0] =	vst.idx.msk $0xffff, v13  }
0xb7: {  	[tilespmem:v11+s6+$0x0] =	vst.idx.msk $0xffff, v6  }
0xb8: {  	_ =	swait.ge [sflag:s7], $0x2000  }
0xb9: {  	[sflag:s7] =	ssyncset.done $0x0  }
0xba: {  	[sflag:s7] =	ssyncadd.s32 $0xFFFFE000  }
0xbb: {  	_ =	swait.ge [sflag:s8], $0x2000  }
0xbc: {  	[sflag:s8] =	ssyncset.done $0x0  }
0xbd: {  	[sflag:s8] =	ssyncadd.s32 $0xFFFFE000  }
0xbe: {  	_ =	swait.ge [sflag:s9], $0x2000  }
0xbf: {  	[sflag:s9] =	ssyncset.done $0x0  }
0xc0: {  	s15 =	rddreg [dreg:$0x7];
	[sflag:s9] =	ssyncadd.s32 $0xFFFFE000  }
0xc1: {  	[tilespmem:s4], [sflag:$0x1] =	stream.strided.gather [hbm4b:s15+s23], $0x2000, s24, s23, $0x38;
	[tilespmem:$0x18B80] =	vst v63  }
0xc2: {  	s16 =	rddreg [dreg:$0x8]  }
0xc3: {  	[tilespmem:s25], [sflag:$0x3] =	stream.strided.gather [hbm4b:s16+s23], $0x2000, s24, s23, $0x38;
	[tilespmem:$0x18B80] =	vst v63  }
0xc4: {  	s17 =	rddreg [dreg:$0x9];
	s15 =	simm.s32 $0x2020  }
0xc5: {  	[tilespmem:s26], [sflag:$0x5] =	stream.strided.gather [hbm4b:s17+s23], $0x2000, s24, s23, $0x38;
	[tilespmem:$0x18B80] =	vst v63  }
0xc6: {  	s16 =	simm.s32 $0x6020;
	v6 =	vld [tilespmem:s15+$0x10]  }
0xc7: {  	v7 =	vld [tilespmem:s16+$0x10]  }
0xc8: {  	v8 =	vld [tilespmem:s15+$0x0]  }
0xc9: {  	v10 =	vld [tilespmem:s16+$0x0]  }
0xca: {  	v11 =	vld [tilespmem:s15+$0xFFFFFFF0]  }
0xcb: {  	v9 =	vld [tilespmem:s16+$0xFFFFFFF0]  }
0xcc: {  	v13 =	vld [tilespmem:s15+$0xFFFFFFE0]  }
0xcd: {  	s17 =	simm.s32 $0x2060;
	v15 =	vld [tilespmem:s16+$0xFFFFFFE0]  }
0xce: {  	v12 =	vsel vm0, $0x1, v1;
	v14 =	vadd.s32 v24, v30;
	v30 =	vld [tilespmem:s17+$0xFFFFFFF0]  }
0xcf: {  	v12 =	vadd.s32 v12, v20;
	s14 =	simm.s32 $0x6060;
	v34 =	vld [tilespmem:s17+$0xFFFFFFE0]  }
0xd0: {  	v17 =	vshll.u32 v12, $0x4;
	v16 =	vshll.u32 v14, $0x4;
	v35 =	vld [tilespmem:s14+$0xFFFFFFE0]  }
0xd1: {  	v17 =	vor.u32 v2, v17;
	v16 =	vor.u32 v2, v16;
	v18 =	vshll.u32 v6, $0xC  }
0xd2: {  	v19 =	vshll.u32 v8, $0xC;
	v20 =	vshll.u32 v10, $0xC;
	v21 =	vshll.u32 v7, $0xC  }
0xd3: {  	v22 =	vshll.u32 v13, $0xC;
	v23 =	vshll.u32 v11, $0xC;
	v24 =	vshll.u32 v9, $0xC  }
0xd4: {  	v25 =	vshll.u32 v15, $0xC;
	v40 =	vshll.u32 v34, $0xC;
	v41 =	vshll.u32 v30, $0xC  }
0xd5: {  	v43 =	vshll.u32 v35, $0xC;
	v26 =	vadd.s32 v7, v18;
	v27 =	vadd.s32 v6, v21  }
0xd6: {  	v9 =	vadd.s32 v9, v23;
	v28 =	vadd.s32 v10, v19;
	v29 =	vadd.s32 v8, v20  }
0xd7: {  	v7 =	vadd.s32 v15, v22;
	v6 =	vadd.s32 v13, v25;
	v8 =	vadd.s32 v11, v24  }
0xd8: {  	v10 =	vshrl.u32 v28, $0x13;
	v11 =	vshrl.u32 v26, $0x13;
	v13 =	vshrl.u32 v27, $0x13  }
0xd9: {  	v15 =	vshrl.u32 v9, $0x13;
	v18 =	vshrl.u32 v8, $0x13;
	v19 =	vshrl.u32 v29, $0x13  }
0xda: {  	v20 =	vshrl.u32 v7, $0x13;
	v21 =	vshrl.u32 v6, $0x13;
	vm3 =	veq.s32 v11, v0  }
0xdb: {  	vm4 =	veq.s32 v10, v0;
	vm1 =	veq.s32 v19, v0;
	vm5 =	veq.s32 v13, v0  }
0xdc: {  	vm0 =	veq.s32 v20, v0;
	vm6 =	veq.s32 v15, v0;
	vm7 =	veq.s32 v18, v0  }
0xdd: {  	v24 =	vld [tilespmem:s14+$0x0];
	vm2 =	veq.s32 v21, v0;
	v10 =	vsel vm4, $0x1, v1;
	v11 =	vsel vm3, $0x1, v1  }
0xde: {  	v13 =	vsel vm0, $0x1, v1;
	v15 =	vsel vm2, $0x1, v1;
	v18 =	vsel vm6, $0x1, v1  }
0xdf: {  	v20 =	vsel vm5, $0x1, v1;
	v16 =	vsel vm0, v16, v4;
	v13 =	vadd.s32 v13, v14  }
0xe0: {  	v12 =	vadd.s32 v15, v12;
	v14 =	vsel vm7, $0x1, v1;
	v15 =	vadd.s32 v18, v13  }
0xe1: {  	v14 =	vadd.s32 v14, v12;
	v18 =	vsel vm1, $0x1, v1;
	v13 =	vshll.u32 v13, $0x4  }
0xe2: {  	v12 =	vshll.u32 v12, $0x4;
	v38 =	vshll.u32 v24, $0xC;
	v10 =	vadd.s32 v10, v15  }
0xe3: {  	v18 =	vadd.s32 v18, v14;
	v13 =	vor.u32 v2, v13;
	v12 =	vor.u32 v2, v12  }
0xe4: {  	v23 =	vld [tilespmem:s17+$0x0];
	v22 =	vshll.u32 v10, $0x4;
	v25 =	vadd.s32 v11, v10;
	v31 =	vadd.s32 v20, v18  }
0xe5: {  	v19 =	vld [tilespmem:s17+$0x10];
	v10 =	vshll.u32 v15, $0x4;
	v11 =	vshll.u32 v14, $0x4;
	v14 =	vshll.u32 v18, $0x4  }
0xe6: {  	v21 =	vld [tilespmem:s14+$0x10];
	v15 =	vshll.u32 v25, $0x4;
	v18 =	vshll.u32 v31, $0x4;
	v20 =	vor.u32 v2, v22  }
0xe7: {  	v14 =	vor.u32 v2, v14;
	v56 =	vor.u32 v2, v10;
	v33 =	vor.u32 v2, v11  }
0xe8: {  	v10 =	vor.u32 v2, v15;
	v11 =	vor.u32 v2, v18;
	v32 =	vsel vm4, v56, v4  }
0xe9: {  	v36 =	vsel vm3, v20, v4;
	v37 =	vsel vm5, v14, v4;
	v20 =	vsel vm6, v13, v4  }
0xea: {  	v18 =	vsel vm7, v12, v4;
	v33 =	vsel vm1, v33, v4;
	v12 =	vshll.u32 v19, $0xC  }
0xeb: {  	v22 =	vld [tilespmem:s14+$0xFFFFFFF0];
	v14 =	vsel vm2, v17, v4;
	v13 =	vshll.u32 v23, $0xC;
	v15 =	vshll.u32 v21, $0xC  }
0xec: {  	s15 =	simm.s32 $0xA020;
	v23 =	vadd.s32 v23, v38;
	v17 =	vadd.s32 v21, v12;
	v15 =	vadd.s32 v19, v15  }
0xed: {  	v39 =	vld [tilespmem:s15+$0x10];
	v12 =	vadd.s32 v24, v13;
	v19 =	vadd.s32 v35, v40;
	v13 =	vadd.s32 v34, v43  }
0xee: {  	v59 =	vshrl.u32 v23, $0x13;
	v24 =	vshrl.u32 v12, $0x13;
	v61 =	vshrl.u32 v13, $0x13  }
0xef: {  	v60 =	vld [tilespmem:s15+$0x0];
	vm4 =	veq.s32 v59, v0;
	vm6 =	veq.s32 v24, v0;
	vm2 =	veq.s32 v61, v0  }
0xf0: {  	v42 =	vshll.u32 v22, $0xC;
	v21 =	vadd.s32 v22, v41;
	v62 =	vsel vm2, $0x1, v1;
	[tilespmem:v36+s2+$0x0] =	vst.idx.msk $0xffff, v26  }
0xf1: {  	v22 =	vadd.s32 v30, v42;
	v26 =	vshrl.u32 v17, $0x13;
	v30 =	vshrl.u32 v15, $0x13;
	[tilespmem:v32+s2+$0x0] =	vst.idx.msk $0xffff, v28  }
0xf2: {  	v57 =	vshrl.u32 v21, $0x13;
	[tilespmem:v36+s3+$0x0] =	vst.idx.msk $0xffff, v39;
	v58 =	vshrl.u32 v22, $0x13;
	vm7 =	veq.s32 v26, v0  }
0xf3: {  	vm0 =	veq.s32 v30, v0;
	vm5 =	veq.s32 v57, v0;
	[tilespmem:v37+s5+$0x0] =	vst.idx.msk $0xffff, v27;
	v27 =	vshrl.u32 v19, $0x13  }
0xf4: {  	v28 =	vld [tilespmem:s15+$0xFFFFFFF0];
	v30 =	vsel vm6, $0x1, v1;
	[tilespmem:v32+s3+$0x0] =	vst.idx.msk $0xffff, v60;
	v32 =	vsel vm4, $0x1, v1;
	vm1 =	veq.s32 v27, v0  }
0xf5: {  	vm3 =	veq.s32 v58, v0;
	v63 =	vsel vm5, $0x1, v1;
	[tilespmem:v33+s5+$0x0] =	vst.idx.msk $0xffff, v29;
	v26 =	vsel vm1, $0x1, v1  }
0xf6: {  	[tilespmem:v37+s6+$0x0] =	vst.idx.msk $0xffff, v39;
	v27 =	vadd.s32 v26, v25;
	v26 =	vadd.s32 v62, v31;
	v25 =	vsel vm3, $0x1, v1  }
0xf7: {  	s16 =	simm.s32 $0x4;
	s17 =	simm.s32 $0x20A0;
	v24 =	vsel vm7, $0x1, v1;
	[tilespmem:v33+s6+$0x0] =	vst.idx.msk $0xffff, v60;
	v31 =	vadd.s32 v63, v27;
	v29 =	vadd.s32 v25, v26;
	v25 =	vld [tilespmem:s15+$0xFFFFFFE0]  }
.LBB2_8:
0xf8: {  	v33 =	vld [tilespmem:s17+$0x10];
	v30 =	vadd.s32 v30, v31;
	v32 =	vadd.s32 v32, v29;
	v34 =	vsel vm0, $0x1, v1;
	s14 =	sadd.s32 $0x40, s14;
	[tilespmem:v20+s2+$0x0] =	vst.idx.msk $0xffff, v9  }
0xf9: {  	v35 =	vld [tilespmem:s14+$0x10];
	v36 =	vshll.u32 v30, $0x4;
	v37 =	vadd.s32 v24, v30;
	v34 =	vadd.s32 v34, v32;
	[tilespmem:v20+s3+$0x0] =	vst.idx.msk $0xffff, v28  }
0xfa: {  	v29 =	vshll.u32 v29, $0x4;
	v9 =	vmovc v21;
	v20 =	vshll.u32 v31, $0x4;
	v30 =	vshll.u32 v32, $0x4;
	v31 =	vmovc v23;
	v24 =	vld [tilespmem:s17+$0x0];
	[tilespmem:v18+s5+$0x0] =	vst.idx.msk $0xffff, v8  }
0xfb: {  	v27 =	vshll.u32 v27, $0x4;
	v26 =	vshll.u32 v26, $0x4;
	v21 =	vshll.u32 v37, $0x4;
	v8 =	vmovc v22;
	v23 =	vld [tilespmem:s14+$0x0];
	[tilespmem:v18+s6+$0x0] =	vst.idx.msk $0xffff, v28  }
0xfc: {  	v30 =	vor.u32 v2, v30;
	v18 =	vshll.u32 v34, $0x4;
	v28 =	vor.u32 v2, v36;
	v22 =	vld [tilespmem:s17+$0xFFFFFFF0];
	[tilespmem:v16+s2+$0x0] =	vst.idx.msk $0xffff, v7  }
0xfd: {  	s16 =	sadd.s32 $0x4, s16;
	v27 =	vor.u32 v2, v27;
	v29 =	vor.u32 v2, v29;
	v20 =	vor.u32 v2, v20;
	v7 =	vmovc v19;
	v32 =	vld [tilespmem:s14+$0xFFFFFFF0]  }
0xfe: {  	p0 =	slt.u32 s16, $0x1FC;
	v19 =	vor.u32 v2, v21;
	v21 =	vor.u32 v2, v18;
	v18 =	vor.u32 v2, v26;
	v36 =	vld [tilespmem:s17+$0xFFFFFFE0]  }
0xff: {  	v38 =	vsel vm6, v20, v4;
	v30 =	vsel vm0, v30, v4;
	v28 =	vsel vm7, v28, v4;
	v26 =	vld [tilespmem:s14+$0xFFFFFFE0]  }
0x100: {  	v39 =	vsel vm4, v29, v4;
	v20 =	vsel vm5, v27, v4;
	v18 =	vsel vm3, v18, v4  }
0x101: {  	s15 =	sadd.s32 $0x40, s15;
	v29 =	vsel vm2, v11, v4;
	v27 =	vshll.u32 v33, $0xC;
	[tilespmem:v16+s3+$0x0] =	vst.idx.msk $0xffff, v25;
	v16 =	vsel vm1, v10, v4  }
0x102: {  	v11 =	vmovc v21;
	v42 =	vshll.u32 v35, $0xC;
	v40 =	vshll.u32 v24, $0xC;
	v41 =	vshll.u32 v23, $0xC;
	v10 =	vmovc v19;
	v43 =	vld [tilespmem:s15+$0x10];
	[tilespmem:v14+s5+$0x0] =	vst.idx.msk $0xffff, v6  }
0x103: {  	v21 =	vshll.u32 v22, $0xC;
	v44 =	vshll.u32 v32, $0xC;
	v6 =	vmovc v13;
	v19 =	vshll.u32 v36, $0xC;
	[tilespmem:v14+s6+$0x0] =	vst.idx.msk $0xffff, v25;
	v14 =	vmovc v29  }
0x104: {  	v25 =	vadd.s32 v33, v42;
	v13 =	vshll.u32 v26, $0xC;
	[tilespmem:v28+s2+$0x0] =	vst.idx.msk $0xffff, v17;
	v17 =	vadd.s32 v35, v27  }
0x105: {  	v21 =	vadd.s32 v32, v21;
	v27 =	vadd.s32 v23, v40;
	v23 =	vadd.s32 v24, v41  }
0x106: {  	v22 =	vadd.s32 v22, v44;
	v19 =	vadd.s32 v26, v19;
	v13 =	vadd.s32 v36, v13  }
0x107: {  	v29 =	vshrl.u32 v25, $0x13;
	v24 =	vshrl.u32 v27, $0x13;
	v26 =	vshrl.u32 v17, $0x13;
	[tilespmem:v28+s3+$0x0] =	vst.idx.msk $0xffff, v43  }
0x108: {  	v32 =	vshrl.u32 v22, $0x13;
	v33 =	vshrl.u32 v23, $0x13;
	v28 =	vshrl.u32 v21, $0x13;
	v35 =	vld [tilespmem:s15+$0x0];
	[tilespmem:v30+s5+$0x0] =	vst.idx.msk $0xffff, v15;
	v15 =	vmovc v25  }
0x109: {  	v36 =	vshrl.u32 v13, $0x13;
	vm7 =	veq.s32 v26, v0;
	v25 =	vshrl.u32 v19, $0x13;
	[tilespmem:v30+s6+$0x0] =	vst.idx.msk $0xffff, v43  }
0x10a: {  	vm0 =	veq.s32 v29, v0;
	vm6 =	veq.s32 v24, v0;
	vm4 =	veq.s32 v33, v0  }
.Ltmp3:
0x10b: {  	vm3 =	veq.s32 v32, v0;
	vm5 =	veq.s32 v28, v0;
	vm1 =	veq.s32 v25, v0;
	(pc) =	sbr.rel @p0 .LBB2_8-.Ltmp3, $4  }
0x10c: {  	vm2 =	veq.s32 v36, v0;
	v24 =	vsel vm7, $0x1, v1;
	v30 =	vsel vm6, $0x1, v1;
	v28 =	vld [tilespmem:s15+$0xFFFFFFF0];
	[tilespmem:v38+s2+$0x0] =	vst.idx.msk $0xffff, v12;
	v12 =	vmovc v27  }
0x10d: {  	v26 =	vsel vm2, $0x1, v1;
	v29 =	vsel vm5, $0x1, v1;
	v25 =	vsel vm1, $0x1, v1;
	[tilespmem:v38+s3+$0x0] =	vst.idx.msk $0xffff, v35  }
0x10e: {  	v26 =	vadd.s32 v26, v34;
	v27 =	vadd.s32 v25, v37;
	v25 =	vsel vm3, $0x1, v1;
	[tilespmem:v39+s5+$0x0] =	vst.idx.msk $0xffff, v31  }
0x10f: {  	s17 =	sadd.s32 $0x40, s17;
	v32 =	vsel vm4, $0x1, v1;
	v31 =	vadd.s32 v29, v27;
	v29 =	vadd.s32 v25, v26;
	v25 =	vld [tilespmem:s15+$0xFFFFFFE0];
	[tilespmem:v39+s6+$0x0] =	vst.idx.msk $0xffff, v35  }
0x110: {  	_ =	sdelay $0x3  }
0x111: {  	v30 =	vadd.s32 v30, v31;
	[tilespmem:v20+s2+$0x0] =	vst.idx.msk $0xffff, v9  }
0x112: {  	v9 =	vshll.u32 v30, $0x4;
	[tilespmem:v20+s3+$0x0] =	vst.idx.msk $0xffff, v28  }
0x113: {  	v20 =	vadd.s32 v32, v29;
	[tilespmem:v18+s5+$0x0] =	vst.idx.msk $0xffff, v8;
	v8 =	vor.u32 v2, v9  }
0x114: {  	s14 =	sadd.s32 $0x40, s15;
	[tilespmem:v16+s2+$0x0] =	vst.idx.msk $0xffff, v7;
	v9 =	vshll.u32 v20, $0x4;
	v8 =	vsel vm7, v8, v4  }
0x115: {  	v7 =	vld [tilespmem:s14+$0x10];
	[tilespmem:v18+s6+$0x0] =	vst.idx.msk $0xffff, v28;
	v9 =	vor.u32 v2, v9;
	v18 =	vshll.u32 v31, $0x4  }
0x116: {  	v9 =	vsel vm0, v9, v4;
	[tilespmem:v16+s3+$0x0] =	vst.idx.msk $0xffff, v25;
	v16 =	vor.u32 v2, v18  }
0x117: {  	[tilespmem:v14+s5+$0x0] =	vst.idx.msk $0xffff, v6;
	v16 =	vsel vm6, v16, v4  }
0x118: {  	v6 =	vshll.u32 v29, $0x4;
	[tilespmem:v14+s6+$0x0] =	vst.idx.msk $0xffff, v25  }
0x119: {  	v6 =	vor.u32 v2, v6;
	v14 =	vld [tilespmem:s14+$0x0];
	[tilespmem:v8+s2+$0x0] =	vst.idx.msk $0xffff, v17  }
0x11a: {  	v6 =	vsel vm4, v6, v4;
	[tilespmem:v8+s3+$0x0] =	vst.idx.msk $0xffff, v7  }
0x11b: {  	v17 =	vshll.u32 v27, $0x4;
	[tilespmem:v9+s5+$0x0] =	vst.idx.msk $0xffff, v15  }
0x11c: {  	v10 =	vsel vm1, v10, v4;
	v8 =	vor.u32 v2, v17;
	[tilespmem:v16+s2+$0x0] =	vst.idx.msk $0xffff, v12  }
0x11d: {  	v15 =	vshll.u32 v26, $0x4;
	v8 =	vsel vm5, v8, v4;
	[tilespmem:v9+s6+$0x0] =	vst.idx.msk $0xffff, v7  }
0x11e: {  	v7 =	vor.u32 v2, v15;
	v9 =	vld [tilespmem:s14+$0xFFFFFFF0];
	[tilespmem:v16+s3+$0x0] =	vst.idx.msk $0xffff, v14  }
0x11f: {  	v7 =	vsel vm3, v7, v4;
	[tilespmem:v6+s5+$0x0] =	vst.idx.msk $0xffff, v23  }
0x120: {  	[tilespmem:v6+s6+$0x0] =	vst.idx.msk $0xffff, v14  }
0x121: {  	v6 =	vld [tilespmem:s14+$0xFFFFFFE0];
	[tilespmem:v10+s2+$0x0] =	vst.idx.msk $0xffff, v19  }
0x122: {  	v11 =	vsel vm2, v11, v4;
	[tilespmem:v8+s2+$0x0] =	vst.idx.msk $0xffff, v21  }
0x123: {  	[tilespmem:v8+s3+$0x0] =	vst.idx.msk $0xffff, v9  }
0x124: {  	[tilespmem:v7+s5+$0x0] =	vst.idx.msk $0xffff, v22  }
0x125: {  	[tilespmem:v7+s6+$0x0] =	vst.idx.msk $0xffff, v9  }
0x126: {  	[tilespmem:v10+s3+$0x0] =	vst.idx.msk $0xffff, v6  }
0x127: {  	[tilespmem:v11+s5+$0x0] =	vst.idx.msk $0xffff, v13  }
0x128: {  	[tilespmem:v11+s6+$0x0] =	vst.idx.msk $0xffff, v6  }
0x129: {  	_ =	swait.ge [sflag:s28], $0x2000  }
0x12a: {  	[sflag:s28] =	ssyncset.done $0x0  }
0x12b: {  	[sflag:s28] =	ssyncadd.s32 $0xFFFFE000  }
0x12c: {  	_ =	swait.ge [sflag:s29], $0x2000  }
0x12d: {  	[sflag:s29] =	ssyncset.done $0x0  }
0x12e: {  	[sflag:s29] =	ssyncadd.s32 $0xFFFFE000  }
0x12f: {  	_ =	swait.ge [sflag:s30], $0x2000  }
0x130: {  	[sflag:s30] =	ssyncset.done $0x0  }
0x131: {  	s15 =	rddreg [dreg:$0xa];
	[sflag:s30] =	ssyncadd.s32 $0xFFFFE000  }
0x132: {  	[tilespmem:s31], [sflag:$0x2] =	stream.strided.gather [hbm4b:s15+s23], $0x2000, s24, s23, $0x38;
	[tilespmem:$0x18B80] =	vst v63  }
0x133: {  	s16 =	rddreg [dreg:$0xb]  }
0x134: {  	[tilespmem:s0], [sflag:$0x4] =	stream.strided.gather [hbm4b:s16+s23], $0x2000, s24, s23, $0x38;
	[tilespmem:$0x18B80] =	vst v63  }
0x135: {  	s17 =	rddreg [dreg:$0xc];
	s15 =	simm.s32 $0x20  }
0x136: {  	[tilespmem:s1], [sflag:$0x6] =	stream.strided.gather [hbm4b:s17+s23], $0x2000, s24, s23, $0x38;
	[tilespmem:$0x18B80] =	vst v63  }
0x137: {  	s16 =	simm.s32 $0x4020;
	v6 =	vld [tilespmem:s15+$0x10]  }
0x138: {  	v7 =	vld [tilespmem:s16+$0x10]  }
0x139: {  	v8 =	vld [tilespmem:s15+$0x0]  }
0x13a: {  	v10 =	vld [tilespmem:s16+$0x0]  }
0x13b: {  	v11 =	vld [tilespmem:s15+$0xFFFFFFF0]  }
0x13c: {  	v9 =	vld [tilespmem:s16+$0xFFFFFFF0]  }
0x13d: {  	v13 =	vld [tilespmem:s15+$0xFFFFFFE0]  }
0x13e: {  	s17 =	simm.s32 $0x60;
	v15 =	vld [tilespmem:s16+$0xFFFFFFE0]  }
0x13f: {  	v12 =	vsel vm0, $0x1, v1;
	v14 =	vadd.s32 v24, v30;
	v30 =	vld [tilespmem:s17+$0xFFFFFFF0]  }
0x140: {  	v12 =	vadd.s32 v12, v20;
	s14 =	simm.s32 $0x4060;
	v34 =	vld [tilespmem:s17+$0xFFFFFFE0]  }
0x141: {  	v17 =	vshll.u32 v12, $0x4;
	v16 =	vshll.u32 v14, $0x4;
	v35 =	vld [tilespmem:s14+$0xFFFFFFE0]  }
0x142: {  	v17 =	vor.u32 v2, v17;
	v16 =	vor.u32 v2, v16;
	v18 =	vshll.u32 v6, $0xC  }
0x143: {  	v19 =	vshll.u32 v8, $0xC;
	v20 =	vshll.u32 v10, $0xC;
	v21 =	vshll.u32 v7, $0xC  }
0x144: {  	v22 =	vshll.u32 v13, $0xC;
	v23 =	vshll.u32 v11, $0xC;
	v24 =	vshll.u32 v9, $0xC  }
0x145: {  	v25 =	vshll.u32 v15, $0xC;
	v40 =	vshll.u32 v34, $0xC;
	v41 =	vshll.u32 v30, $0xC  }
0x146: {  	v43 =	vshll.u32 v35, $0xC;
	v26 =	vadd.s32 v7, v18;
	v27 =	vadd.s32 v6, v21  }
0x147: {  	v9 =	vadd.s32 v9, v23;
	v28 =	vadd.s32 v10, v19;
	v29 =	vadd.s32 v8, v20  }
0x148: {  	v7 =	vadd.s32 v15, v22;
	v6 =	vadd.s32 v13, v25;
	v8 =	vadd.s32 v11, v24  }
0x149: {  	v10 =	vshrl.u32 v28, $0x13;
	v11 =	vshrl.u32 v26, $0x13;
	v13 =	vshrl.u32 v27, $0x13  }
0x14a: {  	v15 =	vshrl.u32 v9, $0x13;
	v18 =	vshrl.u32 v8, $0x13;
	v19 =	vshrl.u32 v29, $0x13  }
0x14b: {  	v20 =	vshrl.u32 v7, $0x13;
	v21 =	vshrl.u32 v6, $0x13;
	vm3 =	veq.s32 v11, v0  }
0x14c: {  	vm4 =	veq.s32 v10, v0;
	vm1 =	veq.s32 v19, v0;
	vm5 =	veq.s32 v13, v0  }
0x14d: {  	vm0 =	veq.s32 v20, v0;
	vm6 =	veq.s32 v15, v0;
	vm7 =	veq.s32 v18, v0  }
0x14e: {  	v24 =	vld [tilespmem:s14+$0x0];
	vm2 =	veq.s32 v21, v0;
	v10 =	vsel vm4, $0x1, v1;
	v11 =	vsel vm3, $0x1, v1  }
0x14f: {  	v13 =	vsel vm0, $0x1, v1;
	v15 =	vsel vm2, $0x1, v1;
	v18 =	vsel vm6, $0x1, v1  }
0x150: {  	v20 =	vsel vm5, $0x1, v1;
	v16 =	vsel vm0, v16, v4;
	v13 =	vadd.s32 v13, v14  }
0x151: {  	v12 =	vadd.s32 v15, v12;
	v14 =	vsel vm7, $0x1, v1;
	v15 =	vadd.s32 v18, v13  }
0x152: {  	v14 =	vadd.s32 v14, v12;
	v18 =	vsel vm1, $0x1, v1;
	v13 =	vshll.u32 v13, $0x4  }
0x153: {  	v12 =	vshll.u32 v12, $0x4;
	v38 =	vshll.u32 v24, $0xC;
	v10 =	vadd.s32 v10, v15  }
0x154: {  	v18 =	vadd.s32 v18, v14;
	v13 =	vor.u32 v2, v13;
	v12 =	vor.u32 v2, v12  }
0x155: {  	v23 =	vld [tilespmem:s17+$0x0];
	v22 =	vshll.u32 v10, $0x4;
	v25 =	vadd.s32 v11, v10;
	v31 =	vadd.s32 v20, v18  }
0x156: {  	v19 =	vld [tilespmem:s17+$0x10];
	v10 =	vshll.u32 v15, $0x4;
	v11 =	vshll.u32 v14, $0x4;
	v14 =	vshll.u32 v18, $0x4  }
0x157: {  	v21 =	vld [tilespmem:s14+$0x10];
	v15 =	vshll.u32 v25, $0x4;
	v18 =	vshll.u32 v31, $0x4;
	v20 =	vor.u32 v2, v22  }
0x158: {  	v14 =	vor.u32 v2, v14;
	v56 =	vor.u32 v2, v10;
	v33 =	vor.u32 v2, v11  }
0x159: {  	v10 =	vor.u32 v2, v15;
	v11 =	vor.u32 v2, v18;
	v32 =	vsel vm4, v56, v4  }
0x15a: {  	v36 =	vsel vm3, v20, v4;
	v37 =	vsel vm5, v14, v4;
	v20 =	vsel vm6, v13, v4  }
0x15b: {  	v18 =	vsel vm7, v12, v4;
	v33 =	vsel vm1, v33, v4;
	v12 =	vshll.u32 v19, $0xC  }
0x15c: {  	v22 =	vld [tilespmem:s14+$0xFFFFFFF0];
	v14 =	vsel vm2, v17, v4;
	v13 =	vshll.u32 v23, $0xC;
	v15 =	vshll.u32 v21, $0xC  }
0x15d: {  	s15 =	simm.s32 $0x8020;
	v23 =	vadd.s32 v23, v38;
	v17 =	vadd.s32 v21, v12;
	v15 =	vadd.s32 v19, v15  }
0x15e: {  	v39 =	vld [tilespmem:s15+$0x10];
	v12 =	vadd.s32 v24, v13;
	v19 =	vadd.s32 v35, v40;
	v13 =	vadd.s32 v34, v43  }
0x15f: {  	v59 =	vshrl.u32 v23, $0x13;
	v24 =	vshrl.u32 v12, $0x13;
	v61 =	vshrl.u32 v13, $0x13  }
0x160: {  	v60 =	vld [tilespmem:s15+$0x0];
	vm4 =	veq.s32 v59, v0;
	vm6 =	veq.s32 v24, v0;
	vm2 =	veq.s32 v61, v0  }
0x161: {  	v42 =	vshll.u32 v22, $0xC;
	v21 =	vadd.s32 v22, v41;
	v62 =	vsel vm2, $0x1, v1;
	[tilespmem:v36+s2+$0x0] =	vst.idx.msk $0xffff, v26  }
0x162: {  	v22 =	vadd.s32 v30, v42;
	v26 =	vshrl.u32 v17, $0x13;
	v30 =	vshrl.u32 v15, $0x13;
	[tilespmem:v32+s2+$0x0] =	vst.idx.msk $0xffff, v28  }
0x163: {  	v57 =	vshrl.u32 v21, $0x13;
	[tilespmem:v36+s3+$0x0] =	vst.idx.msk $0xffff, v39;
	v58 =	vshrl.u32 v22, $0x13;
	vm7 =	veq.s32 v26, v0  }
0x164: {  	vm0 =	veq.s32 v30, v0;
	vm5 =	veq.s32 v57, v0;
	[tilespmem:v37+s5+$0x0] =	vst.idx.msk $0xffff, v27;
	v27 =	vshrl.u32 v19, $0x13  }
0x165: {  	v28 =	vld [tilespmem:s15+$0xFFFFFFF0];
	v30 =	vsel vm6, $0x1, v1;
	[tilespmem:v32+s3+$0x0] =	vst.idx.msk $0xffff, v60;
	v32 =	vsel vm4, $0x1, v1;
	vm1 =	veq.s32 v27, v0  }
0x166: {  	vm3 =	veq.s32 v58, v0;
	v63 =	vsel vm5, $0x1, v1;
	[tilespmem:v33+s5+$0x0] =	vst.idx.msk $0xffff, v29;
	v26 =	vsel vm1, $0x1, v1  }
0x167: {  	[tilespmem:v37+s6+$0x0] =	vst.idx.msk $0xffff, v39;
	v27 =	vadd.s32 v26, v25;
	v26 =	vadd.s32 v62, v31;
	v25 =	vsel vm3, $0x1, v1  }
0x168: {  	s16 =	simm.s32 $0x4;
	s17 =	simm.s32 $0xA0;
	v24 =	vsel vm7, $0x1, v1;
	[tilespmem:v33+s6+$0x0] =	vst.idx.msk $0xffff, v60;
	v31 =	vadd.s32 v63, v27;
	v29 =	vadd.s32 v25, v26;
	v25 =	vld [tilespmem:s15+$0xFFFFFFE0]  }
.LBB2_10:
0x169: {  	v33 =	vld [tilespmem:s17+$0x10];
	v30 =	vadd.s32 v30, v31;
	v32 =	vadd.s32 v32, v29;
	v34 =	vsel vm0, $0x1, v1;
	s14 =	sadd.s32 $0x40, s14;
	[tilespmem:v20+s2+$0x0] =	vst.idx.msk $0xffff, v9  }
0x16a: {  	v35 =	vld [tilespmem:s14+$0x10];
	v36 =	vshll.u32 v30, $0x4;
	v37 =	vadd.s32 v24, v30;
	v34 =	vadd.s32 v34, v32;
	[tilespmem:v20+s3+$0x0] =	vst.idx.msk $0xffff, v28  }
0x16b: {  	v29 =	vshll.u32 v29, $0x4;
	v9 =	vmovc v21;
	v20 =	vshll.u32 v31, $0x4;
	v30 =	vshll.u32 v32, $0x4;
	v31 =	vmovc v23;
	v24 =	vld [tilespmem:s17+$0x0];
	[tilespmem:v18+s5+$0x0] =	vst.idx.msk $0xffff, v8  }
0x16c: {  	v27 =	vshll.u32 v27, $0x4;
	v26 =	vshll.u32 v26, $0x4;
	v21 =	vshll.u32 v37, $0x4;
	v8 =	vmovc v22;
	v23 =	vld [tilespmem:s14+$0x0];
	[tilespmem:v18+s6+$0x0] =	vst.idx.msk $0xffff, v28  }
0x16d: {  	v30 =	vor.u32 v2, v30;
	v18 =	vshll.u32 v34, $0x4;
	v28 =	vor.u32 v2, v36;
	v22 =	vld [tilespmem:s17+$0xFFFFFFF0];
	[tilespmem:v16+s2+$0x0] =	vst.idx.msk $0xffff, v7  }
0x16e: {  	s16 =	sadd.s32 $0x4, s16;
	v27 =	vor.u32 v2, v27;
	v29 =	vor.u32 v2, v29;
	v20 =	vor.u32 v2, v20;
	v7 =	vmovc v19;
	v32 =	vld [tilespmem:s14+$0xFFFFFFF0]  }
0x16f: {  	p0 =	slt.u32 s16, $0x1FC;
	v19 =	vor.u32 v2, v21;
	v21 =	vor.u32 v2, v18;
	v18 =	vor.u32 v2, v26;
	v36 =	vld [tilespmem:s17+$0xFFFFFFE0]  }
0x170: {  	v38 =	vsel vm6, v20, v4;
	v30 =	vsel vm0, v30, v4;
	v28 =	vsel vm7, v28, v4;
	v26 =	vld [tilespmem:s14+$0xFFFFFFE0]  }
0x171: {  	v39 =	vsel vm4, v29, v4;
	v20 =	vsel vm5, v27, v4;
	v18 =	vsel vm3, v18, v4  }
0x172: {  	s15 =	sadd.s32 $0x40, s15;
	v29 =	vsel vm2, v11, v4;
	v27 =	vshll.u32 v33, $0xC;
	[tilespmem:v16+s3+$0x0] =	vst.idx.msk $0xffff, v25;
	v16 =	vsel vm1, v10, v4  }
0x173: {  	v11 =	vmovc v21;
	v42 =	vshll.u32 v35, $0xC;
	v40 =	vshll.u32 v24, $0xC;
	v41 =	vshll.u32 v23, $0xC;
	v10 =	vmovc v19;
	v43 =	vld [tilespmem:s15+$0x10];
	[tilespmem:v14+s5+$0x0] =	vst.idx.msk $0xffff, v6  }
0x174: {  	v21 =	vshll.u32 v22, $0xC;
	v44 =	vshll.u32 v32, $0xC;
	v6 =	vmovc v13;
	v19 =	vshll.u32 v36, $0xC;
	[tilespmem:v14+s6+$0x0] =	vst.idx.msk $0xffff, v25;
	v14 =	vmovc v29  }
0x175: {  	v25 =	vadd.s32 v33, v42;
	v13 =	vshll.u32 v26, $0xC;
	[tilespmem:v28+s2+$0x0] =	vst.idx.msk $0xffff, v17;
	v17 =	vadd.s32 v35, v27  }
0x176: {  	v21 =	vadd.s32 v32, v21;
	v27 =	vadd.s32 v23, v40;
	v23 =	vadd.s32 v24, v41  }
0x177: {  	v22 =	vadd.s32 v22, v44;
	v19 =	vadd.s32 v26, v19;
	v13 =	vadd.s32 v36, v13  }
0x178: {  	v29 =	vshrl.u32 v25, $0x13;
	v24 =	vshrl.u32 v27, $0x13;
	v26 =	vshrl.u32 v17, $0x13;
	[tilespmem:v28+s3+$0x0] =	vst.idx.msk $0xffff, v43  }
0x179: {  	v32 =	vshrl.u32 v22, $0x13;
	v33 =	vshrl.u32 v23, $0x13;
	v28 =	vshrl.u32 v21, $0x13;
	v35 =	vld [tilespmem:s15+$0x0];
	[tilespmem:v30+s5+$0x0] =	vst.idx.msk $0xffff, v15;
	v15 =	vmovc v25  }
0x17a: {  	v36 =	vshrl.u32 v13, $0x13;
	vm7 =	veq.s32 v26, v0;
	v25 =	vshrl.u32 v19, $0x13;
	[tilespmem:v30+s6+$0x0] =	vst.idx.msk $0xffff, v43  }
0x17b: {  	vm0 =	veq.s32 v29, v0;
	vm6 =	veq.s32 v24, v0;
	vm4 =	veq.s32 v33, v0  }
.Ltmp4:
0x17c: {  	vm3 =	veq.s32 v32, v0;
	vm5 =	veq.s32 v28, v0;
	vm1 =	veq.s32 v25, v0;
	(pc) =	sbr.rel @p0 .LBB2_10-.Ltmp4, $4  }
0x17d: {  	vm2 =	veq.s32 v36, v0;
	v24 =	vsel vm7, $0x1, v1;
	v30 =	vsel vm6, $0x1, v1;
	v28 =	vld [tilespmem:s15+$0xFFFFFFF0];
	[tilespmem:v38+s2+$0x0] =	vst.idx.msk $0xffff, v12;
	v12 =	vmovc v27  }
0x17e: {  	v26 =	vsel vm2, $0x1, v1;
	v29 =	vsel vm5, $0x1, v1;
	v25 =	vsel vm1, $0x1, v1;
	[tilespmem:v38+s3+$0x0] =	vst.idx.msk $0xffff, v35  }
0x17f: {  	v26 =	vadd.s32 v26, v34;
	v27 =	vadd.s32 v25, v37;
	v25 =	vsel vm3, $0x1, v1;
	[tilespmem:v39+s5+$0x0] =	vst.idx.msk $0xffff, v31  }
0x180: {  	s17 =	sadd.s32 $0x40, s17;
	v32 =	vsel vm4, $0x1, v1;
	v31 =	vadd.s32 v29, v27;
	v29 =	vadd.s32 v25, v26;
	v25 =	vld [tilespmem:s15+$0xFFFFFFE0];
	[tilespmem:v39+s6+$0x0] =	vst.idx.msk $0xffff, v35  }
0x181: {  	_ =	sdelay $0x3  }
0x182: {  	v30 =	vadd.s32 v30, v31;
	[tilespmem:v20+s2+$0x0] =	vst.idx.msk $0xffff, v9  }
0x183: {  	v9 =	vshll.u32 v30, $0x4;
	[tilespmem:v20+s3+$0x0] =	vst.idx.msk $0xffff, v28  }
0x184: {  	v20 =	vadd.s32 v32, v29;
	[tilespmem:v18+s5+$0x0] =	vst.idx.msk $0xffff, v8;
	v8 =	vor.u32 v2, v9  }
0x185: {  	s14 =	sadd.s32 $0x40, s15;
	[tilespmem:v16+s2+$0x0] =	vst.idx.msk $0xffff, v7;
	v9 =	vshll.u32 v20, $0x4;
	v8 =	vsel vm7, v8, v4  }
0x186: {  	v7 =	vld [tilespmem:s14+$0x10];
	[tilespmem:v18+s6+$0x0] =	vst.idx.msk $0xffff, v28;
	v9 =	vor.u32 v2, v9;
	v18 =	vshll.u32 v31, $0x4  }
0x187: {  	v9 =	vsel vm0, v9, v4;
	[tilespmem:v16+s3+$0x0] =	vst.idx.msk $0xffff, v25;
	v16 =	vor.u32 v2, v18  }
0x188: {  	[tilespmem:v14+s5+$0x0] =	vst.idx.msk $0xffff, v6;
	v16 =	vsel vm6, v16, v4  }
0x189: {  	v6 =	vshll.u32 v29, $0x4;
	[tilespmem:v14+s6+$0x0] =	vst.idx.msk $0xffff, v25  }
0x18a: {  	v6 =	vor.u32 v2, v6;
	v14 =	vld [tilespmem:s14+$0x0];
	[tilespmem:v8+s2+$0x0] =	vst.idx.msk $0xffff, v17  }
0x18b: {  	v6 =	vsel vm4, v6, v4;
	[tilespmem:v8+s3+$0x0] =	vst.idx.msk $0xffff, v7  }
0x18c: {  	v17 =	vshll.u32 v27, $0x4;
	[tilespmem:v9+s5+$0x0] =	vst.idx.msk $0xffff, v15  }
0x18d: {  	v10 =	vsel vm1, v10, v4;
	v8 =	vor.u32 v2, v17;
	[tilespmem:v16+s2+$0x0] =	vst.idx.msk $0xffff, v12  }
0x18e: {  	v15 =	vshll.u32 v26, $0x4;
	v8 =	vsel vm5, v8, v4;
	[tilespmem:v9+s6+$0x0] =	vst.idx.msk $0xffff, v7  }
0x18f: {  	v7 =	vor.u32 v2, v15;
	v9 =	vld [tilespmem:s14+$0xFFFFFFF0];
	[tilespmem:v16+s3+$0x0] =	vst.idx.msk $0xffff, v14  }
0x190: {  	v7 =	vsel vm3, v7, v4;
	[tilespmem:v6+s5+$0x0] =	vst.idx.msk $0xffff, v23  }
0x191: {  	[tilespmem:v6+s6+$0x0] =	vst.idx.msk $0xffff, v14  }
0x192: {  	v6 =	vld [tilespmem:s14+$0xFFFFFFE0];
	[tilespmem:v10+s2+$0x0] =	vst.idx.msk $0xffff, v19  }
0x193: {  	v11 =	vsel vm2, v11, v4;
	[tilespmem:v8+s2+$0x0] =	vst.idx.msk $0xffff, v21  }
0x194: {  	[tilespmem:v8+s3+$0x0] =	vst.idx.msk $0xffff, v9  }
0x195: {  	[tilespmem:v7+s5+$0x0] =	vst.idx.msk $0xffff, v22  }
0x196: {  	[tilespmem:v7+s6+$0x0] =	vst.idx.msk $0xffff, v9  }
0x197: {  	[tilespmem:v10+s3+$0x0] =	vst.idx.msk $0xffff, v6  }
0x198: {  	[tilespmem:v11+s5+$0x0] =	vst.idx.msk $0xffff, v13  }
0x199: {  	[tilespmem:v11+s6+$0x0] =	vst.idx.msk $0xffff, v6  }
0x19a: {  	_ =	swait.ge [sflag:s7], $0x2000  }
0x19b: {  	[sflag:s7] =	ssyncset.done $0x0  }
0x19c: {  	[sflag:s7] =	ssyncadd.s32 $0xFFFFE000  }
0x19d: {  	_ =	swait.ge [sflag:s8], $0x2000  }
0x19e: {  	[sflag:s8] =	ssyncset.done $0x0  }
0x19f: {  	[sflag:s8] =	ssyncadd.s32 $0xFFFFE000  }
0x1a0: {  	_ =	swait.ge [sflag:s9], $0x2000  }
0x1a1: {  	[sflag:s9] =	ssyncset.done $0x0  }
0x1a2: {  	s15 =	rddreg [dreg:$0xd];
	[sflag:s9] =	ssyncadd.s32 $0xFFFFE000  }
0x1a3: {  	[tilespmem:s4], [sflag:$0x1] =	stream.strided.gather [hbm4b:s15+s23], $0x2000, s24, s23, $0x38;
	[tilespmem:$0x18B80] =	vst v63  }
0x1a4: {  	s16 =	rddreg [dreg:$0xe]  }
0x1a5: {  	[tilespmem:s25], [sflag:$0x3] =	stream.strided.gather [hbm4b:s16+s23], $0x2000, s24, s23, $0x38;
	[tilespmem:$0x18B80] =	vst v63  }
0x1a6: {  	s17 =	rddreg [dreg:$0xf];
	s15 =	simm.s32 $0x2020  }
0x1a7: {  	[tilespmem:s26], [sflag:$0x5] =	stream.strided.gather [hbm4b:s17+s23], $0x2000, s24, s23, $0x38;
	[tilespmem:$0x18B80] =	vst v63  }
0x1a8: {  	s16 =	simm.s32 $0x6020;
	v6 =	vld [tilespmem:s15+$0x10]  }
0x1a9: {  	v7 =	vld [tilespmem:s16+$0x10]  }
0x1aa: {  	v8 =	vld [tilespmem:s15+$0x0]  }
0x1ab: {  	v10 =	vld [tilespmem:s16+$0x0]  }
0x1ac: {  	v11 =	vld [tilespmem:s15+$0xFFFFFFF0]  }
0x1ad: {  	v9 =	vld [tilespmem:s16+$0xFFFFFFF0]  }
0x1ae: {  	v13 =	vld [tilespmem:s15+$0xFFFFFFE0]  }
0x1af: {  	s17 =	simm.s32 $0x2060;
	v15 =	vld [tilespmem:s16+$0xFFFFFFE0]  }
0x1b0: {  	v12 =	vsel vm0, $0x1, v1;
	v14 =	vadd.s32 v24, v30;
	v30 =	vld [tilespmem:s17+$0xFFFFFFF0]  }
0x1b1: {  	v12 =	vadd.s32 v12, v20;
	s14 =	simm.s32 $0x6060;
	v34 =	vld [tilespmem:s17+$0xFFFFFFE0]  }
0x1b2: {  	v17 =	vshll.u32 v12, $0x4;
	v16 =	vshll.u32 v14, $0x4;
	v35 =	vld [tilespmem:s14+$0xFFFFFFE0]  }
0x1b3: {  	v17 =	vor.u32 v2, v17;
	v16 =	vor.u32 v2, v16;
	v18 =	vshll.u32 v6, $0xC  }
0x1b4: {  	v19 =	vshll.u32 v8, $0xC;
	v20 =	vshll.u32 v10, $0xC;
	v21 =	vshll.u32 v7, $0xC  }
0x1b5: {  	v22 =	vshll.u32 v13, $0xC;
	v23 =	vshll.u32 v11, $0xC;
	v24 =	vshll.u32 v9, $0xC  }
0x1b6: {  	v25 =	vshll.u32 v15, $0xC;
	v40 =	vshll.u32 v34, $0xC;
	v41 =	vshll.u32 v30, $0xC  }
0x1b7: {  	v43 =	vshll.u32 v35, $0xC;
	v26 =	vadd.s32 v7, v18;
	v27 =	vadd.s32 v6, v21  }
0x1b8: {  	v9 =	vadd.s32 v9, v23;
	v28 =	vadd.s32 v10, v19;
	v29 =	vadd.s32 v8, v20  }
0x1b9: {  	v7 =	vadd.s32 v15, v22;
	v6 =	vadd.s32 v13, v25;
	v8 =	vadd.s32 v11, v24  }
0x1ba: {  	v10 =	vshrl.u32 v28, $0x13;
	v11 =	vshrl.u32 v26, $0x13;
	v13 =	vshrl.u32 v27, $0x13  }
0x1bb: {  	v15 =	vshrl.u32 v9, $0x13;
	v18 =	vshrl.u32 v8, $0x13;
	v19 =	vshrl.u32 v29, $0x13  }
0x1bc: {  	v20 =	vshrl.u32 v7, $0x13;
	v21 =	vshrl.u32 v6, $0x13;
	vm3 =	veq.s32 v11, v0  }
0x1bd: {  	vm4 =	veq.s32 v10, v0;
	vm1 =	veq.s32 v19, v0;
	vm5 =	veq.s32 v13, v0  }
0x1be: {  	vm0 =	veq.s32 v20, v0;
	vm6 =	veq.s32 v15, v0;
	vm7 =	veq.s32 v18, v0  }
0x1bf: {  	v24 =	vld [tilespmem:s14+$0x0];
	vm2 =	veq.s32 v21, v0;
	v10 =	vsel vm4, $0x1, v1;
	v11 =	vsel vm3, $0x1, v1  }
0x1c0: {  	v13 =	vsel vm0, $0x1, v1;
	v15 =	vsel vm2, $0x1, v1;
	v18 =	vsel vm6, $0x1, v1  }
0x1c1: {  	v20 =	vsel vm5, $0x1, v1;
	v16 =	vsel vm0, v16, v4;
	v13 =	vadd.s32 v13, v14  }
0x1c2: {  	v12 =	vadd.s32 v15, v12;
	v14 =	vsel vm7, $0x1, v1;
	v15 =	vadd.s32 v18, v13  }
0x1c3: {  	v14 =	vadd.s32 v14, v12;
	v18 =	vsel vm1, $0x1, v1;
	v13 =	vshll.u32 v13, $0x4  }
0x1c4: {  	v12 =	vshll.u32 v12, $0x4;
	v38 =	vshll.u32 v24, $0xC;
	v10 =	vadd.s32 v10, v15  }
0x1c5: {  	v18 =	vadd.s32 v18, v14;
	v13 =	vor.u32 v2, v13;
	v12 =	vor.u32 v2, v12  }
0x1c6: {  	v23 =	vld [tilespmem:s17+$0x0];
	v22 =	vshll.u32 v10, $0x4;
	v25 =	vadd.s32 v11, v10;
	v31 =	vadd.s32 v20, v18  }
0x1c7: {  	v19 =	vld [tilespmem:s17+$0x10];
	v10 =	vshll.u32 v15, $0x4;
	v11 =	vshll.u32 v14, $0x4;
	v14 =	vshll.u32 v18, $0x4  }
0x1c8: {  	v21 =	vld [tilespmem:s14+$0x10];
	v15 =	vshll.u32 v25, $0x4;
	v18 =	vshll.u32 v31, $0x4;
	v20 =	vor.u32 v2, v22  }
0x1c9: {  	v14 =	vor.u32 v2, v14;
	v56 =	vor.u32 v2, v10;
	v33 =	vor.u32 v2, v11  }
0x1ca: {  	v10 =	vor.u32 v2, v15;
	v11 =	vor.u32 v2, v18;
	v32 =	vsel vm4, v56, v4  }
0x1cb: {  	v36 =	vsel vm3, v20, v4;
	v37 =	vsel vm5, v14, v4;
	v20 =	vsel vm6, v13, v4  }
0x1cc: {  	v18 =	vsel vm7, v12, v4;
	v33 =	vsel vm1, v33, v4;
	v12 =	vshll.u32 v19, $0xC  }
0x1cd: {  	v22 =	vld [tilespmem:s14+$0xFFFFFFF0];
	v14 =	vsel vm2, v17, v4;
	v13 =	vshll.u32 v23, $0xC;
	v15 =	vshll.u32 v21, $0xC  }
0x1ce: {  	s15 =	simm.s32 $0xA020;
	v23 =	vadd.s32 v23, v38;
	v17 =	vadd.s32 v21, v12;
	v15 =	vadd.s32 v19, v15  }
0x1cf: {  	v39 =	vld [tilespmem:s15+$0x10];
	v12 =	vadd.s32 v24, v13;
	v19 =	vadd.s32 v35, v40;
	v13 =	vadd.s32 v34, v43  }
0x1d0: {  	v59 =	vshrl.u32 v23, $0x13;
	v24 =	vshrl.u32 v12, $0x13;
	v61 =	vshrl.u32 v13, $0x13  }
0x1d1: {  	v60 =	vld [tilespmem:s15+$0x0];
	vm4 =	veq.s32 v59, v0;
	vm6 =	veq.s32 v24, v0;
	vm2 =	veq.s32 v61, v0  }
0x1d2: {  	v42 =	vshll.u32 v22, $0xC;
	v21 =	vadd.s32 v22, v41;
	v62 =	vsel vm2, $0x1, v1;
	[tilespmem:v36+s2+$0x0] =	vst.idx.msk $0xffff, v26  }
0x1d3: {  	v22 =	vadd.s32 v30, v42;
	v26 =	vshrl.u32 v17, $0x13;
	v30 =	vshrl.u32 v15, $0x13;
	[tilespmem:v32+s2+$0x0] =	vst.idx.msk $0xffff, v28  }
0x1d4: {  	v57 =	vshrl.u32 v21, $0x13;
	[tilespmem:v36+s3+$0x0] =	vst.idx.msk $0xffff, v39;
	v58 =	vshrl.u32 v22, $0x13;
	vm7 =	veq.s32 v26, v0  }
0x1d5: {  	vm0 =	veq.s32 v30, v0;
	vm5 =	veq.s32 v57, v0;
	[tilespmem:v37+s5+$0x0] =	vst.idx.msk $0xffff, v27;
	v27 =	vshrl.u32 v19, $0x13  }
0x1d6: {  	v28 =	vld [tilespmem:s15+$0xFFFFFFF0];
	v30 =	vsel vm6, $0x1, v1;
	[tilespmem:v32+s3+$0x0] =	vst.idx.msk $0xffff, v60;
	v32 =	vsel vm4, $0x1, v1;
	vm1 =	veq.s32 v27, v0  }
0x1d7: {  	vm3 =	veq.s32 v58, v0;
	v63 =	vsel vm5, $0x1, v1;
	[tilespmem:v33+s5+$0x0] =	vst.idx.msk $0xffff, v29;
	v26 =	vsel vm1, $0x1, v1  }
0x1d8: {  	[tilespmem:v37+s6+$0x0] =	vst.idx.msk $0xffff, v39;
	v27 =	vadd.s32 v26, v25;
	v26 =	vadd.s32 v62, v31;
	v25 =	vsel vm3, $0x1, v1  }
0x1d9: {  	s16 =	simm.s32 $0x4;
	s17 =	simm.s32 $0x20A0;
	v24 =	vsel vm7, $0x1, v1;
	[tilespmem:v33+s6+$0x0] =	vst.idx.msk $0xffff, v60;
	v31 =	vadd.s32 v63, v27;
	v29 =	vadd.s32 v25, v26;
	v25 =	vld [tilespmem:s15+$0xFFFFFFE0]  }
.LBB2_12:
0x1da: {  	v33 =	vld [tilespmem:s17+$0x10];
	v30 =	vadd.s32 v30, v31;
	v32 =	vadd.s32 v32, v29;
	v34 =	vsel vm0, $0x1, v1;
	s14 =	sadd.s32 $0x40, s14;
	[tilespmem:v20+s2+$0x0] =	vst.idx.msk $0xffff, v9  }
0x1db: {  	v35 =	vld [tilespmem:s14+$0x10];
	v36 =	vshll.u32 v30, $0x4;
	v37 =	vadd.s32 v24, v30;
	v34 =	vadd.s32 v34, v32;
	[tilespmem:v20+s3+$0x0] =	vst.idx.msk $0xffff, v28  }
0x1dc: {  	v29 =	vshll.u32 v29, $0x4;
	v9 =	vmovc v21;
	v20 =	vshll.u32 v31, $0x4;
	v30 =	vshll.u32 v32, $0x4;
	v31 =	vmovc v23;
	v24 =	vld [tilespmem:s17+$0x0];
	[tilespmem:v18+s5+$0x0] =	vst.idx.msk $0xffff, v8  }
0x1dd: {  	v27 =	vshll.u32 v27, $0x4;
	v26 =	vshll.u32 v26, $0x4;
	v21 =	vshll.u32 v37, $0x4;
	v8 =	vmovc v22;
	v23 =	vld [tilespmem:s14+$0x0];
	[tilespmem:v18+s6+$0x0] =	vst.idx.msk $0xffff, v28  }
0x1de: {  	v30 =	vor.u32 v2, v30;
	v18 =	vshll.u32 v34, $0x4;
	v28 =	vor.u32 v2, v36;
	v22 =	vld [tilespmem:s17+$0xFFFFFFF0];
	[tilespmem:v16+s2+$0x0] =	vst.idx.msk $0xffff, v7  }
0x1df: {  	s16 =	sadd.s32 $0x4, s16;
	v27 =	vor.u32 v2, v27;
	v29 =	vor.u32 v2, v29;
	v20 =	vor.u32 v2, v20;
	v7 =	vmovc v19;
	v32 =	vld [tilespmem:s14+$0xFFFFFFF0]  }
0x1e0: {  	p0 =	slt.u32 s16, $0x1FC;
	v19 =	vor.u32 v2, v21;
	v21 =	vor.u32 v2, v18;
	v18 =	vor.u32 v2, v26;
	v36 =	vld [tilespmem:s17+$0xFFFFFFE0]  }
0x1e1: {  	v38 =	vsel vm6, v20, v4;
	v30 =	vsel vm0, v30, v4;
	v28 =	vsel vm7, v28, v4;
	v26 =	vld [tilespmem:s14+$0xFFFFFFE0]  }
0x1e2: {  	v39 =	vsel vm4, v29, v4;
	v20 =	vsel vm5, v27, v4;
	v18 =	vsel vm3, v18, v4  }
0x1e3: {  	s15 =	sadd.s32 $0x40, s15;
	v29 =	vsel vm2, v11, v4;
	v27 =	vshll.u32 v33, $0xC;
	[tilespmem:v16+s3+$0x0] =	vst.idx.msk $0xffff, v25;
	v16 =	vsel vm1, v10, v4  }
0x1e4: {  	v11 =	vmovc v21;
	v42 =	vshll.u32 v35, $0xC;
	v40 =	vshll.u32 v24, $0xC;
	v41 =	vshll.u32 v23, $0xC;
	v10 =	vmovc v19;
	v43 =	vld [tilespmem:s15+$0x10];
	[tilespmem:v14+s5+$0x0] =	vst.idx.msk $0xffff, v6  }
0x1e5: {  	v21 =	vshll.u32 v22, $0xC;
	v44 =	vshll.u32 v32, $0xC;
	v6 =	vmovc v13;
	v19 =	vshll.u32 v36, $0xC;
	[tilespmem:v14+s6+$0x0] =	vst.idx.msk $0xffff, v25;
	v14 =	vmovc v29  }
0x1e6: {  	v25 =	vadd.s32 v33, v42;
	v13 =	vshll.u32 v26, $0xC;
	[tilespmem:v28+s2+$0x0] =	vst.idx.msk $0xffff, v17;
	v17 =	vadd.s32 v35, v27  }
0x1e7: {  	v21 =	vadd.s32 v32, v21;
	v27 =	vadd.s32 v23, v40;
	v23 =	vadd.s32 v24, v41  }
0x1e8: {  	v22 =	vadd.s32 v22, v44;
	v19 =	vadd.s32 v26, v19;
	v13 =	vadd.s32 v36, v13  }
0x1e9: {  	v29 =	vshrl.u32 v25, $0x13;
	v24 =	vshrl.u32 v27, $0x13;
	v26 =	vshrl.u32 v17, $0x13;
	[tilespmem:v28+s3+$0x0] =	vst.idx.msk $0xffff, v43  }
0x1ea: {  	v32 =	vshrl.u32 v22, $0x13;
	v33 =	vshrl.u32 v23, $0x13;
	v28 =	vshrl.u32 v21, $0x13;
	v35 =	vld [tilespmem:s15+$0x0];
	[tilespmem:v30+s5+$0x0] =	vst.idx.msk $0xffff, v15;
	v15 =	vmovc v25  }
0x1eb: {  	v36 =	vshrl.u32 v13, $0x13;
	vm7 =	veq.s32 v26, v0;
	v25 =	vshrl.u32 v19, $0x13;
	[tilespmem:v30+s6+$0x0] =	vst.idx.msk $0xffff, v43  }
0x1ec: {  	vm0 =	veq.s32 v29, v0;
	vm6 =	veq.s32 v24, v0;
	vm4 =	veq.s32 v33, v0  }
.Ltmp5:
0x1ed: {  	vm3 =	veq.s32 v32, v0;
	vm5 =	veq.s32 v28, v0;
	vm1 =	veq.s32 v25, v0;
	(pc) =	sbr.rel @p0 .LBB2_12-.Ltmp5, $4  }
0x1ee: {  	vm2 =	veq.s32 v36, v0;
	v24 =	vsel vm7, $0x1, v1;
	v30 =	vsel vm6, $0x1, v1;
	v28 =	vld [tilespmem:s15+$0xFFFFFFF0];
	[tilespmem:v38+s2+$0x0] =	vst.idx.msk $0xffff, v12;
	v12 =	vmovc v27  }
0x1ef: {  	v26 =	vsel vm2, $0x1, v1;
	v29 =	vsel vm5, $0x1, v1;
	v25 =	vsel vm1, $0x1, v1;
	[tilespmem:v38+s3+$0x0] =	vst.idx.msk $0xffff, v35  }
0x1f0: {  	v26 =	vadd.s32 v26, v34;
	v27 =	vadd.s32 v25, v37;
	v25 =	vsel vm3, $0x1, v1;
	[tilespmem:v39+s5+$0x0] =	vst.idx.msk $0xffff, v31  }
0x1f1: {  	s17 =	sadd.s32 $0x40, s17;
	v32 =	vsel vm4, $0x1, v1;
	v31 =	vadd.s32 v29, v27;
	v29 =	vadd.s32 v25, v26;
	v25 =	vld [tilespmem:s15+$0xFFFFFFE0];
	[tilespmem:v39+s6+$0x0] =	vst.idx.msk $0xffff, v35  }
0x1f2: {  	_ =	sdelay $0x3  }
0x1f3: {  	v30 =	vadd.s32 v30, v31;
	[tilespmem:v20+s2+$0x0] =	vst.idx.msk $0xffff, v9  }
0x1f4: {  	v9 =	vshll.u32 v30, $0x4;
	[tilespmem:v20+s3+$0x0] =	vst.idx.msk $0xffff, v28  }
0x1f5: {  	v20 =	vadd.s32 v32, v29;
	[tilespmem:v18+s5+$0x0] =	vst.idx.msk $0xffff, v8;
	v8 =	vor.u32 v2, v9  }
0x1f6: {  	s14 =	sadd.s32 $0x40, s15;
	[tilespmem:v16+s2+$0x0] =	vst.idx.msk $0xffff, v7;
	v9 =	vshll.u32 v20, $0x4;
	v8 =	vsel vm7, v8, v4  }
0x1f7: {  	v7 =	vld [tilespmem:s14+$0x10];
	[tilespmem:v18+s6+$0x0] =	vst.idx.msk $0xffff, v28;
	v9 =	vor.u32 v2, v9;
	v18 =	vshll.u32 v31, $0x4  }
0x1f8: {  	v9 =	vsel vm0, v9, v4;
	[tilespmem:v16+s3+$0x0] =	vst.idx.msk $0xffff, v25;
	v16 =	vor.u32 v2, v18  }
0x1f9: {  	[tilespmem:v14+s5+$0x0] =	vst.idx.msk $0xffff, v6;
	v16 =	vsel vm6, v16, v4  }
0x1fa: {  	v6 =	vshll.u32 v29, $0x4;
	[tilespmem:v14+s6+$0x0] =	vst.idx.msk $0xffff, v25  }
0x1fb: {  	v6 =	vor.u32 v2, v6;
	v14 =	vld [tilespmem:s14+$0x0];
	[tilespmem:v8+s2+$0x0] =	vst.idx.msk $0xffff, v17  }
0x1fc: {  	v6 =	vsel vm4, v6, v4;
	[tilespmem:v8+s3+$0x0] =	vst.idx.msk $0xffff, v7  }
0x1fd: {  	v17 =	vshll.u32 v27, $0x4;
	[tilespmem:v9+s5+$0x0] =	vst.idx.msk $0xffff, v15  }
0x1fe: {  	v10 =	vsel vm1, v10, v4;
	v8 =	vor.u32 v2, v17;
	[tilespmem:v16+s2+$0x0] =	vst.idx.msk $0xffff, v12  }
0x1ff: {  	v15 =	vshll.u32 v26, $0x4;
	v8 =	vsel vm5, v8, v4;
	[tilespmem:v9+s6+$0x0] =	vst.idx.msk $0xffff, v7  }
0x200: {  	v7 =	vor.u32 v2, v15;
	v9 =	vld [tilespmem:s14+$0xFFFFFFF0];
	[tilespmem:v16+s3+$0x0] =	vst.idx.msk $0xffff, v14  }
0x201: {  	v7 =	vsel vm3, v7, v4;
	[tilespmem:v6+s5+$0x0] =	vst.idx.msk $0xffff, v23  }
0x202: {  	[tilespmem:v6+s6+$0x0] =	vst.idx.msk $0xffff, v14  }
0x203: {  	v6 =	vld [tilespmem:s14+$0xFFFFFFE0];
	[tilespmem:v10+s2+$0x0] =	vst.idx.msk $0xffff, v19  }
0x204: {  	v11 =	vsel vm2, v11, v4;
	[tilespmem:v8+s2+$0x0] =	vst.idx.msk $0xffff, v21  }
0x205: {  	[tilespmem:v8+s3+$0x0] =	vst.idx.msk $0xffff, v9  }
0x206: {  	[tilespmem:v7+s5+$0x0] =	vst.idx.msk $0xffff, v22  }
0x207: {  	[tilespmem:v7+s6+$0x0] =	vst.idx.msk $0xffff, v9  }
0x208: {  	[tilespmem:v10+s3+$0x0] =	vst.idx.msk $0xffff, v6  }
0x209: {  	[tilespmem:v11+s5+$0x0] =	vst.idx.msk $0xffff, v13  }
0x20a: {  	[tilespmem:v11+s6+$0x0] =	vst.idx.msk $0xffff, v6  }
0x20b: {  	_ =	swait.ge [sflag:s28], $0x2000  }
0x20c: {  	[sflag:s28] =	ssyncset.done $0x0  }
0x20d: {  	[sflag:s28] =	ssyncadd.s32 $0xFFFFE000  }
0x20e: {  	_ =	swait.ge [sflag:s29], $0x2000  }
0x20f: {  	[sflag:s29] =	ssyncset.done $0x0  }
0x210: {  	[sflag:s29] =	ssyncadd.s32 $0xFFFFE000  }
0x211: {  	_ =	swait.ge [sflag:s30], $0x2000  }
0x212: {  	[sflag:s30] =	ssyncset.done $0x0  }
0x213: {  	s15 =	rddreg [dreg:$0x10];
	[sflag:s30] =	ssyncadd.s32 $0xFFFFE000  }
0x214: {  	[tilespmem:s31], [sflag:$0x2] =	stream.strided.gather [hbm4b:s15+s23], $0x2000, s24, s23, $0x38;
	[tilespmem:$0x18B80] =	vst v63  }
0x215: {  	s16 =	rddreg [dreg:$0x11]  }
0x216: {  	[tilespmem:s0], [sflag:$0x4] =	stream.strided.gather [hbm4b:s16+s23], $0x2000, s24, s23, $0x38;
	[tilespmem:$0x18B80] =	vst v63  }
0x217: {  	s17 =	rddreg [dreg:$0x12];
	s15 =	simm.s32 $0x20  }
0x218: {  	[tilespmem:s1], [sflag:$0x6] =	stream.strided.gather [hbm4b:s17+s23], $0x2000, s24, s23, $0x38;
	[tilespmem:$0x18B80] =	vst v63  }
0x219: {  	s16 =	simm.s32 $0x4020;
	v6 =	vld [tilespmem:s15+$0x10]  }
0x21a: {  	v7 =	vld [tilespmem:s16+$0x10]  }
0x21b: {  	v8 =	vld [tilespmem:s15+$0x0]  }
0x21c: {  	v10 =	vld [tilespmem:s16+$0x0]  }
0x21d: {  	v11 =	vld [tilespmem:s15+$0xFFFFFFF0]  }
0x21e: {  	v9 =	vld [tilespmem:s16+$0xFFFFFFF0]  }
0x21f: {  	v13 =	vld [tilespmem:s15+$0xFFFFFFE0]  }
0x220: {  	s17 =	simm.s32 $0x60;
	v15 =	vld [tilespmem:s16+$0xFFFFFFE0]  }
0x221: {  	v12 =	vsel vm0, $0x1, v1;
	v14 =	vadd.s32 v24, v30;
	v30 =	vld [tilespmem:s17+$0xFFFFFFF0]  }
0x222: {  	v12 =	vadd.s32 v12, v20;
	s14 =	simm.s32 $0x4060;
	v34 =	vld [tilespmem:s17+$0xFFFFFFE0]  }
0x223: {  	v17 =	vshll.u32 v12, $0x4;
	v16 =	vshll.u32 v14, $0x4;
	v35 =	vld [tilespmem:s14+$0xFFFFFFE0]  }
0x224: {  	v17 =	vor.u32 v2, v17;
	v16 =	vor.u32 v2, v16;
	v18 =	vshll.u32 v6, $0xC  }
0x225: {  	v19 =	vshll.u32 v8, $0xC;
	v20 =	vshll.u32 v10, $0xC;
	v21 =	vshll.u32 v7, $0xC  }
0x226: {  	v22 =	vshll.u32 v13, $0xC;
	v23 =	vshll.u32 v11, $0xC;
	v24 =	vshll.u32 v9, $0xC  }
0x227: {  	v25 =	vshll.u32 v15, $0xC;
	v40 =	vshll.u32 v34, $0xC;
	v41 =	vshll.u32 v30, $0xC  }
0x228: {  	v43 =	vshll.u32 v35, $0xC;
	v26 =	vadd.s32 v7, v18;
	v27 =	vadd.s32 v6, v21  }
0x229: {  	v9 =	vadd.s32 v9, v23;
	v28 =	vadd.s32 v10, v19;
	v29 =	vadd.s32 v8, v20  }
0x22a: {  	v7 =	vadd.s32 v15, v22;
	v6 =	vadd.s32 v13, v25;
	v8 =	vadd.s32 v11, v24  }
0x22b: {  	v10 =	vshrl.u32 v28, $0x13;
	v11 =	vshrl.u32 v26, $0x13;
	v13 =	vshrl.u32 v27, $0x13  }
0x22c: {  	v15 =	vshrl.u32 v9, $0x13;
	v18 =	vshrl.u32 v8, $0x13;
	v19 =	vshrl.u32 v29, $0x13  }
0x22d: {  	v20 =	vshrl.u32 v7, $0x13;
	v21 =	vshrl.u32 v6, $0x13;
	vm3 =	veq.s32 v11, v0  }
0x22e: {  	vm4 =	veq.s32 v10, v0;
	vm1 =	veq.s32 v19, v0;
	vm5 =	veq.s32 v13, v0  }
0x22f: {  	vm0 =	veq.s32 v20, v0;
	vm6 =	veq.s32 v15, v0;
	vm7 =	veq.s32 v18, v0  }
0x230: {  	v24 =	vld [tilespmem:s14+$0x0];
	vm2 =	veq.s32 v21, v0;
	v10 =	vsel vm4, $0x1, v1;
	v11 =	vsel vm3, $0x1, v1  }
0x231: {  	v13 =	vsel vm0, $0x1, v1;
	v15 =	vsel vm2, $0x1, v1;
	v18 =	vsel vm6, $0x1, v1  }
0x232: {  	v20 =	vsel vm5, $0x1, v1;
	v16 =	vsel vm0, v16, v4;
	v13 =	vadd.s32 v13, v14  }
0x233: {  	v12 =	vadd.s32 v15, v12;
	v14 =	vsel vm7, $0x1, v1;
	v15 =	vadd.s32 v18, v13  }
0x234: {  	v14 =	vadd.s32 v14, v12;
	v18 =	vsel vm1, $0x1, v1;
	v13 =	vshll.u32 v13, $0x4  }
0x235: {  	v12 =	vshll.u32 v12, $0x4;
	v38 =	vshll.u32 v24, $0xC;
	v10 =	vadd.s32 v10, v15  }
0x236: {  	v18 =	vadd.s32 v18, v14;
	v13 =	vor.u32 v2, v13;
	v12 =	vor.u32 v2, v12  }
0x237: {  	v23 =	vld [tilespmem:s17+$0x0];
	v22 =	vshll.u32 v10, $0x4;
	v25 =	vadd.s32 v11, v10;
	v31 =	vadd.s32 v20, v18  }
0x238: {  	v19 =	vld [tilespmem:s17+$0x10];
	v10 =	vshll.u32 v15, $0x4;
	v11 =	vshll.u32 v14, $0x4;
	v14 =	vshll.u32 v18, $0x4  }
0x239: {  	v21 =	vld [tilespmem:s14+$0x10];
	v15 =	vshll.u32 v25, $0x4;
	v18 =	vshll.u32 v31, $0x4;
	v20 =	vor.u32 v2, v22  }
0x23a: {  	v14 =	vor.u32 v2, v14;
	v56 =	vor.u32 v2, v10;
	v33 =	vor.u32 v2, v11  }
0x23b: {  	v10 =	vor.u32 v2, v15;
	v11 =	vor.u32 v2, v18;
	v32 =	vsel vm4, v56, v4  }
0x23c: {  	v36 =	vsel vm3, v20, v4;
	v37 =	vsel vm5, v14, v4;
	v20 =	vsel vm6, v13, v4  }
0x23d: {  	v18 =	vsel vm7, v12, v4;
	v33 =	vsel vm1, v33, v4;
	v12 =	vshll.u32 v19, $0xC  }
0x23e: {  	v22 =	vld [tilespmem:s14+$0xFFFFFFF0];
	v14 =	vsel vm2, v17, v4;
	v13 =	vshll.u32 v23, $0xC;
	v15 =	vshll.u32 v21, $0xC  }
0x23f: {  	s15 =	simm.s32 $0x8020;
	v23 =	vadd.s32 v23, v38;
	v17 =	vadd.s32 v21, v12;
	v15 =	vadd.s32 v19, v15  }
0x240: {  	v39 =	vld [tilespmem:s15+$0x10];
	v12 =	vadd.s32 v24, v13;
	v19 =	vadd.s32 v35, v40;
	v13 =	vadd.s32 v34, v43  }
0x241: {  	v59 =	vshrl.u32 v23, $0x13;
	v24 =	vshrl.u32 v12, $0x13;
	v61 =	vshrl.u32 v13, $0x13  }
0x242: {  	v60 =	vld [tilespmem:s15+$0x0];
	vm4 =	veq.s32 v59, v0;
	vm6 =	veq.s32 v24, v0;
	vm2 =	veq.s32 v61, v0  }
0x243: {  	v42 =	vshll.u32 v22, $0xC;
	v21 =	vadd.s32 v22, v41;
	v62 =	vsel vm2, $0x1, v1;
	[tilespmem:v36+s2+$0x0] =	vst.idx.msk $0xffff, v26  }
0x244: {  	v22 =	vadd.s32 v30, v42;
	v26 =	vshrl.u32 v17, $0x13;
	v30 =	vshrl.u32 v15, $0x13;
	[tilespmem:v32+s2+$0x0] =	vst.idx.msk $0xffff, v28  }
0x245: {  	v57 =	vshrl.u32 v21, $0x13;
	[tilespmem:v36+s3+$0x0] =	vst.idx.msk $0xffff, v39;
	v58 =	vshrl.u32 v22, $0x13;
	vm7 =	veq.s32 v26, v0  }
0x246: {  	vm0 =	veq.s32 v30, v0;
	vm5 =	veq.s32 v57, v0;
	[tilespmem:v37+s5+$0x0] =	vst.idx.msk $0xffff, v27;
	v27 =	vshrl.u32 v19, $0x13  }
0x247: {  	v28 =	vld [tilespmem:s15+$0xFFFFFFF0];
	v30 =	vsel vm6, $0x1, v1;
	[tilespmem:v32+s3+$0x0] =	vst.idx.msk $0xffff, v60;
	v32 =	vsel vm4, $0x1, v1;
	vm1 =	veq.s32 v27, v0  }
0x248: {  	vm3 =	veq.s32 v58, v0;
	v63 =	vsel vm5, $0x1, v1;
	[tilespmem:v33+s5+$0x0] =	vst.idx.msk $0xffff, v29;
	v26 =	vsel vm1, $0x1, v1  }
0x249: {  	[tilespmem:v37+s6+$0x0] =	vst.idx.msk $0xffff, v39;
	v27 =	vadd.s32 v26, v25;
	v26 =	vadd.s32 v62, v31;
	v25 =	vsel vm3, $0x1, v1  }
0x24a: {  	s16 =	simm.s32 $0x4;
	s17 =	simm.s32 $0xA0;
	v24 =	vsel vm7, $0x1, v1;
	[tilespmem:v33+s6+$0x0] =	vst.idx.msk $0xffff, v60;
	v31 =	vadd.s32 v63, v27;
	v29 =	vadd.s32 v25, v26;
	v25 =	vld [tilespmem:s15+$0xFFFFFFE0]  }
.LBB2_14:
0x24b: {  	v33 =	vld [tilespmem:s17+$0x10];
	v30 =	vadd.s32 v30, v31;
	v32 =	vadd.s32 v32, v29;
	v34 =	vsel vm0, $0x1, v1;
	s14 =	sadd.s32 $0x40, s14;
	[tilespmem:v20+s2+$0x0] =	vst.idx.msk $0xffff, v9  }
0x24c: {  	v35 =	vld [tilespmem:s14+$0x10];
	v36 =	vshll.u32 v30, $0x4;
	v37 =	vadd.s32 v24, v30;
	v34 =	vadd.s32 v34, v32;
	[tilespmem:v20+s3+$0x0] =	vst.idx.msk $0xffff, v28  }
0x24d: {  	v29 =	vshll.u32 v29, $0x4;
	v9 =	vmovc v21;
	v20 =	vshll.u32 v31, $0x4;
	v30 =	vshll.u32 v32, $0x4;
	v31 =	vmovc v23;
	v24 =	vld [tilespmem:s17+$0x0];
	[tilespmem:v18+s5+$0x0] =	vst.idx.msk $0xffff, v8  }
0x24e: {  	v27 =	vshll.u32 v27, $0x4;
	v26 =	vshll.u32 v26, $0x4;
	v21 =	vshll.u32 v37, $0x4;
	v8 =	vmovc v22;
	v23 =	vld [tilespmem:s14+$0x0];
	[tilespmem:v18+s6+$0x0] =	vst.idx.msk $0xffff, v28  }
0x24f: {  	v30 =	vor.u32 v2, v30;
	v18 =	vshll.u32 v34, $0x4;
	v28 =	vor.u32 v2, v36;
	v22 =	vld [tilespmem:s17+$0xFFFFFFF0];
	[tilespmem:v16+s2+$0x0] =	vst.idx.msk $0xffff, v7  }
0x250: {  	s16 =	sadd.s32 $0x4, s16;
	v27 =	vor.u32 v2, v27;
	v29 =	vor.u32 v2, v29;
	v20 =	vor.u32 v2, v20;
	v7 =	vmovc v19;
	v32 =	vld [tilespmem:s14+$0xFFFFFFF0]  }
0x251: {  	p0 =	slt.u32 s16, $0x1FC;
	v19 =	vor.u32 v2, v21;
	v21 =	vor.u32 v2, v18;
	v18 =	vor.u32 v2, v26;
	v36 =	vld [tilespmem:s17+$0xFFFFFFE0]  }
0x252: {  	v38 =	vsel vm6, v20, v4;
	v30 =	vsel vm0, v30, v4;
	v28 =	vsel vm7, v28, v4;
	v26 =	vld [tilespmem:s14+$0xFFFFFFE0]  }
0x253: {  	v39 =	vsel vm4, v29, v4;
	v20 =	vsel vm5, v27, v4;
	v18 =	vsel vm3, v18, v4  }
0x254: {  	s15 =	sadd.s32 $0x40, s15;
	v29 =	vsel vm2, v11, v4;
	v27 =	vshll.u32 v33, $0xC;
	[tilespmem:v16+s3+$0x0] =	vst.idx.msk $0xffff, v25;
	v16 =	vsel vm1, v10, v4  }
0x255: {  	v11 =	vmovc v21;
	v42 =	vshll.u32 v35, $0xC;
	v40 =	vshll.u32 v24, $0xC;
	v41 =	vshll.u32 v23, $0xC;
	v10 =	vmovc v19;
	v43 =	vld [tilespmem:s15+$0x10];
	[tilespmem:v14+s5+$0x0] =	vst.idx.msk $0xffff, v6  }
0x256: {  	v21 =	vshll.u32 v22, $0xC;
	v44 =	vshll.u32 v32, $0xC;
	v6 =	vmovc v13;
	v19 =	vshll.u32 v36, $0xC;
	[tilespmem:v14+s6+$0x0] =	vst.idx.msk $0xffff, v25;
	v14 =	vmovc v29  }
0x257: {  	v25 =	vadd.s32 v33, v42;
	v13 =	vshll.u32 v26, $0xC;
	[tilespmem:v28+s2+$0x0] =	vst.idx.msk $0xffff, v17;
	v17 =	vadd.s32 v35, v27  }
0x258: {  	v21 =	vadd.s32 v32, v21;
	v27 =	vadd.s32 v23, v40;
	v23 =	vadd.s32 v24, v41  }
0x259: {  	v22 =	vadd.s32 v22, v44;
	v19 =	vadd.s32 v26, v19;
	v13 =	vadd.s32 v36, v13  }
0x25a: {  	v29 =	vshrl.u32 v25, $0x13;
	v24 =	vshrl.u32 v27, $0x13;
	v26 =	vshrl.u32 v17, $0x13;
	[tilespmem:v28+s3+$0x0] =	vst.idx.msk $0xffff, v43  }
0x25b: {  	v32 =	vshrl.u32 v22, $0x13;
	v33 =	vshrl.u32 v23, $0x13;
	v28 =	vshrl.u32 v21, $0x13;
	v35 =	vld [tilespmem:s15+$0x0];
	[tilespmem:v30+s5+$0x0] =	vst.idx.msk $0xffff, v15;
	v15 =	vmovc v25  }
0x25c: {  	v36 =	vshrl.u32 v13, $0x13;
	vm7 =	veq.s32 v26, v0;
	v25 =	vshrl.u32 v19, $0x13;
	[tilespmem:v30+s6+$0x0] =	vst.idx.msk $0xffff, v43  }
0x25d: {  	vm0 =	veq.s32 v29, v0;
	vm6 =	veq.s32 v24, v0;
	vm4 =	veq.s32 v33, v0  }
.Ltmp6:
0x25e: {  	vm3 =	veq.s32 v32, v0;
	vm5 =	veq.s32 v28, v0;
	vm1 =	veq.s32 v25, v0;
	(pc) =	sbr.rel @p0 .LBB2_14-.Ltmp6, $4  }
0x25f: {  	vm2 =	veq.s32 v36, v0;
	v24 =	vsel vm7, $0x1, v1;
	v30 =	vsel vm6, $0x1, v1;
	v28 =	vld [tilespmem:s15+$0xFFFFFFF0];
	[tilespmem:v38+s2+$0x0] =	vst.idx.msk $0xffff, v12;
	v12 =	vmovc v27  }
0x260: {  	v26 =	vsel vm2, $0x1, v1;
	v29 =	vsel vm5, $0x1, v1;
	v25 =	vsel vm1, $0x1, v1;
	[tilespmem:v38+s3+$0x0] =	vst.idx.msk $0xffff, v35  }
0x261: {  	v26 =	vadd.s32 v26, v34;
	v27 =	vadd.s32 v25, v37;
	v25 =	vsel vm3, $0x1, v1;
	[tilespmem:v39+s5+$0x0] =	vst.idx.msk $0xffff, v31  }
0x262: {  	s17 =	sadd.s32 $0x40, s17;
	v32 =	vsel vm4, $0x1, v1;
	v31 =	vadd.s32 v29, v27;
	v29 =	vadd.s32 v25, v26;
	v25 =	vld [tilespmem:s15+$0xFFFFFFE0];
	[tilespmem:v39+s6+$0x0] =	vst.idx.msk $0xffff, v35  }
0x263: {  	_ =	sdelay $0x3  }
0x264: {  	v30 =	vadd.s32 v30, v31;
	[tilespmem:v20+s2+$0x0] =	vst.idx.msk $0xffff, v9  }
0x265: {  	v9 =	vshll.u32 v30, $0x4;
	[tilespmem:v20+s3+$0x0] =	vst.idx.msk $0xffff, v28  }
0x266: {  	v20 =	vadd.s32 v32, v29;
	[tilespmem:v18+s5+$0x0] =	vst.idx.msk $0xffff, v8;
	v8 =	vor.u32 v2, v9  }
0x267: {  	s14 =	sadd.s32 $0x40, s15;
	[tilespmem:v16+s2+$0x0] =	vst.idx.msk $0xffff, v7;
	v9 =	vshll.u32 v20, $0x4;
	v8 =	vsel vm7, v8, v4  }
0x268: {  	v7 =	vld [tilespmem:s14+$0x10];
	[tilespmem:v18+s6+$0x0] =	vst.idx.msk $0xffff, v28;
	v9 =	vor.u32 v2, v9;
	v18 =	vshll.u32 v31, $0x4  }
0x269: {  	v9 =	vsel vm0, v9, v4;
	[tilespmem:v16+s3+$0x0] =	vst.idx.msk $0xffff, v25;
	v16 =	vor.u32 v2, v18  }
0x26a: {  	[tilespmem:v14+s5+$0x0] =	vst.idx.msk $0xffff, v6;
	v16 =	vsel vm6, v16, v4  }
0x26b: {  	v6 =	vshll.u32 v29, $0x4;
	[tilespmem:v14+s6+$0x0] =	vst.idx.msk $0xffff, v25  }
0x26c: {  	v6 =	vor.u32 v2, v6;
	v14 =	vld [tilespmem:s14+$0x0];
	[tilespmem:v8+s2+$0x0] =	vst.idx.msk $0xffff, v17  }
0x26d: {  	v6 =	vsel vm4, v6, v4;
	[tilespmem:v8+s3+$0x0] =	vst.idx.msk $0xffff, v7  }
0x26e: {  	v17 =	vshll.u32 v27, $0x4;
	[tilespmem:v9+s5+$0x0] =	vst.idx.msk $0xffff, v15  }
0x26f: {  	v10 =	vsel vm1, v10, v4;
	v8 =	vor.u32 v2, v17;
	[tilespmem:v16+s2+$0x0] =	vst.idx.msk $0xffff, v12  }
0x270: {  	v15 =	vshll.u32 v26, $0x4;
	v8 =	vsel vm5, v8, v4;
	[tilespmem:v9+s6+$0x0] =	vst.idx.msk $0xffff, v7  }
0x271: {  	v7 =	vor.u32 v2, v15;
	v9 =	vld [tilespmem:s14+$0xFFFFFFF0];
	[tilespmem:v16+s3+$0x0] =	vst.idx.msk $0xffff, v14  }
0x272: {  	v7 =	vsel vm3, v7, v4;
	[tilespmem:v6+s5+$0x0] =	vst.idx.msk $0xffff, v23  }
0x273: {  	[tilespmem:v6+s6+$0x0] =	vst.idx.msk $0xffff, v14  }
0x274: {  	v6 =	vld [tilespmem:s14+$0xFFFFFFE0];
	[tilespmem:v10+s2+$0x0] =	vst.idx.msk $0xffff, v19  }
0x275: {  	v11 =	vsel vm2, v11, v4;
	[tilespmem:v8+s2+$0x0] =	vst.idx.msk $0xffff, v21  }
0x276: {  	[tilespmem:v8+s3+$0x0] =	vst.idx.msk $0xffff, v9  }
0x277: {  	[tilespmem:v7+s5+$0x0] =	vst.idx.msk $0xffff, v22  }
0x278: {  	[tilespmem:v7+s6+$0x0] =	vst.idx.msk $0xffff, v9  }
0x279: {  	[tilespmem:v10+s3+$0x0] =	vst.idx.msk $0xffff, v6  }
0x27a: {  	[tilespmem:v11+s5+$0x0] =	vst.idx.msk $0xffff, v13  }
0x27b: {  	[tilespmem:v11+s6+$0x0] =	vst.idx.msk $0xffff, v6  }
0x27c: {  	_ =	swait.ge [sflag:s7], $0x2000  }
0x27d: {  	[sflag:s7] =	ssyncset.done $0x0  }
0x27e: {  	[sflag:s7] =	ssyncadd.s32 $0xFFFFE000  }
0x27f: {  	_ =	swait.ge [sflag:s8], $0x2000  }
0x280: {  	[sflag:s8] =	ssyncset.done $0x0  }
0x281: {  	[sflag:s8] =	ssyncadd.s32 $0xFFFFE000  }
0x282: {  	_ =	swait.ge [sflag:s9], $0x2000  }
0x283: {  	[sflag:s9] =	ssyncset.done $0x0  }
0x284: {  	s15 =	rddreg [dreg:$0x13];
	[sflag:s9] =	ssyncadd.s32 $0xFFFFE000  }
0x285: {  	[tilespmem:s4], [sflag:$0x1] =	stream.strided.gather [hbm4b:s15+s23], $0x2000, s24, s23, $0x38;
	[tilespmem:$0x18B80] =	vst v63  }
0x286: {  	s16 =	rddreg [dreg:$0x14]  }
0x287: {  	[tilespmem:s25], [sflag:$0x3] =	stream.strided.gather [hbm4b:s16+s23], $0x2000, s24, s23, $0x38;
	[tilespmem:$0x18B80] =	vst v63  }
0x288: {  	s17 =	rddreg [dreg:$0x17];
	s15 =	simm.s32 $0x2020  }
0x289: {  	[tilespmem:s26], [sflag:$0x5] =	stream.strided.gather [hbm4b:s17+s23], $0x2000, s24, s23, $0x38;
	[tilespmem:$0x18B80] =	vst v63  }
0x28a: {  	s16 =	simm.s32 $0x6020;
	v6 =	vld [tilespmem:s15+$0x10]  }
0x28b: {  	v7 =	vld [tilespmem:s16+$0x10]  }
0x28c: {  	v8 =	vld [tilespmem:s15+$0x0]  }
0x28d: {  	v10 =	vld [tilespmem:s16+$0x0]  }
0x28e: {  	v11 =	vld [tilespmem:s15+$0xFFFFFFF0]  }
0x28f: {  	v9 =	vld [tilespmem:s16+$0xFFFFFFF0]  }
0x290: {  	v13 =	vld [tilespmem:s15+$0xFFFFFFE0]  }
0x291: {  	s17 =	simm.s32 $0x2060;
	v15 =	vld [tilespmem:s16+$0xFFFFFFE0]  }
0x292: {  	v12 =	vsel vm0, $0x1, v1;
	v14 =	vadd.s32 v24, v30;
	v30 =	vld [tilespmem:s17+$0xFFFFFFF0]  }
0x293: {  	v12 =	vadd.s32 v12, v20;
	s14 =	simm.s32 $0x6060;
	v34 =	vld [tilespmem:s17+$0xFFFFFFE0]  }
0x294: {  	v17 =	vshll.u32 v12, $0x4;
	v16 =	vshll.u32 v14, $0x4;
	v35 =	vld [tilespmem:s14+$0xFFFFFFE0]  }
0x295: {  	v17 =	vor.u32 v2, v17;
	v16 =	vor.u32 v2, v16;
	v18 =	vshll.u32 v6, $0xC  }
0x296: {  	v19 =	vshll.u32 v8, $0xC;
	v20 =	vshll.u32 v10, $0xC;
	v21 =	vshll.u32 v7, $0xC  }
0x297: {  	v22 =	vshll.u32 v13, $0xC;
	v23 =	vshll.u32 v11, $0xC;
	v24 =	vshll.u32 v9, $0xC  }
0x298: {  	v25 =	vshll.u32 v15, $0xC;
	v40 =	vshll.u32 v34, $0xC;
	v41 =	vshll.u32 v30, $0xC  }
0x299: {  	v43 =	vshll.u32 v35, $0xC;
	v26 =	vadd.s32 v7, v18;
	v27 =	vadd.s32 v6, v21  }
0x29a: {  	v9 =	vadd.s32 v9, v23;
	v28 =	vadd.s32 v10, v19;
	v29 =	vadd.s32 v8, v20  }
0x29b: {  	v7 =	vadd.s32 v15, v22;
	v6 =	vadd.s32 v13, v25;
	v8 =	vadd.s32 v11, v24  }
0x29c: {  	v10 =	vshrl.u32 v28, $0x13;
	v11 =	vshrl.u32 v26, $0x13;
	v13 =	vshrl.u32 v27, $0x13  }
0x29d: {  	v15 =	vshrl.u32 v9, $0x13;
	v18 =	vshrl.u32 v8, $0x13;
	v19 =	vshrl.u32 v29, $0x13  }
0x29e: {  	v20 =	vshrl.u32 v7, $0x13;
	v21 =	vshrl.u32 v6, $0x13;
	vm3 =	veq.s32 v11, v0  }
0x29f: {  	vm4 =	veq.s32 v10, v0;
	vm1 =	veq.s32 v19, v0;
	vm5 =	veq.s32 v13, v0  }
0x2a0: {  	vm0 =	veq.s32 v20, v0;
	vm6 =	veq.s32 v15, v0;
	vm7 =	veq.s32 v18, v0  }
0x2a1: {  	v24 =	vld [tilespmem:s14+$0x0];
	vm2 =	veq.s32 v21, v0;
	v10 =	vsel vm4, $0x1, v1;
	v11 =	vsel vm3, $0x1, v1  }
0x2a2: {  	v13 =	vsel vm0, $0x1, v1;
	v15 =	vsel vm2, $0x1, v1;
	v18 =	vsel vm6, $0x1, v1  }
0x2a3: {  	v20 =	vsel vm5, $0x1, v1;
	v16 =	vsel vm0, v16, v4;
	v13 =	vadd.s32 v13, v14  }
0x2a4: {  	v12 =	vadd.s32 v15, v12;
	v14 =	vsel vm7, $0x1, v1;
	v15 =	vadd.s32 v18, v13  }
0x2a5: {  	v14 =	vadd.s32 v14, v12;
	v18 =	vsel vm1, $0x1, v1;
	v13 =	vshll.u32 v13, $0x4  }
0x2a6: {  	v12 =	vshll.u32 v12, $0x4;
	v38 =	vshll.u32 v24, $0xC;
	v10 =	vadd.s32 v10, v15  }
0x2a7: {  	v18 =	vadd.s32 v18, v14;
	v13 =	vor.u32 v2, v13;
	v12 =	vor.u32 v2, v12  }
0x2a8: {  	v23 =	vld [tilespmem:s17+$0x0];
	v22 =	vshll.u32 v10, $0x4;
	v25 =	vadd.s32 v11, v10;
	v31 =	vadd.s32 v20, v18  }
0x2a9: {  	v19 =	vld [tilespmem:s17+$0x10];
	v10 =	vshll.u32 v15, $0x4;
	v11 =	vshll.u32 v14, $0x4;
	v14 =	vshll.u32 v18, $0x4  }
0x2aa: {  	v21 =	vld [tilespmem:s14+$0x10];
	v15 =	vshll.u32 v25, $0x4;
	v18 =	vshll.u32 v31, $0x4;
	v20 =	vor.u32 v2, v22  }
0x2ab: {  	v14 =	vor.u32 v2, v14;
	v56 =	vor.u32 v2, v10;
	v33 =	vor.u32 v2, v11  }
0x2ac: {  	v10 =	vor.u32 v2, v15;
	v11 =	vor.u32 v2, v18;
	v32 =	vsel vm4, v56, v4  }
0x2ad: {  	v36 =	vsel vm3, v20, v4;
	v37 =	vsel vm5, v14, v4;
	v20 =	vsel vm6, v13, v4  }
0x2ae: {  	v18 =	vsel vm7, v12, v4;
	v33 =	vsel vm1, v33, v4;
	v12 =	vshll.u32 v19, $0xC  }
0x2af: {  	v22 =	vld [tilespmem:s14+$0xFFFFFFF0];
	v14 =	vsel vm2, v17, v4;
	v13 =	vshll.u32 v23, $0xC;
	v15 =	vshll.u32 v21, $0xC  }
0x2b0: {  	s15 =	simm.s32 $0xA020;
	v23 =	vadd.s32 v23, v38;
	v17 =	vadd.s32 v21, v12;
	v15 =	vadd.s32 v19, v15  }
0x2b1: {  	v39 =	vld [tilespmem:s15+$0x10];
	v12 =	vadd.s32 v24, v13;
	v19 =	vadd.s32 v35, v40;
	v13 =	vadd.s32 v34, v43  }
0x2b2: {  	v59 =	vshrl.u32 v23, $0x13;
	v24 =	vshrl.u32 v12, $0x13;
	v61 =	vshrl.u32 v13, $0x13  }
0x2b3: {  	v60 =	vld [tilespmem:s15+$0x0];
	vm4 =	veq.s32 v59, v0;
	vm6 =	veq.s32 v24, v0;
	vm2 =	veq.s32 v61, v0  }
0x2b4: {  	v42 =	vshll.u32 v22, $0xC;
	v21 =	vadd.s32 v22, v41;
	v62 =	vsel vm2, $0x1, v1;
	[tilespmem:v36+s2+$0x0] =	vst.idx.msk $0xffff, v26  }
0x2b5: {  	v22 =	vadd.s32 v30, v42;
	v26 =	vshrl.u32 v17, $0x13;
	v30 =	vshrl.u32 v15, $0x13;
	[tilespmem:v32+s2+$0x0] =	vst.idx.msk $0xffff, v28  }
0x2b6: {  	v57 =	vshrl.u32 v21, $0x13;
	[tilespmem:v36+s3+$0x0] =	vst.idx.msk $0xffff, v39;
	v58 =	vshrl.u32 v22, $0x13;
	vm7 =	veq.s32 v26, v0  }
0x2b7: {  	vm0 =	veq.s32 v30, v0;
	vm5 =	veq.s32 v57, v0;
	[tilespmem:v37+s5+$0x0] =	vst.idx.msk $0xffff, v27;
	v27 =	vshrl.u32 v19, $0x13  }
0x2b8: {  	v28 =	vld [tilespmem:s15+$0xFFFFFFF0];
	v30 =	vsel vm6, $0x1, v1;
	[tilespmem:v32+s3+$0x0] =	vst.idx.msk $0xffff, v60;
	v32 =	vsel vm4, $0x1, v1;
	vm1 =	veq.s32 v27, v0  }
0x2b9: {  	vm3 =	veq.s32 v58, v0;
	v63 =	vsel vm5, $0x1, v1;
	[tilespmem:v33+s5+$0x0] =	vst.idx.msk $0xffff, v29;
	v26 =	vsel vm1, $0x1, v1  }
0x2ba: {  	[tilespmem:v37+s6+$0x0] =	vst.idx.msk $0xffff, v39;
	v27 =	vadd.s32 v26, v25;
	v26 =	vadd.s32 v62, v31;
	v25 =	vsel vm3, $0x1, v1  }
0x2bb: {  	s16 =	simm.s32 $0x4;
	s17 =	simm.s32 $0x20A0;
	v24 =	vsel vm7, $0x1, v1;
	[tilespmem:v33+s6+$0x0] =	vst.idx.msk $0xffff, v60;
	v31 =	vadd.s32 v63, v27;
	v29 =	vadd.s32 v25, v26;
	v25 =	vld [tilespmem:s15+$0xFFFFFFE0]  }
.LBB2_16:
0x2bc: {  	v33 =	vld [tilespmem:s17+$0x10];
	v30 =	vadd.s32 v30, v31;
	v32 =	vadd.s32 v32, v29;
	v34 =	vsel vm0, $0x1, v1;
	s14 =	sadd.s32 $0x40, s14;
	[tilespmem:v20+s2+$0x0] =	vst.idx.msk $0xffff, v9  }
0x2bd: {  	v35 =	vld [tilespmem:s14+$0x10];
	v36 =	vshll.u32 v30, $0x4;
	v37 =	vadd.s32 v24, v30;
	v34 =	vadd.s32 v34, v32;
	[tilespmem:v20+s3+$0x0] =	vst.idx.msk $0xffff, v28  }
0x2be: {  	v29 =	vshll.u32 v29, $0x4;
	v9 =	vmovc v21;
	v20 =	vshll.u32 v31, $0x4;
	v30 =	vshll.u32 v32, $0x4;
	v31 =	vmovc v23;
	v24 =	vld [tilespmem:s17+$0x0];
	[tilespmem:v18+s5+$0x0] =	vst.idx.msk $0xffff, v8  }
0x2bf: {  	v27 =	vshll.u32 v27, $0x4;
	v26 =	vshll.u32 v26, $0x4;
	v21 =	vshll.u32 v37, $0x4;
	v8 =	vmovc v22;
	v23 =	vld [tilespmem:s14+$0x0];
	[tilespmem:v18+s6+$0x0] =	vst.idx.msk $0xffff, v28  }
0x2c0: {  	v30 =	vor.u32 v2, v30;
	v18 =	vshll.u32 v34, $0x4;
	v28 =	vor.u32 v2, v36;
	v22 =	vld [tilespmem:s17+$0xFFFFFFF0];
	[tilespmem:v16+s2+$0x0] =	vst.idx.msk $0xffff, v7  }
0x2c1: {  	s16 =	sadd.s32 $0x4, s16;
	v27 =	vor.u32 v2, v27;
	v29 =	vor.u32 v2, v29;
	v20 =	vor.u32 v2, v20;
	v7 =	vmovc v19;
	v32 =	vld [tilespmem:s14+$0xFFFFFFF0]  }
0x2c2: {  	p0 =	slt.u32 s16, $0x1FC;
	v19 =	vor.u32 v2, v21;
	v21 =	vor.u32 v2, v18;
	v18 =	vor.u32 v2, v26;
	v36 =	vld [tilespmem:s17+$0xFFFFFFE0]  }
0x2c3: {  	v38 =	vsel vm6, v20, v4;
	v30 =	vsel vm0, v30, v4;
	v28 =	vsel vm7, v28, v4;
	v26 =	vld [tilespmem:s14+$0xFFFFFFE0]  }
0x2c4: {  	v39 =	vsel vm4, v29, v4;
	v20 =	vsel vm5, v27, v4;
	v18 =	vsel vm3, v18, v4  }
0x2c5: {  	s15 =	sadd.s32 $0x40, s15;
	v29 =	vsel vm2, v11, v4;
	v27 =	vshll.u32 v33, $0xC;
	[tilespmem:v16+s3+$0x0] =	vst.idx.msk $0xffff, v25;
	v16 =	vsel vm1, v10, v4  }
0x2c6: {  	v11 =	vmovc v21;
	v42 =	vshll.u32 v35, $0xC;
	v40 =	vshll.u32 v24, $0xC;
	v41 =	vshll.u32 v23, $0xC;
	v10 =	vmovc v19;
	v43 =	vld [tilespmem:s15+$0x10];
	[tilespmem:v14+s5+$0x0] =	vst.idx.msk $0xffff, v6  }
0x2c7: {  	v21 =	vshll.u32 v22, $0xC;
	v44 =	vshll.u32 v32, $0xC;
	v6 =	vmovc v13;
	v19 =	vshll.u32 v36, $0xC;
	[tilespmem:v14+s6+$0x0] =	vst.idx.msk $0xffff, v25;
	v14 =	vmovc v29  }
0x2c8: {  	v25 =	vadd.s32 v33, v42;
	v13 =	vshll.u32 v26, $0xC;
	[tilespmem:v28+s2+$0x0] =	vst.idx.msk $0xffff, v17;
	v17 =	vadd.s32 v35, v27  }
0x2c9: {  	v21 =	vadd.s32 v32, v21;
	v27 =	vadd.s32 v23, v40;
	v23 =	vadd.s32 v24, v41  }
0x2ca: {  	v22 =	vadd.s32 v22, v44;
	v19 =	vadd.s32 v26, v19;
	v13 =	vadd.s32 v36, v13  }
0x2cb: {  	v29 =	vshrl.u32 v25, $0x13;
	v24 =	vshrl.u32 v27, $0x13;
	v26 =	vshrl.u32 v17, $0x13;
	[tilespmem:v28+s3+$0x0] =	vst.idx.msk $0xffff, v43  }
0x2cc: {  	v32 =	vshrl.u32 v22, $0x13;
	v33 =	vshrl.u32 v23, $0x13;
	v28 =	vshrl.u32 v21, $0x13;
	v35 =	vld [tilespmem:s15+$0x0];
	[tilespmem:v30+s5+$0x0] =	vst.idx.msk $0xffff, v15;
	v15 =	vmovc v25  }
0x2cd: {  	v36 =	vshrl.u32 v13, $0x13;
	vm7 =	veq.s32 v26, v0;
	v25 =	vshrl.u32 v19, $0x13;
	[tilespmem:v30+s6+$0x0] =	vst.idx.msk $0xffff, v43  }
0x2ce: {  	vm0 =	veq.s32 v29, v0;
	vm6 =	veq.s32 v24, v0;
	vm4 =	veq.s32 v33, v0  }
.Ltmp7:
0x2cf: {  	vm3 =	veq.s32 v32, v0;
	vm5 =	veq.s32 v28, v0;
	vm1 =	veq.s32 v25, v0;
	(pc) =	sbr.rel @p0 .LBB2_16-.Ltmp7, $4  }
0x2d0: {  	vm2 =	veq.s32 v36, v0;
	v24 =	vsel vm7, $0x1, v1;
	v30 =	vsel vm6, $0x1, v1;
	v28 =	vld [tilespmem:s15+$0xFFFFFFF0];
	[tilespmem:v38+s2+$0x0] =	vst.idx.msk $0xffff, v12;
	v12 =	vmovc v27  }
0x2d1: {  	v26 =	vsel vm2, $0x1, v1;
	v29 =	vsel vm5, $0x1, v1;
	v25 =	vsel vm1, $0x1, v1;
	[tilespmem:v38+s3+$0x0] =	vst.idx.msk $0xffff, v35  }
0x2d2: {  	v26 =	vadd.s32 v26, v34;
	v27 =	vadd.s32 v25, v37;
	v25 =	vsel vm3, $0x1, v1;
	[tilespmem:v39+s5+$0x0] =	vst.idx.msk $0xffff, v31  }
0x2d3: {  	s17 =	sadd.s32 $0x40, s17;
	v32 =	vsel vm4, $0x1, v1;
	v31 =	vadd.s32 v29, v27;
	v29 =	vadd.s32 v25, v26;
	v25 =	vld [tilespmem:s15+$0xFFFFFFE0];
	[tilespmem:v39+s6+$0x0] =	vst.idx.msk $0xffff, v35  }
0x2d4: {  	_ =	sdelay $0x3  }
0x2d5: {  	v30 =	vadd.s32 v30, v31;
	[tilespmem:v20+s2+$0x0] =	vst.idx.msk $0xffff, v9  }
0x2d6: {  	v9 =	vshll.u32 v30, $0x4;
	[tilespmem:v20+s3+$0x0] =	vst.idx.msk $0xffff, v28  }
0x2d7: {  	v20 =	vadd.s32 v32, v29;
	[tilespmem:v18+s5+$0x0] =	vst.idx.msk $0xffff, v8;
	v8 =	vor.u32 v2, v9  }
0x2d8: {  	s14 =	sadd.s32 $0x40, s15;
	[tilespmem:v16+s2+$0x0] =	vst.idx.msk $0xffff, v7;
	v9 =	vshll.u32 v20, $0x4;
	v8 =	vsel vm7, v8, v4  }
0x2d9: {  	v7 =	vld [tilespmem:s14+$0x10];
	[tilespmem:v18+s6+$0x0] =	vst.idx.msk $0xffff, v28;
	v9 =	vor.u32 v2, v9;
	v18 =	vshll.u32 v31, $0x4  }
0x2da: {  	v9 =	vsel vm0, v9, v4;
	[tilespmem:v16+s3+$0x0] =	vst.idx.msk $0xffff, v25;
	v16 =	vor.u32 v2, v18  }
0x2db: {  	[tilespmem:v14+s5+$0x0] =	vst.idx.msk $0xffff, v6;
	v16 =	vsel vm6, v16, v4  }
0x2dc: {  	v6 =	vshll.u32 v29, $0x4;
	[tilespmem:v14+s6+$0x0] =	vst.idx.msk $0xffff, v25  }
0x2dd: {  	v6 =	vor.u32 v2, v6;
	v14 =	vld [tilespmem:s14+$0x0];
	[tilespmem:v8+s2+$0x0] =	vst.idx.msk $0xffff, v17  }
0x2de: {  	v6 =	vsel vm4, v6, v4;
	[tilespmem:v8+s3+$0x0] =	vst.idx.msk $0xffff, v7  }
0x2df: {  	v17 =	vshll.u32 v27, $0x4;
	[tilespmem:v9+s5+$0x0] =	vst.idx.msk $0xffff, v15  }
0x2e0: {  	v10 =	vsel vm1, v10, v4;
	v8 =	vor.u32 v2, v17;
	[tilespmem:v16+s2+$0x0] =	vst.idx.msk $0xffff, v12  }
0x2e1: {  	v15 =	vshll.u32 v26, $0x4;
	v8 =	vsel vm5, v8, v4;
	[tilespmem:v9+s6+$0x0] =	vst.idx.msk $0xffff, v7  }
0x2e2: {  	v7 =	vor.u32 v2, v15;
	v9 =	vld [tilespmem:s14+$0xFFFFFFF0];
	[tilespmem:v16+s3+$0x0] =	vst.idx.msk $0xffff, v14  }
0x2e3: {  	v7 =	vsel vm3, v7, v4;
	[tilespmem:v6+s5+$0x0] =	vst.idx.msk $0xffff, v23  }
0x2e4: {  	[tilespmem:v6+s6+$0x0] =	vst.idx.msk $0xffff, v14  }
0x2e5: {  	v6 =	vld [tilespmem:s14+$0xFFFFFFE0];
	[tilespmem:v10+s2+$0x0] =	vst.idx.msk $0xffff, v19  }
0x2e6: {  	v11 =	vsel vm2, v11, v4;
	[tilespmem:v8+s2+$0x0] =	vst.idx.msk $0xffff, v21  }
0x2e7: {  	[tilespmem:v8+s3+$0x0] =	vst.idx.msk $0xffff, v9  }
0x2e8: {  	[tilespmem:v7+s5+$0x0] =	vst.idx.msk $0xffff, v22  }
0x2e9: {  	[tilespmem:v7+s6+$0x0] =	vst.idx.msk $0xffff, v9  }
0x2ea: {  	[tilespmem:v10+s3+$0x0] =	vst.idx.msk $0xffff, v6  }
0x2eb: {  	[tilespmem:v11+s5+$0x0] =	vst.idx.msk $0xffff, v13  }
0x2ec: {  	[tilespmem:v11+s6+$0x0] =	vst.idx.msk $0xffff, v6  }
0x2ed: {  	_ =	swait.ge [sflag:s28], $0x2000  }
0x2ee: {  	[sflag:s28] =	ssyncset.done $0x0  }
0x2ef: {  	[sflag:s28] =	ssyncadd.s32 $0xFFFFE000  }
0x2f0: {  	_ =	swait.ge [sflag:s29], $0x2000  }
0x2f1: {  	[sflag:s29] =	ssyncset.done $0x0  }
0x2f2: {  	[sflag:s29] =	ssyncadd.s32 $0xFFFFE000  }
0x2f3: {  	_ =	swait.ge [sflag:s30], $0x2000  }
0x2f4: {  	[sflag:s30] =	ssyncset.done $0x0  }
0x2f5: {  	s15 =	rddreg [dreg:$0x18];
	[sflag:s30] =	ssyncadd.s32 $0xFFFFE000  }
0x2f6: {  	[tilespmem:s31], [sflag:$0x2] =	stream.strided.gather [hbm4b:s15+s23], $0x2000, s24, s23, $0x38;
	[tilespmem:$0x18B80] =	vst v63  }
0x2f7: {  	s16 =	rddreg [dreg:$0x19]  }
0x2f8: {  	[tilespmem:s0], [sflag:$0x4] =	stream.strided.gather [hbm4b:s16+s23], $0x2000, s24, s23, $0x38;
	[tilespmem:$0x18B80] =	vst v63  }
0x2f9: {  	s17 =	rddreg [dreg:$0x1a];
	s15 =	simm.s32 $0x20  }
0x2fa: {  	[tilespmem:s1], [sflag:$0x6] =	stream.strided.gather [hbm4b:s17+s23], $0x2000, s24, s23, $0x38;
	[tilespmem:$0x18B80] =	vst v63  }
0x2fb: {  	s16 =	simm.s32 $0x4020;
	v6 =	vld [tilespmem:s15+$0x10]  }
0x2fc: {  	v7 =	vld [tilespmem:s16+$0x10]  }
0x2fd: {  	v8 =	vld [tilespmem:s15+$0x0]  }
0x2fe: {  	v10 =	vld [tilespmem:s16+$0x0]  }
0x2ff: {  	v11 =	vld [tilespmem:s15+$0xFFFFFFF0]  }
0x300: {  	v9 =	vld [tilespmem:s16+$0xFFFFFFF0]  }
0x301: {  	v13 =	vld [tilespmem:s15+$0xFFFFFFE0]  }
0x302: {  	s17 =	simm.s32 $0x60;
	v15 =	vld [tilespmem:s16+$0xFFFFFFE0]  }
0x303: {  	v12 =	vsel vm0, $0x1, v1;
	v14 =	vadd.s32 v24, v30;
	v30 =	vld [tilespmem:s17+$0xFFFFFFF0]  }
0x304: {  	v12 =	vadd.s32 v12, v20;
	s14 =	simm.s32 $0x4060;
	v34 =	vld [tilespmem:s17+$0xFFFFFFE0]  }
0x305: {  	v17 =	vshll.u32 v12, $0x4;
	v16 =	vshll.u32 v14, $0x4;
	v35 =	vld [tilespmem:s14+$0xFFFFFFE0]  }
0x306: {  	v17 =	vor.u32 v2, v17;
	v16 =	vor.u32 v2, v16;
	v18 =	vshll.u32 v6, $0xC  }
0x307: {  	v19 =	vshll.u32 v8, $0xC;
	v20 =	vshll.u32 v10, $0xC;
	v21 =	vshll.u32 v7, $0xC  }
0x308: {  	v22 =	vshll.u32 v13, $0xC;
	v23 =	vshll.u32 v11, $0xC;
	v24 =	vshll.u32 v9, $0xC  }
0x309: {  	v25 =	vshll.u32 v15, $0xC;
	v40 =	vshll.u32 v34, $0xC;
	v41 =	vshll.u32 v30, $0xC  }
0x30a: {  	v43 =	vshll.u32 v35, $0xC;
	v26 =	vadd.s32 v7, v18;
	v27 =	vadd.s32 v6, v21  }
0x30b: {  	v9 =	vadd.s32 v9, v23;
	v28 =	vadd.s32 v10, v19;
	v29 =	vadd.s32 v8, v20  }
0x30c: {  	v7 =	vadd.s32 v15, v22;
	v6 =	vadd.s32 v13, v25;
	v8 =	vadd.s32 v11, v24  }
0x30d: {  	v10 =	vshrl.u32 v28, $0x13;
	v11 =	vshrl.u32 v26, $0x13;
	v13 =	vshrl.u32 v27, $0x13  }
0x30e: {  	v15 =	vshrl.u32 v9, $0x13;
	v18 =	vshrl.u32 v8, $0x13;
	v19 =	vshrl.u32 v29, $0x13  }
0x30f: {  	v20 =	vshrl.u32 v7, $0x13;
	v21 =	vshrl.u32 v6, $0x13;
	vm3 =	veq.s32 v11, v0  }
0x310: {  	vm4 =	veq.s32 v10, v0;
	vm1 =	veq.s32 v19, v0;
	vm5 =	veq.s32 v13, v0  }
0x311: {  	vm0 =	veq.s32 v20, v0;
	vm6 =	veq.s32 v15, v0;
	vm7 =	veq.s32 v18, v0  }
0x312: {  	v24 =	vld [tilespmem:s14+$0x0];
	vm2 =	veq.s32 v21, v0;
	v10 =	vsel vm4, $0x1, v1;
	v11 =	vsel vm3, $0x1, v1  }
0x313: {  	v13 =	vsel vm0, $0x1, v1;
	v15 =	vsel vm2, $0x1, v1;
	v18 =	vsel vm6, $0x1, v1  }
0x314: {  	v20 =	vsel vm5, $0x1, v1;
	v16 =	vsel vm0, v16, v4;
	v13 =	vadd.s32 v13, v14  }
0x315: {  	v12 =	vadd.s32 v15, v12;
	v14 =	vsel vm7, $0x1, v1;
	v15 =	vadd.s32 v18, v13  }
0x316: {  	v14 =	vadd.s32 v14, v12;
	v18 =	vsel vm1, $0x1, v1;
	v13 =	vshll.u32 v13, $0x4  }
0x317: {  	v12 =	vshll.u32 v12, $0x4;
	v38 =	vshll.u32 v24, $0xC;
	v10 =	vadd.s32 v10, v15  }
0x318: {  	v18 =	vadd.s32 v18, v14;
	v13 =	vor.u32 v2, v13;
	v12 =	vor.u32 v2, v12  }
0x319: {  	v23 =	vld [tilespmem:s17+$0x0];
	v22 =	vshll.u32 v10, $0x4;
	v25 =	vadd.s32 v11, v10;
	v31 =	vadd.s32 v20, v18  }
0x31a: {  	v19 =	vld [tilespmem:s17+$0x10];
	v10 =	vshll.u32 v15, $0x4;
	v11 =	vshll.u32 v14, $0x4;
	v14 =	vshll.u32 v18, $0x4  }
0x31b: {  	v21 =	vld [tilespmem:s14+$0x10];
	v15 =	vshll.u32 v25, $0x4;
	v18 =	vshll.u32 v31, $0x4;
	v20 =	vor.u32 v2, v22  }
0x31c: {  	v14 =	vor.u32 v2, v14;
	v56 =	vor.u32 v2, v10;
	v33 =	vor.u32 v2, v11  }
0x31d: {  	v10 =	vor.u32 v2, v15;
	v11 =	vor.u32 v2, v18;
	v32 =	vsel vm4, v56, v4  }
0x31e: {  	v36 =	vsel vm3, v20, v4;
	v37 =	vsel vm5, v14, v4;
	v20 =	vsel vm6, v13, v4  }
0x31f: {  	v18 =	vsel vm7, v12, v4;
	v33 =	vsel vm1, v33, v4;
	v12 =	vshll.u32 v19, $0xC  }
0x320: {  	v22 =	vld [tilespmem:s14+$0xFFFFFFF0];
	v14 =	vsel vm2, v17, v4;
	v13 =	vshll.u32 v23, $0xC;
	v15 =	vshll.u32 v21, $0xC  }
0x321: {  	s15 =	simm.s32 $0x8020;
	v23 =	vadd.s32 v23, v38;
	v17 =	vadd.s32 v21, v12;
	v15 =	vadd.s32 v19, v15  }
0x322: {  	v39 =	vld [tilespmem:s15+$0x10];
	v12 =	vadd.s32 v24, v13;
	v19 =	vadd.s32 v35, v40;
	v13 =	vadd.s32 v34, v43  }
0x323: {  	v59 =	vshrl.u32 v23, $0x13;
	v24 =	vshrl.u32 v12, $0x13;
	v61 =	vshrl.u32 v13, $0x13  }
0x324: {  	v60 =	vld [tilespmem:s15+$0x0];
	vm4 =	veq.s32 v59, v0;
	vm6 =	veq.s32 v24, v0;
	vm2 =	veq.s32 v61, v0  }
0x325: {  	v42 =	vshll.u32 v22, $0xC;
	v21 =	vadd.s32 v22, v41;
	v62 =	vsel vm2, $0x1, v1;
	[tilespmem:v36+s2+$0x0] =	vst.idx.msk $0xffff, v26  }
0x326: {  	v22 =	vadd.s32 v30, v42;
	v26 =	vshrl.u32 v17, $0x13;
	v30 =	vshrl.u32 v15, $0x13;
	[tilespmem:v32+s2+$0x0] =	vst.idx.msk $0xffff, v28  }
0x327: {  	v57 =	vshrl.u32 v21, $0x13;
	[tilespmem:v36+s3+$0x0] =	vst.idx.msk $0xffff, v39;
	v58 =	vshrl.u32 v22, $0x13;
	vm7 =	veq.s32 v26, v0  }
0x328: {  	vm0 =	veq.s32 v30, v0;
	vm5 =	veq.s32 v57, v0;
	[tilespmem:v37+s5+$0x0] =	vst.idx.msk $0xffff, v27;
	v27 =	vshrl.u32 v19, $0x13  }
0x329: {  	v28 =	vld [tilespmem:s15+$0xFFFFFFF0];
	v30 =	vsel vm6, $0x1, v1;
	[tilespmem:v32+s3+$0x0] =	vst.idx.msk $0xffff, v60;
	v32 =	vsel vm4, $0x1, v1;
	vm1 =	veq.s32 v27, v0  }
0x32a: {  	vm3 =	veq.s32 v58, v0;
	v63 =	vsel vm5, $0x1, v1;
	[tilespmem:v33+s5+$0x0] =	vst.idx.msk $0xffff, v29;
	v26 =	vsel vm1, $0x1, v1  }
0x32b: {  	[tilespmem:v37+s6+$0x0] =	vst.idx.msk $0xffff, v39;
	v27 =	vadd.s32 v26, v25;
	v26 =	vadd.s32 v62, v31;
	v25 =	vsel vm3, $0x1, v1  }
0x32c: {  	s16 =	simm.s32 $0x4;
	s17 =	simm.s32 $0xA0;
	v24 =	vsel vm7, $0x1, v1;
	[tilespmem:v33+s6+$0x0] =	vst.idx.msk $0xffff, v60;
	v31 =	vadd.s32 v63, v27;
	v29 =	vadd.s32 v25, v26;
	v25 =	vld [tilespmem:s15+$0xFFFFFFE0]  }
.LBB2_18:
0x32d: {  	v33 =	vld [tilespmem:s17+$0x10];
	v30 =	vadd.s32 v30, v31;
	v32 =	vadd.s32 v32, v29;
	v34 =	vsel vm0, $0x1, v1;
	s14 =	sadd.s32 $0x40, s14;
	[tilespmem:v20+s2+$0x0] =	vst.idx.msk $0xffff, v9  }
0x32e: {  	v35 =	vld [tilespmem:s14+$0x10];
	v36 =	vshll.u32 v30, $0x4;
	v37 =	vadd.s32 v24, v30;
	v34 =	vadd.s32 v34, v32;
	[tilespmem:v20+s3+$0x0] =	vst.idx.msk $0xffff, v28  }
0x32f: {  	v29 =	vshll.u32 v29, $0x4;
	v9 =	vmovc v21;
	v20 =	vshll.u32 v31, $0x4;
	v30 =	vshll.u32 v32, $0x4;
	v31 =	vmovc v23;
	v24 =	vld [tilespmem:s17+$0x0];
	[tilespmem:v18+s5+$0x0] =	vst.idx.msk $0xffff, v8  }
0x330: {  	v27 =	vshll.u32 v27, $0x4;
	v26 =	vshll.u32 v26, $0x4;
	v21 =	vshll.u32 v37, $0x4;
	v8 =	vmovc v22;
	v23 =	vld [tilespmem:s14+$0x0];
	[tilespmem:v18+s6+$0x0] =	vst.idx.msk $0xffff, v28  }
0x331: {  	v30 =	vor.u32 v2, v30;
	v18 =	vshll.u32 v34, $0x4;
	v28 =	vor.u32 v2, v36;
	v22 =	vld [tilespmem:s17+$0xFFFFFFF0];
	[tilespmem:v16+s2+$0x0] =	vst.idx.msk $0xffff, v7  }
0x332: {  	s16 =	sadd.s32 $0x4, s16;
	v27 =	vor.u32 v2, v27;
	v29 =	vor.u32 v2, v29;
	v20 =	vor.u32 v2, v20;
	v7 =	vmovc v19;
	v32 =	vld [tilespmem:s14+$0xFFFFFFF0]  }
0x333: {  	p0 =	slt.u32 s16, $0x1FC;
	v19 =	vor.u32 v2, v21;
	v21 =	vor.u32 v2, v18;
	v18 =	vor.u32 v2, v26;
	v36 =	vld [tilespmem:s17+$0xFFFFFFE0]  }
0x334: {  	v38 =	vsel vm6, v20, v4;
	v30 =	vsel vm0, v30, v4;
	v28 =	vsel vm7, v28, v4;
	v26 =	vld [tilespmem:s14+$0xFFFFFFE0]  }
0x335: {  	v39 =	vsel vm4, v29, v4;
	v20 =	vsel vm5, v27, v4;
	v18 =	vsel vm3, v18, v4  }
0x336: {  	s15 =	sadd.s32 $0x40, s15;
	v29 =	vsel vm2, v11, v4;
	v27 =	vshll.u32 v33, $0xC;
	[tilespmem:v16+s3+$0x0] =	vst.idx.msk $0xffff, v25;
	v16 =	vsel vm1, v10, v4  }
0x337: {  	v11 =	vmovc v21;
	v42 =	vshll.u32 v35, $0xC;
	v40 =	vshll.u32 v24, $0xC;
	v41 =	vshll.u32 v23, $0xC;
	v10 =	vmovc v19;
	v43 =	vld [tilespmem:s15+$0x10];
	[tilespmem:v14+s5+$0x0] =	vst.idx.msk $0xffff, v6  }
0x338: {  	v21 =	vshll.u32 v22, $0xC;
	v44 =	vshll.u32 v32, $0xC;
	v6 =	vmovc v13;
	v19 =	vshll.u32 v36, $0xC;
	[tilespmem:v14+s6+$0x0] =	vst.idx.msk $0xffff, v25;
	v14 =	vmovc v29  }
0x339: {  	v25 =	vadd.s32 v33, v42;
	v13 =	vshll.u32 v26, $0xC;
	[tilespmem:v28+s2+$0x0] =	vst.idx.msk $0xffff, v17;
	v17 =	vadd.s32 v35, v27  }
0x33a: {  	v21 =	vadd.s32 v32, v21;
	v27 =	vadd.s32 v23, v40;
	v23 =	vadd.s32 v24, v41  }
0x33b: {  	v22 =	vadd.s32 v22, v44;
	v19 =	vadd.s32 v26, v19;
	v13 =	vadd.s32 v36, v13  }
0x33c: {  	v29 =	vshrl.u32 v25, $0x13;
	v24 =	vshrl.u32 v27, $0x13;
	v26 =	vshrl.u32 v17, $0x13;
	[tilespmem:v28+s3+$0x0] =	vst.idx.msk $0xffff, v43  }
0x33d: {  	v32 =	vshrl.u32 v22, $0x13;
	v33 =	vshrl.u32 v23, $0x13;
	v28 =	vshrl.u32 v21, $0x13;
	v35 =	vld [tilespmem:s15+$0x0];
	[tilespmem:v30+s5+$0x0] =	vst.idx.msk $0xffff, v15;
	v15 =	vmovc v25  }
0x33e: {  	v36 =	vshrl.u32 v13, $0x13;
	vm7 =	veq.s32 v26, v0;
	v25 =	vshrl.u32 v19, $0x13;
	[tilespmem:v30+s6+$0x0] =	vst.idx.msk $0xffff, v43  }
0x33f: {  	vm0 =	veq.s32 v29, v0;
	vm6 =	veq.s32 v24, v0;
	vm4 =	veq.s32 v33, v0  }
.Ltmp8:
0x340: {  	vm3 =	veq.s32 v32, v0;
	vm5 =	veq.s32 v28, v0;
	vm1 =	veq.s32 v25, v0;
	(pc) =	sbr.rel @p0 .LBB2_18-.Ltmp8, $4  }
0x341: {  	vm2 =	veq.s32 v36, v0;
	v24 =	vsel vm7, $0x1, v1;
	v30 =	vsel vm6, $0x1, v1;
	v28 =	vld [tilespmem:s15+$0xFFFFFFF0];
	[tilespmem:v38+s2+$0x0] =	vst.idx.msk $0xffff, v12;
	v12 =	vmovc v27  }
0x342: {  	v26 =	vsel vm2, $0x1, v1;
	v29 =	vsel vm5, $0x1, v1;
	v25 =	vsel vm1, $0x1, v1;
	[tilespmem:v38+s3+$0x0] =	vst.idx.msk $0xffff, v35  }
0x343: {  	v26 =	vadd.s32 v26, v34;
	v27 =	vadd.s32 v25, v37;
	v25 =	vsel vm3, $0x1, v1;
	[tilespmem:v39+s5+$0x0] =	vst.idx.msk $0xffff, v31  }
0x344: {  	s17 =	sadd.s32 $0x40, s17;
	v32 =	vsel vm4, $0x1, v1;
	v31 =	vadd.s32 v29, v27;
	v29 =	vadd.s32 v25, v26;
	v25 =	vld [tilespmem:s15+$0xFFFFFFE0];
	[tilespmem:v39+s6+$0x0] =	vst.idx.msk $0xffff, v35  }
0x345: {  	_ =	sdelay $0x3  }
0x346: {  	v30 =	vadd.s32 v30, v31;
	[tilespmem:v20+s2+$0x0] =	vst.idx.msk $0xffff, v9  }
0x347: {  	v9 =	vshll.u32 v30, $0x4;
	[tilespmem:v20+s3+$0x0] =	vst.idx.msk $0xffff, v28  }
0x348: {  	v20 =	vadd.s32 v32, v29;
	[tilespmem:v18+s5+$0x0] =	vst.idx.msk $0xffff, v8;
	v8 =	vor.u32 v2, v9  }
0x349: {  	s14 =	sadd.s32 $0x40, s15;
	[tilespmem:v16+s2+$0x0] =	vst.idx.msk $0xffff, v7;
	v9 =	vshll.u32 v20, $0x4;
	v8 =	vsel vm7, v8, v4  }
0x34a: {  	v7 =	vld [tilespmem:s14+$0x10];
	[tilespmem:v18+s6+$0x0] =	vst.idx.msk $0xffff, v28;
	v9 =	vor.u32 v2, v9;
	v18 =	vshll.u32 v31, $0x4  }
0x34b: {  	v9 =	vsel vm0, v9, v4;
	[tilespmem:v16+s3+$0x0] =	vst.idx.msk $0xffff, v25;
	v16 =	vor.u32 v2, v18  }
0x34c: {  	[tilespmem:v14+s5+$0x0] =	vst.idx.msk $0xffff, v6;
	v16 =	vsel vm6, v16, v4  }
0x34d: {  	v6 =	vshll.u32 v29, $0x4;
	[tilespmem:v14+s6+$0x0] =	vst.idx.msk $0xffff, v25  }
0x34e: {  	v6 =	vor.u32 v2, v6;
	v14 =	vld [tilespmem:s14+$0x0];
	[tilespmem:v8+s2+$0x0] =	vst.idx.msk $0xffff, v17  }
0x34f: {  	v6 =	vsel vm4, v6, v4;
	[tilespmem:v8+s3+$0x0] =	vst.idx.msk $0xffff, v7  }
0x350: {  	v17 =	vshll.u32 v27, $0x4;
	[tilespmem:v9+s5+$0x0] =	vst.idx.msk $0xffff, v15  }
0x351: {  	v10 =	vsel vm1, v10, v4;
	v8 =	vor.u32 v2, v17;
	[tilespmem:v16+s2+$0x0] =	vst.idx.msk $0xffff, v12  }
0x352: {  	v15 =	vshll.u32 v26, $0x4;
	v8 =	vsel vm5, v8, v4;
	[tilespmem:v9+s6+$0x0] =	vst.idx.msk $0xffff, v7  }
0x353: {  	v7 =	vor.u32 v2, v15;
	v9 =	vld [tilespmem:s14+$0xFFFFFFF0];
	[tilespmem:v16+s3+$0x0] =	vst.idx.msk $0xffff, v14  }
0x354: {  	v7 =	vsel vm3, v7, v4;
	[tilespmem:v6+s5+$0x0] =	vst.idx.msk $0xffff, v23  }
0x355: {  	[tilespmem:v6+s6+$0x0] =	vst.idx.msk $0xffff, v14  }
0x356: {  	v6 =	vld [tilespmem:s14+$0xFFFFFFE0];
	[tilespmem:v10+s2+$0x0] =	vst.idx.msk $0xffff, v19  }
0x357: {  	v11 =	vsel vm2, v11, v4;
	[tilespmem:v8+s2+$0x0] =	vst.idx.msk $0xffff, v21  }
0x358: {  	[tilespmem:v8+s3+$0x0] =	vst.idx.msk $0xffff, v9  }
0x359: {  	[tilespmem:v7+s5+$0x0] =	vst.idx.msk $0xffff, v22  }
0x35a: {  	[tilespmem:v7+s6+$0x0] =	vst.idx.msk $0xffff, v9  }
0x35b: {  	[tilespmem:v10+s3+$0x0] =	vst.idx.msk $0xffff, v6  }
0x35c: {  	[tilespmem:v11+s5+$0x0] =	vst.idx.msk $0xffff, v13  }
0x35d: {  	[tilespmem:v11+s6+$0x0] =	vst.idx.msk $0xffff, v6  }
0x35e: {  	_ =	swait.ge [sflag:s7], $0x2000  }
0x35f: {  	[sflag:s7] =	ssyncset.done $0x0  }
0x360: {  	[sflag:s7] =	ssyncadd.s32 $0xFFFFE000  }
0x361: {  	_ =	swait.ge [sflag:s8], $0x2000  }
0x362: {  	[sflag:s8] =	ssyncset.done $0x0  }
0x363: {  	[sflag:s8] =	ssyncadd.s32 $0xFFFFE000  }
0x364: {  	_ =	swait.ge [sflag:s9], $0x2000  }
0x365: {  	[sflag:s9] =	ssyncset.done $0x0  }
0x366: {  	s15 =	rddreg [dreg:$0x1b];
	[sflag:s9] =	ssyncadd.s32 $0xFFFFE000  }
0x367: {  	[tilespmem:s4], [sflag:$0x1] =	stream.strided.gather [hbm4b:s15+s23], $0x2000, s24, s23, $0x38;
	[tilespmem:$0x18B80] =	vst v63  }
0x368: {  	s16 =	rddreg [dreg:$0x1c]  }
0x369: {  	[tilespmem:s25], [sflag:$0x3] =	stream.strided.gather [hbm4b:s16+s23], $0x2000, s24, s23, $0x38;
	[tilespmem:$0x18B80] =	vst v63  }
0x36a: {  	s17 =	rddreg [dreg:$0x1d];
	s15 =	simm.s32 $0x2020  }
0x36b: {  	[tilespmem:s26], [sflag:$0x5] =	stream.strided.gather [hbm4b:s17+s23], $0x2000, s24, s23, $0x38;
	[tilespmem:$0x18B80] =	vst v63  }
0x36c: {  	s16 =	simm.s32 $0x6020;
	v6 =	vld [tilespmem:s15+$0x10]  }
0x36d: {  	v7 =	vld [tilespmem:s16+$0x10]  }
0x36e: {  	v8 =	vld [tilespmem:s15+$0x0]  }
0x36f: {  	v10 =	vld [tilespmem:s16+$0x0]  }
0x370: {  	v11 =	vld [tilespmem:s15+$0xFFFFFFF0]  }
0x371: {  	v9 =	vld [tilespmem:s16+$0xFFFFFFF0]  }
0x372: {  	v13 =	vld [tilespmem:s15+$0xFFFFFFE0]  }
0x373: {  	s17 =	simm.s32 $0x2060;
	v15 =	vld [tilespmem:s16+$0xFFFFFFE0]  }
0x374: {  	v12 =	vsel vm0, $0x1, v1;
	v14 =	vadd.s32 v24, v30;
	v30 =	vld [tilespmem:s17+$0xFFFFFFF0]  }
0x375: {  	v12 =	vadd.s32 v12, v20;
	s14 =	simm.s32 $0x6060;
	v34 =	vld [tilespmem:s17+$0xFFFFFFE0]  }
0x376: {  	v17 =	vshll.u32 v12, $0x4;
	v16 =	vshll.u32 v14, $0x4;
	v35 =	vld [tilespmem:s14+$0xFFFFFFE0]  }
0x377: {  	v17 =	vor.u32 v2, v17;
	v16 =	vor.u32 v2, v16;
	v18 =	vshll.u32 v6, $0xC  }
0x378: {  	v19 =	vshll.u32 v8, $0xC;
	v20 =	vshll.u32 v10, $0xC;
	v21 =	vshll.u32 v7, $0xC  }
0x379: {  	v22 =	vshll.u32 v13, $0xC;
	v23 =	vshll.u32 v11, $0xC;
	v24 =	vshll.u32 v9, $0xC  }
0x37a: {  	v25 =	vshll.u32 v15, $0xC;
	v40 =	vshll.u32 v34, $0xC;
	v41 =	vshll.u32 v30, $0xC  }
0x37b: {  	v43 =	vshll.u32 v35, $0xC;
	v26 =	vadd.s32 v7, v18;
	v27 =	vadd.s32 v6, v21  }
0x37c: {  	v9 =	vadd.s32 v9, v23;
	v28 =	vadd.s32 v10, v19;
	v29 =	vadd.s32 v8, v20  }
0x37d: {  	v7 =	vadd.s32 v15, v22;
	v6 =	vadd.s32 v13, v25;
	v8 =	vadd.s32 v11, v24  }
0x37e: {  	v10 =	vshrl.u32 v28, $0x13;
	v11 =	vshrl.u32 v26, $0x13;
	v13 =	vshrl.u32 v27, $0x13  }
0x37f: {  	v15 =	vshrl.u32 v9, $0x13;
	v18 =	vshrl.u32 v8, $0x13;
	v19 =	vshrl.u32 v29, $0x13  }
0x380: {  	v20 =	vshrl.u32 v7, $0x13;
	v21 =	vshrl.u32 v6, $0x13;
	vm3 =	veq.s32 v11, v0  }
0x381: {  	vm4 =	veq.s32 v10, v0;
	vm1 =	veq.s32 v19, v0;
	vm5 =	veq.s32 v13, v0  }
0x382: {  	vm0 =	veq.s32 v20, v0;
	vm6 =	veq.s32 v15, v0;
	vm7 =	veq.s32 v18, v0  }
0x383: {  	v24 =	vld [tilespmem:s14+$0x0];
	vm2 =	veq.s32 v21, v0;
	v10 =	vsel vm4, $0x1, v1;
	v11 =	vsel vm3, $0x1, v1  }
0x384: {  	v13 =	vsel vm0, $0x1, v1;
	v15 =	vsel vm2, $0x1, v1;
	v18 =	vsel vm6, $0x1, v1  }
0x385: {  	v20 =	vsel vm5, $0x1, v1;
	v16 =	vsel vm0, v16, v4;
	v13 =	vadd.s32 v13, v14  }
0x386: {  	v12 =	vadd.s32 v15, v12;
	v14 =	vsel vm7, $0x1, v1;
	v15 =	vadd.s32 v18, v13  }
0x387: {  	v14 =	vadd.s32 v14, v12;
	v18 =	vsel vm1, $0x1, v1;
	v13 =	vshll.u32 v13, $0x4  }
0x388: {  	v12 =	vshll.u32 v12, $0x4;
	v38 =	vshll.u32 v24, $0xC;
	v10 =	vadd.s32 v10, v15  }
0x389: {  	v18 =	vadd.s32 v18, v14;
	v13 =	vor.u32 v2, v13;
	v12 =	vor.u32 v2, v12  }
0x38a: {  	v23 =	vld [tilespmem:s17+$0x0];
	v22 =	vshll.u32 v10, $0x4;
	v25 =	vadd.s32 v11, v10;
	v31 =	vadd.s32 v20, v18  }
0x38b: {  	v19 =	vld [tilespmem:s17+$0x10];
	v10 =	vshll.u32 v15, $0x4;
	v11 =	vshll.u32 v14, $0x4;
	v14 =	vshll.u32 v18, $0x4  }
0x38c: {  	v21 =	vld [tilespmem:s14+$0x10];
	v15 =	vshll.u32 v25, $0x4;
	v18 =	vshll.u32 v31, $0x4;
	v20 =	vor.u32 v2, v22  }
0x38d: {  	v14 =	vor.u32 v2, v14;
	v56 =	vor.u32 v2, v10;
	v33 =	vor.u32 v2, v11  }
0x38e: {  	v10 =	vor.u32 v2, v15;
	v11 =	vor.u32 v2, v18;
	v32 =	vsel vm4, v56, v4  }
0x38f: {  	v36 =	vsel vm3, v20, v4;
	v37 =	vsel vm5, v14, v4;
	v20 =	vsel vm6, v13, v4  }
0x390: {  	v18 =	vsel vm7, v12, v4;
	v33 =	vsel vm1, v33, v4;
	v12 =	vshll.u32 v19, $0xC  }
0x391: {  	v22 =	vld [tilespmem:s14+$0xFFFFFFF0];
	v14 =	vsel vm2, v17, v4;
	v13 =	vshll.u32 v23, $0xC;
	v15 =	vshll.u32 v21, $0xC  }
0x392: {  	s15 =	simm.s32 $0xA020;
	v23 =	vadd.s32 v23, v38;
	v17 =	vadd.s32 v21, v12;
	v15 =	vadd.s32 v19, v15  }
0x393: {  	v39 =	vld [tilespmem:s15+$0x10];
	v12 =	vadd.s32 v24, v13;
	v19 =	vadd.s32 v35, v40;
	v13 =	vadd.s32 v34, v43  }
0x394: {  	v59 =	vshrl.u32 v23, $0x13;
	v24 =	vshrl.u32 v12, $0x13;
	v61 =	vshrl.u32 v13, $0x13  }
0x395: {  	v60 =	vld [tilespmem:s15+$0x0];
	vm4 =	veq.s32 v59, v0;
	vm6 =	veq.s32 v24, v0;
	vm2 =	veq.s32 v61, v0  }
0x396: {  	v42 =	vshll.u32 v22, $0xC;
	v21 =	vadd.s32 v22, v41;
	v62 =	vsel vm2, $0x1, v1;
	[tilespmem:v36+s2+$0x0] =	vst.idx.msk $0xffff, v26  }
0x397: {  	v22 =	vadd.s32 v30, v42;
	v26 =	vshrl.u32 v17, $0x13;
	v30 =	vshrl.u32 v15, $0x13;
	[tilespmem:v32+s2+$0x0] =	vst.idx.msk $0xffff, v28  }
0x398: {  	v57 =	vshrl.u32 v21, $0x13;
	[tilespmem:v36+s3+$0x0] =	vst.idx.msk $0xffff, v39;
	v58 =	vshrl.u32 v22, $0x13;
	vm7 =	veq.s32 v26, v0  }
0x399: {  	vm0 =	veq.s32 v30, v0;
	vm5 =	veq.s32 v57, v0;
	[tilespmem:v37+s5+$0x0] =	vst.idx.msk $0xffff, v27;
	v27 =	vshrl.u32 v19, $0x13  }
0x39a: {  	v28 =	vld [tilespmem:s15+$0xFFFFFFF0];
	v30 =	vsel vm6, $0x1, v1;
	[tilespmem:v32+s3+$0x0] =	vst.idx.msk $0xffff, v60;
	v32 =	vsel vm4, $0x1, v1;
	vm1 =	veq.s32 v27, v0  }
0x39b: {  	vm3 =	veq.s32 v58, v0;
	v63 =	vsel vm5, $0x1, v1;
	[tilespmem:v33+s5+$0x0] =	vst.idx.msk $0xffff, v29;
	v26 =	vsel vm1, $0x1, v1  }
0x39c: {  	[tilespmem:v37+s6+$0x0] =	vst.idx.msk $0xffff, v39;
	v27 =	vadd.s32 v26, v25;
	v26 =	vadd.s32 v62, v31;
	v25 =	vsel vm3, $0x1, v1  }
0x39d: {  	s16 =	simm.s32 $0x4;
	s17 =	simm.s32 $0x20A0;
	v24 =	vsel vm7, $0x1, v1;
	[tilespmem:v33+s6+$0x0] =	vst.idx.msk $0xffff, v60;
	v31 =	vadd.s32 v63, v27;
	v29 =	vadd.s32 v25, v26;
	v25 =	vld [tilespmem:s15+$0xFFFFFFE0]  }
.LBB2_20:
0x39e: {  	v33 =	vld [tilespmem:s17+$0x10];
	v30 =	vadd.s32 v30, v31;
	v32 =	vadd.s32 v32, v29;
	v34 =	vsel vm0, $0x1, v1;
	s14 =	sadd.s32 $0x40, s14;
	[tilespmem:v20+s2+$0x0] =	vst.idx.msk $0xffff, v9  }
0x39f: {  	v35 =	vld [tilespmem:s14+$0x10];
	v36 =	vshll.u32 v30, $0x4;
	v37 =	vadd.s32 v24, v30;
	v34 =	vadd.s32 v34, v32;
	[tilespmem:v20+s3+$0x0] =	vst.idx.msk $0xffff, v28  }
0x3a0: {  	v29 =	vshll.u32 v29, $0x4;
	v9 =	vmovc v21;
	v20 =	vshll.u32 v31, $0x4;
	v30 =	vshll.u32 v32, $0x4;
	v31 =	vmovc v23;
	v24 =	vld [tilespmem:s17+$0x0];
	[tilespmem:v18+s5+$0x0] =	vst.idx.msk $0xffff, v8  }
0x3a1: {  	v27 =	vshll.u32 v27, $0x4;
	v26 =	vshll.u32 v26, $0x4;
	v21 =	vshll.u32 v37, $0x4;
	v8 =	vmovc v22;
	v23 =	vld [tilespmem:s14+$0x0];
	[tilespmem:v18+s6+$0x0] =	vst.idx.msk $0xffff, v28  }
0x3a2: {  	v30 =	vor.u32 v2, v30;
	v18 =	vshll.u32 v34, $0x4;
	v28 =	vor.u32 v2, v36;
	v22 =	vld [tilespmem:s17+$0xFFFFFFF0];
	[tilespmem:v16+s2+$0x0] =	vst.idx.msk $0xffff, v7  }
0x3a3: {  	s16 =	sadd.s32 $0x4, s16;
	v27 =	vor.u32 v2, v27;
	v29 =	vor.u32 v2, v29;
	v20 =	vor.u32 v2, v20;
	v7 =	vmovc v19;
	v32 =	vld [tilespmem:s14+$0xFFFFFFF0]  }
0x3a4: {  	p0 =	slt.u32 s16, $0x1FC;
	v19 =	vor.u32 v2, v21;
	v21 =	vor.u32 v2, v18;
	v18 =	vor.u32 v2, v26;
	v36 =	vld [tilespmem:s17+$0xFFFFFFE0]  }
0x3a5: {  	v38 =	vsel vm6, v20, v4;
	v30 =	vsel vm0, v30, v4;
	v28 =	vsel vm7, v28, v4;
	v26 =	vld [tilespmem:s14+$0xFFFFFFE0]  }
0x3a6: {  	v39 =	vsel vm4, v29, v4;
	v20 =	vsel vm5, v27, v4;
	v18 =	vsel vm3, v18, v4  }
0x3a7: {  	s15 =	sadd.s32 $0x40, s15;
	v29 =	vsel vm2, v11, v4;
	v27 =	vshll.u32 v33, $0xC;
	[tilespmem:v16+s3+$0x0] =	vst.idx.msk $0xffff, v25;
	v16 =	vsel vm1, v10, v4  }
0x3a8: {  	v11 =	vmovc v21;
	v42 =	vshll.u32 v35, $0xC;
	v40 =	vshll.u32 v24, $0xC;
	v41 =	vshll.u32 v23, $0xC;
	v10 =	vmovc v19;
	v43 =	vld [tilespmem:s15+$0x10];
	[tilespmem:v14+s5+$0x0] =	vst.idx.msk $0xffff, v6  }
0x3a9: {  	v21 =	vshll.u32 v22, $0xC;
	v44 =	vshll.u32 v32, $0xC;
	v6 =	vmovc v13;
	v19 =	vshll.u32 v36, $0xC;
	[tilespmem:v14+s6+$0x0] =	vst.idx.msk $0xffff, v25;
	v14 =	vmovc v29  }
0x3aa: {  	v25 =	vadd.s32 v33, v42;
	v13 =	vshll.u32 v26, $0xC;
	[tilespmem:v28+s2+$0x0] =	vst.idx.msk $0xffff, v17;
	v17 =	vadd.s32 v35, v27  }
0x3ab: {  	v21 =	vadd.s32 v32, v21;
	v27 =	vadd.s32 v23, v40;
	v23 =	vadd.s32 v24, v41  }
0x3ac: {  	v22 =	vadd.s32 v22, v44;
	v19 =	vadd.s32 v26, v19;
	v13 =	vadd.s32 v36, v13  }
0x3ad: {  	v29 =	vshrl.u32 v25, $0x13;
	v24 =	vshrl.u32 v27, $0x13;
	v26 =	vshrl.u32 v17, $0x13;
	[tilespmem:v28+s3+$0x0] =	vst.idx.msk $0xffff, v43  }
0x3ae: {  	v32 =	vshrl.u32 v22, $0x13;
	v33 =	vshrl.u32 v23, $0x13;
	v28 =	vshrl.u32 v21, $0x13;
	v35 =	vld [tilespmem:s15+$0x0];
	[tilespmem:v30+s5+$0x0] =	vst.idx.msk $0xffff, v15;
	v15 =	vmovc v25  }
0x3af: {  	v36 =	vshrl.u32 v13, $0x13;
	vm7 =	veq.s32 v26, v0;
	v25 =	vshrl.u32 v19, $0x13;
	[tilespmem:v30+s6+$0x0] =	vst.idx.msk $0xffff, v43  }
0x3b0: {  	vm0 =	veq.s32 v29, v0;
	vm6 =	veq.s32 v24, v0;
	vm4 =	veq.s32 v33, v0  }
.Ltmp9:
0x3b1: {  	vm3 =	veq.s32 v32, v0;
	vm5 =	veq.s32 v28, v0;
	vm1 =	veq.s32 v25, v0;
	(pc) =	sbr.rel @p0 .LBB2_20-.Ltmp9, $4  }
0x3b2: {  	vm2 =	veq.s32 v36, v0;
	v24 =	vsel vm7, $0x1, v1;
	v30 =	vsel vm6, $0x1, v1;
	v28 =	vld [tilespmem:s15+$0xFFFFFFF0];
	[tilespmem:v38+s2+$0x0] =	vst.idx.msk $0xffff, v12;
	v12 =	vmovc v27  }
0x3b3: {  	v26 =	vsel vm2, $0x1, v1;
	v29 =	vsel vm5, $0x1, v1;
	v25 =	vsel vm1, $0x1, v1;
	[tilespmem:v38+s3+$0x0] =	vst.idx.msk $0xffff, v35  }
0x3b4: {  	v26 =	vadd.s32 v26, v34;
	v27 =	vadd.s32 v25, v37;
	v25 =	vsel vm3, $0x1, v1;
	[tilespmem:v39+s5+$0x0] =	vst.idx.msk $0xffff, v31  }
0x3b5: {  	s17 =	sadd.s32 $0x40, s17;
	v32 =	vsel vm4, $0x1, v1;
	v31 =	vadd.s32 v29, v27;
	v29 =	vadd.s32 v25, v26;
	v25 =	vld [tilespmem:s15+$0xFFFFFFE0];
	[tilespmem:v39+s6+$0x0] =	vst.idx.msk $0xffff, v35  }
0x3b6: {  	_ =	sdelay $0x3  }
0x3b7: {  	v30 =	vadd.s32 v30, v31;
	[tilespmem:v20+s2+$0x0] =	vst.idx.msk $0xffff, v9  }
0x3b8: {  	v9 =	vshll.u32 v30, $0x4;
	[tilespmem:v20+s3+$0x0] =	vst.idx.msk $0xffff, v28  }
0x3b9: {  	v20 =	vadd.s32 v32, v29;
	[tilespmem:v18+s5+$0x0] =	vst.idx.msk $0xffff, v8;
	v8 =	vor.u32 v2, v9  }
0x3ba: {  	s14 =	sadd.s32 $0x40, s15;
	[tilespmem:v16+s2+$0x0] =	vst.idx.msk $0xffff, v7;
	v9 =	vshll.u32 v20, $0x4;
	v8 =	vsel vm7, v8, v4  }
0x3bb: {  	v7 =	vld [tilespmem:s14+$0x10];
	[tilespmem:v18+s6+$0x0] =	vst.idx.msk $0xffff, v28;
	v9 =	vor.u32 v2, v9;
	v18 =	vshll.u32 v31, $0x4  }
0x3bc: {  	v9 =	vsel vm0, v9, v4;
	[tilespmem:v16+s3+$0x0] =	vst.idx.msk $0xffff, v25;
	v16 =	vor.u32 v2, v18  }
0x3bd: {  	[tilespmem:v14+s5+$0x0] =	vst.idx.msk $0xffff, v6;
	v16 =	vsel vm6, v16, v4  }
0x3be: {  	v6 =	vshll.u32 v29, $0x4;
	[tilespmem:v14+s6+$0x0] =	vst.idx.msk $0xffff, v25  }
0x3bf: {  	v6 =	vor.u32 v2, v6;
	v14 =	vld [tilespmem:s14+$0x0];
	[tilespmem:v8+s2+$0x0] =	vst.idx.msk $0xffff, v17  }
0x3c0: {  	v6 =	vsel vm4, v6, v4;
	[tilespmem:v8+s3+$0x0] =	vst.idx.msk $0xffff, v7  }
0x3c1: {  	v17 =	vshll.u32 v27, $0x4;
	[tilespmem:v9+s5+$0x0] =	vst.idx.msk $0xffff, v15  }
0x3c2: {  	v10 =	vsel vm1, v10, v4;
	v8 =	vor.u32 v2, v17;
	[tilespmem:v16+s2+$0x0] =	vst.idx.msk $0xffff, v12  }
0x3c3: {  	v15 =	vshll.u32 v26, $0x4;
	v8 =	vsel vm5, v8, v4;
	[tilespmem:v9+s6+$0x0] =	vst.idx.msk $0xffff, v7  }
0x3c4: {  	v7 =	vor.u32 v2, v15;
	v9 =	vld [tilespmem:s14+$0xFFFFFFF0];
	[tilespmem:v16+s3+$0x0] =	vst.idx.msk $0xffff, v14  }
0x3c5: {  	v7 =	vsel vm3, v7, v4;
	[tilespmem:v6+s5+$0x0] =	vst.idx.msk $0xffff, v23  }
0x3c6: {  	[tilespmem:v6+s6+$0x0] =	vst.idx.msk $0xffff, v14  }
0x3c7: {  	v6 =	vld [tilespmem:s14+$0xFFFFFFE0];
	[tilespmem:v10+s2+$0x0] =	vst.idx.msk $0xffff, v19  }
0x3c8: {  	v11 =	vsel vm2, v11, v4;
	[tilespmem:v8+s2+$0x0] =	vst.idx.msk $0xffff, v21  }
0x3c9: {  	[tilespmem:v8+s3+$0x0] =	vst.idx.msk $0xffff, v9  }
0x3ca: {  	[tilespmem:v7+s5+$0x0] =	vst.idx.msk $0xffff, v22  }
0x3cb: {  	[tilespmem:v7+s6+$0x0] =	vst.idx.msk $0xffff, v9  }
0x3cc: {  	[tilespmem:v10+s3+$0x0] =	vst.idx.msk $0xffff, v6  }
0x3cd: {  	[tilespmem:v11+s5+$0x0] =	vst.idx.msk $0xffff, v13  }
0x3ce: {  	[tilespmem:v11+s6+$0x0] =	vst.idx.msk $0xffff, v6  }
0x3cf: {  	_ =	swait.ge [sflag:s28], $0x2000  }
0x3d0: {  	[sflag:s28] =	ssyncset.done $0x0  }
0x3d1: {  	[sflag:s28] =	ssyncadd.s32 $0xFFFFE000  }
0x3d2: {  	_ =	swait.ge [sflag:s29], $0x2000  }
0x3d3: {  	[sflag:s29] =	ssyncset.done $0x0  }
0x3d4: {  	[sflag:s29] =	ssyncadd.s32 $0xFFFFE000  }
0x3d5: {  	_ =	swait.ge [sflag:s30], $0x2000  }
0x3d6: {  	[sflag:s30] =	ssyncset.done $0x0;
	s15 =	rddreg [dreg:$0x1e]  }
0x3d7: {  	s16 =	rddreg [dreg:$0x1f];
	[sflag:s30] =	ssyncadd.s32 $0xFFFFE000  }
0x3d8: {  	[tilespmem:s31], [sflag:$0x2] =	stream.strided.gather [hbm4b:s15+s23], $0x2000, s24, s23, $0x38;
	[tilespmem:$0x18B80] =	vst v63  }
0x3d9: {  	s17 =	sld [smem:$0x7F0]  }
0x3da: {  	[tilespmem:s0], [sflag:$0x4] =	stream.strided.gather [hbm4b:s16+s23], $0x2000, s24, s23, $0x38;
	[tilespmem:$0x18B80] =	vst v63  }
0x3db: {  	s15 =	simm.s32 $0x20  }
0x3dc: {  	[tilespmem:s1], [sflag:$0x6] =	stream.strided.gather [hbm4b:s17+s23], $0x2000, s24, s23, $0x38;
	[tilespmem:$0x18B80] =	vst v63  }
0x3dd: {  	s16 =	simm.s32 $0x4020;
	v6 =	vld [tilespmem:s15+$0x10]  }
0x3de: {  	v7 =	vld [tilespmem:s16+$0x10]  }
0x3df: {  	v8 =	vld [tilespmem:s15+$0x0]  }
0x3e0: {  	v10 =	vld [tilespmem:s16+$0x0]  }
0x3e1: {  	v11 =	vld [tilespmem:s15+$0xFFFFFFF0]  }
0x3e2: {  	v9 =	vld [tilespmem:s16+$0xFFFFFFF0]  }
0x3e3: {  	v13 =	vld [tilespmem:s15+$0xFFFFFFE0]  }
0x3e4: {  	s17 =	simm.s32 $0x60;
	v15 =	vld [tilespmem:s16+$0xFFFFFFE0]  }
0x3e5: {  	v12 =	vsel vm0, $0x1, v1;
	v14 =	vadd.s32 v24, v30;
	v30 =	vld [tilespmem:s17+$0xFFFFFFF0]  }
0x3e6: {  	v12 =	vadd.s32 v12, v20;
	s14 =	simm.s32 $0x4060;
	v34 =	vld [tilespmem:s17+$0xFFFFFFE0]  }
0x3e7: {  	v17 =	vshll.u32 v12, $0x4;
	v16 =	vshll.u32 v14, $0x4;
	v35 =	vld [tilespmem:s14+$0xFFFFFFE0]  }
0x3e8: {  	v17 =	vor.u32 v2, v17;
	v16 =	vor.u32 v2, v16;
	v18 =	vshll.u32 v6, $0xC  }
0x3e9: {  	v19 =	vshll.u32 v8, $0xC;
	v20 =	vshll.u32 v10, $0xC;
	v21 =	vshll.u32 v7, $0xC  }
0x3ea: {  	v22 =	vshll.u32 v13, $0xC;
	v23 =	vshll.u32 v11, $0xC;
	v24 =	vshll.u32 v9, $0xC  }
0x3eb: {  	v25 =	vshll.u32 v15, $0xC;
	v40 =	vshll.u32 v34, $0xC;
	v41 =	vshll.u32 v30, $0xC  }
0x3ec: {  	v43 =	vshll.u32 v35, $0xC;
	v26 =	vadd.s32 v7, v18;
	v27 =	vadd.s32 v6, v21  }
0x3ed: {  	v9 =	vadd.s32 v9, v23;
	v28 =	vadd.s32 v10, v19;
	v29 =	vadd.s32 v8, v20  }
0x3ee: {  	v7 =	vadd.s32 v15, v22;
	v6 =	vadd.s32 v13, v25;
	v8 =	vadd.s32 v11, v24  }
0x3ef: {  	v10 =	vshrl.u32 v28, $0x13;
	v11 =	vshrl.u32 v26, $0x13;
	v13 =	vshrl.u32 v27, $0x13  }
0x3f0: {  	v15 =	vshrl.u32 v9, $0x13;
	v18 =	vshrl.u32 v8, $0x13;
	v19 =	vshrl.u32 v29, $0x13  }
0x3f1: {  	v20 =	vshrl.u32 v7, $0x13;
	v21 =	vshrl.u32 v6, $0x13;
	vm3 =	veq.s32 v11, v0  }
0x3f2: {  	vm4 =	veq.s32 v10, v0;
	vm1 =	veq.s32 v19, v0;
	vm5 =	veq.s32 v13, v0  }
0x3f3: {  	vm0 =	veq.s32 v20, v0;
	vm6 =	veq.s32 v15, v0;
	vm7 =	veq.s32 v18, v0  }
0x3f4: {  	v24 =	vld [tilespmem:s14+$0x0];
	vm2 =	veq.s32 v21, v0;
	v10 =	vsel vm4, $0x1, v1;
	v11 =	vsel vm3, $0x1, v1  }
0x3f5: {  	v13 =	vsel vm0, $0x1, v1;
	v15 =	vsel vm2, $0x1, v1;
	v18 =	vsel vm6, $0x1, v1  }
0x3f6: {  	v20 =	vsel vm5, $0x1, v1;
	v16 =	vsel vm0, v16, v4;
	v13 =	vadd.s32 v13, v14  }
0x3f7: {  	v12 =	vadd.s32 v15, v12;
	v14 =	vsel vm7, $0x1, v1;
	v15 =	vadd.s32 v18, v13  }
0x3f8: {  	v14 =	vadd.s32 v14, v12;
	v18 =	vsel vm1, $0x1, v1;
	v13 =	vshll.u32 v13, $0x4  }
0x3f9: {  	v12 =	vshll.u32 v12, $0x4;
	v38 =	vshll.u32 v24, $0xC;
	v10 =	vadd.s32 v10, v15  }
0x3fa: {  	v18 =	vadd.s32 v18, v14;
	v13 =	vor.u32 v2, v13;
	v12 =	vor.u32 v2, v12  }
0x3fb: {  	v23 =	vld [tilespmem:s17+$0x0];
	v22 =	vshll.u32 v10, $0x4;
	v25 =	vadd.s32 v11, v10;
	v31 =	vadd.s32 v20, v18  }
0x3fc: {  	v19 =	vld [tilespmem:s17+$0x10];
	v10 =	vshll.u32 v15, $0x4;
	v11 =	vshll.u32 v14, $0x4;
	v14 =	vshll.u32 v18, $0x4  }
0x3fd: {  	v21 =	vld [tilespmem:s14+$0x10];
	v15 =	vshll.u32 v25, $0x4;
	v18 =	vshll.u32 v31, $0x4;
	v20 =	vor.u32 v2, v22  }
0x3fe: {  	v14 =	vor.u32 v2, v14;
	v56 =	vor.u32 v2, v10;
	v33 =	vor.u32 v2, v11  }
0x3ff: {  	v10 =	vor.u32 v2, v15;
	v11 =	vor.u32 v2, v18;
	v32 =	vsel vm4, v56, v4  }
0x400: {  	v36 =	vsel vm3, v20, v4;
	v37 =	vsel vm5, v14, v4;
	v20 =	vsel vm6, v13, v4  }
0x401: {  	v18 =	vsel vm7, v12, v4;
	v33 =	vsel vm1, v33, v4;
	v12 =	vshll.u32 v19, $0xC  }
0x402: {  	v22 =	vld [tilespmem:s14+$0xFFFFFFF0];
	v14 =	vsel vm2, v17, v4;
	v13 =	vshll.u32 v23, $0xC;
	v15 =	vshll.u32 v21, $0xC  }
0x403: {  	s15 =	simm.s32 $0x8020;
	v23 =	vadd.s32 v23, v38;
	v17 =	vadd.s32 v21, v12;
	v15 =	vadd.s32 v19, v15  }
0x404: {  	v39 =	vld [tilespmem:s15+$0x10];
	v12 =	vadd.s32 v24, v13;
	v19 =	vadd.s32 v35, v40;
	v13 =	vadd.s32 v34, v43  }
0x405: {  	v59 =	vshrl.u32 v23, $0x13;
	v24 =	vshrl.u32 v12, $0x13;
	v61 =	vshrl.u32 v13, $0x13  }
0x406: {  	v60 =	vld [tilespmem:s15+$0x0];
	vm4 =	veq.s32 v59, v0;
	vm6 =	veq.s32 v24, v0;
	vm2 =	veq.s32 v61, v0  }
0x407: {  	v42 =	vshll.u32 v22, $0xC;
	v21 =	vadd.s32 v22, v41;
	v62 =	vsel vm2, $0x1, v1;
	[tilespmem:v36+s2+$0x0] =	vst.idx.msk $0xffff, v26  }
0x408: {  	v22 =	vadd.s32 v30, v42;
	v26 =	vshrl.u32 v17, $0x13;
	v30 =	vshrl.u32 v15, $0x13;
	[tilespmem:v32+s2+$0x0] =	vst.idx.msk $0xffff, v28  }
0x409: {  	v57 =	vshrl.u32 v21, $0x13;
	[tilespmem:v36+s3+$0x0] =	vst.idx.msk $0xffff, v39;
	v58 =	vshrl.u32 v22, $0x13;
	vm7 =	veq.s32 v26, v0  }
0x40a: {  	vm0 =	veq.s32 v30, v0;
	vm5 =	veq.s32 v57, v0;
	[tilespmem:v37+s5+$0x0] =	vst.idx.msk $0xffff, v27;
	v27 =	vshrl.u32 v19, $0x13  }
0x40b: {  	v28 =	vld [tilespmem:s15+$0xFFFFFFF0];
	v30 =	vsel vm6, $0x1, v1;
	[tilespmem:v32+s3+$0x0] =	vst.idx.msk $0xffff, v60;
	v32 =	vsel vm4, $0x1, v1;
	vm1 =	veq.s32 v27, v0  }
0x40c: {  	vm3 =	veq.s32 v58, v0;
	v63 =	vsel vm5, $0x1, v1;
	[tilespmem:v33+s5+$0x0] =	vst.idx.msk $0xffff, v29;
	v26 =	vsel vm1, $0x1, v1  }
0x40d: {  	[tilespmem:v37+s6+$0x0] =	vst.idx.msk $0xffff, v39;
	v27 =	vadd.s32 v26, v25;
	v26 =	vadd.s32 v62, v31;
	v25 =	vsel vm3, $0x1, v1  }
0x40e: {  	s16 =	simm.s32 $0x4;
	s17 =	simm.s32 $0xA0;
	v24 =	vsel vm7, $0x1, v1;
	[tilespmem:v33+s6+$0x0] =	vst.idx.msk $0xffff, v60;
	v31 =	vadd.s32 v63, v27;
	v29 =	vadd.s32 v25, v26;
	v25 =	vld [tilespmem:s15+$0xFFFFFFE0]  }
.LBB2_22:
0x40f: {  	v33 =	vld [tilespmem:s17+$0x10];
	v30 =	vadd.s32 v30, v31;
	v32 =	vadd.s32 v32, v29;
	v34 =	vsel vm0, $0x1, v1;
	s14 =	sadd.s32 $0x40, s14;
	[tilespmem:v20+s2+$0x0] =	vst.idx.msk $0xffff, v9  }
0x410: {  	v35 =	vld [tilespmem:s14+$0x10];
	v36 =	vshll.u32 v30, $0x4;
	v37 =	vadd.s32 v24, v30;
	v34 =	vadd.s32 v34, v32;
	[tilespmem:v20+s3+$0x0] =	vst.idx.msk $0xffff, v28  }
0x411: {  	v29 =	vshll.u32 v29, $0x4;
	v9 =	vmovc v21;
	v20 =	vshll.u32 v31, $0x4;
	v30 =	vshll.u32 v32, $0x4;
	v31 =	vmovc v23;
	v24 =	vld [tilespmem:s17+$0x0];
	[tilespmem:v18+s5+$0x0] =	vst.idx.msk $0xffff, v8  }
0x412: {  	v27 =	vshll.u32 v27, $0x4;
	v26 =	vshll.u32 v26, $0x4;
	v21 =	vshll.u32 v37, $0x4;
	v8 =	vmovc v22;
	v23 =	vld [tilespmem:s14+$0x0];
	[tilespmem:v18+s6+$0x0] =	vst.idx.msk $0xffff, v28  }
0x413: {  	v30 =	vor.u32 v2, v30;
	v18 =	vshll.u32 v34, $0x4;
	v28 =	vor.u32 v2, v36;
	v22 =	vld [tilespmem:s17+$0xFFFFFFF0];
	[tilespmem:v16+s2+$0x0] =	vst.idx.msk $0xffff, v7  }
0x414: {  	s16 =	sadd.s32 $0x4, s16;
	v27 =	vor.u32 v2, v27;
	v29 =	vor.u32 v2, v29;
	v20 =	vor.u32 v2, v20;
	v7 =	vmovc v19;
	v32 =	vld [tilespmem:s14+$0xFFFFFFF0]  }
0x415: {  	p0 =	slt.u32 s16, $0x1FC;
	v19 =	vor.u32 v2, v21;
	v21 =	vor.u32 v2, v18;
	v18 =	vor.u32 v2, v26;
	v36 =	vld [tilespmem:s17+$0xFFFFFFE0]  }
0x416: {  	v38 =	vsel vm6, v20, v4;
	v30 =	vsel vm0, v30, v4;
	v28 =	vsel vm7, v28, v4;
	v26 =	vld [tilespmem:s14+$0xFFFFFFE0]  }
0x417: {  	v39 =	vsel vm4, v29, v4;
	v20 =	vsel vm5, v27, v4;
	v18 =	vsel vm3, v18, v4  }
0x418: {  	s15 =	sadd.s32 $0x40, s15;
	v29 =	vsel vm2, v11, v4;
	v27 =	vshll.u32 v33, $0xC;
	[tilespmem:v16+s3+$0x0] =	vst.idx.msk $0xffff, v25;
	v16 =	vsel vm1, v10, v4  }
0x419: {  	v11 =	vmovc v21;
	v42 =	vshll.u32 v35, $0xC;
	v40 =	vshll.u32 v24, $0xC;
	v41 =	vshll.u32 v23, $0xC;
	v10 =	vmovc v19;
	v43 =	vld [tilespmem:s15+$0x10];
	[tilespmem:v14+s5+$0x0] =	vst.idx.msk $0xffff, v6  }
0x41a: {  	v21 =	vshll.u32 v22, $0xC;
	v44 =	vshll.u32 v32, $0xC;
	v6 =	vmovc v13;
	v19 =	vshll.u32 v36, $0xC;
	[tilespmem:v14+s6+$0x0] =	vst.idx.msk $0xffff, v25;
	v14 =	vmovc v29  }
0x41b: {  	v25 =	vadd.s32 v33, v42;
	v13 =	vshll.u32 v26, $0xC;
	[tilespmem:v28+s2+$0x0] =	vst.idx.msk $0xffff, v17;
	v17 =	vadd.s32 v35, v27  }
0x41c: {  	v21 =	vadd.s32 v32, v21;
	v27 =	vadd.s32 v23, v40;
	v23 =	vadd.s32 v24, v41  }
0x41d: {  	v22 =	vadd.s32 v22, v44;
	v19 =	vadd.s32 v26, v19;
	v13 =	vadd.s32 v36, v13  }
0x41e: {  	v29 =	vshrl.u32 v25, $0x13;
	v24 =	vshrl.u32 v27, $0x13;
	v26 =	vshrl.u32 v17, $0x13;
	[tilespmem:v28+s3+$0x0] =	vst.idx.msk $0xffff, v43  }
0x41f: {  	v32 =	vshrl.u32 v22, $0x13;
	v33 =	vshrl.u32 v23, $0x13;
	v28 =	vshrl.u32 v21, $0x13;
	v35 =	vld [tilespmem:s15+$0x0];
	[tilespmem:v30+s5+$0x0] =	vst.idx.msk $0xffff, v15;
	v15 =	vmovc v25  }
0x420: {  	v36 =	vshrl.u32 v13, $0x13;
	vm7 =	veq.s32 v26, v0;
	v25 =	vshrl.u32 v19, $0x13;
	[tilespmem:v30+s6+$0x0] =	vst.idx.msk $0xffff, v43  }
0x421: {  	vm0 =	veq.s32 v29, v0;
	vm6 =	veq.s32 v24, v0;
	vm4 =	veq.s32 v33, v0  }
.Ltmp10:
0x422: {  	vm3 =	veq.s32 v32, v0;
	vm5 =	veq.s32 v28, v0;
	vm1 =	veq.s32 v25, v0;
	(pc) =	sbr.rel @p0 .LBB2_22-.Ltmp10, $4  }
0x423: {  	vm2 =	veq.s32 v36, v0;
	v24 =	vsel vm7, $0x1, v1;
	v30 =	vsel vm6, $0x1, v1;
	v28 =	vld [tilespmem:s15+$0xFFFFFFF0];
	[tilespmem:v38+s2+$0x0] =	vst.idx.msk $0xffff, v12;
	v12 =	vmovc v27  }
0x424: {  	v26 =	vsel vm2, $0x1, v1;
	v29 =	vsel vm5, $0x1, v1;
	v25 =	vsel vm1, $0x1, v1;
	[tilespmem:v38+s3+$0x0] =	vst.idx.msk $0xffff, v35  }
0x425: {  	v26 =	vadd.s32 v26, v34;
	v27 =	vadd.s32 v25, v37;
	v25 =	vsel vm3, $0x1, v1;
	[tilespmem:v39+s5+$0x0] =	vst.idx.msk $0xffff, v31  }
0x426: {  	s17 =	sadd.s32 $0x40, s17;
	v32 =	vsel vm4, $0x1, v1;
	v31 =	vadd.s32 v29, v27;
	v29 =	vadd.s32 v25, v26;
	v25 =	vld [tilespmem:s15+$0xFFFFFFE0];
	[tilespmem:v39+s6+$0x0] =	vst.idx.msk $0xffff, v35  }
0x427: {  	_ =	sdelay $0x3  }
0x428: {  	v30 =	vadd.s32 v30, v31;
	[tilespmem:v20+s2+$0x0] =	vst.idx.msk $0xffff, v9  }
0x429: {  	v9 =	vshll.u32 v30, $0x4;
	[tilespmem:v20+s3+$0x0] =	vst.idx.msk $0xffff, v28  }
0x42a: {  	v20 =	vadd.s32 v32, v29;
	[tilespmem:v18+s5+$0x0] =	vst.idx.msk $0xffff, v8;
	v8 =	vor.u32 v2, v9  }
0x42b: {  	s14 =	sadd.s32 $0x40, s15;
	[tilespmem:v16+s2+$0x0] =	vst.idx.msk $0xffff, v7;
	v9 =	vshll.u32 v20, $0x4;
	v8 =	vsel vm7, v8, v4  }
0x42c: {  	v7 =	vld [tilespmem:s14+$0x10];
	[tilespmem:v18+s6+$0x0] =	vst.idx.msk $0xffff, v28;
	v9 =	vor.u32 v2, v9;
	v18 =	vshll.u32 v31, $0x4  }
0x42d: {  	v9 =	vsel vm0, v9, v4;
	[tilespmem:v16+s3+$0x0] =	vst.idx.msk $0xffff, v25;
	v16 =	vor.u32 v2, v18  }
0x42e: {  	[tilespmem:v14+s5+$0x0] =	vst.idx.msk $0xffff, v6;
	v16 =	vsel vm6, v16, v4  }
0x42f: {  	v6 =	vshll.u32 v29, $0x4;
	[tilespmem:v14+s6+$0x0] =	vst.idx.msk $0xffff, v25  }
0x430: {  	v6 =	vor.u32 v2, v6;
	v14 =	vld [tilespmem:s14+$0x0];
	[tilespmem:v8+s2+$0x0] =	vst.idx.msk $0xffff, v17  }
0x431: {  	v6 =	vsel vm4, v6, v4;
	[tilespmem:v8+s3+$0x0] =	vst.idx.msk $0xffff, v7  }
0x432: {  	v17 =	vshll.u32 v27, $0x4;
	[tilespmem:v9+s5+$0x0] =	vst.idx.msk $0xffff, v15  }
0x433: {  	v10 =	vsel vm1, v10, v4;
	v8 =	vor.u32 v2, v17;
	[tilespmem:v16+s2+$0x0] =	vst.idx.msk $0xffff, v12  }
0x434: {  	v15 =	vshll.u32 v26, $0x4;
	v8 =	vsel vm5, v8, v4;
	[tilespmem:v9+s6+$0x0] =	vst.idx.msk $0xffff, v7  }
0x435: {  	v7 =	vor.u32 v2, v15;
	v9 =	vld [tilespmem:s14+$0xFFFFFFF0];
	[tilespmem:v16+s3+$0x0] =	vst.idx.msk $0xffff, v14  }
0x436: {  	v7 =	vsel vm3, v7, v4;
	[tilespmem:v6+s5+$0x0] =	vst.idx.msk $0xffff, v23  }
0x437: {  	[tilespmem:v6+s6+$0x0] =	vst.idx.msk $0xffff, v14  }
0x438: {  	v6 =	vld [tilespmem:s14+$0xFFFFFFE0];
	[tilespmem:v10+s2+$0x0] =	vst.idx.msk $0xffff, v19  }
0x439: {  	v11 =	vsel vm2, v11, v4;
	[tilespmem:v8+s2+$0x0] =	vst.idx.msk $0xffff, v21  }
0x43a: {  	[tilespmem:v8+s3+$0x0] =	vst.idx.msk $0xffff, v9  }
0x43b: {  	[tilespmem:v7+s5+$0x0] =	vst.idx.msk $0xffff, v22  }
0x43c: {  	[tilespmem:v7+s6+$0x0] =	vst.idx.msk $0xffff, v9  }
0x43d: {  	[tilespmem:v10+s3+$0x0] =	vst.idx.msk $0xffff, v6  }
0x43e: {  	[tilespmem:v11+s5+$0x0] =	vst.idx.msk $0xffff, v13  }
0x43f: {  	[tilespmem:v11+s6+$0x0] =	vst.idx.msk $0xffff, v6  }
0x440: {  	_ =	swait.ge [sflag:s7], $0x2000  }
0x441: {  	[sflag:s7] =	ssyncset.done $0x0  }
0x442: {  	[sflag:s7] =	ssyncadd.s32 $0xFFFFE000  }
0x443: {  	_ =	swait.ge [sflag:s8], $0x2000  }
0x444: {  	[sflag:s8] =	ssyncset.done $0x0  }
0x445: {  	[sflag:s8] =	ssyncadd.s32 $0xFFFFE000  }
0x446: {  	_ =	swait.ge [sflag:s9], $0x2000  }
0x447: {  	s15 =	sld [smem:$0x7F1]  }
0x448: {  	[sflag:s9] =	ssyncset.done $0x0  }
0x449: {  	s16 =	sld [smem:$0x7F2];
	[sflag:s9] =	ssyncadd.s32 $0xFFFFE000  }
0x44a: {  	[tilespmem:s4], [sflag:$0x1] =	stream.strided.gather [hbm4b:s15+s23], $0x2000, s24, s23, $0x38;
	[tilespmem:$0x18B80] =	vst v63  }
0x44b: {  	s17 =	sld [smem:$0x7F3]  }
0x44c: {  	[tilespmem:s25], [sflag:$0x3] =	stream.strided.gather [hbm4b:s16+s23], $0x2000, s24, s23, $0x38;
	[tilespmem:$0x18B80] =	vst v63  }
0x44d: {  	s15 =	simm.s32 $0x2020  }
0x44e: {  	[tilespmem:s26], [sflag:$0x5] =	stream.strided.gather [hbm4b:s17+s23], $0x2000, s24, s23, $0x38;
	[tilespmem:$0x18B80] =	vst v63  }
0x44f: {  	s16 =	simm.s32 $0x6020;
	v6 =	vld [tilespmem:s15+$0x10]  }
0x450: {  	v7 =	vld [tilespmem:s16+$0x10]  }
0x451: {  	v8 =	vld [tilespmem:s15+$0x0]  }
0x452: {  	v10 =	vld [tilespmem:s16+$0x0]  }
0x453: {  	v11 =	vld [tilespmem:s15+$0xFFFFFFF0]  }
0x454: {  	v9 =	vld [tilespmem:s16+$0xFFFFFFF0]  }
0x455: {  	v13 =	vld [tilespmem:s15+$0xFFFFFFE0]  }
0x456: {  	s17 =	simm.s32 $0x2060;
	v15 =	vld [tilespmem:s16+$0xFFFFFFE0]  }
0x457: {  	v12 =	vsel vm0, $0x1, v1;
	v14 =	vadd.s32 v24, v30;
	v30 =	vld [tilespmem:s17+$0xFFFFFFF0]  }
0x458: {  	v12 =	vadd.s32 v12, v20;
	s14 =	simm.s32 $0x6060;
	v34 =	vld [tilespmem:s17+$0xFFFFFFE0]  }
0x459: {  	v17 =	vshll.u32 v12, $0x4;
	v16 =	vshll.u32 v14, $0x4;
	v35 =	vld [tilespmem:s14+$0xFFFFFFE0]  }
0x45a: {  	v17 =	vor.u32 v2, v17;
	v16 =	vor.u32 v2, v16;
	v18 =	vshll.u32 v6, $0xC  }
0x45b: {  	v19 =	vshll.u32 v8, $0xC;
	v20 =	vshll.u32 v10, $0xC;
	v21 =	vshll.u32 v7, $0xC  }
0x45c: {  	v22 =	vshll.u32 v13, $0xC;
	v23 =	vshll.u32 v11, $0xC;
	v24 =	vshll.u32 v9, $0xC  }
0x45d: {  	v25 =	vshll.u32 v15, $0xC;
	v40 =	vshll.u32 v34, $0xC;
	v41 =	vshll.u32 v30, $0xC  }
0x45e: {  	v43 =	vshll.u32 v35, $0xC;
	v26 =	vadd.s32 v7, v18;
	v27 =	vadd.s32 v6, v21  }
0x45f: {  	v9 =	vadd.s32 v9, v23;
	v28 =	vadd.s32 v10, v19;
	v29 =	vadd.s32 v8, v20  }
0x460: {  	v7 =	vadd.s32 v15, v22;
	v6 =	vadd.s32 v13, v25;
	v8 =	vadd.s32 v11, v24  }
0x461: {  	v10 =	vshrl.u32 v28, $0x13;
	v11 =	vshrl.u32 v26, $0x13;
	v13 =	vshrl.u32 v27, $0x13  }
0x462: {  	v15 =	vshrl.u32 v9, $0x13;
	v18 =	vshrl.u32 v8, $0x13;
	v19 =	vshrl.u32 v29, $0x13  }
0x463: {  	v20 =	vshrl.u32 v7, $0x13;
	v21 =	vshrl.u32 v6, $0x13;
	vm3 =	veq.s32 v11, v0  }
0x464: {  	vm4 =	veq.s32 v10, v0;
	vm1 =	veq.s32 v19, v0;
	vm5 =	veq.s32 v13, v0  }
0x465: {  	vm0 =	veq.s32 v20, v0;
	vm6 =	veq.s32 v15, v0;
	vm7 =	veq.s32 v18, v0  }
0x466: {  	v24 =	vld [tilespmem:s14+$0x0];
	vm2 =	veq.s32 v21, v0;
	v10 =	vsel vm4, $0x1, v1;
	v11 =	vsel vm3, $0x1, v1  }
0x467: {  	v13 =	vsel vm0, $0x1, v1;
	v15 =	vsel vm2, $0x1, v1;
	v18 =	vsel vm6, $0x1, v1  }
0x468: {  	v20 =	vsel vm5, $0x1, v1;
	v16 =	vsel vm0, v16, v4;
	v13 =	vadd.s32 v13, v14  }
0x469: {  	v12 =	vadd.s32 v15, v12;
	v14 =	vsel vm7, $0x1, v1;
	v15 =	vadd.s32 v18, v13  }
0x46a: {  	v14 =	vadd.s32 v14, v12;
	v18 =	vsel vm1, $0x1, v1;
	v13 =	vshll.u32 v13, $0x4  }
0x46b: {  	v12 =	vshll.u32 v12, $0x4;
	v38 =	vshll.u32 v24, $0xC;
	v10 =	vadd.s32 v10, v15  }
0x46c: {  	v18 =	vadd.s32 v18, v14;
	v13 =	vor.u32 v2, v13;
	v12 =	vor.u32 v2, v12  }
0x46d: {  	v23 =	vld [tilespmem:s17+$0x0];
	v22 =	vshll.u32 v10, $0x4;
	v25 =	vadd.s32 v11, v10;
	v31 =	vadd.s32 v20, v18  }
0x46e: {  	v19 =	vld [tilespmem:s17+$0x10];
	v10 =	vshll.u32 v15, $0x4;
	v11 =	vshll.u32 v14, $0x4;
	v14 =	vshll.u32 v18, $0x4  }
0x46f: {  	v21 =	vld [tilespmem:s14+$0x10];
	v15 =	vshll.u32 v25, $0x4;
	v18 =	vshll.u32 v31, $0x4;
	v20 =	vor.u32 v2, v22  }
0x470: {  	v14 =	vor.u32 v2, v14;
	v56 =	vor.u32 v2, v10;
	v33 =	vor.u32 v2, v11  }
0x471: {  	v10 =	vor.u32 v2, v15;
	v11 =	vor.u32 v2, v18;
	v32 =	vsel vm4, v56, v4  }
0x472: {  	v36 =	vsel vm3, v20, v4;
	v37 =	vsel vm5, v14, v4;
	v20 =	vsel vm6, v13, v4  }
0x473: {  	v18 =	vsel vm7, v12, v4;
	v33 =	vsel vm1, v33, v4;
	v12 =	vshll.u32 v19, $0xC  }
0x474: {  	v22 =	vld [tilespmem:s14+$0xFFFFFFF0];
	v14 =	vsel vm2, v17, v4;
	v13 =	vshll.u32 v23, $0xC;
	v15 =	vshll.u32 v21, $0xC  }
0x475: {  	s15 =	simm.s32 $0xA020;
	v23 =	vadd.s32 v23, v38;
	v17 =	vadd.s32 v21, v12;
	v15 =	vadd.s32 v19, v15  }
0x476: {  	v39 =	vld [tilespmem:s15+$0x10];
	v12 =	vadd.s32 v24, v13;
	v19 =	vadd.s32 v35, v40;
	v13 =	vadd.s32 v34, v43  }
0x477: {  	v59 =	vshrl.u32 v23, $0x13;
	v24 =	vshrl.u32 v12, $0x13;
	v61 =	vshrl.u32 v13, $0x13  }
0x478: {  	v60 =	vld [tilespmem:s15+$0x0];
	vm4 =	veq.s32 v59, v0;
	vm6 =	veq.s32 v24, v0;
	vm2 =	veq.s32 v61, v0  }
0x479: {  	v42 =	vshll.u32 v22, $0xC;
	v21 =	vadd.s32 v22, v41;
	v62 =	vsel vm2, $0x1, v1;
	[tilespmem:v36+s2+$0x0] =	vst.idx.msk $0xffff, v26  }
0x47a: {  	v22 =	vadd.s32 v30, v42;
	v26 =	vshrl.u32 v17, $0x13;
	v30 =	vshrl.u32 v15, $0x13;
	[tilespmem:v32+s2+$0x0] =	vst.idx.msk $0xffff, v28  }
0x47b: {  	v57 =	vshrl.u32 v21, $0x13;
	[tilespmem:v36+s3+$0x0] =	vst.idx.msk $0xffff, v39;
	v58 =	vshrl.u32 v22, $0x13;
	vm7 =	veq.s32 v26, v0  }
0x47c: {  	vm0 =	veq.s32 v30, v0;
	vm5 =	veq.s32 v57, v0;
	[tilespmem:v37+s5+$0x0] =	vst.idx.msk $0xffff, v27;
	v27 =	vshrl.u32 v19, $0x13  }
0x47d: {  	v28 =	vld [tilespmem:s15+$0xFFFFFFF0];
	v30 =	vsel vm6, $0x1, v1;
	[tilespmem:v32+s3+$0x0] =	vst.idx.msk $0xffff, v60;
	v32 =	vsel vm4, $0x1, v1;
	vm1 =	veq.s32 v27, v0  }
0x47e: {  	vm3 =	veq.s32 v58, v0;
	v63 =	vsel vm5, $0x1, v1;
	[tilespmem:v33+s5+$0x0] =	vst.idx.msk $0xffff, v29;
	v26 =	vsel vm1, $0x1, v1  }
0x47f: {  	[tilespmem:v37+s6+$0x0] =	vst.idx.msk $0xffff, v39;
	v27 =	vadd.s32 v26, v25;
	v26 =	vadd.s32 v62, v31;
	v25 =	vsel vm3, $0x1, v1  }
0x480: {  	s16 =	simm.s32 $0x4;
	s17 =	simm.s32 $0x20A0;
	v24 =	vsel vm7, $0x1, v1;
	[tilespmem:v33+s6+$0x0] =	vst.idx.msk $0xffff, v60;
	v31 =	vadd.s32 v63, v27;
	v29 =	vadd.s32 v25, v26;
	v25 =	vld [tilespmem:s15+$0xFFFFFFE0]  }
.LBB2_24:
0x481: {  	v33 =	vld [tilespmem:s17+$0x10];
	v30 =	vadd.s32 v30, v31;
	v32 =	vadd.s32 v32, v29;
	v34 =	vsel vm0, $0x1, v1;
	s14 =	sadd.s32 $0x40, s14;
	[tilespmem:v20+s2+$0x0] =	vst.idx.msk $0xffff, v9  }
0x482: {  	v35 =	vld [tilespmem:s14+$0x10];
	v36 =	vshll.u32 v30, $0x4;
	v37 =	vadd.s32 v24, v30;
	v34 =	vadd.s32 v34, v32;
	[tilespmem:v20+s3+$0x0] =	vst.idx.msk $0xffff, v28  }
0x483: {  	v29 =	vshll.u32 v29, $0x4;
	v9 =	vmovc v21;
	v20 =	vshll.u32 v31, $0x4;
	v30 =	vshll.u32 v32, $0x4;
	v31 =	vmovc v23;
	v24 =	vld [tilespmem:s17+$0x0];
	[tilespmem:v18+s5+$0x0] =	vst.idx.msk $0xffff, v8  }
0x484: {  	v27 =	vshll.u32 v27, $0x4;
	v26 =	vshll.u32 v26, $0x4;
	v21 =	vshll.u32 v37, $0x4;
	v8 =	vmovc v22;
	v23 =	vld [tilespmem:s14+$0x0];
	[tilespmem:v18+s6+$0x0] =	vst.idx.msk $0xffff, v28  }
0x485: {  	v30 =	vor.u32 v2, v30;
	v18 =	vshll.u32 v34, $0x4;
	v28 =	vor.u32 v2, v36;
	v22 =	vld [tilespmem:s17+$0xFFFFFFF0];
	[tilespmem:v16+s2+$0x0] =	vst.idx.msk $0xffff, v7  }
0x486: {  	s16 =	sadd.s32 $0x4, s16;
	v27 =	vor.u32 v2, v27;
	v29 =	vor.u32 v2, v29;
	v20 =	vor.u32 v2, v20;
	v7 =	vmovc v19;
	v32 =	vld [tilespmem:s14+$0xFFFFFFF0]  }
0x487: {  	p0 =	slt.u32 s16, $0x1FC;
	v19 =	vor.u32 v2, v21;
	v21 =	vor.u32 v2, v18;
	v18 =	vor.u32 v2, v26;
	v36 =	vld [tilespmem:s17+$0xFFFFFFE0]  }
0x488: {  	v38 =	vsel vm6, v20, v4;
	v30 =	vsel vm0, v30, v4;
	v28 =	vsel vm7, v28, v4;
	v26 =	vld [tilespmem:s14+$0xFFFFFFE0]  }
0x489: {  	v39 =	vsel vm4, v29, v4;
	v20 =	vsel vm5, v27, v4;
	v18 =	vsel vm3, v18, v4  }
0x48a: {  	s15 =	sadd.s32 $0x40, s15;
	v29 =	vsel vm2, v11, v4;
	v27 =	vshll.u32 v33, $0xC;
	[tilespmem:v16+s3+$0x0] =	vst.idx.msk $0xffff, v25;
	v16 =	vsel vm1, v10, v4  }
0x48b: {  	v11 =	vmovc v21;
	v42 =	vshll.u32 v35, $0xC;
	v40 =	vshll.u32 v24, $0xC;
	v41 =	vshll.u32 v23, $0xC;
	v10 =	vmovc v19;
	v43 =	vld [tilespmem:s15+$0x10];
	[tilespmem:v14+s5+$0x0] =	vst.idx.msk $0xffff, v6  }
0x48c: {  	v21 =	vshll.u32 v22, $0xC;
	v44 =	vshll.u32 v32, $0xC;
	v6 =	vmovc v13;
	v19 =	vshll.u32 v36, $0xC;
	[tilespmem:v14+s6+$0x0] =	vst.idx.msk $0xffff, v25;
	v14 =	vmovc v29  }
0x48d: {  	v25 =	vadd.s32 v33, v42;
	v13 =	vshll.u32 v26, $0xC;
	[tilespmem:v28+s2+$0x0] =	vst.idx.msk $0xffff, v17;
	v17 =	vadd.s32 v35, v27  }
0x48e: {  	v21 =	vadd.s32 v32, v21;
	v27 =	vadd.s32 v23, v40;
	v23 =	vadd.s32 v24, v41  }
0x48f: {  	v22 =	vadd.s32 v22, v44;
	v19 =	vadd.s32 v26, v19;
	v13 =	vadd.s32 v36, v13  }
0x490: {  	v29 =	vshrl.u32 v25, $0x13;
	v24 =	vshrl.u32 v27, $0x13;
	v26 =	vshrl.u32 v17, $0x13;
	[tilespmem:v28+s3+$0x0] =	vst.idx.msk $0xffff, v43  }
0x491: {  	v32 =	vshrl.u32 v22, $0x13;
	v33 =	vshrl.u32 v23, $0x13;
	v28 =	vshrl.u32 v21, $0x13;
	v35 =	vld [tilespmem:s15+$0x0];
	[tilespmem:v30+s5+$0x0] =	vst.idx.msk $0xffff, v15;
	v15 =	vmovc v25  }
0x492: {  	v36 =	vshrl.u32 v13, $0x13;
	vm7 =	veq.s32 v26, v0;
	v25 =	vshrl.u32 v19, $0x13;
	[tilespmem:v30+s6+$0x0] =	vst.idx.msk $0xffff, v43  }
0x493: {  	vm0 =	veq.s32 v29, v0;
	vm6 =	veq.s32 v24, v0;
	vm4 =	veq.s32 v33, v0  }
.Ltmp11:
0x494: {  	vm3 =	veq.s32 v32, v0;
	vm5 =	veq.s32 v28, v0;
	vm1 =	veq.s32 v25, v0;
	(pc) =	sbr.rel @p0 .LBB2_24-.Ltmp11, $4  }
0x495: {  	vm2 =	veq.s32 v36, v0;
	v24 =	vsel vm7, $0x1, v1;
	v30 =	vsel vm6, $0x1, v1;
	v28 =	vld [tilespmem:s15+$0xFFFFFFF0];
	[tilespmem:v38+s2+$0x0] =	vst.idx.msk $0xffff, v12;
	v12 =	vmovc v27  }
0x496: {  	v26 =	vsel vm2, $0x1, v1;
	v29 =	vsel vm5, $0x1, v1;
	v25 =	vsel vm1, $0x1, v1;
	[tilespmem:v38+s3+$0x0] =	vst.idx.msk $0xffff, v35  }
0x497: {  	v26 =	vadd.s32 v26, v34;
	v27 =	vadd.s32 v25, v37;
	v25 =	vsel vm3, $0x1, v1;
	[tilespmem:v39+s5+$0x0] =	vst.idx.msk $0xffff, v31  }
0x498: {  	s17 =	sadd.s32 $0x40, s17;
	v32 =	vsel vm4, $0x1, v1;
	v31 =	vadd.s32 v29, v27;
	v29 =	vadd.s32 v25, v26;
	v25 =	vld [tilespmem:s15+$0xFFFFFFE0];
	[tilespmem:v39+s6+$0x0] =	vst.idx.msk $0xffff, v35  }
0x499: {  	_ =	sdelay $0x3  }
0x49a: {  	v30 =	vadd.s32 v30, v31;
	[tilespmem:v20+s2+$0x0] =	vst.idx.msk $0xffff, v9  }
0x49b: {  	v9 =	vshll.u32 v30, $0x4;
	[tilespmem:v20+s3+$0x0] =	vst.idx.msk $0xffff, v28  }
0x49c: {  	v20 =	vadd.s32 v32, v29;
	[tilespmem:v18+s5+$0x0] =	vst.idx.msk $0xffff, v8;
	v8 =	vor.u32 v2, v9  }
0x49d: {  	s14 =	sadd.s32 $0x40, s15;
	[tilespmem:v16+s2+$0x0] =	vst.idx.msk $0xffff, v7;
	v9 =	vshll.u32 v20, $0x4;
	v8 =	vsel vm7, v8, v4  }
0x49e: {  	v7 =	vld [tilespmem:s14+$0x10];
	[tilespmem:v18+s6+$0x0] =	vst.idx.msk $0xffff, v28;
	v9 =	vor.u32 v2, v9;
	v18 =	vshll.u32 v31, $0x4  }
0x49f: {  	v9 =	vsel vm0, v9, v4;
	[tilespmem:v16+s3+$0x0] =	vst.idx.msk $0xffff, v25;
	v16 =	vor.u32 v2, v18  }
0x4a0: {  	[tilespmem:v14+s5+$0x0] =	vst.idx.msk $0xffff, v6;
	v16 =	vsel vm6, v16, v4  }
0x4a1: {  	v6 =	vshll.u32 v29, $0x4;
	[tilespmem:v14+s6+$0x0] =	vst.idx.msk $0xffff, v25  }
0x4a2: {  	v6 =	vor.u32 v2, v6;
	v14 =	vld [tilespmem:s14+$0x0];
	[tilespmem:v8+s2+$0x0] =	vst.idx.msk $0xffff, v17  }
0x4a3: {  	v6 =	vsel vm4, v6, v4;
	[tilespmem:v8+s3+$0x0] =	vst.idx.msk $0xffff, v7  }
0x4a4: {  	v17 =	vshll.u32 v27, $0x4;
	[tilespmem:v9+s5+$0x0] =	vst.idx.msk $0xffff, v15  }
0x4a5: {  	v10 =	vsel vm1, v10, v4;
	v8 =	vor.u32 v2, v17;
	[tilespmem:v16+s2+$0x0] =	vst.idx.msk $0xffff, v12  }
0x4a6: {  	v15 =	vshll.u32 v26, $0x4;
	v8 =	vsel vm5, v8, v4;
	[tilespmem:v9+s6+$0x0] =	vst.idx.msk $0xffff, v7  }
0x4a7: {  	v7 =	vor.u32 v2, v15;
	v9 =	vld [tilespmem:s14+$0xFFFFFFF0];
	[tilespmem:v16+s3+$0x0] =	vst.idx.msk $0xffff, v14  }
0x4a8: {  	v7 =	vsel vm3, v7, v4;
	[tilespmem:v6+s5+$0x0] =	vst.idx.msk $0xffff, v23  }
0x4a9: {  	[tilespmem:v6+s6+$0x0] =	vst.idx.msk $0xffff, v14  }
0x4aa: {  	v6 =	vld [tilespmem:s14+$0xFFFFFFE0];
	[tilespmem:v10+s2+$0x0] =	vst.idx.msk $0xffff, v19  }
0x4ab: {  	v11 =	vsel vm2, v11, v4;
	[tilespmem:v8+s2+$0x0] =	vst.idx.msk $0xffff, v21  }
0x4ac: {  	[tilespmem:v8+s3+$0x0] =	vst.idx.msk $0xffff, v9  }
0x4ad: {  	[tilespmem:v7+s5+$0x0] =	vst.idx.msk $0xffff, v22  }
0x4ae: {  	[tilespmem:v7+s6+$0x0] =	vst.idx.msk $0xffff, v9  }
0x4af: {  	[tilespmem:v10+s3+$0x0] =	vst.idx.msk $0xffff, v6  }
0x4b0: {  	[tilespmem:v11+s5+$0x0] =	vst.idx.msk $0xffff, v13  }
0x4b1: {  	[tilespmem:v11+s6+$0x0] =	vst.idx.msk $0xffff, v6  }
0x4b2: {  	_ =	swait.ge [sflag:s28], $0x2000  }
0x4b3: {  	[sflag:s28] =	ssyncset.done $0x0  }
0x4b4: {  	[sflag:s28] =	ssyncadd.s32 $0xFFFFE000  }
0x4b5: {  	_ =	swait.ge [sflag:s29], $0x2000  }
0x4b6: {  	[sflag:s29] =	ssyncset.done $0x0  }
0x4b7: {  	[sflag:s29] =	ssyncadd.s32 $0xFFFFE000  }
0x4b8: {  	_ =	swait.ge [sflag:s30], $0x2000  }
0x4b9: {  	s15 =	sld [smem:$0x7F4]  }
0x4ba: {  	[sflag:s30] =	ssyncset.done $0x0  }
0x4bb: {  	s16 =	sld [smem:$0x7F5];
	[sflag:s30] =	ssyncadd.s32 $0xFFFFE000  }
0x4bc: {  	[tilespmem:s31], [sflag:$0x2] =	stream.strided.gather [hbm4b:s15+s23], $0x2000, s24, s23, $0x38;
	[tilespmem:$0x18B80] =	vst v63  }
0x4bd: {  	s17 =	sld [smem:$0x7F6]  }
0x4be: {  	[tilespmem:s0], [sflag:$0x4] =	stream.strided.gather [hbm4b:s16+s23], $0x2000, s24, s23, $0x38;
	[tilespmem:$0x18B80] =	vst v63  }
0x4bf: {  	s15 =	simm.s32 $0x20  }
0x4c0: {  	[tilespmem:s1], [sflag:$0x6] =	stream.strided.gather [hbm4b:s17+s23], $0x2000, s24, s23, $0x38;
	[tilespmem:$0x18B80] =	vst v63  }
0x4c1: {  	s16 =	simm.s32 $0x4020;
	v6 =	vld [tilespmem:s15+$0x10]  }
0x4c2: {  	v7 =	vld [tilespmem:s16+$0x10]  }
0x4c3: {  	v8 =	vld [tilespmem:s15+$0x0]  }
0x4c4: {  	v10 =	vld [tilespmem:s16+$0x0]  }
0x4c5: {  	v11 =	vld [tilespmem:s15+$0xFFFFFFF0]  }
0x4c6: {  	v9 =	vld [tilespmem:s16+$0xFFFFFFF0]  }
0x4c7: {  	v13 =	vld [tilespmem:s15+$0xFFFFFFE0]  }
0x4c8: {  	s17 =	simm.s32 $0x60;
	v15 =	vld [tilespmem:s16+$0xFFFFFFE0]  }
0x4c9: {  	v12 =	vsel vm0, $0x1, v1;
	v14 =	vadd.s32 v24, v30;
	v30 =	vld [tilespmem:s17+$0xFFFFFFF0]  }
0x4ca: {  	v12 =	vadd.s32 v12, v20;
	s14 =	simm.s32 $0x4060;
	v34 =	vld [tilespmem:s17+$0xFFFFFFE0]  }
0x4cb: {  	v17 =	vshll.u32 v12, $0x4;
	v16 =	vshll.u32 v14, $0x4;
	v35 =	vld [tilespmem:s14+$0xFFFFFFE0]  }
0x4cc: {  	v17 =	vor.u32 v2, v17;
	v16 =	vor.u32 v2, v16;
	v18 =	vshll.u32 v6, $0xC  }
0x4cd: {  	v19 =	vshll.u32 v8, $0xC;
	v20 =	vshll.u32 v10, $0xC;
	v21 =	vshll.u32 v7, $0xC  }
0x4ce: {  	v22 =	vshll.u32 v13, $0xC;
	v23 =	vshll.u32 v11, $0xC;
	v24 =	vshll.u32 v9, $0xC  }
0x4cf: {  	v25 =	vshll.u32 v15, $0xC;
	v40 =	vshll.u32 v34, $0xC;
	v41 =	vshll.u32 v30, $0xC  }
0x4d0: {  	v43 =	vshll.u32 v35, $0xC;
	v26 =	vadd.s32 v7, v18;
	v27 =	vadd.s32 v6, v21  }
0x4d1: {  	v9 =	vadd.s32 v9, v23;
	v28 =	vadd.s32 v10, v19;
	v29 =	vadd.s32 v8, v20  }
0x4d2: {  	v7 =	vadd.s32 v15, v22;
	v6 =	vadd.s32 v13, v25;
	v8 =	vadd.s32 v11, v24  }
0x4d3: {  	v10 =	vshrl.u32 v28, $0x13;
	v11 =	vshrl.u32 v26, $0x13;
	v13 =	vshrl.u32 v27, $0x13  }
0x4d4: {  	v15 =	vshrl.u32 v9, $0x13;
	v18 =	vshrl.u32 v8, $0x13;
	v19 =	vshrl.u32 v29, $0x13  }
0x4d5: {  	v20 =	vshrl.u32 v7, $0x13;
	v21 =	vshrl.u32 v6, $0x13;
	vm3 =	veq.s32 v11, v0  }
0x4d6: {  	vm4 =	veq.s32 v10, v0;
	vm1 =	veq.s32 v19, v0;
	vm5 =	veq.s32 v13, v0  }
0x4d7: {  	vm0 =	veq.s32 v20, v0;
	vm6 =	veq.s32 v15, v0;
	vm7 =	veq.s32 v18, v0  }
0x4d8: {  	v24 =	vld [tilespmem:s14+$0x0];
	vm2 =	veq.s32 v21, v0;
	v10 =	vsel vm4, $0x1, v1;
	v11 =	vsel vm3, $0x1, v1  }
0x4d9: {  	v13 =	vsel vm0, $0x1, v1;
	v15 =	vsel vm2, $0x1, v1;
	v18 =	vsel vm6, $0x1, v1  }
0x4da: {  	v20 =	vsel vm5, $0x1, v1;
	v16 =	vsel vm0, v16, v4;
	v13 =	vadd.s32 v13, v14  }
0x4db: {  	v12 =	vadd.s32 v15, v12;
	v14 =	vsel vm7, $0x1, v1;
	v15 =	vadd.s32 v18, v13  }
0x4dc: {  	v14 =	vadd.s32 v14, v12;
	v18 =	vsel vm1, $0x1, v1;
	v13 =	vshll.u32 v13, $0x4  }
0x4dd: {  	v12 =	vshll.u32 v12, $0x4;
	v38 =	vshll.u32 v24, $0xC;
	v10 =	vadd.s32 v10, v15  }
0x4de: {  	v18 =	vadd.s32 v18, v14;
	v13 =	vor.u32 v2, v13;
	v12 =	vor.u32 v2, v12  }
0x4df: {  	v23 =	vld [tilespmem:s17+$0x0];
	v22 =	vshll.u32 v10, $0x4;
	v25 =	vadd.s32 v11, v10;
	v31 =	vadd.s32 v20, v18  }
0x4e0: {  	v19 =	vld [tilespmem:s17+$0x10];
	v10 =	vshll.u32 v15, $0x4;
	v11 =	vshll.u32 v14, $0x4;
	v14 =	vshll.u32 v18, $0x4  }
0x4e1: {  	v21 =	vld [tilespmem:s14+$0x10];
	v15 =	vshll.u32 v25, $0x4;
	v18 =	vshll.u32 v31, $0x4;
	v20 =	vor.u32 v2, v22  }
0x4e2: {  	v14 =	vor.u32 v2, v14;
	v56 =	vor.u32 v2, v10;
	v33 =	vor.u32 v2, v11  }
0x4e3: {  	v10 =	vor.u32 v2, v15;
	v11 =	vor.u32 v2, v18;
	v32 =	vsel vm4, v56, v4  }
0x4e4: {  	v36 =	vsel vm3, v20, v4;
	v37 =	vsel vm5, v14, v4;
	v20 =	vsel vm6, v13, v4  }
0x4e5: {  	v18 =	vsel vm7, v12, v4;
	v33 =	vsel vm1, v33, v4;
	v12 =	vshll.u32 v19, $0xC  }
0x4e6: {  	v22 =	vld [tilespmem:s14+$0xFFFFFFF0];
	v14 =	vsel vm2, v17, v4;
	v13 =	vshll.u32 v23, $0xC;
	v15 =	vshll.u32 v21, $0xC  }
0x4e7: {  	s15 =	simm.s32 $0x8020;
	v23 =	vadd.s32 v23, v38;
	v17 =	vadd.s32 v21, v12;
	v15 =	vadd.s32 v19, v15  }
0x4e8: {  	v39 =	vld [tilespmem:s15+$0x10];
	v12 =	vadd.s32 v24, v13;
	v19 =	vadd.s32 v35, v40;
	v13 =	vadd.s32 v34, v43  }
0x4e9: {  	v59 =	vshrl.u32 v23, $0x13;
	v24 =	vshrl.u32 v12, $0x13;
	v61 =	vshrl.u32 v13, $0x13  }
0x4ea: {  	v60 =	vld [tilespmem:s15+$0x0];
	vm4 =	veq.s32 v59, v0;
	vm6 =	veq.s32 v24, v0;
	vm2 =	veq.s32 v61, v0  }
0x4eb: {  	v42 =	vshll.u32 v22, $0xC;
	v21 =	vadd.s32 v22, v41;
	v62 =	vsel vm2, $0x1, v1;
	[tilespmem:v36+s2+$0x0] =	vst.idx.msk $0xffff, v26  }
0x4ec: {  	v22 =	vadd.s32 v30, v42;
	v26 =	vshrl.u32 v17, $0x13;
	v30 =	vshrl.u32 v15, $0x13;
	[tilespmem:v32+s2+$0x0] =	vst.idx.msk $0xffff, v28  }
0x4ed: {  	v57 =	vshrl.u32 v21, $0x13;
	[tilespmem:v36+s3+$0x0] =	vst.idx.msk $0xffff, v39;
	v58 =	vshrl.u32 v22, $0x13;
	vm7 =	veq.s32 v26, v0  }
0x4ee: {  	vm0 =	veq.s32 v30, v0;
	vm5 =	veq.s32 v57, v0;
	[tilespmem:v37+s5+$0x0] =	vst.idx.msk $0xffff, v27;
	v27 =	vshrl.u32 v19, $0x13  }
0x4ef: {  	v28 =	vld [tilespmem:s15+$0xFFFFFFF0];
	v30 =	vsel vm6, $0x1, v1;
	[tilespmem:v32+s3+$0x0] =	vst.idx.msk $0xffff, v60;
	v32 =	vsel vm4, $0x1, v1;
	vm1 =	veq.s32 v27, v0  }
0x4f0: {  	vm3 =	veq.s32 v58, v0;
	v63 =	vsel vm5, $0x1, v1;
	[tilespmem:v33+s5+$0x0] =	vst.idx.msk $0xffff, v29;
	v26 =	vsel vm1, $0x1, v1  }
0x4f1: {  	[tilespmem:v37+s6+$0x0] =	vst.idx.msk $0xffff, v39;
	v27 =	vadd.s32 v26, v25;
	v26 =	vadd.s32 v62, v31;
	v25 =	vsel vm3, $0x1, v1  }
0x4f2: {  	s16 =	simm.s32 $0x4;
	s17 =	simm.s32 $0xA0;
	v24 =	vsel vm7, $0x1, v1;
	[tilespmem:v33+s6+$0x0] =	vst.idx.msk $0xffff, v60;
	v31 =	vadd.s32 v63, v27;
	v29 =	vadd.s32 v25, v26;
	v25 =	vld [tilespmem:s15+$0xFFFFFFE0]  }
.LBB2_26:
0x4f3: {  	v33 =	vld [tilespmem:s17+$0x10];
	v30 =	vadd.s32 v30, v31;
	v32 =	vadd.s32 v32, v29;
	v34 =	vsel vm0, $0x1, v1;
	s14 =	sadd.s32 $0x40, s14;
	[tilespmem:v20+s2+$0x0] =	vst.idx.msk $0xffff, v9  }
0x4f4: {  	v35 =	vld [tilespmem:s14+$0x10];
	v36 =	vshll.u32 v30, $0x4;
	v37 =	vadd.s32 v24, v30;
	v34 =	vadd.s32 v34, v32;
	[tilespmem:v20+s3+$0x0] =	vst.idx.msk $0xffff, v28  }
0x4f5: {  	v29 =	vshll.u32 v29, $0x4;
	v9 =	vmovc v21;
	v20 =	vshll.u32 v31, $0x4;
	v30 =	vshll.u32 v32, $0x4;
	v31 =	vmovc v23;
	v24 =	vld [tilespmem:s17+$0x0];
	[tilespmem:v18+s5+$0x0] =	vst.idx.msk $0xffff, v8  }
0x4f6: {  	v27 =	vshll.u32 v27, $0x4;
	v26 =	vshll.u32 v26, $0x4;
	v21 =	vshll.u32 v37, $0x4;
	v8 =	vmovc v22;
	v23 =	vld [tilespmem:s14+$0x0];
	[tilespmem:v18+s6+$0x0] =	vst.idx.msk $0xffff, v28  }
0x4f7: {  	v30 =	vor.u32 v2, v30;
	v18 =	vshll.u32 v34, $0x4;
	v28 =	vor.u32 v2, v36;
	v22 =	vld [tilespmem:s17+$0xFFFFFFF0];
	[tilespmem:v16+s2+$0x0] =	vst.idx.msk $0xffff, v7  }
0x4f8: {  	s16 =	sadd.s32 $0x4, s16;
	v27 =	vor.u32 v2, v27;
	v29 =	vor.u32 v2, v29;
	v20 =	vor.u32 v2, v20;
	v7 =	vmovc v19;
	v32 =	vld [tilespmem:s14+$0xFFFFFFF0]  }
0x4f9: {  	p0 =	slt.u32 s16, $0x1FC;
	v19 =	vor.u32 v2, v21;
	v21 =	vor.u32 v2, v18;
	v18 =	vor.u32 v2, v26;
	v36 =	vld [tilespmem:s17+$0xFFFFFFE0]  }
0x4fa: {  	v38 =	vsel vm6, v20, v4;
	v30 =	vsel vm0, v30, v4;
	v28 =	vsel vm7, v28, v4;
	v26 =	vld [tilespmem:s14+$0xFFFFFFE0]  }
0x4fb: {  	v39 =	vsel vm4, v29, v4;
	v20 =	vsel vm5, v27, v4;
	v18 =	vsel vm3, v18, v4  }
0x4fc: {  	s15 =	sadd.s32 $0x40, s15;
	v29 =	vsel vm2, v11, v4;
	v27 =	vshll.u32 v33, $0xC;
	[tilespmem:v16+s3+$0x0] =	vst.idx.msk $0xffff, v25;
	v16 =	vsel vm1, v10, v4  }
0x4fd: {  	v11 =	vmovc v21;
	v42 =	vshll.u32 v35, $0xC;
	v40 =	vshll.u32 v24, $0xC;
	v41 =	vshll.u32 v23, $0xC;
	v10 =	vmovc v19;
	v43 =	vld [tilespmem:s15+$0x10];
	[tilespmem:v14+s5+$0x0] =	vst.idx.msk $0xffff, v6  }
0x4fe: {  	v21 =	vshll.u32 v22, $0xC;
	v44 =	vshll.u32 v32, $0xC;
	v6 =	vmovc v13;
	v19 =	vshll.u32 v36, $0xC;
	[tilespmem:v14+s6+$0x0] =	vst.idx.msk $0xffff, v25;
	v14 =	vmovc v29  }
0x4ff: {  	v25 =	vadd.s32 v33, v42;
	v13 =	vshll.u32 v26, $0xC;
	[tilespmem:v28+s2+$0x0] =	vst.idx.msk $0xffff, v17;
	v17 =	vadd.s32 v35, v27  }
0x500: {  	v21 =	vadd.s32 v32, v21;
	v27 =	vadd.s32 v23, v40;
	v23 =	vadd.s32 v24, v41  }
0x501: {  	v22 =	vadd.s32 v22, v44;
	v19 =	vadd.s32 v26, v19;
	v13 =	vadd.s32 v36, v13  }
0x502: {  	v29 =	vshrl.u32 v25, $0x13;
	v24 =	vshrl.u32 v27, $0x13;
	v26 =	vshrl.u32 v17, $0x13;
	[tilespmem:v28+s3+$0x0] =	vst.idx.msk $0xffff, v43  }
0x503: {  	v32 =	vshrl.u32 v22, $0x13;
	v33 =	vshrl.u32 v23, $0x13;
	v28 =	vshrl.u32 v21, $0x13;
	v35 =	vld [tilespmem:s15+$0x0];
	[tilespmem:v30+s5+$0x0] =	vst.idx.msk $0xffff, v15;
	v15 =	vmovc v25  }
0x504: {  	v36 =	vshrl.u32 v13, $0x13;
	vm7 =	veq.s32 v26, v0;
	v25 =	vshrl.u32 v19, $0x13;
	[tilespmem:v30+s6+$0x0] =	vst.idx.msk $0xffff, v43  }
0x505: {  	vm0 =	veq.s32 v29, v0;
	vm6 =	veq.s32 v24, v0;
	vm4 =	veq.s32 v33, v0  }
.Ltmp12:
0x506: {  	vm3 =	veq.s32 v32, v0;
	vm5 =	veq.s32 v28, v0;
	vm1 =	veq.s32 v25, v0;
	(pc) =	sbr.rel @p0 .LBB2_26-.Ltmp12, $4  }
0x507: {  	vm2 =	veq.s32 v36, v0;
	v24 =	vsel vm7, $0x1, v1;
	v30 =	vsel vm6, $0x1, v1;
	v28 =	vld [tilespmem:s15+$0xFFFFFFF0];
	[tilespmem:v38+s2+$0x0] =	vst.idx.msk $0xffff, v12;
	v12 =	vmovc v27  }
0x508: {  	v26 =	vsel vm2, $0x1, v1;
	v29 =	vsel vm5, $0x1, v1;
	v25 =	vsel vm1, $0x1, v1;
	[tilespmem:v38+s3+$0x0] =	vst.idx.msk $0xffff, v35  }
0x509: {  	v26 =	vadd.s32 v26, v34;
	v27 =	vadd.s32 v25, v37;
	v25 =	vsel vm3, $0x1, v1;
	[tilespmem:v39+s5+$0x0] =	vst.idx.msk $0xffff, v31  }
0x50a: {  	s17 =	sadd.s32 $0x40, s17;
	v32 =	vsel vm4, $0x1, v1;
	v31 =	vadd.s32 v29, v27;
	v29 =	vadd.s32 v25, v26;
	v25 =	vld [tilespmem:s15+$0xFFFFFFE0];
	[tilespmem:v39+s6+$0x0] =	vst.idx.msk $0xffff, v35  }
0x50b: {  	_ =	sdelay $0x3  }
0x50c: {  	v30 =	vadd.s32 v30, v31;
	[tilespmem:v20+s2+$0x0] =	vst.idx.msk $0xffff, v9  }
0x50d: {  	v9 =	vshll.u32 v30, $0x4;
	[tilespmem:v20+s3+$0x0] =	vst.idx.msk $0xffff, v28  }
0x50e: {  	v20 =	vadd.s32 v32, v29;
	[tilespmem:v18+s5+$0x0] =	vst.idx.msk $0xffff, v8;
	v8 =	vor.u32 v2, v9  }
0x50f: {  	s14 =	sadd.s32 $0x40, s15;
	[tilespmem:v16+s2+$0x0] =	vst.idx.msk $0xffff, v7;
	v9 =	vshll.u32 v20, $0x4;
	v8 =	vsel vm7, v8, v4  }
0x510: {  	v7 =	vld [tilespmem:s14+$0x10];
	[tilespmem:v18+s6+$0x0] =	vst.idx.msk $0xffff, v28;
	v9 =	vor.u32 v2, v9;
	v18 =	vshll.u32 v31, $0x4  }
0x511: {  	v9 =	vsel vm0, v9, v4;
	[tilespmem:v16+s3+$0x0] =	vst.idx.msk $0xffff, v25;
	v16 =	vor.u32 v2, v18  }
0x512: {  	[tilespmem:v14+s5+$0x0] =	vst.idx.msk $0xffff, v6;
	v16 =	vsel vm6, v16, v4  }
0x513: {  	v6 =	vshll.u32 v29, $0x4;
	[tilespmem:v14+s6+$0x0] =	vst.idx.msk $0xffff, v25  }
0x514: {  	v6 =	vor.u32 v2, v6;
	v14 =	vld [tilespmem:s14+$0x0];
	[tilespmem:v8+s2+$0x0] =	vst.idx.msk $0xffff, v17  }
0x515: {  	v6 =	vsel vm4, v6, v4;
	[tilespmem:v8+s3+$0x0] =	vst.idx.msk $0xffff, v7  }
0x516: {  	v17 =	vshll.u32 v27, $0x4;
	[tilespmem:v9+s5+$0x0] =	vst.idx.msk $0xffff, v15  }
0x517: {  	v10 =	vsel vm1, v10, v4;
	v8 =	vor.u32 v2, v17;
	[tilespmem:v16+s2+$0x0] =	vst.idx.msk $0xffff, v12  }
0x518: {  	v15 =	vshll.u32 v26, $0x4;
	v8 =	vsel vm5, v8, v4;
	[tilespmem:v9+s6+$0x0] =	vst.idx.msk $0xffff, v7  }
0x519: {  	v7 =	vor.u32 v2, v15;
	v9 =	vld [tilespmem:s14+$0xFFFFFFF0];
	[tilespmem:v16+s3+$0x0] =	vst.idx.msk $0xffff, v14  }
0x51a: {  	v7 =	vsel vm3, v7, v4;
	[tilespmem:v6+s5+$0x0] =	vst.idx.msk $0xffff, v23  }
0x51b: {  	[tilespmem:v6+s6+$0x0] =	vst.idx.msk $0xffff, v14  }
0x51c: {  	v6 =	vld [tilespmem:s14+$0xFFFFFFE0];
	[tilespmem:v10+s2+$0x0] =	vst.idx.msk $0xffff, v19  }
0x51d: {  	v11 =	vsel vm2, v11, v4;
	[tilespmem:v8+s2+$0x0] =	vst.idx.msk $0xffff, v21  }
0x51e: {  	[tilespmem:v8+s3+$0x0] =	vst.idx.msk $0xffff, v9  }
0x51f: {  	[tilespmem:v7+s5+$0x0] =	vst.idx.msk $0xffff, v22  }
0x520: {  	[tilespmem:v7+s6+$0x0] =	vst.idx.msk $0xffff, v9  }
0x521: {  	[tilespmem:v10+s3+$0x0] =	vst.idx.msk $0xffff, v6  }
0x522: {  	[tilespmem:v11+s5+$0x0] =	vst.idx.msk $0xffff, v13  }
0x523: {  	[tilespmem:v11+s6+$0x0] =	vst.idx.msk $0xffff, v6  }
0x524: {  	_ =	swait.ge [sflag:s7], $0x2000  }
0x525: {  	[sflag:s7] =	ssyncset.done $0x0  }
0x526: {  	[sflag:s7] =	ssyncadd.s32 $0xFFFFE000  }
0x527: {  	_ =	swait.ge [sflag:s8], $0x2000  }
0x528: {  	[sflag:s8] =	ssyncset.done $0x0  }
0x529: {  	[sflag:s8] =	ssyncadd.s32 $0xFFFFE000  }
0x52a: {  	_ =	swait.ge [sflag:s9], $0x2000  }
0x52b: {  	s15 =	sld [smem:$0x7F7]  }
0x52c: {  	[sflag:s9] =	ssyncset.done $0x0  }
0x52d: {  	s16 =	sld [smem:$0x7F8];
	[sflag:s9] =	ssyncadd.s32 $0xFFFFE000  }
0x52e: {  	[tilespmem:s4], [sflag:$0x1] =	stream.strided.gather [hbm4b:s15+s23], $0x2000, s24, s23, $0x38;
	[tilespmem:$0x18B80] =	vst v63  }
0x52f: {  	s17 =	sld [smem:$0x7F9]  }
0x530: {  	[tilespmem:s25], [sflag:$0x3] =	stream.strided.gather [hbm4b:s16+s23], $0x2000, s24, s23, $0x38;
	[tilespmem:$0x18B80] =	vst v63  }
0x531: {  	s15 =	simm.s32 $0x2020  }
0x532: {  	[tilespmem:s26], [sflag:$0x5] =	stream.strided.gather [hbm4b:s17+s23], $0x2000, s24, s23, $0x38;
	[tilespmem:$0x18B80] =	vst v63  }
0x533: {  	s16 =	simm.s32 $0x6020;
	v6 =	vld [tilespmem:s15+$0x10]  }
0x534: {  	v7 =	vld [tilespmem:s16+$0x10]  }
0x535: {  	v8 =	vld [tilespmem:s15+$0x0]  }
0x536: {  	v10 =	vld [tilespmem:s16+$0x0]  }
0x537: {  	v11 =	vld [tilespmem:s15+$0xFFFFFFF0]  }
0x538: {  	v9 =	vld [tilespmem:s16+$0xFFFFFFF0]  }
0x539: {  	v13 =	vld [tilespmem:s15+$0xFFFFFFE0]  }
0x53a: {  	s17 =	simm.s32 $0x2060;
	v15 =	vld [tilespmem:s16+$0xFFFFFFE0]  }
0x53b: {  	v12 =	vsel vm0, $0x1, v1;
	v14 =	vadd.s32 v24, v30;
	v30 =	vld [tilespmem:s17+$0xFFFFFFF0]  }
0x53c: {  	v12 =	vadd.s32 v12, v20;
	s14 =	simm.s32 $0x6060;
	v34 =	vld [tilespmem:s17+$0xFFFFFFE0]  }
0x53d: {  	v17 =	vshll.u32 v12, $0x4;
	v16 =	vshll.u32 v14, $0x4;
	v35 =	vld [tilespmem:s14+$0xFFFFFFE0]  }
0x53e: {  	v17 =	vor.u32 v2, v17;
	v16 =	vor.u32 v2, v16;
	v18 =	vshll.u32 v6, $0xC  }
0x53f: {  	v19 =	vshll.u32 v8, $0xC;
	v20 =	vshll.u32 v10, $0xC;
	v21 =	vshll.u32 v7, $0xC  }
0x540: {  	v22 =	vshll.u32 v13, $0xC;
	v23 =	vshll.u32 v11, $0xC;
	v24 =	vshll.u32 v9, $0xC  }
0x541: {  	v25 =	vshll.u32 v15, $0xC;
	v40 =	vshll.u32 v34, $0xC;
	v41 =	vshll.u32 v30, $0xC  }
0x542: {  	v43 =	vshll.u32 v35, $0xC;
	v26 =	vadd.s32 v7, v18;
	v27 =	vadd.s32 v6, v21  }
0x543: {  	v9 =	vadd.s32 v9, v23;
	v28 =	vadd.s32 v10, v19;
	v29 =	vadd.s32 v8, v20  }
0x544: {  	v7 =	vadd.s32 v15, v22;
	v6 =	vadd.s32 v13, v25;
	v8 =	vadd.s32 v11, v24  }
0x545: {  	v10 =	vshrl.u32 v28, $0x13;
	v11 =	vshrl.u32 v26, $0x13;
	v13 =	vshrl.u32 v27, $0x13  }
0x546: {  	v15 =	vshrl.u32 v9, $0x13;
	v18 =	vshrl.u32 v8, $0x13;
	v19 =	vshrl.u32 v29, $0x13  }
0x547: {  	v20 =	vshrl.u32 v7, $0x13;
	v21 =	vshrl.u32 v6, $0x13;
	vm3 =	veq.s32 v11, v0  }
0x548: {  	vm4 =	veq.s32 v10, v0;
	vm1 =	veq.s32 v19, v0;
	vm5 =	veq.s32 v13, v0  }
0x549: {  	vm0 =	veq.s32 v20, v0;
	vm6 =	veq.s32 v15, v0;
	vm7 =	veq.s32 v18, v0  }
0x54a: {  	v24 =	vld [tilespmem:s14+$0x0];
	vm2 =	veq.s32 v21, v0;
	v10 =	vsel vm4, $0x1, v1;
	v11 =	vsel vm3, $0x1, v1  }
0x54b: {  	v13 =	vsel vm0, $0x1, v1;
	v15 =	vsel vm2, $0x1, v1;
	v18 =	vsel vm6, $0x1, v1  }
0x54c: {  	v20 =	vsel vm5, $0x1, v1;
	v16 =	vsel vm0, v16, v4;
	v13 =	vadd.s32 v13, v14  }
0x54d: {  	v12 =	vadd.s32 v15, v12;
	v14 =	vsel vm7, $0x1, v1;
	v15 =	vadd.s32 v18, v13  }
0x54e: {  	v14 =	vadd.s32 v14, v12;
	v18 =	vsel vm1, $0x1, v1;
	v13 =	vshll.u32 v13, $0x4  }
0x54f: {  	v12 =	vshll.u32 v12, $0x4;
	v38 =	vshll.u32 v24, $0xC;
	v10 =	vadd.s32 v10, v15  }
0x550: {  	v18 =	vadd.s32 v18, v14;
	v13 =	vor.u32 v2, v13;
	v12 =	vor.u32 v2, v12  }
0x551: {  	v23 =	vld [tilespmem:s17+$0x0];
	v22 =	vshll.u32 v10, $0x4;
	v25 =	vadd.s32 v11, v10;
	v31 =	vadd.s32 v20, v18  }
0x552: {  	v19 =	vld [tilespmem:s17+$0x10];
	v10 =	vshll.u32 v15, $0x4;
	v11 =	vshll.u32 v14, $0x4;
	v14 =	vshll.u32 v18, $0x4  }
0x553: {  	v21 =	vld [tilespmem:s14+$0x10];
	v15 =	vshll.u32 v25, $0x4;
	v18 =	vshll.u32 v31, $0x4;
	v20 =	vor.u32 v2, v22  }
0x554: {  	v14 =	vor.u32 v2, v14;
	v56 =	vor.u32 v2, v10;
	v33 =	vor.u32 v2, v11  }
0x555: {  	v10 =	vor.u32 v2, v15;
	v11 =	vor.u32 v2, v18;
	v32 =	vsel vm4, v56, v4  }
0x556: {  	v36 =	vsel vm3, v20, v4;
	v37 =	vsel vm5, v14, v4;
	v20 =	vsel vm6, v13, v4  }
0x557: {  	v18 =	vsel vm7, v12, v4;
	v33 =	vsel vm1, v33, v4;
	v12 =	vshll.u32 v19, $0xC  }
0x558: {  	v22 =	vld [tilespmem:s14+$0xFFFFFFF0];
	v14 =	vsel vm2, v17, v4;
	v13 =	vshll.u32 v23, $0xC;
	v15 =	vshll.u32 v21, $0xC  }
0x559: {  	s15 =	simm.s32 $0xA020;
	v23 =	vadd.s32 v23, v38;
	v17 =	vadd.s32 v21, v12;
	v15 =	vadd.s32 v19, v15  }
0x55a: {  	v39 =	vld [tilespmem:s15+$0x10];
	v12 =	vadd.s32 v24, v13;
	v19 =	vadd.s32 v35, v40;
	v13 =	vadd.s32 v34, v43  }
0x55b: {  	v59 =	vshrl.u32 v23, $0x13;
	v24 =	vshrl.u32 v12, $0x13;
	v61 =	vshrl.u32 v13, $0x13  }
0x55c: {  	v60 =	vld [tilespmem:s15+$0x0];
	vm4 =	veq.s32 v59, v0;
	vm6 =	veq.s32 v24, v0;
	vm2 =	veq.s32 v61, v0  }
0x55d: {  	v42 =	vshll.u32 v22, $0xC;
	v21 =	vadd.s32 v22, v41;
	v62 =	vsel vm2, $0x1, v1;
	[tilespmem:v36+s2+$0x0] =	vst.idx.msk $0xffff, v26  }
0x55e: {  	v22 =	vadd.s32 v30, v42;
	v26 =	vshrl.u32 v17, $0x13;
	v30 =	vshrl.u32 v15, $0x13;
	[tilespmem:v32+s2+$0x0] =	vst.idx.msk $0xffff, v28  }
0x55f: {  	v57 =	vshrl.u32 v21, $0x13;
	[tilespmem:v36+s3+$0x0] =	vst.idx.msk $0xffff, v39;
	v58 =	vshrl.u32 v22, $0x13;
	vm7 =	veq.s32 v26, v0  }
0x560: {  	vm0 =	veq.s32 v30, v0;
	vm5 =	veq.s32 v57, v0;
	[tilespmem:v37+s5+$0x0] =	vst.idx.msk $0xffff, v27;
	v27 =	vshrl.u32 v19, $0x13  }
0x561: {  	v28 =	vld [tilespmem:s15+$0xFFFFFFF0];
	v30 =	vsel vm6, $0x1, v1;
	[tilespmem:v32+s3+$0x0] =	vst.idx.msk $0xffff, v60;
	v32 =	vsel vm4, $0x1, v1;
	vm1 =	veq.s32 v27, v0  }
0x562: {  	vm3 =	veq.s32 v58, v0;
	v63 =	vsel vm5, $0x1, v1;
	[tilespmem:v33+s5+$0x0] =	vst.idx.msk $0xffff, v29;
	v26 =	vsel vm1, $0x1, v1  }
0x563: {  	[tilespmem:v37+s6+$0x0] =	vst.idx.msk $0xffff, v39;
	v27 =	vadd.s32 v26, v25;
	v26 =	vadd.s32 v62, v31;
	v25 =	vsel vm3, $0x1, v1  }
0x564: {  	s16 =	simm.s32 $0x4;
	s17 =	simm.s32 $0x20A0;
	v24 =	vsel vm7, $0x1, v1;
	[tilespmem:v33+s6+$0x0] =	vst.idx.msk $0xffff, v60;
	v31 =	vadd.s32 v63, v27;
	v29 =	vadd.s32 v25, v26;
	v25 =	vld [tilespmem:s15+$0xFFFFFFE0]  }
.LBB2_28:
0x565: {  	v33 =	vld [tilespmem:s17+$0x10];
	v30 =	vadd.s32 v30, v31;
	v32 =	vadd.s32 v32, v29;
	v34 =	vsel vm0, $0x1, v1;
	s14 =	sadd.s32 $0x40, s14;
	[tilespmem:v20+s2+$0x0] =	vst.idx.msk $0xffff, v9  }
0x566: {  	v35 =	vld [tilespmem:s14+$0x10];
	v36 =	vshll.u32 v30, $0x4;
	v37 =	vadd.s32 v24, v30;
	v34 =	vadd.s32 v34, v32;
	[tilespmem:v20+s3+$0x0] =	vst.idx.msk $0xffff, v28  }
0x567: {  	v29 =	vshll.u32 v29, $0x4;
	v9 =	vmovc v21;
	v20 =	vshll.u32 v31, $0x4;
	v30 =	vshll.u32 v32, $0x4;
	v31 =	vmovc v23;
	v24 =	vld [tilespmem:s17+$0x0];
	[tilespmem:v18+s5+$0x0] =	vst.idx.msk $0xffff, v8  }
0x568: {  	v27 =	vshll.u32 v27, $0x4;
	v26 =	vshll.u32 v26, $0x4;
	v21 =	vshll.u32 v37, $0x4;
	v8 =	vmovc v22;
	v23 =	vld [tilespmem:s14+$0x0];
	[tilespmem:v18+s6+$0x0] =	vst.idx.msk $0xffff, v28  }
0x569: {  	v30 =	vor.u32 v2, v30;
	v18 =	vshll.u32 v34, $0x4;
	v28 =	vor.u32 v2, v36;
	v22 =	vld [tilespmem:s17+$0xFFFFFFF0];
	[tilespmem:v16+s2+$0x0] =	vst.idx.msk $0xffff, v7  }
0x56a: {  	s16 =	sadd.s32 $0x4, s16;
	v27 =	vor.u32 v2, v27;
	v29 =	vor.u32 v2, v29;
	v20 =	vor.u32 v2, v20;
	v7 =	vmovc v19;
	v32 =	vld [tilespmem:s14+$0xFFFFFFF0]  }
0x56b: {  	p0 =	slt.u32 s16, $0x1FC;
	v19 =	vor.u32 v2, v21;
	v21 =	vor.u32 v2, v18;
	v18 =	vor.u32 v2, v26;
	v36 =	vld [tilespmem:s17+$0xFFFFFFE0]  }
0x56c: {  	v38 =	vsel vm6, v20, v4;
	v30 =	vsel vm0, v30, v4;
	v28 =	vsel vm7, v28, v4;
	v26 =	vld [tilespmem:s14+$0xFFFFFFE0]  }
0x56d: {  	v39 =	vsel vm4, v29, v4;
	v20 =	vsel vm5, v27, v4;
	v18 =	vsel vm3, v18, v4  }
0x56e: {  	s15 =	sadd.s32 $0x40, s15;
	v29 =	vsel vm2, v11, v4;
	v27 =	vshll.u32 v33, $0xC;
	[tilespmem:v16+s3+$0x0] =	vst.idx.msk $0xffff, v25;
	v16 =	vsel vm1, v10, v4  }
0x56f: {  	v11 =	vmovc v21;
	v42 =	vshll.u32 v35, $0xC;
	v40 =	vshll.u32 v24, $0xC;
	v41 =	vshll.u32 v23, $0xC;
	v10 =	vmovc v19;
	v43 =	vld [tilespmem:s15+$0x10];
	[tilespmem:v14+s5+$0x0] =	vst.idx.msk $0xffff, v6  }
0x570: {  	v21 =	vshll.u32 v22, $0xC;
	v44 =	vshll.u32 v32, $0xC;
	v6 =	vmovc v13;
	v19 =	vshll.u32 v36, $0xC;
	[tilespmem:v14+s6+$0x0] =	vst.idx.msk $0xffff, v25;
	v14 =	vmovc v29  }
0x571: {  	v25 =	vadd.s32 v33, v42;
	v13 =	vshll.u32 v26, $0xC;
	[tilespmem:v28+s2+$0x0] =	vst.idx.msk $0xffff, v17;
	v17 =	vadd.s32 v35, v27  }
0x572: {  	v21 =	vadd.s32 v32, v21;
	v27 =	vadd.s32 v23, v40;
	v23 =	vadd.s32 v24, v41  }
0x573: {  	v22 =	vadd.s32 v22, v44;
	v19 =	vadd.s32 v26, v19;
	v13 =	vadd.s32 v36, v13  }
0x574: {  	v29 =	vshrl.u32 v25, $0x13;
	v24 =	vshrl.u32 v27, $0x13;
	v26 =	vshrl.u32 v17, $0x13;
	[tilespmem:v28+s3+$0x0] =	vst.idx.msk $0xffff, v43  }
0x575: {  	v32 =	vshrl.u32 v22, $0x13;
	v33 =	vshrl.u32 v23, $0x13;
	v28 =	vshrl.u32 v21, $0x13;
	v35 =	vld [tilespmem:s15+$0x0];
	[tilespmem:v30+s5+$0x0] =	vst.idx.msk $0xffff, v15;
	v15 =	vmovc v25  }
0x576: {  	v36 =	vshrl.u32 v13, $0x13;
	vm7 =	veq.s32 v26, v0;
	v25 =	vshrl.u32 v19, $0x13;
	[tilespmem:v30+s6+$0x0] =	vst.idx.msk $0xffff, v43  }
0x577: {  	vm0 =	veq.s32 v29, v0;
	vm6 =	veq.s32 v24, v0;
	vm4 =	veq.s32 v33, v0  }
.Ltmp13:
0x578: {  	vm3 =	veq.s32 v32, v0;
	vm5 =	veq.s32 v28, v0;
	vm1 =	veq.s32 v25, v0;
	(pc) =	sbr.rel @p0 .LBB2_28-.Ltmp13, $4  }
0x579: {  	vm2 =	veq.s32 v36, v0;
	v24 =	vsel vm7, $0x1, v1;
	v30 =	vsel vm6, $0x1, v1;
	v28 =	vld [tilespmem:s15+$0xFFFFFFF0];
	[tilespmem:v38+s2+$0x0] =	vst.idx.msk $0xffff, v12;
	v12 =	vmovc v27  }
0x57a: {  	v26 =	vsel vm2, $0x1, v1;
	v29 =	vsel vm5, $0x1, v1;
	v25 =	vsel vm1, $0x1, v1;
	[tilespmem:v38+s3+$0x0] =	vst.idx.msk $0xffff, v35  }
0x57b: {  	v26 =	vadd.s32 v26, v34;
	v27 =	vadd.s32 v25, v37;
	v25 =	vsel vm3, $0x1, v1;
	[tilespmem:v39+s5+$0x0] =	vst.idx.msk $0xffff, v31  }
0x57c: {  	s17 =	sadd.s32 $0x40, s17;
	v32 =	vsel vm4, $0x1, v1;
	v31 =	vadd.s32 v29, v27;
	v29 =	vadd.s32 v25, v26;
	v25 =	vld [tilespmem:s15+$0xFFFFFFE0];
	[tilespmem:v39+s6+$0x0] =	vst.idx.msk $0xffff, v35  }
0x57d: {  	_ =	sdelay $0x3  }
0x57e: {  	v30 =	vadd.s32 v30, v31;
	[tilespmem:v20+s2+$0x0] =	vst.idx.msk $0xffff, v9  }
0x57f: {  	v9 =	vshll.u32 v30, $0x4;
	[tilespmem:v20+s3+$0x0] =	vst.idx.msk $0xffff, v28  }
0x580: {  	v20 =	vadd.s32 v32, v29;
	[tilespmem:v18+s5+$0x0] =	vst.idx.msk $0xffff, v8;
	v8 =	vor.u32 v2, v9  }
0x581: {  	s14 =	sadd.s32 $0x40, s15;
	[tilespmem:v16+s2+$0x0] =	vst.idx.msk $0xffff, v7;
	v9 =	vshll.u32 v20, $0x4;
	v8 =	vsel vm7, v8, v4  }
0x582: {  	v7 =	vld [tilespmem:s14+$0x10];
	[tilespmem:v18+s6+$0x0] =	vst.idx.msk $0xffff, v28;
	v9 =	vor.u32 v2, v9;
	v18 =	vshll.u32 v31, $0x4  }
0x583: {  	v9 =	vsel vm0, v9, v4;
	[tilespmem:v16+s3+$0x0] =	vst.idx.msk $0xffff, v25;
	v16 =	vor.u32 v2, v18  }
0x584: {  	[tilespmem:v14+s5+$0x0] =	vst.idx.msk $0xffff, v6;
	v16 =	vsel vm6, v16, v4  }
0x585: {  	v6 =	vshll.u32 v29, $0x4;
	[tilespmem:v14+s6+$0x0] =	vst.idx.msk $0xffff, v25  }
0x586: {  	v6 =	vor.u32 v2, v6;
	v14 =	vld [tilespmem:s14+$0x0];
	[tilespmem:v8+s2+$0x0] =	vst.idx.msk $0xffff, v17  }
0x587: {  	v6 =	vsel vm4, v6, v4;
	[tilespmem:v8+s3+$0x0] =	vst.idx.msk $0xffff, v7  }
0x588: {  	v17 =	vshll.u32 v27, $0x4;
	[tilespmem:v9+s5+$0x0] =	vst.idx.msk $0xffff, v15  }
0x589: {  	v10 =	vsel vm1, v10, v4;
	v8 =	vor.u32 v2, v17;
	[tilespmem:v16+s2+$0x0] =	vst.idx.msk $0xffff, v12  }
0x58a: {  	v15 =	vshll.u32 v26, $0x4;
	v8 =	vsel vm5, v8, v4;
	[tilespmem:v9+s6+$0x0] =	vst.idx.msk $0xffff, v7  }
0x58b: {  	v7 =	vor.u32 v2, v15;
	v9 =	vld [tilespmem:s14+$0xFFFFFFF0];
	[tilespmem:v16+s3+$0x0] =	vst.idx.msk $0xffff, v14  }
0x58c: {  	v7 =	vsel vm3, v7, v4;
	[tilespmem:v6+s5+$0x0] =	vst.idx.msk $0xffff, v23  }
0x58d: {  	[tilespmem:v6+s6+$0x0] =	vst.idx.msk $0xffff, v14  }
0x58e: {  	v6 =	vld [tilespmem:s14+$0xFFFFFFE0];
	[tilespmem:v10+s2+$0x0] =	vst.idx.msk $0xffff, v19  }
0x58f: {  	v11 =	vsel vm2, v11, v4;
	[tilespmem:v8+s2+$0x0] =	vst.idx.msk $0xffff, v21  }
0x590: {  	[tilespmem:v8+s3+$0x0] =	vst.idx.msk $0xffff, v9  }
0x591: {  	[tilespmem:v7+s5+$0x0] =	vst.idx.msk $0xffff, v22  }
0x592: {  	[tilespmem:v7+s6+$0x0] =	vst.idx.msk $0xffff, v9  }
0x593: {  	[tilespmem:v10+s3+$0x0] =	vst.idx.msk $0xffff, v6  }
0x594: {  	[tilespmem:v11+s5+$0x0] =	vst.idx.msk $0xffff, v13  }
0x595: {  	[tilespmem:v11+s6+$0x0] =	vst.idx.msk $0xffff, v6  }
0x596: {  	_ =	swait.ge [sflag:s28], $0x2000  }
0x597: {  	[sflag:s28] =	ssyncset.done $0x0  }
0x598: {  	[sflag:s28] =	ssyncadd.s32 $0xFFFFE000  }
0x599: {  	_ =	swait.ge [sflag:s29], $0x2000  }
0x59a: {  	[sflag:s29] =	ssyncset.done $0x0  }
0x59b: {  	[sflag:s29] =	ssyncadd.s32 $0xFFFFE000  }
0x59c: {  	_ =	swait.ge [sflag:s30], $0x2000  }
0x59d: {  	s15 =	sld [smem:$0x7FA]  }
0x59e: {  	[sflag:s30] =	ssyncset.done $0x0  }
0x59f: {  	s16 =	sld [smem:$0x7FB];
	[sflag:s30] =	ssyncadd.s32 $0xFFFFE000  }
0x5a0: {  	[tilespmem:s31], [sflag:$0x2] =	stream.strided.gather [hbm4b:s15+s23], $0x2000, s24, s23, $0x38;
	[tilespmem:$0x18B80] =	vst v63  }
0x5a1: {  	s17 =	sld [smem:$0x7FC]  }
0x5a2: {  	[tilespmem:s0], [sflag:$0x4] =	stream.strided.gather [hbm4b:s16+s23], $0x2000, s24, s23, $0x38;
	[tilespmem:$0x18B80] =	vst v63  }
0x5a3: {  	s15 =	simm.s32 $0x20  }
0x5a4: {  	[tilespmem:s1], [sflag:$0x6] =	stream.strided.gather [hbm4b:s17+s23], $0x2000, s24, s23, $0x38;
	[tilespmem:$0x18B80] =	vst v63  }
0x5a5: {  	s16 =	simm.s32 $0x4020;
	v6 =	vld [tilespmem:s15+$0x10]  }
0x5a6: {  	v7 =	vld [tilespmem:s16+$0x10]  }
0x5a7: {  	v8 =	vld [tilespmem:s15+$0x0]  }
0x5a8: {  	v10 =	vld [tilespmem:s16+$0x0]  }
0x5a9: {  	v11 =	vld [tilespmem:s15+$0xFFFFFFF0]  }
0x5aa: {  	v9 =	vld [tilespmem:s16+$0xFFFFFFF0]  }
0x5ab: {  	v13 =	vld [tilespmem:s15+$0xFFFFFFE0]  }
0x5ac: {  	s17 =	simm.s32 $0x60;
	v15 =	vld [tilespmem:s16+$0xFFFFFFE0]  }
0x5ad: {  	v12 =	vsel vm0, $0x1, v1;
	v14 =	vadd.s32 v24, v30;
	v30 =	vld [tilespmem:s17+$0xFFFFFFF0]  }
0x5ae: {  	v12 =	vadd.s32 v12, v20;
	s14 =	simm.s32 $0x4060;
	v34 =	vld [tilespmem:s17+$0xFFFFFFE0]  }
0x5af: {  	v17 =	vshll.u32 v12, $0x4;
	v16 =	vshll.u32 v14, $0x4;
	v35 =	vld [tilespmem:s14+$0xFFFFFFE0]  }
0x5b0: {  	v17 =	vor.u32 v2, v17;
	v16 =	vor.u32 v2, v16;
	v18 =	vshll.u32 v6, $0xC  }
0x5b1: {  	v19 =	vshll.u32 v8, $0xC;
	v20 =	vshll.u32 v10, $0xC;
	v21 =	vshll.u32 v7, $0xC  }
0x5b2: {  	v22 =	vshll.u32 v13, $0xC;
	v23 =	vshll.u32 v11, $0xC;
	v24 =	vshll.u32 v9, $0xC  }
0x5b3: {  	v25 =	vshll.u32 v15, $0xC;
	v40 =	vshll.u32 v34, $0xC;
	v41 =	vshll.u32 v30, $0xC  }
0x5b4: {  	v43 =	vshll.u32 v35, $0xC;
	v26 =	vadd.s32 v7, v18;
	v27 =	vadd.s32 v6, v21  }
0x5b5: {  	v9 =	vadd.s32 v9, v23;
	v28 =	vadd.s32 v10, v19;
	v29 =	vadd.s32 v8, v20  }
0x5b6: {  	v7 =	vadd.s32 v15, v22;
	v6 =	vadd.s32 v13, v25;
	v8 =	vadd.s32 v11, v24  }
0x5b7: {  	v10 =	vshrl.u32 v28, $0x13;
	v11 =	vshrl.u32 v26, $0x13;
	v13 =	vshrl.u32 v27, $0x13  }
0x5b8: {  	v15 =	vshrl.u32 v9, $0x13;
	v18 =	vshrl.u32 v8, $0x13;
	v19 =	vshrl.u32 v29, $0x13  }
0x5b9: {  	v20 =	vshrl.u32 v7, $0x13;
	v21 =	vshrl.u32 v6, $0x13;
	vm3 =	veq.s32 v11, v0  }
0x5ba: {  	vm4 =	veq.s32 v10, v0;
	vm1 =	veq.s32 v19, v0;
	vm5 =	veq.s32 v13, v0  }
0x5bb: {  	vm0 =	veq.s32 v20, v0;
	vm6 =	veq.s32 v15, v0;
	vm7 =	veq.s32 v18, v0  }
0x5bc: {  	v24 =	vld [tilespmem:s14+$0x0];
	vm2 =	veq.s32 v21, v0;
	v10 =	vsel vm4, $0x1, v1;
	v11 =	vsel vm3, $0x1, v1  }
0x5bd: {  	v13 =	vsel vm0, $0x1, v1;
	v15 =	vsel vm2, $0x1, v1;
	v18 =	vsel vm6, $0x1, v1  }
0x5be: {  	v20 =	vsel vm5, $0x1, v1;
	v16 =	vsel vm0, v16, v4;
	v13 =	vadd.s32 v13, v14  }
0x5bf: {  	v12 =	vadd.s32 v15, v12;
	v14 =	vsel vm7, $0x1, v1;
	v15 =	vadd.s32 v18, v13  }
0x5c0: {  	v14 =	vadd.s32 v14, v12;
	v18 =	vsel vm1, $0x1, v1;
	v13 =	vshll.u32 v13, $0x4  }
0x5c1: {  	v12 =	vshll.u32 v12, $0x4;
	v38 =	vshll.u32 v24, $0xC;
	v10 =	vadd.s32 v10, v15  }
0x5c2: {  	v18 =	vadd.s32 v18, v14;
	v13 =	vor.u32 v2, v13;
	v12 =	vor.u32 v2, v12  }
0x5c3: {  	v23 =	vld [tilespmem:s17+$0x0];
	v22 =	vshll.u32 v10, $0x4;
	v25 =	vadd.s32 v11, v10;
	v31 =	vadd.s32 v20, v18  }
0x5c4: {  	v19 =	vld [tilespmem:s17+$0x10];
	v10 =	vshll.u32 v15, $0x4;
	v11 =	vshll.u32 v14, $0x4;
	v14 =	vshll.u32 v18, $0x4  }
0x5c5: {  	v21 =	vld [tilespmem:s14+$0x10];
	v15 =	vshll.u32 v25, $0x4;
	v18 =	vshll.u32 v31, $0x4;
	v20 =	vor.u32 v2, v22  }
0x5c6: {  	v14 =	vor.u32 v2, v14;
	v56 =	vor.u32 v2, v10;
	v33 =	vor.u32 v2, v11  }
0x5c7: {  	v10 =	vor.u32 v2, v15;
	v11 =	vor.u32 v2, v18;
	v32 =	vsel vm4, v56, v4  }
0x5c8: {  	v36 =	vsel vm3, v20, v4;
	v37 =	vsel vm5, v14, v4;
	v20 =	vsel vm6, v13, v4  }
0x5c9: {  	v18 =	vsel vm7, v12, v4;
	v33 =	vsel vm1, v33, v4;
	v12 =	vshll.u32 v19, $0xC  }
0x5ca: {  	v22 =	vld [tilespmem:s14+$0xFFFFFFF0];
	v14 =	vsel vm2, v17, v4;
	v13 =	vshll.u32 v23, $0xC;
	v15 =	vshll.u32 v21, $0xC  }
0x5cb: {  	s15 =	simm.s32 $0x8020;
	v23 =	vadd.s32 v23, v38;
	v17 =	vadd.s32 v21, v12;
	v15 =	vadd.s32 v19, v15  }
0x5cc: {  	v39 =	vld [tilespmem:s15+$0x10];
	v12 =	vadd.s32 v24, v13;
	v19 =	vadd.s32 v35, v40;
	v13 =	vadd.s32 v34, v43  }
0x5cd: {  	v59 =	vshrl.u32 v23, $0x13;
	v24 =	vshrl.u32 v12, $0x13;
	v61 =	vshrl.u32 v13, $0x13  }
0x5ce: {  	v60 =	vld [tilespmem:s15+$0x0];
	vm4 =	veq.s32 v59, v0;
	vm6 =	veq.s32 v24, v0;
	vm2 =	veq.s32 v61, v0  }
0x5cf: {  	v42 =	vshll.u32 v22, $0xC;
	v21 =	vadd.s32 v22, v41;
	v62 =	vsel vm2, $0x1, v1;
	[tilespmem:v36+s2+$0x0] =	vst.idx.msk $0xffff, v26  }
0x5d0: {  	v22 =	vadd.s32 v30, v42;
	v26 =	vshrl.u32 v17, $0x13;
	v30 =	vshrl.u32 v15, $0x13;
	[tilespmem:v32+s2+$0x0] =	vst.idx.msk $0xffff, v28  }
0x5d1: {  	v57 =	vshrl.u32 v21, $0x13;
	[tilespmem:v36+s3+$0x0] =	vst.idx.msk $0xffff, v39;
	v58 =	vshrl.u32 v22, $0x13;
	vm7 =	veq.s32 v26, v0  }
0x5d2: {  	vm0 =	veq.s32 v30, v0;
	vm5 =	veq.s32 v57, v0;
	[tilespmem:v37+s5+$0x0] =	vst.idx.msk $0xffff, v27;
	v27 =	vshrl.u32 v19, $0x13  }
0x5d3: {  	v28 =	vld [tilespmem:s15+$0xFFFFFFF0];
	v30 =	vsel vm6, $0x1, v1;
	[tilespmem:v32+s3+$0x0] =	vst.idx.msk $0xffff, v60;
	v32 =	vsel vm4, $0x1, v1;
	vm1 =	veq.s32 v27, v0  }
0x5d4: {  	vm3 =	veq.s32 v58, v0;
	v63 =	vsel vm5, $0x1, v1;
	[tilespmem:v33+s5+$0x0] =	vst.idx.msk $0xffff, v29;
	v26 =	vsel vm1, $0x1, v1  }
0x5d5: {  	[tilespmem:v37+s6+$0x0] =	vst.idx.msk $0xffff, v39;
	v27 =	vadd.s32 v26, v25;
	v26 =	vadd.s32 v62, v31;
	v25 =	vsel vm3, $0x1, v1  }
0x5d6: {  	s16 =	simm.s32 $0x4;
	s17 =	simm.s32 $0xA0;
	v24 =	vsel vm7, $0x1, v1;
	[tilespmem:v33+s6+$0x0] =	vst.idx.msk $0xffff, v60;
	v31 =	vadd.s32 v63, v27;
	v29 =	vadd.s32 v25, v26;
	v25 =	vld [tilespmem:s15+$0xFFFFFFE0]  }
.LBB2_30:
0x5d7: {  	v33 =	vld [tilespmem:s17+$0x10];
	v30 =	vadd.s32 v30, v31;
	v32 =	vadd.s32 v32, v29;
	v34 =	vsel vm0, $0x1, v1;
	s14 =	sadd.s32 $0x40, s14;
	[tilespmem:v20+s2+$0x0] =	vst.idx.msk $0xffff, v9  }
0x5d8: {  	v35 =	vld [tilespmem:s14+$0x10];
	v36 =	vshll.u32 v30, $0x4;
	v37 =	vadd.s32 v24, v30;
	v34 =	vadd.s32 v34, v32;
	[tilespmem:v20+s3+$0x0] =	vst.idx.msk $0xffff, v28  }
0x5d9: {  	v29 =	vshll.u32 v29, $0x4;
	v9 =	vmovc v21;
	v20 =	vshll.u32 v31, $0x4;
	v30 =	vshll.u32 v32, $0x4;
	v31 =	vmovc v23;
	v24 =	vld [tilespmem:s17+$0x0];
	[tilespmem:v18+s5+$0x0] =	vst.idx.msk $0xffff, v8  }
0x5da: {  	v27 =	vshll.u32 v27, $0x4;
	v26 =	vshll.u32 v26, $0x4;
	v21 =	vshll.u32 v37, $0x4;
	v8 =	vmovc v22;
	v23 =	vld [tilespmem:s14+$0x0];
	[tilespmem:v18+s6+$0x0] =	vst.idx.msk $0xffff, v28  }
0x5db: {  	v30 =	vor.u32 v2, v30;
	v18 =	vshll.u32 v34, $0x4;
	v28 =	vor.u32 v2, v36;
	v22 =	vld [tilespmem:s17+$0xFFFFFFF0];
	[tilespmem:v16+s2+$0x0] =	vst.idx.msk $0xffff, v7  }
0x5dc: {  	s16 =	sadd.s32 $0x4, s16;
	v27 =	vor.u32 v2, v27;
	v29 =	vor.u32 v2, v29;
	v20 =	vor.u32 v2, v20;
	v7 =	vmovc v19;
	v32 =	vld [tilespmem:s14+$0xFFFFFFF0]  }
0x5dd: {  	p0 =	slt.u32 s16, $0x1FC;
	v19 =	vor.u32 v2, v21;
	v21 =	vor.u32 v2, v18;
	v18 =	vor.u32 v2, v26;
	v36 =	vld [tilespmem:s17+$0xFFFFFFE0]  }
0x5de: {  	v38 =	vsel vm6, v20, v4;
	v30 =	vsel vm0, v30, v4;
	v28 =	vsel vm7, v28, v4;
	v26 =	vld [tilespmem:s14+$0xFFFFFFE0]  }
0x5df: {  	v39 =	vsel vm4, v29, v4;
	v20 =	vsel vm5, v27, v4;
	v18 =	vsel vm3, v18, v4  }
0x5e0: {  	s15 =	sadd.s32 $0x40, s15;
	v29 =	vsel vm2, v11, v4;
	v27 =	vshll.u32 v33, $0xC;
	[tilespmem:v16+s3+$0x0] =	vst.idx.msk $0xffff, v25;
	v16 =	vsel vm1, v10, v4  }
0x5e1: {  	v11 =	vmovc v21;
	v42 =	vshll.u32 v35, $0xC;
	v40 =	vshll.u32 v24, $0xC;
	v41 =	vshll.u32 v23, $0xC;
	v10 =	vmovc v19;
	v43 =	vld [tilespmem:s15+$0x10];
	[tilespmem:v14+s5+$0x0] =	vst.idx.msk $0xffff, v6  }
0x5e2: {  	v21 =	vshll.u32 v22, $0xC;
	v44 =	vshll.u32 v32, $0xC;
	v6 =	vmovc v13;
	v19 =	vshll.u32 v36, $0xC;
	[tilespmem:v14+s6+$0x0] =	vst.idx.msk $0xffff, v25;
	v14 =	vmovc v29  }
0x5e3: {  	v25 =	vadd.s32 v33, v42;
	v13 =	vshll.u32 v26, $0xC;
	[tilespmem:v28+s2+$0x0] =	vst.idx.msk $0xffff, v17;
	v17 =	vadd.s32 v35, v27  }
0x5e4: {  	v21 =	vadd.s32 v32, v21;
	v27 =	vadd.s32 v23, v40;
	v23 =	vadd.s32 v24, v41  }
0x5e5: {  	v22 =	vadd.s32 v22, v44;
	v19 =	vadd.s32 v26, v19;
	v13 =	vadd.s32 v36, v13  }
0x5e6: {  	v29 =	vshrl.u32 v25, $0x13;
	v24 =	vshrl.u32 v27, $0x13;
	v26 =	vshrl.u32 v17, $0x13;
	[tilespmem:v28+s3+$0x0] =	vst.idx.msk $0xffff, v43  }
0x5e7: {  	v32 =	vshrl.u32 v22, $0x13;
	v33 =	vshrl.u32 v23, $0x13;
	v28 =	vshrl.u32 v21, $0x13;
	v35 =	vld [tilespmem:s15+$0x0];
	[tilespmem:v30+s5+$0x0] =	vst.idx.msk $0xffff, v15;
	v15 =	vmovc v25  }
0x5e8: {  	v36 =	vshrl.u32 v13, $0x13;
	vm7 =	veq.s32 v26, v0;
	v25 =	vshrl.u32 v19, $0x13;
	[tilespmem:v30+s6+$0x0] =	vst.idx.msk $0xffff, v43  }
0x5e9: {  	vm0 =	veq.s32 v29, v0;
	vm6 =	veq.s32 v24, v0;
	vm4 =	veq.s32 v33, v0  }
.Ltmp14:
0x5ea: {  	vm3 =	veq.s32 v32, v0;
	vm5 =	veq.s32 v28, v0;
	vm1 =	veq.s32 v25, v0;
	(pc) =	sbr.rel @p0 .LBB2_30-.Ltmp14, $4  }
0x5eb: {  	vm2 =	veq.s32 v36, v0;
	v24 =	vsel vm7, $0x1, v1;
	v30 =	vsel vm6, $0x1, v1;
	v28 =	vld [tilespmem:s15+$0xFFFFFFF0];
	[tilespmem:v38+s2+$0x0] =	vst.idx.msk $0xffff, v12;
	v12 =	vmovc v27  }
0x5ec: {  	v26 =	vsel vm2, $0x1, v1;
	v29 =	vsel vm5, $0x1, v1;
	v25 =	vsel vm1, $0x1, v1;
	[tilespmem:v38+s3+$0x0] =	vst.idx.msk $0xffff, v35  }
0x5ed: {  	v26 =	vadd.s32 v26, v34;
	v27 =	vadd.s32 v25, v37;
	v25 =	vsel vm3, $0x1, v1;
	[tilespmem:v39+s5+$0x0] =	vst.idx.msk $0xffff, v31  }
0x5ee: {  	s17 =	sadd.s32 $0x40, s17;
	v32 =	vsel vm4, $0x1, v1;
	v31 =	vadd.s32 v29, v27;
	v29 =	vadd.s32 v25, v26;
	v25 =	vld [tilespmem:s15+$0xFFFFFFE0];
	[tilespmem:v39+s6+$0x0] =	vst.idx.msk $0xffff, v35  }
0x5ef: {  	_ =	sdelay $0x3  }
0x5f0: {  	v30 =	vadd.s32 v30, v31;
	[tilespmem:v20+s2+$0x0] =	vst.idx.msk $0xffff, v9  }
0x5f1: {  	v9 =	vshll.u32 v30, $0x4;
	[tilespmem:v20+s3+$0x0] =	vst.idx.msk $0xffff, v28  }
0x5f2: {  	v20 =	vadd.s32 v32, v29;
	[tilespmem:v18+s5+$0x0] =	vst.idx.msk $0xffff, v8;
	v8 =	vor.u32 v2, v9  }
0x5f3: {  	s14 =	sadd.s32 $0x40, s15;
	[tilespmem:v16+s2+$0x0] =	vst.idx.msk $0xffff, v7;
	v9 =	vshll.u32 v20, $0x4;
	v8 =	vsel vm7, v8, v4  }
0x5f4: {  	v7 =	vld [tilespmem:s14+$0x10];
	[tilespmem:v18+s6+$0x0] =	vst.idx.msk $0xffff, v28;
	v9 =	vor.u32 v2, v9;
	v18 =	vshll.u32 v31, $0x4  }
0x5f5: {  	v9 =	vsel vm0, v9, v4;
	[tilespmem:v16+s3+$0x0] =	vst.idx.msk $0xffff, v25;
	v16 =	vor.u32 v2, v18  }
0x5f6: {  	[tilespmem:v14+s5+$0x0] =	vst.idx.msk $0xffff, v6;
	v16 =	vsel vm6, v16, v4  }
0x5f7: {  	v6 =	vshll.u32 v29, $0x4;
	[tilespmem:v14+s6+$0x0] =	vst.idx.msk $0xffff, v25  }
0x5f8: {  	v6 =	vor.u32 v2, v6;
	v14 =	vld [tilespmem:s14+$0x0];
	[tilespmem:v8+s2+$0x0] =	vst.idx.msk $0xffff, v17  }
0x5f9: {  	v6 =	vsel vm4, v6, v4;
	[tilespmem:v8+s3+$0x0] =	vst.idx.msk $0xffff, v7  }
0x5fa: {  	v17 =	vshll.u32 v27, $0x4;
	[tilespmem:v9+s5+$0x0] =	vst.idx.msk $0xffff, v15  }
0x5fb: {  	v10 =	vsel vm1, v10, v4;
	v8 =	vor.u32 v2, v17;
	[tilespmem:v16+s2+$0x0] =	vst.idx.msk $0xffff, v12  }
0x5fc: {  	v15 =	vshll.u32 v26, $0x4;
	v8 =	vsel vm5, v8, v4;
	[tilespmem:v9+s6+$0x0] =	vst.idx.msk $0xffff, v7  }
0x5fd: {  	v7 =	vor.u32 v2, v15;
	v9 =	vld [tilespmem:s14+$0xFFFFFFF0];
	[tilespmem:v16+s3+$0x0] =	vst.idx.msk $0xffff, v14  }
0x5fe: {  	v7 =	vsel vm3, v7, v4;
	[tilespmem:v6+s5+$0x0] =	vst.idx.msk $0xffff, v23  }
0x5ff: {  	[tilespmem:v6+s6+$0x0] =	vst.idx.msk $0xffff, v14  }
0x600: {  	v6 =	vld [tilespmem:s14+$0xFFFFFFE0];
	[tilespmem:v10+s2+$0x0] =	vst.idx.msk $0xffff, v19  }
0x601: {  	v11 =	vsel vm2, v11, v4;
	[tilespmem:v8+s2+$0x0] =	vst.idx.msk $0xffff, v21  }
0x602: {  	[tilespmem:v8+s3+$0x0] =	vst.idx.msk $0xffff, v9  }
0x603: {  	[tilespmem:v7+s5+$0x0] =	vst.idx.msk $0xffff, v22  }
0x604: {  	[tilespmem:v7+s6+$0x0] =	vst.idx.msk $0xffff, v9  }
0x605: {  	[tilespmem:v10+s3+$0x0] =	vst.idx.msk $0xffff, v6  }
0x606: {  	[tilespmem:v11+s5+$0x0] =	vst.idx.msk $0xffff, v13  }
0x607: {  	[tilespmem:v11+s6+$0x0] =	vst.idx.msk $0xffff, v6  }
0x608: {  	_ =	swait.ge [sflag:s7], $0x2000  }
0x609: {  	[sflag:s7] =	ssyncset.done $0x0  }
0x60a: {  	[sflag:s7] =	ssyncadd.s32 $0xFFFFE000  }
0x60b: {  	_ =	swait.ge [sflag:s8], $0x2000  }
0x60c: {  	[sflag:s8] =	ssyncset.done $0x0  }
0x60d: {  	[sflag:s8] =	ssyncadd.s32 $0xFFFFE000  }
0x60e: {  	_ =	swait.ge [sflag:s9], $0x2000  }
0x60f: {  	s17 =	sld [smem:$0x7FD]  }
0x610: {  	[sflag:s9] =	ssyncset.done $0x0  }
0x611: {  	[sflag:s9] =	ssyncadd.s32 $0xFFFFE000  }
0x612: {  	[tilespmem:s4], [sflag:$0x1] =	stream.strided.gather [hbm4b:s17+s23], $0x2000, s24, s23, $0x38;
	[tilespmem:$0x18B80] =	vst v63  }
0x613: {  	_ = 	snop  }
0x614: {  	[tilespmem:s25], [sflag:$0x3] =	stream.strided.gather [hbm4b:s18+s23], $0x2000, s24, s23, $0x38;
	[tilespmem:$0x18B80] =	vst v63  }
0x615: {  	s15 =	simm.s32 $0x2020  }
0x616: {  	[tilespmem:s26], [sflag:$0x5] =	stream.strided.gather [hbm4b:s19+s23], $0x2000, s24, s23, $0x38;
	[tilespmem:$0x18B80] =	vst v63  }
0x617: {  	s16 =	simm.s32 $0x6020;
	v6 =	vld [tilespmem:s15+$0x10]  }
0x618: {  	v7 =	vld [tilespmem:s16+$0x10]  }
0x619: {  	v8 =	vld [tilespmem:s15+$0x0]  }
0x61a: {  	v10 =	vld [tilespmem:s16+$0x0]  }
0x61b: {  	v11 =	vld [tilespmem:s15+$0xFFFFFFF0]  }
0x61c: {  	v9 =	vld [tilespmem:s16+$0xFFFFFFF0]  }
0x61d: {  	v13 =	vld [tilespmem:s15+$0xFFFFFFE0]  }
0x61e: {  	s17 =	simm.s32 $0x2060;
	v15 =	vld [tilespmem:s16+$0xFFFFFFE0]  }
0x61f: {  	v12 =	vsel vm0, $0x1, v1;
	v14 =	vadd.s32 v24, v30;
	v30 =	vld [tilespmem:s17+$0xFFFFFFF0]  }
0x620: {  	v12 =	vadd.s32 v12, v20;
	s14 =	simm.s32 $0x6060;
	v34 =	vld [tilespmem:s17+$0xFFFFFFE0]  }
0x621: {  	v17 =	vshll.u32 v12, $0x4;
	v16 =	vshll.u32 v14, $0x4;
	v35 =	vld [tilespmem:s14+$0xFFFFFFE0]  }
0x622: {  	v17 =	vor.u32 v2, v17;
	v16 =	vor.u32 v2, v16;
	v18 =	vshll.u32 v6, $0xC  }
0x623: {  	v19 =	vshll.u32 v8, $0xC;
	v20 =	vshll.u32 v10, $0xC;
	v21 =	vshll.u32 v7, $0xC  }
0x624: {  	v22 =	vshll.u32 v13, $0xC;
	v23 =	vshll.u32 v11, $0xC;
	v24 =	vshll.u32 v9, $0xC  }
0x625: {  	v25 =	vshll.u32 v15, $0xC;
	v40 =	vshll.u32 v34, $0xC;
	v41 =	vshll.u32 v30, $0xC  }
0x626: {  	v43 =	vshll.u32 v35, $0xC;
	v26 =	vadd.s32 v7, v18;
	v27 =	vadd.s32 v6, v21  }
0x627: {  	v9 =	vadd.s32 v9, v23;
	v28 =	vadd.s32 v10, v19;
	v29 =	vadd.s32 v8, v20  }
0x628: {  	v7 =	vadd.s32 v15, v22;
	v6 =	vadd.s32 v13, v25;
	v8 =	vadd.s32 v11, v24  }
0x629: {  	v10 =	vshrl.u32 v28, $0x13;
	v11 =	vshrl.u32 v26, $0x13;
	v13 =	vshrl.u32 v27, $0x13  }
0x62a: {  	v15 =	vshrl.u32 v9, $0x13;
	v18 =	vshrl.u32 v8, $0x13;
	v19 =	vshrl.u32 v29, $0x13  }
0x62b: {  	v20 =	vshrl.u32 v7, $0x13;
	v21 =	vshrl.u32 v6, $0x13;
	vm3 =	veq.s32 v11, v0  }
0x62c: {  	vm4 =	veq.s32 v10, v0;
	vm1 =	veq.s32 v19, v0;
	vm5 =	veq.s32 v13, v0  }
0x62d: {  	vm0 =	veq.s32 v20, v0;
	vm6 =	veq.s32 v15, v0;
	vm7 =	veq.s32 v18, v0  }
0x62e: {  	v24 =	vld [tilespmem:s14+$0x0];
	vm2 =	veq.s32 v21, v0;
	v10 =	vsel vm4, $0x1, v1;
	v11 =	vsel vm3, $0x1, v1  }
0x62f: {  	v13 =	vsel vm0, $0x1, v1;
	v15 =	vsel vm2, $0x1, v1;
	v18 =	vsel vm6, $0x1, v1  }
0x630: {  	v20 =	vsel vm5, $0x1, v1;
	v16 =	vsel vm0, v16, v4;
	v13 =	vadd.s32 v13, v14  }
0x631: {  	v12 =	vadd.s32 v15, v12;
	v14 =	vsel vm7, $0x1, v1;
	v15 =	vadd.s32 v18, v13  }
0x632: {  	v14 =	vadd.s32 v14, v12;
	v18 =	vsel vm1, $0x1, v1;
	v13 =	vshll.u32 v13, $0x4  }
0x633: {  	v12 =	vshll.u32 v12, $0x4;
	v38 =	vshll.u32 v24, $0xC;
	v10 =	vadd.s32 v10, v15  }
0x634: {  	v18 =	vadd.s32 v18, v14;
	v13 =	vor.u32 v2, v13;
	v12 =	vor.u32 v2, v12  }
0x635: {  	v23 =	vld [tilespmem:s17+$0x0];
	v22 =	vshll.u32 v10, $0x4;
	v25 =	vadd.s32 v11, v10;
	v31 =	vadd.s32 v20, v18  }
0x636: {  	v19 =	vld [tilespmem:s17+$0x10];
	v10 =	vshll.u32 v15, $0x4;
	v11 =	vshll.u32 v14, $0x4;
	v14 =	vshll.u32 v18, $0x4  }
0x637: {  	v21 =	vld [tilespmem:s14+$0x10];
	v15 =	vshll.u32 v25, $0x4;
	v18 =	vshll.u32 v31, $0x4;
	v20 =	vor.u32 v2, v22  }
0x638: {  	v14 =	vor.u32 v2, v14;
	v56 =	vor.u32 v2, v10;
	v33 =	vor.u32 v2, v11  }
0x639: {  	v10 =	vor.u32 v2, v15;
	v11 =	vor.u32 v2, v18;
	v32 =	vsel vm4, v56, v4  }
0x63a: {  	v36 =	vsel vm3, v20, v4;
	v37 =	vsel vm5, v14, v4;
	v20 =	vsel vm6, v13, v4  }
0x63b: {  	v18 =	vsel vm7, v12, v4;
	v33 =	vsel vm1, v33, v4;
	v12 =	vshll.u32 v19, $0xC  }
0x63c: {  	v22 =	vld [tilespmem:s14+$0xFFFFFFF0];
	v14 =	vsel vm2, v17, v4;
	v13 =	vshll.u32 v23, $0xC;
	v15 =	vshll.u32 v21, $0xC  }
0x63d: {  	s15 =	simm.s32 $0xA020;
	v23 =	vadd.s32 v23, v38;
	v17 =	vadd.s32 v21, v12;
	v15 =	vadd.s32 v19, v15  }
0x63e: {  	v39 =	vld [tilespmem:s15+$0x10];
	v12 =	vadd.s32 v24, v13;
	v19 =	vadd.s32 v35, v40;
	v13 =	vadd.s32 v34, v43  }
0x63f: {  	v59 =	vshrl.u32 v23, $0x13;
	v24 =	vshrl.u32 v12, $0x13;
	v61 =	vshrl.u32 v13, $0x13  }
0x640: {  	v60 =	vld [tilespmem:s15+$0x0];
	vm4 =	veq.s32 v59, v0;
	vm6 =	veq.s32 v24, v0;
	vm2 =	veq.s32 v61, v0  }
0x641: {  	v42 =	vshll.u32 v22, $0xC;
	v21 =	vadd.s32 v22, v41;
	v62 =	vsel vm2, $0x1, v1;
	[tilespmem:v36+s2+$0x0] =	vst.idx.msk $0xffff, v26  }
0x642: {  	v22 =	vadd.s32 v30, v42;
	v26 =	vshrl.u32 v17, $0x13;
	v30 =	vshrl.u32 v15, $0x13;
	[tilespmem:v32+s2+$0x0] =	vst.idx.msk $0xffff, v28  }
0x643: {  	v57 =	vshrl.u32 v21, $0x13;
	[tilespmem:v36+s3+$0x0] =	vst.idx.msk $0xffff, v39;
	v58 =	vshrl.u32 v22, $0x13;
	vm7 =	veq.s32 v26, v0  }
0x644: {  	vm0 =	veq.s32 v30, v0;
	vm5 =	veq.s32 v57, v0;
	[tilespmem:v37+s5+$0x0] =	vst.idx.msk $0xffff, v27;
	v27 =	vshrl.u32 v19, $0x13  }
0x645: {  	v28 =	vld [tilespmem:s15+$0xFFFFFFF0];
	v30 =	vsel vm6, $0x1, v1;
	[tilespmem:v32+s3+$0x0] =	vst.idx.msk $0xffff, v60;
	v32 =	vsel vm4, $0x1, v1;
	vm1 =	veq.s32 v27, v0  }
0x646: {  	vm3 =	veq.s32 v58, v0;
	v63 =	vsel vm5, $0x1, v1;
	[tilespmem:v33+s5+$0x0] =	vst.idx.msk $0xffff, v29;
	v26 =	vsel vm1, $0x1, v1  }
0x647: {  	[tilespmem:v37+s6+$0x0] =	vst.idx.msk $0xffff, v39;
	v27 =	vadd.s32 v26, v25;
	v26 =	vadd.s32 v62, v31;
	v25 =	vsel vm3, $0x1, v1  }
0x648: {  	s16 =	simm.s32 $0x4;
	s17 =	simm.s32 $0x20A0;
	v24 =	vsel vm7, $0x1, v1;
	[tilespmem:v33+s6+$0x0] =	vst.idx.msk $0xffff, v60;
	v31 =	vadd.s32 v63, v27;
	v29 =	vadd.s32 v25, v26;
	v25 =	vld [tilespmem:s15+$0xFFFFFFE0]  }
.LBB2_32:
0x649: {  	v33 =	vld [tilespmem:s17+$0x10];
	v30 =	vadd.s32 v30, v31;
	v32 =	vadd.s32 v32, v29;
	v34 =	vsel vm0, $0x1, v1;
	s14 =	sadd.s32 $0x40, s14;
	[tilespmem:v20+s2+$0x0] =	vst.idx.msk $0xffff, v9  }
0x64a: {  	v35 =	vld [tilespmem:s14+$0x10];
	v36 =	vshll.u32 v30, $0x4;
	v37 =	vadd.s32 v24, v30;
	v34 =	vadd.s32 v34, v32;
	[tilespmem:v20+s3+$0x0] =	vst.idx.msk $0xffff, v28  }
0x64b: {  	v29 =	vshll.u32 v29, $0x4;
	v9 =	vmovc v21;
	v20 =	vshll.u32 v31, $0x4;
	v30 =	vshll.u32 v32, $0x4;
	v31 =	vmovc v23;
	v24 =	vld [tilespmem:s17+$0x0];
	[tilespmem:v18+s5+$0x0] =	vst.idx.msk $0xffff, v8  }
0x64c: {  	v27 =	vshll.u32 v27, $0x4;
	v26 =	vshll.u32 v26, $0x4;
	v21 =	vshll.u32 v37, $0x4;
	v8 =	vmovc v22;
	v23 =	vld [tilespmem:s14+$0x0];
	[tilespmem:v18+s6+$0x0] =	vst.idx.msk $0xffff, v28  }
0x64d: {  	v30 =	vor.u32 v2, v30;
	v18 =	vshll.u32 v34, $0x4;
	v28 =	vor.u32 v2, v36;
	v22 =	vld [tilespmem:s17+$0xFFFFFFF0];
	[tilespmem:v16+s2+$0x0] =	vst.idx.msk $0xffff, v7  }
0x64e: {  	s16 =	sadd.s32 $0x4, s16;
	v27 =	vor.u32 v2, v27;
	v29 =	vor.u32 v2, v29;
	v20 =	vor.u32 v2, v20;
	v7 =	vmovc v19;
	v32 =	vld [tilespmem:s14+$0xFFFFFFF0]  }
0x64f: {  	p0 =	slt.u32 s16, $0x1FC;
	v19 =	vor.u32 v2, v21;
	v21 =	vor.u32 v2, v18;
	v18 =	vor.u32 v2, v26;
	v36 =	vld [tilespmem:s17+$0xFFFFFFE0]  }
0x650: {  	v38 =	vsel vm6, v20, v4;
	v30 =	vsel vm0, v30, v4;
	v28 =	vsel vm7, v28, v4;
	v26 =	vld [tilespmem:s14+$0xFFFFFFE0]  }
0x651: {  	v39 =	vsel vm4, v29, v4;
	v20 =	vsel vm5, v27, v4;
	v18 =	vsel vm3, v18, v4  }
0x652: {  	s15 =	sadd.s32 $0x40, s15;
	v29 =	vsel vm2, v11, v4;
	v27 =	vshll.u32 v33, $0xC;
	[tilespmem:v16+s3+$0x0] =	vst.idx.msk $0xffff, v25;
	v16 =	vsel vm1, v10, v4  }
0x653: {  	v11 =	vmovc v21;
	v42 =	vshll.u32 v35, $0xC;
	v40 =	vshll.u32 v24, $0xC;
	v41 =	vshll.u32 v23, $0xC;
	v10 =	vmovc v19;
	v43 =	vld [tilespmem:s15+$0x10];
	[tilespmem:v14+s5+$0x0] =	vst.idx.msk $0xffff, v6  }
0x654: {  	v21 =	vshll.u32 v22, $0xC;
	v44 =	vshll.u32 v32, $0xC;
	v6 =	vmovc v13;
	v19 =	vshll.u32 v36, $0xC;
	[tilespmem:v14+s6+$0x0] =	vst.idx.msk $0xffff, v25;
	v14 =	vmovc v29  }
0x655: {  	v25 =	vadd.s32 v33, v42;
	v13 =	vshll.u32 v26, $0xC;
	[tilespmem:v28+s2+$0x0] =	vst.idx.msk $0xffff, v17;
	v17 =	vadd.s32 v35, v27  }
0x656: {  	v21 =	vadd.s32 v32, v21;
	v27 =	vadd.s32 v23, v40;
	v23 =	vadd.s32 v24, v41  }
0x657: {  	v22 =	vadd.s32 v22, v44;
	v19 =	vadd.s32 v26, v19;
	v13 =	vadd.s32 v36, v13  }
0x658: {  	v29 =	vshrl.u32 v25, $0x13;
	v24 =	vshrl.u32 v27, $0x13;
	v26 =	vshrl.u32 v17, $0x13;
	[tilespmem:v28+s3+$0x0] =	vst.idx.msk $0xffff, v43  }
0x659: {  	v32 =	vshrl.u32 v22, $0x13;
	v33 =	vshrl.u32 v23, $0x13;
	v28 =	vshrl.u32 v21, $0x13;
	v35 =	vld [tilespmem:s15+$0x0];
	[tilespmem:v30+s5+$0x0] =	vst.idx.msk $0xffff, v15;
	v15 =	vmovc v25  }
0x65a: {  	v36 =	vshrl.u32 v13, $0x13;
	vm7 =	veq.s32 v26, v0;
	v25 =	vshrl.u32 v19, $0x13;
	[tilespmem:v30+s6+$0x0] =	vst.idx.msk $0xffff, v43  }
0x65b: {  	vm0 =	veq.s32 v29, v0;
	vm6 =	veq.s32 v24, v0;
	vm4 =	veq.s32 v33, v0  }
.Ltmp15:
0x65c: {  	vm3 =	veq.s32 v32, v0;
	vm5 =	veq.s32 v28, v0;
	vm1 =	veq.s32 v25, v0;
	(pc) =	sbr.rel @p0 .LBB2_32-.Ltmp15, $4  }
0x65d: {  	vm2 =	veq.s32 v36, v0;
	v24 =	vsel vm7, $0x1, v1;
	v30 =	vsel vm6, $0x1, v1;
	v28 =	vld [tilespmem:s15+$0xFFFFFFF0];
	[tilespmem:v38+s2+$0x0] =	vst.idx.msk $0xffff, v12;
	v12 =	vmovc v27  }
0x65e: {  	v26 =	vsel vm2, $0x1, v1;
	v29 =	vsel vm5, $0x1, v1;
	v25 =	vsel vm1, $0x1, v1;
	[tilespmem:v38+s3+$0x0] =	vst.idx.msk $0xffff, v35  }
0x65f: {  	v26 =	vadd.s32 v26, v34;
	v27 =	vadd.s32 v25, v37;
	v25 =	vsel vm3, $0x1, v1;
	[tilespmem:v39+s5+$0x0] =	vst.idx.msk $0xffff, v31  }
0x660: {  	s17 =	sadd.s32 $0x40, s17;
	v32 =	vsel vm4, $0x1, v1;
	v31 =	vadd.s32 v29, v27;
	v29 =	vadd.s32 v25, v26;
	v25 =	vld [tilespmem:s15+$0xFFFFFFE0];
	[tilespmem:v39+s6+$0x0] =	vst.idx.msk $0xffff, v35  }
0x661: {  	_ =	sdelay $0x3  }
0x662: {  	v30 =	vadd.s32 v30, v31;
	[tilespmem:v20+s2+$0x0] =	vst.idx.msk $0xffff, v9  }
0x663: {  	v9 =	vshll.u32 v30, $0x4;
	[tilespmem:v20+s3+$0x0] =	vst.idx.msk $0xffff, v28  }
0x664: {  	v20 =	vadd.s32 v32, v29;
	[tilespmem:v18+s5+$0x0] =	vst.idx.msk $0xffff, v8;
	v8 =	vor.u32 v2, v9  }
0x665: {  	s14 =	sadd.s32 $0x40, s15;
	[tilespmem:v16+s2+$0x0] =	vst.idx.msk $0xffff, v7;
	v9 =	vshll.u32 v20, $0x4;
	v8 =	vsel vm7, v8, v4  }
0x666: {  	v7 =	vld [tilespmem:s14+$0x10];
	[tilespmem:v18+s6+$0x0] =	vst.idx.msk $0xffff, v28;
	v9 =	vor.u32 v2, v9;
	v18 =	vshll.u32 v31, $0x4  }
0x667: {  	v9 =	vsel vm0, v9, v4;
	[tilespmem:v16+s3+$0x0] =	vst.idx.msk $0xffff, v25;
	v16 =	vor.u32 v2, v18  }
0x668: {  	[tilespmem:v14+s5+$0x0] =	vst.idx.msk $0xffff, v6;
	v16 =	vsel vm6, v16, v4  }
0x669: {  	v6 =	vshll.u32 v29, $0x4;
	[tilespmem:v14+s6+$0x0] =	vst.idx.msk $0xffff, v25  }
0x66a: {  	v6 =	vor.u32 v2, v6;
	v14 =	vld [tilespmem:s14+$0x0];
	[tilespmem:v8+s2+$0x0] =	vst.idx.msk $0xffff, v17  }
0x66b: {  	v6 =	vsel vm4, v6, v4;
	[tilespmem:v8+s3+$0x0] =	vst.idx.msk $0xffff, v7  }
0x66c: {  	v17 =	vshll.u32 v27, $0x4;
	[tilespmem:v9+s5+$0x0] =	vst.idx.msk $0xffff, v15  }
0x66d: {  	v10 =	vsel vm1, v10, v4;
	v8 =	vor.u32 v2, v17;
	[tilespmem:v16+s2+$0x0] =	vst.idx.msk $0xffff, v12  }
0x66e: {  	v15 =	vshll.u32 v26, $0x4;
	v8 =	vsel vm5, v8, v4;
	[tilespmem:v9+s6+$0x0] =	vst.idx.msk $0xffff, v7  }
0x66f: {  	v7 =	vor.u32 v2, v15;
	v9 =	vld [tilespmem:s14+$0xFFFFFFF0];
	[tilespmem:v16+s3+$0x0] =	vst.idx.msk $0xffff, v14  }
0x670: {  	v7 =	vsel vm3, v7, v4;
	[tilespmem:v6+s5+$0x0] =	vst.idx.msk $0xffff, v23  }
0x671: {  	[tilespmem:v6+s6+$0x0] =	vst.idx.msk $0xffff, v14  }
0x672: {  	v6 =	vld [tilespmem:s14+$0xFFFFFFE0];
	[tilespmem:v10+s2+$0x0] =	vst.idx.msk $0xffff, v19  }
0x673: {  	v11 =	vsel vm2, v11, v4;
	[tilespmem:v8+s2+$0x0] =	vst.idx.msk $0xffff, v21  }
0x674: {  	[tilespmem:v8+s3+$0x0] =	vst.idx.msk $0xffff, v9  }
0x675: {  	[tilespmem:v7+s5+$0x0] =	vst.idx.msk $0xffff, v22  }
0x676: {  	[tilespmem:v7+s6+$0x0] =	vst.idx.msk $0xffff, v9  }
0x677: {  	[tilespmem:v10+s3+$0x0] =	vst.idx.msk $0xffff, v6  }
0x678: {  	[tilespmem:v11+s5+$0x0] =	vst.idx.msk $0xffff, v13  }
0x679: {  	[tilespmem:v11+s6+$0x0] =	vst.idx.msk $0xffff, v6  }
0x67a: {  	_ =	swait.ge [sflag:s28], $0x2000  }
0x67b: {  	[sflag:s28] =	ssyncset.done $0x0  }
0x67c: {  	[sflag:s28] =	ssyncadd.s32 $0xFFFFE000  }
0x67d: {  	_ =	swait.ge [sflag:s29], $0x2000  }
0x67e: {  	[sflag:s29] =	ssyncset.done $0x0  }
0x67f: {  	[sflag:s29] =	ssyncadd.s32 $0xFFFFE000  }
0x680: {  	_ =	swait.ge [sflag:s30], $0x2000  }
0x681: {  	[sflag:s30] =	ssyncset.done $0x0  }
0x682: {  	[sflag:s30] =	ssyncadd.s32 $0xFFFFE000  }
0x683: {  	[tilespmem:s31], [sflag:$0x2] =	stream.strided.gather [hbm4b:s20+s23], $0x2000, s24, s23, $0x38;
	[tilespmem:$0x18B80] =	vst v63  }
0x684: {  	_ = 	snop  }
0x685: {  	[tilespmem:s0], [sflag:$0x4] =	stream.strided.gather [hbm4b:s21+s23], $0x2000, s24, s23, $0x38;
	[tilespmem:$0x18B80] =	vst v63  }
0x686: {  	s15 =	simm.s32 $0x20  }
0x687: {  	[tilespmem:s1], [sflag:$0x6] =	stream.strided.gather [hbm4b:s22+s23], $0x2000, s24, s23, $0x38;
	[tilespmem:$0x18B80] =	vst v63  }
0x688: {  	s16 =	simm.s32 $0x4020;
	v6 =	vld [tilespmem:s15+$0x10]  }
0x689: {  	v7 =	vld [tilespmem:s16+$0x10]  }
0x68a: {  	v8 =	vld [tilespmem:s15+$0x0]  }
0x68b: {  	v10 =	vld [tilespmem:s16+$0x0]  }
0x68c: {  	v11 =	vld [tilespmem:s15+$0xFFFFFFF0]  }
0x68d: {  	v9 =	vld [tilespmem:s16+$0xFFFFFFF0]  }
0x68e: {  	v13 =	vld [tilespmem:s15+$0xFFFFFFE0]  }
0x68f: {  	s17 =	simm.s32 $0x60;
	v15 =	vld [tilespmem:s16+$0xFFFFFFE0]  }
0x690: {  	v12 =	vsel vm0, $0x1, v1;
	v14 =	vadd.s32 v24, v30;
	v30 =	vld [tilespmem:s17+$0xFFFFFFF0]  }
0x691: {  	v12 =	vadd.s32 v12, v20;
	s14 =	simm.s32 $0x4060;
	v34 =	vld [tilespmem:s17+$0xFFFFFFE0]  }
0x692: {  	v17 =	vshll.u32 v12, $0x4;
	v16 =	vshll.u32 v14, $0x4;
	v35 =	vld [tilespmem:s14+$0xFFFFFFE0]  }
0x693: {  	v17 =	vor.u32 v2, v17;
	v16 =	vor.u32 v2, v16;
	v18 =	vshll.u32 v6, $0xC  }
0x694: {  	v19 =	vshll.u32 v8, $0xC;
	v20 =	vshll.u32 v10, $0xC;
	v21 =	vshll.u32 v7, $0xC  }
0x695: {  	v22 =	vshll.u32 v13, $0xC;
	v23 =	vshll.u32 v11, $0xC;
	v24 =	vshll.u32 v9, $0xC  }
0x696: {  	v25 =	vshll.u32 v15, $0xC;
	v40 =	vshll.u32 v34, $0xC;
	v41 =	vshll.u32 v30, $0xC  }
0x697: {  	v43 =	vshll.u32 v35, $0xC;
	v26 =	vadd.s32 v7, v18;
	v27 =	vadd.s32 v6, v21  }
0x698: {  	v9 =	vadd.s32 v9, v23;
	v28 =	vadd.s32 v10, v19;
	v29 =	vadd.s32 v8, v20  }
0x699: {  	v7 =	vadd.s32 v15, v22;
	v6 =	vadd.s32 v13, v25;
	v8 =	vadd.s32 v11, v24  }
0x69a: {  	v10 =	vshrl.u32 v28, $0x13;
	v11 =	vshrl.u32 v26, $0x13;
	v13 =	vshrl.u32 v27, $0x13  }
0x69b: {  	v15 =	vshrl.u32 v9, $0x13;
	v18 =	vshrl.u32 v8, $0x13;
	v19 =	vshrl.u32 v29, $0x13  }
0x69c: {  	v20 =	vshrl.u32 v7, $0x13;
	v21 =	vshrl.u32 v6, $0x13;
	vm3 =	veq.s32 v11, v0  }
0x69d: {  	vm4 =	veq.s32 v10, v0;
	vm1 =	veq.s32 v19, v0;
	vm5 =	veq.s32 v13, v0  }
0x69e: {  	vm0 =	veq.s32 v20, v0;
	vm6 =	veq.s32 v15, v0;
	vm7 =	veq.s32 v18, v0  }
0x69f: {  	v24 =	vld [tilespmem:s14+$0x0];
	vm2 =	veq.s32 v21, v0;
	v10 =	vsel vm4, $0x1, v1;
	v11 =	vsel vm3, $0x1, v1  }
0x6a0: {  	v13 =	vsel vm0, $0x1, v1;
	v15 =	vsel vm2, $0x1, v1;
	v18 =	vsel vm6, $0x1, v1  }
0x6a1: {  	v20 =	vsel vm5, $0x1, v1;
	v16 =	vsel vm0, v16, v4;
	v13 =	vadd.s32 v13, v14  }
0x6a2: {  	v12 =	vadd.s32 v15, v12;
	v14 =	vsel vm7, $0x1, v1;
	v15 =	vadd.s32 v18, v13  }
0x6a3: {  	v14 =	vadd.s32 v14, v12;
	v18 =	vsel vm1, $0x1, v1;
	v13 =	vshll.u32 v13, $0x4  }
0x6a4: {  	v12 =	vshll.u32 v12, $0x4;
	v38 =	vshll.u32 v24, $0xC;
	v10 =	vadd.s32 v10, v15  }
0x6a5: {  	v18 =	vadd.s32 v18, v14;
	v13 =	vor.u32 v2, v13;
	v12 =	vor.u32 v2, v12  }
0x6a6: {  	v23 =	vld [tilespmem:s17+$0x0];
	v22 =	vshll.u32 v10, $0x4;
	v25 =	vadd.s32 v11, v10;
	v31 =	vadd.s32 v20, v18  }
0x6a7: {  	v19 =	vld [tilespmem:s17+$0x10];
	v10 =	vshll.u32 v15, $0x4;
	v11 =	vshll.u32 v14, $0x4;
	v14 =	vshll.u32 v18, $0x4  }
0x6a8: {  	v21 =	vld [tilespmem:s14+$0x10];
	v15 =	vshll.u32 v25, $0x4;
	v18 =	vshll.u32 v31, $0x4;
	v20 =	vor.u32 v2, v22  }
0x6a9: {  	v14 =	vor.u32 v2, v14;
	v56 =	vor.u32 v2, v10;
	v33 =	vor.u32 v2, v11  }
0x6aa: {  	v10 =	vor.u32 v2, v15;
	v11 =	vor.u32 v2, v18;
	v32 =	vsel vm4, v56, v4  }
0x6ab: {  	v36 =	vsel vm3, v20, v4;
	v37 =	vsel vm5, v14, v4;
	v20 =	vsel vm6, v13, v4  }
0x6ac: {  	v18 =	vsel vm7, v12, v4;
	v33 =	vsel vm1, v33, v4;
	v12 =	vshll.u32 v19, $0xC  }
0x6ad: {  	v22 =	vld [tilespmem:s14+$0xFFFFFFF0];
	v14 =	vsel vm2, v17, v4;
	v13 =	vshll.u32 v23, $0xC;
	v15 =	vshll.u32 v21, $0xC  }
0x6ae: {  	s15 =	simm.s32 $0x8020;
	v23 =	vadd.s32 v23, v38;
	v17 =	vadd.s32 v21, v12;
	v15 =	vadd.s32 v19, v15  }
0x6af: {  	v39 =	vld [tilespmem:s15+$0x10];
	v12 =	vadd.s32 v24, v13;
	v19 =	vadd.s32 v35, v40;
	v13 =	vadd.s32 v34, v43  }
0x6b0: {  	v59 =	vshrl.u32 v23, $0x13;
	v24 =	vshrl.u32 v12, $0x13;
	v61 =	vshrl.u32 v13, $0x13  }
0x6b1: {  	v60 =	vld [tilespmem:s15+$0x0];
	vm4 =	veq.s32 v59, v0;
	vm6 =	veq.s32 v24, v0;
	vm2 =	veq.s32 v61, v0  }
0x6b2: {  	v42 =	vshll.u32 v22, $0xC;
	v21 =	vadd.s32 v22, v41;
	v62 =	vsel vm2, $0x1, v1;
	[tilespmem:v36+s2+$0x0] =	vst.idx.msk $0xffff, v26  }
0x6b3: {  	v22 =	vadd.s32 v30, v42;
	v26 =	vshrl.u32 v17, $0x13;
	v30 =	vshrl.u32 v15, $0x13;
	[tilespmem:v32+s2+$0x0] =	vst.idx.msk $0xffff, v28  }
0x6b4: {  	v57 =	vshrl.u32 v21, $0x13;
	[tilespmem:v36+s3+$0x0] =	vst.idx.msk $0xffff, v39;
	v58 =	vshrl.u32 v22, $0x13;
	vm7 =	veq.s32 v26, v0  }
0x6b5: {  	vm0 =	veq.s32 v30, v0;
	vm5 =	veq.s32 v57, v0;
	[tilespmem:v37+s5+$0x0] =	vst.idx.msk $0xffff, v27;
	v27 =	vshrl.u32 v19, $0x13  }
0x6b6: {  	v28 =	vld [tilespmem:s15+$0xFFFFFFF0];
	v30 =	vsel vm6, $0x1, v1;
	[tilespmem:v32+s3+$0x0] =	vst.idx.msk $0xffff, v60;
	v32 =	vsel vm4, $0x1, v1;
	vm1 =	veq.s32 v27, v0  }
0x6b7: {  	vm3 =	veq.s32 v58, v0;
	v63 =	vsel vm5, $0x1, v1;
	[tilespmem:v33+s5+$0x0] =	vst.idx.msk $0xffff, v29;
	v26 =	vsel vm1, $0x1, v1  }
0x6b8: {  	[tilespmem:v37+s6+$0x0] =	vst.idx.msk $0xffff, v39;
	v27 =	vadd.s32 v26, v25;
	v26 =	vadd.s32 v62, v31;
	v25 =	vsel vm3, $0x1, v1  }
0x6b9: {  	s16 =	simm.s32 $0x4;
	s17 =	simm.s32 $0xA0;
	v24 =	vsel vm7, $0x1, v1;
	[tilespmem:v33+s6+$0x0] =	vst.idx.msk $0xffff, v60;
	v31 =	vadd.s32 v63, v27;
	v29 =	vadd.s32 v25, v26;
	v25 =	vld [tilespmem:s15+$0xFFFFFFE0]  }
.LBB2_34:
0x6ba: {  	v33 =	vld [tilespmem:s17+$0x10];
	v30 =	vadd.s32 v30, v31;
	v32 =	vadd.s32 v32, v29;
	v34 =	vsel vm0, $0x1, v1;
	s14 =	sadd.s32 $0x40, s14;
	[tilespmem:v20+s2+$0x0] =	vst.idx.msk $0xffff, v9  }
0x6bb: {  	v35 =	vld [tilespmem:s14+$0x10];
	v36 =	vshll.u32 v30, $0x4;
	v37 =	vadd.s32 v24, v30;
	v34 =	vadd.s32 v34, v32;
	[tilespmem:v20+s3+$0x0] =	vst.idx.msk $0xffff, v28  }
0x6bc: {  	v29 =	vshll.u32 v29, $0x4;
	v9 =	vmovc v21;
	v20 =	vshll.u32 v31, $0x4;
	v30 =	vshll.u32 v32, $0x4;
	v31 =	vmovc v23;
	v24 =	vld [tilespmem:s17+$0x0];
	[tilespmem:v18+s5+$0x0] =	vst.idx.msk $0xffff, v8  }
0x6bd: {  	v27 =	vshll.u32 v27, $0x4;
	v26 =	vshll.u32 v26, $0x4;
	v21 =	vshll.u32 v37, $0x4;
	v8 =	vmovc v22;
	v23 =	vld [tilespmem:s14+$0x0];
	[tilespmem:v18+s6+$0x0] =	vst.idx.msk $0xffff, v28  }
0x6be: {  	v30 =	vor.u32 v2, v30;
	v18 =	vshll.u32 v34, $0x4;
	v28 =	vor.u32 v2, v36;
	v22 =	vld [tilespmem:s17+$0xFFFFFFF0];
	[tilespmem:v16+s2+$0x0] =	vst.idx.msk $0xffff, v7  }
0x6bf: {  	s16 =	sadd.s32 $0x4, s16;
	v27 =	vor.u32 v2, v27;
	v29 =	vor.u32 v2, v29;
	v20 =	vor.u32 v2, v20;
	v7 =	vmovc v19;
	v32 =	vld [tilespmem:s14+$0xFFFFFFF0]  }
0x6c0: {  	p0 =	slt.u32 s16, $0x1FC;
	v19 =	vor.u32 v2, v21;
	v21 =	vor.u32 v2, v18;
	v18 =	vor.u32 v2, v26;
	v36 =	vld [tilespmem:s17+$0xFFFFFFE0]  }
0x6c1: {  	v38 =	vsel vm6, v20, v4;
	v30 =	vsel vm0, v30, v4;
	v28 =	vsel vm7, v28, v4;
	v26 =	vld [tilespmem:s14+$0xFFFFFFE0]  }
0x6c2: {  	v39 =	vsel vm4, v29, v4;
	v20 =	vsel vm5, v27, v4;
	v18 =	vsel vm3, v18, v4  }
0x6c3: {  	s15 =	sadd.s32 $0x40, s15;
	v29 =	vsel vm2, v11, v4;
	v27 =	vshll.u32 v33, $0xC;
	[tilespmem:v16+s3+$0x0] =	vst.idx.msk $0xffff, v25;
	v16 =	vsel vm1, v10, v4  }
0x6c4: {  	v11 =	vmovc v21;
	v42 =	vshll.u32 v35, $0xC;
	v40 =	vshll.u32 v24, $0xC;
	v41 =	vshll.u32 v23, $0xC;
	v10 =	vmovc v19;
	v43 =	vld [tilespmem:s15+$0x10];
	[tilespmem:v14+s5+$0x0] =	vst.idx.msk $0xffff, v6  }
0x6c5: {  	v21 =	vshll.u32 v22, $0xC;
	v44 =	vshll.u32 v32, $0xC;
	v6 =	vmovc v13;
	v19 =	vshll.u32 v36, $0xC;
	[tilespmem:v14+s6+$0x0] =	vst.idx.msk $0xffff, v25;
	v14 =	vmovc v29  }
0x6c6: {  	v25 =	vadd.s32 v33, v42;
	v13 =	vshll.u32 v26, $0xC;
	[tilespmem:v28+s2+$0x0] =	vst.idx.msk $0xffff, v17;
	v17 =	vadd.s32 v35, v27  }
0x6c7: {  	v21 =	vadd.s32 v32, v21;
	v27 =	vadd.s32 v23, v40;
	v23 =	vadd.s32 v24, v41  }
0x6c8: {  	v22 =	vadd.s32 v22, v44;
	v19 =	vadd.s32 v26, v19;
	v13 =	vadd.s32 v36, v13  }
0x6c9: {  	v29 =	vshrl.u32 v25, $0x13;
	v24 =	vshrl.u32 v27, $0x13;
	v26 =	vshrl.u32 v17, $0x13;
	[tilespmem:v28+s3+$0x0] =	vst.idx.msk $0xffff, v43  }
0x6ca: {  	v32 =	vshrl.u32 v22, $0x13;
	v33 =	vshrl.u32 v23, $0x13;
	v28 =	vshrl.u32 v21, $0x13;
	v35 =	vld [tilespmem:s15+$0x0];
	[tilespmem:v30+s5+$0x0] =	vst.idx.msk $0xffff, v15;
	v15 =	vmovc v25  }
0x6cb: {  	v36 =	vshrl.u32 v13, $0x13;
	vm7 =	veq.s32 v26, v0;
	v25 =	vshrl.u32 v19, $0x13;
	[tilespmem:v30+s6+$0x0] =	vst.idx.msk $0xffff, v43  }
0x6cc: {  	vm0 =	veq.s32 v29, v0;
	vm6 =	veq.s32 v24, v0;
	vm4 =	veq.s32 v33, v0  }
.Ltmp16:
0x6cd: {  	vm3 =	veq.s32 v32, v0;
	vm5 =	veq.s32 v28, v0;
	vm1 =	veq.s32 v25, v0;
	(pc) =	sbr.rel @p0 .LBB2_34-.Ltmp16, $4  }
0x6ce: {  	vm2 =	veq.s32 v36, v0;
	v24 =	vsel vm7, $0x1, v1;
	v30 =	vsel vm6, $0x1, v1;
	v28 =	vld [tilespmem:s15+$0xFFFFFFF0];
	[tilespmem:v38+s2+$0x0] =	vst.idx.msk $0xffff, v12;
	v12 =	vmovc v27  }
0x6cf: {  	v26 =	vsel vm2, $0x1, v1;
	v29 =	vsel vm5, $0x1, v1;
	v25 =	vsel vm1, $0x1, v1;
	[tilespmem:v38+s3+$0x0] =	vst.idx.msk $0xffff, v35  }
0x6d0: {  	v26 =	vadd.s32 v26, v34;
	v27 =	vadd.s32 v25, v37;
	v25 =	vsel vm3, $0x1, v1;
	[tilespmem:v39+s5+$0x0] =	vst.idx.msk $0xffff, v31  }
0x6d1: {  	s17 =	sadd.s32 $0x40, s17;
	v32 =	vsel vm4, $0x1, v1;
	v31 =	vadd.s32 v29, v27;
	v29 =	vadd.s32 v25, v26;
	v25 =	vld [tilespmem:s15+$0xFFFFFFE0];
	[tilespmem:v39+s6+$0x0] =	vst.idx.msk $0xffff, v35  }
0x6d2: {  	_ =	sdelay $0x3  }
0x6d3: {  	v30 =	vadd.s32 v30, v31;
	[tilespmem:v20+s2+$0x0] =	vst.idx.msk $0xffff, v9  }
0x6d4: {  	v9 =	vshll.u32 v30, $0x4;
	[tilespmem:v20+s3+$0x0] =	vst.idx.msk $0xffff, v28  }
0x6d5: {  	v20 =	vadd.s32 v32, v29;
	[tilespmem:v18+s5+$0x0] =	vst.idx.msk $0xffff, v8;
	v8 =	vor.u32 v2, v9  }
0x6d6: {  	s14 =	sadd.s32 $0x40, s15;
	[tilespmem:v16+s2+$0x0] =	vst.idx.msk $0xffff, v7;
	v9 =	vshll.u32 v20, $0x4;
	v8 =	vsel vm7, v8, v4  }
0x6d7: {  	v7 =	vld [tilespmem:s14+$0x10];
	[tilespmem:v18+s6+$0x0] =	vst.idx.msk $0xffff, v28;
	v9 =	vor.u32 v2, v9;
	v18 =	vshll.u32 v31, $0x4  }
0x6d8: {  	v9 =	vsel vm0, v9, v4;
	[tilespmem:v16+s3+$0x0] =	vst.idx.msk $0xffff, v25;
	v16 =	vor.u32 v2, v18  }
0x6d9: {  	[tilespmem:v14+s5+$0x0] =	vst.idx.msk $0xffff, v6;
	v16 =	vsel vm6, v16, v4  }
0x6da: {  	v6 =	vshll.u32 v29, $0x4;
	[tilespmem:v14+s6+$0x0] =	vst.idx.msk $0xffff, v25  }
0x6db: {  	v6 =	vor.u32 v2, v6;
	v14 =	vld [tilespmem:s14+$0x0];
	[tilespmem:v8+s2+$0x0] =	vst.idx.msk $0xffff, v17  }
0x6dc: {  	v6 =	vsel vm4, v6, v4;
	[tilespmem:v8+s3+$0x0] =	vst.idx.msk $0xffff, v7  }
0x6dd: {  	v17 =	vshll.u32 v27, $0x4;
	[tilespmem:v9+s5+$0x0] =	vst.idx.msk $0xffff, v15  }
0x6de: {  	v10 =	vsel vm1, v10, v4;
	v8 =	vor.u32 v2, v17;
	[tilespmem:v16+s2+$0x0] =	vst.idx.msk $0xffff, v12  }
0x6df: {  	v15 =	vshll.u32 v26, $0x4;
	v8 =	vsel vm5, v8, v4;
	[tilespmem:v9+s6+$0x0] =	vst.idx.msk $0xffff, v7  }
0x6e0: {  	v7 =	vor.u32 v2, v15;
	v9 =	vld [tilespmem:s14+$0xFFFFFFF0];
	[tilespmem:v16+s3+$0x0] =	vst.idx.msk $0xffff, v14  }
0x6e1: {  	v7 =	vsel vm3, v7, v4;
	[tilespmem:v6+s5+$0x0] =	vst.idx.msk $0xffff, v23  }
0x6e2: {  	[tilespmem:v6+s6+$0x0] =	vst.idx.msk $0xffff, v14  }
0x6e3: {  	v6 =	vld [tilespmem:s14+$0xFFFFFFE0];
	[tilespmem:v10+s2+$0x0] =	vst.idx.msk $0xffff, v19  }
0x6e4: {  	v11 =	vsel vm2, v11, v4;
	[tilespmem:v8+s2+$0x0] =	vst.idx.msk $0xffff, v21  }
0x6e5: {  	[tilespmem:v8+s3+$0x0] =	vst.idx.msk $0xffff, v9  }
0x6e6: {  	[tilespmem:v7+s5+$0x0] =	vst.idx.msk $0xffff, v22  }
0x6e7: {  	[tilespmem:v7+s6+$0x0] =	vst.idx.msk $0xffff, v9  }
0x6e8: {  	[tilespmem:v10+s3+$0x0] =	vst.idx.msk $0xffff, v6  }
0x6e9: {  	[tilespmem:v11+s5+$0x0] =	vst.idx.msk $0xffff, v13  }
0x6ea: {  	[tilespmem:v11+s6+$0x0] =	vst.idx.msk $0xffff, v6  }
0x6eb: {  	_ =	swait.ge [sflag:s7], $0x2000  }
0x6ec: {  	[sflag:s7] =	ssyncset.done $0x0  }
0x6ed: {  	[sflag:s7] =	ssyncadd.s32 $0xFFFFE000  }
0x6ee: {  	_ =	swait.ge [sflag:s8], $0x2000  }
0x6ef: {  	[sflag:s8] =	ssyncset.done $0x0  }
0x6f0: {  	[sflag:s8] =	ssyncadd.s32 $0xFFFFE000  }
0x6f1: {  	_ =	swait.ge [sflag:s9], $0x2000  }
0x6f2: {  	[sflag:s9] =	ssyncset.done $0x0  }
0x6f3: {  	s15 =	simm.s32 $0x2020;
	[sflag:s9] =	ssyncadd.s32 $0xFFFFE000  }
0x6f4: {  	s16 =	simm.s32 $0x6020;
	v6 =	vld [tilespmem:s15+$0x10]  }
0x6f5: {  	v7 =	vld [tilespmem:s16+$0x10]  }
0x6f6: {  	v8 =	vld [tilespmem:s15+$0x0]  }
0x6f7: {  	v10 =	vld [tilespmem:s16+$0x0]  }
0x6f8: {  	v11 =	vld [tilespmem:s15+$0xFFFFFFF0]  }
0x6f9: {  	v9 =	vld [tilespmem:s16+$0xFFFFFFF0]  }
0x6fa: {  	v13 =	vld [tilespmem:s15+$0xFFFFFFE0]  }
0x6fb: {  	s17 =	simm.s32 $0x2060;
	v15 =	vld [tilespmem:s16+$0xFFFFFFE0]  }
0x6fc: {  	v12 =	vsel vm0, $0x1, v1;
	v14 =	vadd.s32 v24, v30;
	v30 =	vld [tilespmem:s17+$0xFFFFFFF0]  }
0x6fd: {  	v12 =	vadd.s32 v12, v20;
	s14 =	simm.s32 $0x6060;
	v34 =	vld [tilespmem:s17+$0xFFFFFFE0]  }
0x6fe: {  	v17 =	vshll.u32 v12, $0x4;
	v16 =	vshll.u32 v14, $0x4;
	v35 =	vld [tilespmem:s14+$0xFFFFFFE0]  }
0x6ff: {  	v17 =	vor.u32 v2, v17;
	v16 =	vor.u32 v2, v16;
	v18 =	vshll.u32 v6, $0xC  }
0x700: {  	v19 =	vshll.u32 v8, $0xC;
	v20 =	vshll.u32 v10, $0xC;
	v21 =	vshll.u32 v7, $0xC  }
0x701: {  	v22 =	vshll.u32 v13, $0xC;
	v23 =	vshll.u32 v11, $0xC;
	v24 =	vshll.u32 v9, $0xC  }
0x702: {  	v25 =	vshll.u32 v15, $0xC;
	v40 =	vshll.u32 v34, $0xC;
	v41 =	vshll.u32 v30, $0xC  }
0x703: {  	v43 =	vshll.u32 v35, $0xC;
	v26 =	vadd.s32 v7, v18;
	v27 =	vadd.s32 v6, v21  }
0x704: {  	v9 =	vadd.s32 v9, v23;
	v28 =	vadd.s32 v10, v19;
	v29 =	vadd.s32 v8, v20  }
0x705: {  	v7 =	vadd.s32 v15, v22;
	v6 =	vadd.s32 v13, v25;
	v8 =	vadd.s32 v11, v24  }
0x706: {  	v10 =	vshrl.u32 v28, $0x13;
	v11 =	vshrl.u32 v26, $0x13;
	v13 =	vshrl.u32 v27, $0x13  }
0x707: {  	v15 =	vshrl.u32 v9, $0x13;
	v18 =	vshrl.u32 v8, $0x13;
	v19 =	vshrl.u32 v29, $0x13  }
0x708: {  	v20 =	vshrl.u32 v7, $0x13;
	v21 =	vshrl.u32 v6, $0x13;
	vm3 =	veq.s32 v11, v0  }
0x709: {  	vm4 =	veq.s32 v10, v0;
	vm1 =	veq.s32 v19, v0;
	vm5 =	veq.s32 v13, v0  }
0x70a: {  	vm0 =	veq.s32 v20, v0;
	vm6 =	veq.s32 v15, v0;
	vm7 =	veq.s32 v18, v0  }
0x70b: {  	v24 =	vld [tilespmem:s14+$0x0];
	vm2 =	veq.s32 v21, v0;
	v10 =	vsel vm4, $0x1, v1;
	v11 =	vsel vm3, $0x1, v1  }
0x70c: {  	v13 =	vsel vm0, $0x1, v1;
	v15 =	vsel vm2, $0x1, v1;
	v18 =	vsel vm6, $0x1, v1  }
0x70d: {  	v20 =	vsel vm5, $0x1, v1;
	v16 =	vsel vm0, v16, v4;
	v13 =	vadd.s32 v13, v14  }
0x70e: {  	v12 =	vadd.s32 v15, v12;
	v14 =	vsel vm7, $0x1, v1;
	v15 =	vadd.s32 v18, v13  }
0x70f: {  	v14 =	vadd.s32 v14, v12;
	v18 =	vsel vm1, $0x1, v1;
	v13 =	vshll.u32 v13, $0x4  }
0x710: {  	v12 =	vshll.u32 v12, $0x4;
	v38 =	vshll.u32 v24, $0xC;
	v10 =	vadd.s32 v10, v15  }
0x711: {  	v18 =	vadd.s32 v18, v14;
	v13 =	vor.u32 v2, v13;
	v12 =	vor.u32 v2, v12  }
0x712: {  	v23 =	vld [tilespmem:s17+$0x0];
	v22 =	vshll.u32 v10, $0x4;
	v25 =	vadd.s32 v11, v10;
	v31 =	vadd.s32 v20, v18  }
0x713: {  	v19 =	vld [tilespmem:s17+$0x10];
	v10 =	vshll.u32 v15, $0x4;
	v11 =	vshll.u32 v14, $0x4;
	v14 =	vshll.u32 v18, $0x4  }
0x714: {  	v21 =	vld [tilespmem:s14+$0x10];
	v15 =	vshll.u32 v25, $0x4;
	v18 =	vshll.u32 v31, $0x4;
	v20 =	vor.u32 v2, v22  }
0x715: {  	v14 =	vor.u32 v2, v14;
	v56 =	vor.u32 v2, v10;
	v33 =	vor.u32 v2, v11  }
0x716: {  	v10 =	vor.u32 v2, v15;
	v11 =	vor.u32 v2, v18;
	v32 =	vsel vm4, v56, v4  }
0x717: {  	v36 =	vsel vm3, v20, v4;
	v37 =	vsel vm5, v14, v4;
	v20 =	vsel vm6, v13, v4  }
0x718: {  	v18 =	vsel vm7, v12, v4;
	v33 =	vsel vm1, v33, v4;
	v12 =	vshll.u32 v19, $0xC  }
0x719: {  	v22 =	vld [tilespmem:s14+$0xFFFFFFF0];
	v14 =	vsel vm2, v17, v4;
	v13 =	vshll.u32 v23, $0xC;
	v15 =	vshll.u32 v21, $0xC  }
0x71a: {  	s15 =	simm.s32 $0xA020;
	v23 =	vadd.s32 v23, v38;
	v17 =	vadd.s32 v21, v12;
	v15 =	vadd.s32 v19, v15  }
0x71b: {  	v39 =	vld [tilespmem:s15+$0x10];
	v12 =	vadd.s32 v24, v13;
	v19 =	vadd.s32 v35, v40;
	v13 =	vadd.s32 v34, v43  }
0x71c: {  	v59 =	vshrl.u32 v23, $0x13;
	v24 =	vshrl.u32 v12, $0x13;
	v61 =	vshrl.u32 v13, $0x13  }
0x71d: {  	v60 =	vld [tilespmem:s15+$0x0];
	vm4 =	veq.s32 v59, v0;
	vm6 =	veq.s32 v24, v0;
	vm2 =	veq.s32 v61, v0  }
0x71e: {  	v42 =	vshll.u32 v22, $0xC;
	v21 =	vadd.s32 v22, v41;
	v62 =	vsel vm2, $0x1, v1;
	[tilespmem:v36+s2+$0x0] =	vst.idx.msk $0xffff, v26  }
0x71f: {  	v22 =	vadd.s32 v30, v42;
	v26 =	vshrl.u32 v17, $0x13;
	v30 =	vshrl.u32 v15, $0x13;
	[tilespmem:v32+s2+$0x0] =	vst.idx.msk $0xffff, v28  }
0x720: {  	v57 =	vshrl.u32 v21, $0x13;
	[tilespmem:v36+s3+$0x0] =	vst.idx.msk $0xffff, v39;
	v58 =	vshrl.u32 v22, $0x13;
	vm7 =	veq.s32 v26, v0  }
0x721: {  	vm0 =	veq.s32 v30, v0;
	vm5 =	veq.s32 v57, v0;
	[tilespmem:v37+s5+$0x0] =	vst.idx.msk $0xffff, v27;
	v27 =	vshrl.u32 v19, $0x13  }
0x722: {  	v28 =	vld [tilespmem:s15+$0xFFFFFFF0];
	v30 =	vsel vm6, $0x1, v1;
	[tilespmem:v32+s3+$0x0] =	vst.idx.msk $0xffff, v60;
	v32 =	vsel vm4, $0x1, v1;
	vm1 =	veq.s32 v27, v0  }
0x723: {  	vm3 =	veq.s32 v58, v0;
	v63 =	vsel vm5, $0x1, v1;
	[tilespmem:v33+s5+$0x0] =	vst.idx.msk $0xffff, v29;
	v26 =	vsel vm1, $0x1, v1  }
0x724: {  	[tilespmem:v37+s6+$0x0] =	vst.idx.msk $0xffff, v39;
	v27 =	vadd.s32 v26, v25;
	v26 =	vadd.s32 v62, v31;
	v25 =	vsel vm3, $0x1, v1  }
0x725: {  	s16 =	simm.s32 $0x4;
	s17 =	simm.s32 $0x20A0;
	v24 =	vsel vm7, $0x1, v1;
	[tilespmem:v33+s6+$0x0] =	vst.idx.msk $0xffff, v60;
	v31 =	vadd.s32 v63, v27;
	v29 =	vadd.s32 v25, v26;
	v25 =	vld [tilespmem:s15+$0xFFFFFFE0]  }
.LBB2_36:
0x726: {  	v33 =	vld [tilespmem:s17+$0x10];
	v30 =	vadd.s32 v30, v31;
	v32 =	vadd.s32 v32, v29;
	v34 =	vsel vm0, $0x1, v1;
	s14 =	sadd.s32 $0x40, s14;
	[tilespmem:v20+s2+$0x0] =	vst.idx.msk $0xffff, v9  }
0x727: {  	v35 =	vld [tilespmem:s14+$0x10];
	v36 =	vshll.u32 v30, $0x4;
	v37 =	vadd.s32 v24, v30;
	v34 =	vadd.s32 v34, v32;
	[tilespmem:v20+s3+$0x0] =	vst.idx.msk $0xffff, v28  }
0x728: {  	v29 =	vshll.u32 v29, $0x4;
	v9 =	vmovc v21;
	v20 =	vshll.u32 v31, $0x4;
	v30 =	vshll.u32 v32, $0x4;
	v31 =	vmovc v23;
	v24 =	vld [tilespmem:s17+$0x0];
	[tilespmem:v18+s5+$0x0] =	vst.idx.msk $0xffff, v8  }
0x729: {  	v27 =	vshll.u32 v27, $0x4;
	v26 =	vshll.u32 v26, $0x4;
	v21 =	vshll.u32 v37, $0x4;
	v8 =	vmovc v22;
	v23 =	vld [tilespmem:s14+$0x0];
	[tilespmem:v18+s6+$0x0] =	vst.idx.msk $0xffff, v28  }
0x72a: {  	v30 =	vor.u32 v2, v30;
	v18 =	vshll.u32 v34, $0x4;
	v28 =	vor.u32 v2, v36;
	v22 =	vld [tilespmem:s17+$0xFFFFFFF0];
	[tilespmem:v16+s2+$0x0] =	vst.idx.msk $0xffff, v7  }
0x72b: {  	s16 =	sadd.s32 $0x4, s16;
	v27 =	vor.u32 v2, v27;
	v29 =	vor.u32 v2, v29;
	v20 =	vor.u32 v2, v20;
	v7 =	vmovc v19;
	v32 =	vld [tilespmem:s14+$0xFFFFFFF0]  }
0x72c: {  	p0 =	slt.u32 s16, $0x1FC;
	v19 =	vor.u32 v2, v21;
	v21 =	vor.u32 v2, v18;
	v18 =	vor.u32 v2, v26;
	v36 =	vld [tilespmem:s17+$0xFFFFFFE0]  }
0x72d: {  	v38 =	vsel vm6, v20, v4;
	v30 =	vsel vm0, v30, v4;
	v28 =	vsel vm7, v28, v4;
	v26 =	vld [tilespmem:s14+$0xFFFFFFE0]  }
0x72e: {  	v39 =	vsel vm4, v29, v4;
	v20 =	vsel vm5, v27, v4;
	v18 =	vsel vm3, v18, v4  }
0x72f: {  	s15 =	sadd.s32 $0x40, s15;
	v29 =	vsel vm2, v11, v4;
	v27 =	vshll.u32 v33, $0xC;
	[tilespmem:v16+s3+$0x0] =	vst.idx.msk $0xffff, v25;
	v16 =	vsel vm1, v10, v4  }
0x730: {  	v11 =	vmovc v21;
	v42 =	vshll.u32 v35, $0xC;
	v40 =	vshll.u32 v24, $0xC;
	v41 =	vshll.u32 v23, $0xC;
	v10 =	vmovc v19;
	v43 =	vld [tilespmem:s15+$0x10];
	[tilespmem:v14+s5+$0x0] =	vst.idx.msk $0xffff, v6  }
0x731: {  	v21 =	vshll.u32 v22, $0xC;
	v44 =	vshll.u32 v32, $0xC;
	v6 =	vmovc v13;
	v19 =	vshll.u32 v36, $0xC;
	[tilespmem:v14+s6+$0x0] =	vst.idx.msk $0xffff, v25;
	v14 =	vmovc v29  }
0x732: {  	v25 =	vadd.s32 v33, v42;
	v13 =	vshll.u32 v26, $0xC;
	[tilespmem:v28+s2+$0x0] =	vst.idx.msk $0xffff, v17;
	v17 =	vadd.s32 v35, v27  }
0x733: {  	v21 =	vadd.s32 v32, v21;
	v27 =	vadd.s32 v23, v40;
	v23 =	vadd.s32 v24, v41  }
0x734: {  	v22 =	vadd.s32 v22, v44;
	v19 =	vadd.s32 v26, v19;
	v13 =	vadd.s32 v36, v13  }
0x735: {  	v29 =	vshrl.u32 v25, $0x13;
	v24 =	vshrl.u32 v27, $0x13;
	v26 =	vshrl.u32 v17, $0x13;
	[tilespmem:v28+s3+$0x0] =	vst.idx.msk $0xffff, v43  }
0x736: {  	v32 =	vshrl.u32 v22, $0x13;
	v33 =	vshrl.u32 v23, $0x13;
	v28 =	vshrl.u32 v21, $0x13;
	v35 =	vld [tilespmem:s15+$0x0];
	[tilespmem:v30+s5+$0x0] =	vst.idx.msk $0xffff, v15;
	v15 =	vmovc v25  }
0x737: {  	v36 =	vshrl.u32 v13, $0x13;
	vm7 =	veq.s32 v26, v0;
	v25 =	vshrl.u32 v19, $0x13;
	[tilespmem:v30+s6+$0x0] =	vst.idx.msk $0xffff, v43  }
0x738: {  	vm0 =	veq.s32 v29, v0;
	vm6 =	veq.s32 v24, v0;
	vm4 =	veq.s32 v33, v0  }
.Ltmp17:
0x739: {  	vm3 =	veq.s32 v32, v0;
	vm5 =	veq.s32 v28, v0;
	vm1 =	veq.s32 v25, v0;
	(pc) =	sbr.rel @p0 .LBB2_36-.Ltmp17, $4  }
0x73a: {  	vm2 =	veq.s32 v36, v0;
	v24 =	vsel vm7, $0x1, v1;
	v30 =	vsel vm6, $0x1, v1;
	v28 =	vld [tilespmem:s15+$0xFFFFFFF0];
	[tilespmem:v38+s2+$0x0] =	vst.idx.msk $0xffff, v12;
	v12 =	vmovc v27  }
0x73b: {  	v26 =	vsel vm2, $0x1, v1;
	v29 =	vsel vm5, $0x1, v1;
	v25 =	vsel vm1, $0x1, v1;
	[tilespmem:v38+s3+$0x0] =	vst.idx.msk $0xffff, v35  }
0x73c: {  	v26 =	vadd.s32 v26, v34;
	v27 =	vadd.s32 v25, v37;
	v25 =	vsel vm3, $0x1, v1;
	[tilespmem:v39+s5+$0x0] =	vst.idx.msk $0xffff, v31  }
0x73d: {  	s17 =	sadd.s32 $0x40, s17;
	v32 =	vsel vm4, $0x1, v1;
	v31 =	vadd.s32 v29, v27;
	v29 =	vadd.s32 v25, v26;
	v25 =	vld [tilespmem:s15+$0xFFFFFFE0];
	[tilespmem:v39+s6+$0x0] =	vst.idx.msk $0xffff, v35  }
0x73e: {  	_ =	sdelay $0x3  }
0x73f: {  	v30 =	vadd.s32 v30, v31;
	[tilespmem:v20+s2+$0x0] =	vst.idx.msk $0xffff, v9  }
0x740: {  	[tilespmem:v16+s2+$0x0] =	vst.idx.msk $0xffff, v7;
	v52 =	vshll.u32 v30, $0x4  }
0x741: {  	[tilespmem:v20+s3+$0x0] =	vst.idx.msk $0xffff, v28;
	v54 =	vor.u32 v2, v52  }
0x742: {  	v53 =	vadd.s32 v32, v29;
	s14 =	sadd.s32 $0x40, s15;
	v56 =	vshll.u32 v31, $0x4;
	[tilespmem:v18+s5+$0x0] =	vst.idx.msk $0xffff, v8;
	v8 =	vsel vm7, v54, v4  }
0x743: {  	v55 =	vshll.u32 v53, $0x4;
	v7 =	vld [tilespmem:s14+$0x10];
	v57 =	vor.u32 v2, v56;
	[tilespmem:v18+s6+$0x0] =	vst.idx.msk $0xffff, v28  }
0x744: {  	v9 =	vor.u32 v2, v55;
	[tilespmem:v16+s3+$0x0] =	vst.idx.msk $0xffff, v25;
	v16 =	vsel vm6, v57, v4  }
0x745: {  	v9 =	vsel vm0, v9, v4;
	[tilespmem:v14+s5+$0x0] =	vst.idx.msk $0xffff, v6  }
0x746: {  	v58 =	vld [tilespmem:s14+$0x0];
	v6 =	vshll.u32 v29, $0x4;
	[tilespmem:v14+s6+$0x0] =	vst.idx.msk $0xffff, v25  }
0x747: {  	v6 =	vor.u32 v2, v6;
	[tilespmem:v8+s2+$0x0] =	vst.idx.msk $0xffff, v17  }
0x748: {  	v6 =	vsel vm4, v6, v4;
	[tilespmem:v8+s3+$0x0] =	vst.idx.msk $0xffff, v7  }
0x749: {  	v59 =	vshll.u32 v27, $0x4;
	[tilespmem:v16+s2+$0x0] =	vst.idx.msk $0xffff, v12  }
0x74a: {  	v10 =	vsel vm1, v10, v4;
	v60 =	vor.u32 v2, v59;
	[tilespmem:v9+s5+$0x0] =	vst.idx.msk $0xffff, v15  }
0x74b: {  	v61 =	vshll.u32 v26, $0x4;
	v8 =	vsel vm5, v60, v4;
	[tilespmem:v16+s3+$0x0] =	vst.idx.msk $0xffff, v58  }
0x74c: {  	v62 =	vld [tilespmem:s14+$0xFFFFFFF0];
	[tilespmem:v9+s6+$0x0] =	vst.idx.msk $0xffff, v7;
	v7 =	vor.u32 v2, v61  }
0x74d: {  	v7 =	vsel vm3, v7, v4;
	[tilespmem:v6+s5+$0x0] =	vst.idx.msk $0xffff, v23  }
0x74e: {  	[tilespmem:v6+s6+$0x0] =	vst.idx.msk $0xffff, v58  }
0x74f: {  	v6 =	vld [tilespmem:s14+$0xFFFFFFE0];
	[tilespmem:v10+s2+$0x0] =	vst.idx.msk $0xffff, v19  }
0x750: {  	v11 =	vsel vm2, v11, v4;
	[tilespmem:v8+s2+$0x0] =	vst.idx.msk $0xffff, v21  }
0x751: {  	[tilespmem:v8+s3+$0x0] =	vst.idx.msk $0xffff, v62  }
0x752: {  	[tilespmem:v7+s5+$0x0] =	vst.idx.msk $0xffff, v22  }
0x753: {  	[tilespmem:v7+s6+$0x0] =	vst.idx.msk $0xffff, v62  }
0x754: {  	[tilespmem:v10+s3+$0x0] =	vst.idx.msk $0xffff, v6  }
0x755: {  	[tilespmem:v11+s5+$0x0] =	vst.idx.msk $0xffff, v13  }
0x756: {  	v63 =	vadd.s32 v24, v30;
	v7 =	vsel vm0, $0x1, v1;
	[tilespmem:v11+s6+$0x0] =	vst.idx.msk $0xffff, v6  }
0x757: {  	s15 =	simm.s32 $0x120F0;
	v6 =	vadd.s32 v7, v53;
	[tilespmem:$0x18B00] =	vst v63  }
0x758: {  	s16 =	simm.s32 $0x14170;
	s17 =	simm.s32 $0x1FF;
	s14 =	simm.s32 $0x1FF;
	[tilespmem:$0x18B10] =	vst v6  }
.LBB2_38:
0x759: {  	v7 =	vld [tilespmem:s15+$0x0];
	_ =	sdelay $0x4  }
0x75a: {  	v6 =	vshrl.u32 v7, $0x5  }
0x75b: {  	v8 =	vld [tilespmem:$0x18B10];
	v9 =	vand.u32 $0x3FFF, v6;
	_ =	sdelay $0x3  }
0x75c: {  	v6 =	vmov s17  }
0x75d: {  	v10 =	vshrl.u32 v7, $0x8;
	vm0 =	vlt.s32 v6, v8;
	v6 =	vor.u32 $0x4000, v2;
	v8 =	vld.idx.msk [tilespmem:v9+s10+$0x0], $0xffff  }
0x75e: {  	v10 =	vand.u32 $0x7F0, v10;
	v9 =	vsel vm0, v9, v6  }
0x75f: {  	v10 =	vor.u32 v2, v10  }
0x760: {  	v7 =	vand.u32 $0x1F, v7  }
0x761: {  	v7 =	vshll.u32 v5, v7  }
0x762: {  	v12 =	vor.u32 v7, v8  }
0x763: {  	v11 =	vld [tilespmem:s16+$0x0];
	[tilespmem:v9+s10+$0x0] =	vst.idx.msk $0xffff, v12  }
0x764: {  	v9 =	vld.idx.msk [tilespmem:v10+s11+$0x0], $0xffff  }
0x765: {  	v7 =	vand.u32 v7, v8  }
0x766: {  	p0 =	sne.s32 s17, $0x0;
	vm1 =	veq.s32 v7, $0x0  }
.Ltmp18:
0x767: {  	vm0 =	vmand vm0, vm1;
	(pc) =	sbr.rel @p0 .LBB2_38-.Ltmp18, $3  }
0x768: {  	v7 =	vnsel vm0, $0x0, v11  }
0x769: {  	v7 =	vadd.f32 v7, v9;
	_ =	sdelay $0x1  }
0x76a: {  	s15 =	sadd.s32 $0xFFFFFFF0, s15;
	s16 =	sadd.s32 $0xFFFFFFF0, s16;
	s17 =	sadd.s32 $0xFFFFFFFF, s17;
	[tilespmem:v10+s11+$0x0] =	vst.idx.msk $0xffff, v7  }
0x76b: {  	s15 =	simm.s32 $0xDFF0;
	s16 =	simm.s32 $0x10070  }
.LBB2_40:
0x76c: {  	v7 =	vld [tilespmem:s15+$0x0];
	_ =	sdelay $0x4  }
0x76d: {  	v8 =	vshrl.u32 v7, $0x5  }
0x76e: {  	v9 =	vld [tilespmem:$0x18B00];
	v8 =	vand.u32 $0x3FFF, v8;
	_ =	sdelay $0x3  }
0x76f: {  	v10 =	vmov s14  }
0x770: {  	vm0 =	vlt.s32 v10, v9;
	v63 =	vshrl.u32 v7, $0x8;
	v62 =	vld.idx.msk [tilespmem:v8+s10+$0x0], $0xffff  }
0x771: {  	v10 =	vand.u32 $0x7F0, v63;
	v8 =	vsel vm0, v8, v6  }
0x772: {  	v10 =	vor.u32 v2, v10  }
0x773: {  	v7 =	vand.u32 $0x1F, v7  }
0x774: {  	v7 =	vshll.u32 v5, v7  }
0x775: {  	v12 =	vor.u32 v7, v62  }
0x776: {  	v11 =	vld [tilespmem:s16+$0x0];
	[tilespmem:v8+s10+$0x0] =	vst.idx.msk $0xffff, v12  }
0x777: {  	v8 =	vld.idx.msk [tilespmem:v10+s11+$0x0], $0xffff  }
0x778: {  	v7 =	vand.u32 v7, v62  }
0x779: {  	p0 =	sne.s32 s14, $0x0;
	vm1 =	veq.s32 v7, $0x0  }
.Ltmp19:
0x77a: {  	vm0 =	vmand vm0, vm1;
	(pc) =	sbr.rel @p0 .LBB2_40-.Ltmp19, $3  }
0x77b: {  	v7 =	vnsel vm0, $0x0, v11  }
0x77c: {  	v7 =	vadd.f32 v7, v8;
	_ =	sdelay $0x1  }
0x77d: {  	s15 =	sadd.s32 $0xFFFFFFF0, s15;
	s16 =	sadd.s32 $0xFFFFFFF0, s16;
	s14 =	sadd.s32 $0xFFFFFFFF, s14;
	[tilespmem:v10+s11+$0x0] =	vst.idx.msk $0xffff, v7  }
0x77e: {  	s14 =	simm.s32 $0x0  }
0x77f: {  	v6 =	vmul.u32 $0x10, v2;
	v7 =	vmov s14  }
0x780: {  	v7 =	vshll.u32 v7, $0x4  }
0x781: {  	v7 =	vor.u32 v6, v7;
	_ =	sdelay $0x1  }
0x782: {  	v8 =	vor.u32 $0x1, v7;
	_ =	sdelay $0x1  }
0x783: {  	v9 =	vor.u32 $0x2, v7  }
0x784: {  	v10 =	vld.idx.msk [tilespmem:v7+s11+$0x0], $0xffff  }
0x785: {  	v11 =	vor.u32 $0x3, v7  }
0x786: {  	v8 =	vld.idx.msk [tilespmem:v8+s11+$0x0], $0xffff  }
0x787: {  	v12 =	vor.u32 $0x4, v7  }
0x788: {  	v9 =	vld.idx.msk [tilespmem:v9+s11+$0x0], $0xffff  }
0x789: {  	v13 =	vor.u32 $0x5, v7;
	v10 =	vadd.f32 $0.0e+00, v10  }
0x78a: {  	v11 =	vld.idx.msk [tilespmem:v11+s11+$0x0], $0xffff  }
0x78b: {  	v14 =	vor.u32 $0x6, v7;
	v8 =	vadd.f32 v8, v10  }
0x78c: {  	v10 =	vld.idx.msk [tilespmem:v12+s11+$0x0], $0xffff  }
0x78d: {  	v45 =	vor.u32 $0x7, v7;
	v8 =	vadd.f32 v9, v8  }
0x78e: {  	v9 =	vld.idx.msk [tilespmem:v13+s11+$0x0], $0xffff  }
0x78f: {  	v46 =	vor.u32 $0x8, v7;
	v8 =	vadd.f32 v11, v8  }
0x790: {  	v11 =	vld.idx.msk [tilespmem:v14+s11+$0x0], $0xffff  }
0x791: {  	v47 =	vor.u32 $0x9, v7;
	v8 =	vadd.f32 v10, v8  }
0x792: {  	v10 =	vld.idx.msk [tilespmem:v45+s11+$0x0], $0xffff  }
0x793: {  	v48 =	vor.u32 $0xA, v7;
	v8 =	vadd.f32 v9, v8  }
0x794: {  	v9 =	vld.idx.msk [tilespmem:v46+s11+$0x0], $0xffff  }
0x795: {  	v49 =	vor.u32 $0xB, v7;
	v8 =	vadd.f32 v11, v8  }
0x796: {  	v11 =	vld.idx.msk [tilespmem:v47+s11+$0x0], $0xffff  }
0x797: {  	v50 =	vor.u32 $0xC, v7;
	v8 =	vadd.f32 v10, v8  }
0x798: {  	v10 =	vld.idx.msk [tilespmem:v48+s11+$0x0], $0xffff  }
0x799: {  	v51 =	vor.u32 $0xD, v7;
	v8 =	vadd.f32 v9, v8  }
0x79a: {  	v9 =	vld.idx.msk [tilespmem:v49+s11+$0x0], $0xffff  }
0x79b: {  	v52 =	vor.u32 $0xE, v7;
	v8 =	vadd.f32 v11, v8  }
0x79c: {  	v11 =	vld.idx.msk [tilespmem:v50+s11+$0x0], $0xffff  }
0x79d: {  	v7 =	vor.u32 $0xF, v7;
	v8 =	vadd.f32 v10, v8  }
0x79e: {  	v10 =	vld.idx.msk [tilespmem:v51+s11+$0x0], $0xffff  }
0x79f: {  	v8 =	vadd.f32 v9, v8  }
0x7a0: {  	v9 =	vld.idx.msk [tilespmem:v52+s11+$0x0], $0xffff  }
0x7a1: {  	v8 =	vadd.f32 v11, v8  }
0x7a2: {  	s17 =	simm.s32 $0x10;
	v7 =	vld.idx.msk [tilespmem:v7+s11+$0x0], $0xffff  }
0x7a3: {  	v11 =	vmov s17;
	v8 =	vadd.f32 v10, v8  }
0x7a4: {  	v10 =	vshll.u32 v11, $0x4  }
0x7a5: {  	v10 =	vor.u32 v6, v10;
	v8 =	vadd.f32 v9, v8;
	_ =	sdelay $0x1  }
0x7a6: {  	v9 =	vor.u32 $0x1, v10;
	v7 =	vadd.f32 v7, v8  }
0x7a7: {  	s14 =	simm.s32 $0x18A80  }
0x7a8: {  	v8 =	vor.u32 $0x2, v10;
	[tilespmem:s14+$0x0] =	vst v7  }
0x7a9: {  	v7 =	vld.idx.msk [tilespmem:v10+s11+$0x0], $0xffff  }
0x7aa: {  	v11 =	vor.u32 $0x3, v10  }
0x7ab: {  	v9 =	vld.idx.msk [tilespmem:v9+s11+$0x0], $0xffff  }
0x7ac: {  	v53 =	vor.u32 $0x4, v10  }
0x7ad: {  	v8 =	vld.idx.msk [tilespmem:v8+s11+$0x0], $0xffff  }
0x7ae: {  	v54 =	vor.u32 $0x5, v10;
	v7 =	vadd.f32 $0.0e+00, v7  }
0x7af: {  	v11 =	vld.idx.msk [tilespmem:v11+s11+$0x0], $0xffff  }
0x7b0: {  	v55 =	vor.u32 $0x6, v10;
	v7 =	vadd.f32 v9, v7  }
0x7b1: {  	v9 =	vld.idx.msk [tilespmem:v53+s11+$0x0], $0xffff  }
0x7b2: {  	v56 =	vor.u32 $0x7, v10;
	v7 =	vadd.f32 v8, v7  }
0x7b3: {  	v8 =	vld.idx.msk [tilespmem:v54+s11+$0x0], $0xffff  }
0x7b4: {  	v57 =	vor.u32 $0x8, v10;
	v7 =	vadd.f32 v11, v7  }
0x7b5: {  	v11 =	vld.idx.msk [tilespmem:v55+s11+$0x0], $0xffff  }
0x7b6: {  	v58 =	vor.u32 $0x9, v10;
	v7 =	vadd.f32 v9, v7  }
0x7b7: {  	v9 =	vld.idx.msk [tilespmem:v56+s11+$0x0], $0xffff  }
0x7b8: {  	v59 =	vor.u32 $0xA, v10;
	v7 =	vadd.f32 v8, v7  }
0x7b9: {  	v8 =	vld.idx.msk [tilespmem:v57+s11+$0x0], $0xffff  }
0x7ba: {  	v60 =	vor.u32 $0xB, v10;
	v7 =	vadd.f32 v11, v7  }
0x7bb: {  	v11 =	vld.idx.msk [tilespmem:v58+s11+$0x0], $0xffff  }
0x7bc: {  	v61 =	vor.u32 $0xC, v10;
	v7 =	vadd.f32 v9, v7  }
0x7bd: {  	v9 =	vld.idx.msk [tilespmem:v59+s11+$0x0], $0xffff  }
0x7be: {  	v62 =	vor.u32 $0xD, v10;
	v7 =	vadd.f32 v8, v7  }
0x7bf: {  	v8 =	vld.idx.msk [tilespmem:v60+s11+$0x0], $0xffff  }
0x7c0: {  	v63 =	vor.u32 $0xE, v10;
	v7 =	vadd.f32 v11, v7  }
0x7c1: {  	v11 =	vld.idx.msk [tilespmem:v61+s11+$0x0], $0xffff  }
0x7c2: {  	v7 =	vadd.f32 v9, v7;
	v9 =	vor.u32 $0xF, v10  }
0x7c3: {  	v12 =	vld.idx.msk [tilespmem:v62+s11+$0x0], $0xffff  }
0x7c4: {  	v7 =	vadd.f32 v8, v7  }
0x7c5: {  	v8 =	vld.idx.msk [tilespmem:v63+s11+$0x0], $0xffff  }
0x7c6: {  	v11 =	vadd.f32 v11, v7  }
0x7c7: {  	s15 =	simm.s32 $0x20;
	v7 =	vld.idx.msk [tilespmem:v9+s11+$0x0], $0xffff  }
0x7c8: {  	v10 =	vmov s15;
	s15 =	simm.s32 $0x30;
	v9 =	vadd.f32 v12, v11  }
.LBB2_42:
0x7c9: {  	p0 =	sne.s32 s15, $0x70;
	v10 =	vshll.u32 v10, $0x4  }
0x7ca: {  	v10 =	vor.u32 v6, v10;
	v8 =	vadd.f32 v8, v9;
	_ =	sdelay $0x1  }
0x7cb: {  	v9 =	vor.u32 $0x1, v10;
	v7 =	vadd.f32 v7, v8  }
0x7cc: {  	s14 =	sadd.s32 $0x10, s14  }
0x7cd: {  	v8 =	vor.u32 $0x2, v10;
	[tilespmem:s14+$0x0] =	vst v7  }
0x7ce: {  	v7 =	vld.idx.msk [tilespmem:v10+s11+$0x0], $0xffff  }
0x7cf: {  	v11 =	vor.u32 $0x3, v10  }
0x7d0: {  	v9 =	vld.idx.msk [tilespmem:v9+s11+$0x0], $0xffff  }
0x7d1: {  	v12 =	vor.u32 $0x4, v10  }
0x7d2: {  	v8 =	vld.idx.msk [tilespmem:v8+s11+$0x0], $0xffff  }
0x7d3: {  	v13 =	vor.u32 $0x5, v10  }
0x7d4: {  	v7 =	vadd.f32 $0.0e+00, v7;
	v11 =	vld.idx.msk [tilespmem:v11+s11+$0x0], $0xffff  }
0x7d5: {  	v14 =	vor.u32 $0x6, v10  }
0x7d6: {  	v7 =	vadd.f32 v9, v7;
	v9 =	vld.idx.msk [tilespmem:v12+s11+$0x0], $0xffff  }
0x7d7: {  	v12 =	vor.u32 $0x7, v10  }
0x7d8: {  	v7 =	vadd.f32 v8, v7;
	v8 =	vld.idx.msk [tilespmem:v13+s11+$0x0], $0xffff  }
0x7d9: {  	v13 =	vor.u32 $0x8, v10  }
0x7da: {  	v7 =	vadd.f32 v11, v7;
	v11 =	vld.idx.msk [tilespmem:v14+s11+$0x0], $0xffff  }
0x7db: {  	v14 =	vor.u32 $0x9, v10  }
0x7dc: {  	v7 =	vadd.f32 v9, v7;
	v9 =	vld.idx.msk [tilespmem:v12+s11+$0x0], $0xffff  }
0x7dd: {  	v12 =	vor.u32 $0xA, v10  }
0x7de: {  	v7 =	vadd.f32 v8, v7;
	v8 =	vld.idx.msk [tilespmem:v13+s11+$0x0], $0xffff  }
0x7df: {  	v13 =	vor.u32 $0xB, v10  }
0x7e0: {  	v7 =	vadd.f32 v11, v7;
	v11 =	vld.idx.msk [tilespmem:v14+s11+$0x0], $0xffff  }
0x7e1: {  	v14 =	vor.u32 $0xC, v10  }
0x7e2: {  	v7 =	vadd.f32 v9, v7;
	v9 =	vld.idx.msk [tilespmem:v12+s11+$0x0], $0xffff  }
0x7e3: {  	v12 =	vor.u32 $0xD, v10  }
0x7e4: {  	v7 =	vadd.f32 v8, v7;
	v8 =	vld.idx.msk [tilespmem:v13+s11+$0x0], $0xffff  }
0x7e5: {  	v13 =	vor.u32 $0xE, v10  }
0x7e6: {  	v7 =	vadd.f32 v11, v7;
	v11 =	vld.idx.msk [tilespmem:v14+s11+$0x0], $0xffff  }
0x7e7: {  	v10 =	vor.u32 $0xF, v10  }
0x7e8: {  	v7 =	vadd.f32 v9, v7;
	v9 =	vld.idx.msk [tilespmem:v12+s11+$0x0], $0xffff;
	_ =	sdelay $0x1  }
.Ltmp20:
0x7e9: {  	v7 =	vadd.f32 v8, v7;
	v8 =	vld.idx.msk [tilespmem:v13+s11+$0x0], $0xffff;
	(pc) =	sbr.rel @p0 .LBB2_42-.Ltmp20, $3  }
0x7ea: {  	_ = 	snop  }
0x7eb: {  	v11 =	vadd.f32 v11, v7;
	v7 =	vld.idx.msk [tilespmem:v10+s11+$0x0], $0xffff;
	_ =	sdelay $0x1  }
0x7ec: {  	v10 =	vmov s15;
	s15 =	sadd.s32 $0x10, s15;
	v9 =	vadd.f32 v9, v11  }
0x7ed: {  	v10 =	vshll.u32 v10, $0x4  }
0x7ee: {  	v6 =	vor.u32 v6, v10;
	v8 =	vadd.f32 v8, v9;
	_ =	sdelay $0x1  }
0x7ef: {  	v43 =	vor.u32 $0x1, v6;
	v7 =	vadd.f32 v7, v8  }
0x7f0: {  	s14 =	sadd.s32 $0x10, s14  }
0x7f1: {  	v44 =	vor.u32 $0x2, v6;
	[tilespmem:s14+$0x0] =	vst v7  }
0x7f2: {  	v7 =	vld.idx.msk [tilespmem:v6+s11+$0x0], $0xffff  }
0x7f3: {  	v10 =	vor.u32 $0x3, v6  }
0x7f4: {  	v9 =	vld.idx.msk [tilespmem:v43+s11+$0x0], $0xffff  }
0x7f5: {  	v11 =	vor.u32 $0x4, v6  }
0x7f6: {  	v8 =	vld.idx.msk [tilespmem:v44+s11+$0x0], $0xffff  }
0x7f7: {  	v12 =	vor.u32 $0x5, v6;
	v7 =	vadd.f32 $0.0e+00, v7  }
0x7f8: {  	v10 =	vld.idx.msk [tilespmem:v10+s11+$0x0], $0xffff  }
0x7f9: {  	v13 =	vor.u32 $0x6, v6;
	v7 =	vadd.f32 v9, v7  }
0x7fa: {  	v45 =	vld.idx.msk [tilespmem:v11+s11+$0x0], $0xffff  }
0x7fb: {  	v46 =	vor.u32 $0x7, v6;
	v7 =	vadd.f32 v8, v7  }
0x7fc: {  	v47 =	vld.idx.msk [tilespmem:v12+s11+$0x0], $0xffff  }
0x7fd: {  	v48 =	vor.u32 $0x8, v6;
	v7 =	vadd.f32 v10, v7  }
0x7fe: {  	v49 =	vld.idx.msk [tilespmem:v13+s11+$0x0], $0xffff  }
0x7ff: {  	v50 =	vor.u32 $0x9, v6;
	v7 =	vadd.f32 v45, v7  }
0x800: {  	v51 =	vld.idx.msk [tilespmem:v46+s11+$0x0], $0xffff  }
0x801: {  	v52 =	vor.u32 $0xA, v6;
	v7 =	vadd.f32 v47, v7  }
0x802: {  	v53 =	vld.idx.msk [tilespmem:v48+s11+$0x0], $0xffff  }
0x803: {  	v54 =	vor.u32 $0xB, v6;
	v7 =	vadd.f32 v49, v7  }
0x804: {  	v55 =	vld.idx.msk [tilespmem:v50+s11+$0x0], $0xffff  }
0x805: {  	v56 =	vor.u32 $0xC, v6;
	v7 =	vadd.f32 v51, v7  }
0x806: {  	v57 =	vld.idx.msk [tilespmem:v52+s11+$0x0], $0xffff  }
0x807: {  	v58 =	vor.u32 $0xD, v6;
	v7 =	vadd.f32 v53, v7  }
0x808: {  	v59 =	vld.idx.msk [tilespmem:v54+s11+$0x0], $0xffff  }
0x809: {  	v60 =	vor.u32 $0xE, v6;
	v7 =	vadd.f32 v55, v7  }
0x80a: {  	v61 =	vld.idx.msk [tilespmem:v56+s11+$0x0], $0xffff  }
0x80b: {  	v6 =	vor.u32 $0xF, v6;
	v7 =	vadd.f32 v57, v7  }
0x80c: {  	v62 =	vld.idx.msk [tilespmem:v58+s11+$0x0], $0xffff  }
0x80d: {  	v7 =	vadd.f32 v59, v7  }
0x80e: {  	v63 =	vld.idx.msk [tilespmem:v60+s11+$0x0], $0xffff  }
0x80f: {  	v7 =	vadd.f32 v61, v7  }
0x810: {  	v6 =	vld.idx.msk [tilespmem:v6+s11+$0x0], $0xffff  }
0x811: {  	v7 =	vadd.f32 v62, v7;
	_ =	sdelay $0x1  }
0x812: {  	v7 =	vadd.f32 v63, v7;
	_ =	sdelay $0x1  }
0x813: {  	v6 =	vadd.f32 v6, v7  }
0x814: {  	s14 =	sadd.s32 $0x10, s14  }
0x815: {  	s16 =	rddreg [dreg:$0x15];
	s15 =	simm.s32 $0x18A80;
	[tilespmem:s14+$0x0] =	vst v6  }
0x816: {  	[hbm4b:s16+s4] =	stream.linear.scatter [tilespmem:s15], [sflag:$0x7], $0x80, $0x38;
	[tilespmem:$0x18B80] =	vst v63  }
0x817: {  	_ =	swait.ge [sflag:s12], $0x80  }
0x818: {  	s13 =	sadd.s32 $0x1, s13;
	s17 =	rddreg [dreg:$0x16]  }
0x819: {  	p0 =	sne.s32 s13, s17  }
.Ltmp21:
0x81a: {  	_ = 	snop;
	(pc) =	sbr.rel @p0 .LBB2_1-.Ltmp21, $3  }
0x81b: {  	_ =	sdelay $0x1  }
0x81c: {  	[sflag:s12] =	ssyncset.done $0x0  }
0x81d: {  	[sflag:s12] =	ssyncadd.s32 $0xFFFFFF80  }
0x81e: {  	_ =	sfence.sel $0x180000  }
0x81f: {  	[bflag:$0x0] =	sbarrier.arrive $0xFFFF  }
0x820: {  	_ =	strace $0x90000047  }
0x821: {  	s0 =	stileid.u32;
	[bflag:$0x2] =	sbarrier.arrive $0xFFFF  }
0x822: {  	p0 =	sne.s32 s0, $0x0;
	s0 =	rddreg [dreg:$0x2]  }
0x823: {  	s0 =	sadd.s32 @!p0 $0x100000, s0  }
0x824: {  	[sflag:s0] =	ssyncadd.tile.s32 @!p0 $0x1;
	_ =	shalt  }
.Lfunc_end2:
_tile_overlayer_lowered:
.L_overlay_start_2:
0x825: {  	(tag) =	ssettag $0x2  }
0x826: {  	s0 =	rddreg [dreg:$0x0];
	s2 =	stileid.u32  }
0x827: {  	s1 =	rddreg [dreg:$0x1];
	p0 =	sne.s32 s2, $0x0  }
0x828: {  	s3 =	rddreg [dreg:$0x2];
	[bflag:$0x3] =	sbarrier.arrive $0xFFFF;
	s2 =	simm.s32 @!p0 $0x1C07  }
0x829: {  	[timem:s3], [sflag:s2] =	dma.local @!p0 [hbm:s0], s1  }
0x82a: {  	s0 =	simm.s32 @!p0 $0x7  }
0x82b: {  	_ =	swait.ge @!p0 [sflag:s0], s1  }
0x82c: {  	s1 =	ssub.s32 @!p0 $0x0, s1;
	[sflag:s0] =	ssyncset.done @!p0 $0x0  }
0x82d: {  	[sflag:s0] =	ssyncadd.s32 @!p0 s1  }
0x82e: {  	[bflag:$0x3] =	sbarrier.arrive $0xFFFF  }
0x82f: {  	_ =	shalt  }

</sc_bundles>
